<compile_context>
chip_gen: v7x
topology: tpu7x:2x2x1
jax: 0.10.2.dev20260603
libtpu: 0.0.44.dev20260713+nightly
codegen_flags: <defaults>
</compile_context>

<pallas_src>
import functools

import jax
import jax.numpy as jnp
from jax import lax
from jax.experimental import pallas as pl
from jax.experimental.pallas import tpu as pltpu
from jax.experimental.pallas import tpu_sc as plsc

BATCH = 16384
D = 64
NC = 2
NS = 16
NW = NC * NS
BPW = BATCH // NW
NTAB = 4

_sc_mesh = plsc.VectorSubcoreMesh(core_axis_name="c", subcore_axis_name="s")


HALF = BPW // 2


@functools.partial(
    pl.kernel,
    out_type=[jax.ShapeDtypeStruct((BATCH, D), jnp.float32)] * 2,
    mesh=_sc_mesh,
    compiler_params=pltpu.CompilerParams(use_tc_tiling_on_sc=True),
    scratch_types=[
        pltpu.VMEM((BPW,), jnp.int32),
        pltpu.VMEM((HALF, D), jnp.float32),
        pltpu.VMEM((HALF, D), jnp.float32),
        pltpu.SemaphoreType.DMA,
    ],
)
def _sc_gather_pair(idx_hbm, tab0, tab1, out0, out1, vidx, buf_a, buf_b,
                    gsem):
    wid = lax.axis_index("s") * NC + lax.axis_index("c")
    r0 = wid * BPW

    pltpu.sync_copy(idx_hbm.at[wid], vidx)

    for h in range(2):
        base = h * HALF

        def enq(g, carry):
            vals = vidx[pl.ds(base + g * 16, 16)]
            for j in range(16):
                s = vals[j]
                l = g * 16 + j
                pltpu.async_copy(tab0.at[s], buf_a.at[l], gsem)
                pltpu.async_copy(tab1.at[s], buf_b.at[l], gsem)
            return carry
        lax.fori_loop(0, HALF // 16, enq, 0)

        def drain(l, carry):
            pltpu.make_async_copy(tab0.at[0], buf_a.at[l], gsem).wait()
            pltpu.make_async_copy(tab1.at[0], buf_b.at[l], gsem).wait()
            return carry
        lax.fori_loop(0, HALF, drain, 0)

        pltpu.sync_copy(buf_a, out0.at[pl.ds(r0 + base, HALF)])
        pltpu.sync_copy(buf_b, out1.at[pl.ds(r0 + base, HALF)])


BB = 2048


def _tc_body(ue_mf, me_mf, ue_mlp, me_mlp, w1u, w1m, b1, w2, b2,
             w3, b3, w4, b4, wfa, wfb, bfv, out_ref):
    dot = functools.partial(jnp.dot, preferred_element_type=jnp.float32)
    h = jnp.maximum(dot(ue_mlp[...], w1u[...]) + dot(me_mlp[...], w1m[...])
                    + b1[...], 0.0)
    h = jnp.maximum(dot(h, w2[...]) + b2[...], 0.0)
    h = jnp.maximum(dot(h, w3[...]) + b3[...], 0.0)
    h = jnp.maximum(dot(h, w4[...]) + b4[...], 0.0)
    mf = ue_mf[...] * me_mf[...]
    p = (jnp.sum(mf * wfa[...], axis=1) + jnp.sum(h * wfb[...], axis=1)
         + bfv[0, 0])
    out_ref[...] = 1.0 / (1.0 + jnp.exp(-p))


def _full(shape):
    return pl.BlockSpec(shape, lambda i: tuple(0 for _ in shape))


_tc_mlp = pl.pallas_call(
    _tc_body,
    grid=(BATCH // BB,),
    in_specs=[
        pl.BlockSpec((BB, D), lambda i: (i, 0)),
        pl.BlockSpec((BB, D), lambda i: (i, 0)),
        pl.BlockSpec((BB, D), lambda i: (i, 0)),
        pl.BlockSpec((BB, D), lambda i: (i, 0)),
        _full((D, 128)), _full((D, 128)), _full((1, 128)),
        _full((128, D)), _full((1, D)),
        _full((D, 32)), _full((1, 32)),
        _full((32, 16)), _full((1, 16)),
        _full((1, D)), _full((1, 16)), _full((1, 1)),
    ],
    out_specs=pl.BlockSpec((BB,), lambda i: (i,)),
    out_shape=jax.ShapeDtypeStruct((BATCH,), jnp.float32),
)


@jax.jit
def kernel(user_indices, movie_indices, Eu_mf, Em_mf, Eu_mlp, Em_mlp,
           W1, b1, W2, b2, W3, b3, W4, b4, Wf, bf):
    uidx = user_indices.astype(jnp.int32).reshape(NW, BPW)
    midx = movie_indices.astype(jnp.int32).reshape(NW, BPW)
    me_mf, me_mlp = _sc_gather_pair(midx, Em_mf, Em_mlp)
    ue_mf, ue_mlp = _sc_gather_pair(uidx, Eu_mf, Eu_mlp)
    out = _tc_mlp(
        ue_mf, me_mf, ue_mlp, me_mlp,
        W1[:D], W1[D:], b1.reshape(1, 128),
        W2, b2.reshape(1, D),
        W3, b3.reshape(1, 32),
        W4, b4.reshape(1, 16),
        Wf[:D, 0].reshape(1, D), Wf[D:, 0].reshape(1, 16),
        (bf.reshape(1, 1)).astype(jnp.float32),
    )
    return out

# --- scband reference (transcript-rebuilt; emitter-appended) ---
"""Pipeline reference for scband-neu-mf-17703855194260 (READ-ONLY COPY).

The authoritative reference and input builder live on the scoring server;
editing this copy changes nothing except your own understanding.
"""

import jax, jax.numpy as jnp
import numpy as np

NUM_USERS = 1000000
NUM_MOVIES = 100000
LATENT_DIM = 64
BATCH = 16384


def setup_inputs(seed: int = 0) -> dict:
    key = jax.random.key(seed)
    ks = jax.random.split(key, 20)
    user_indices = jax.random.randint(ks[0], (BATCH,), 0, NUM_USERS, dtype=jnp.int64 if jax.config.jax_enable_x64 else jnp.int32)
    movie_indices = jax.random.randint(ks[1], (BATCH,), 0, NUM_MOVIES, dtype=jnp.int64 if jax.config.jax_enable_x64 else jnp.int32)
    Eu_mf = jax.random.normal(ks[2], (NUM_USERS, LATENT_DIM), dtype=jnp.float32) * 0.01
    Em_mf = jax.random.normal(ks[3], (NUM_MOVIES, LATENT_DIM), dtype=jnp.float32) * 0.01
    Eu_mlp = jax.random.normal(ks[4], (NUM_USERS, LATENT_DIM), dtype=jnp.float32) * 0.01
    Em_mlp = jax.random.normal(ks[5], (NUM_MOVIES, LATENT_DIM), dtype=jnp.float32) * 0.01
    def lin(k, fan_in, fan_out):
        bound = 1.0 / np.sqrt(fan_in)
        kw, kb = jax.random.split(k)
        W = jax.random.uniform(kw, (fan_in, fan_out), dtype=jnp.float32, minval=-bound, maxval=bound)
        b = jax.random.uniform(kb, (fan_out,), dtype=jnp.float32, minval=-bound, maxval=bound)
        return W, b
    W1, b1 = lin(ks[6], LATENT_DIM * 2, 128)
    W2, b2 = lin(ks[7], 128, 64)
    W3, b3 = lin(ks[8], 64, 32)
    W4, b4 = lin(ks[9], 32, 16)
    Wf, bf = lin(ks[10], LATENT_DIM + 16, 1)
    return {
        "user_indices": user_indices, "movie_indices": movie_indices,
        "Eu_mf": Eu_mf, "Em_mf": Em_mf, "Eu_mlp": Eu_mlp, "Em_mlp": Em_mlp,
        "W1": W1, "b1": b1, "W2": W2, "b2": b2,
        "W3": W3, "b3": b3, "W4": W4, "b4": b4,
        "Wf": Wf, "bf": bf,
    }


def reference(user_indices, movie_indices, Eu_mf, Em_mf, Eu_mlp, Em_mlp,
              W1, b1, W2, b2, W3, b3, W4, b4, Wf, bf):
    ue_mf = jnp.take(Eu_mf, user_indices, axis=0)
    me_mf = jnp.take(Em_mf, movie_indices, axis=0)
    mf_vector = ue_mf * me_mf
    ue_mlp = jnp.take(Eu_mlp, user_indices, axis=0)
    me_mlp = jnp.take(Em_mlp, movie_indices, axis=0)
    h = jnp.concatenate([ue_mlp, me_mlp], axis=-1)
    h = jax.nn.relu(h @ W1 + b1)
    h = jax.nn.relu(h @ W2 + b2)
    h = jax.nn.relu(h @ W3 + b3)
    h = jax.nn.relu(h @ W4 + b4)
    fusion = jnp.concatenate([mf_vector, h], axis=-1)
    pred = fusion @ Wf + bf
    return jax.nn.sigmoid(pred).squeeze(-1)

if __name__ == "__main__":
    import jax
    _d = setup_inputs()
    print(jax.jit(kernel)(*tuple(_d.values())))

</pallas_src>

<mosaic_0001>
#map = affine_map<(d0, d1) -> (0, 0)>
module attributes {stable_mosaic.version = 14 : i64} {
  func.func @_sc_gather_pair(%arg0: i32, %arg1: i32, %arg2: memref<32x512xi32, #tpu.memory_space<hbm>>, %arg3: memref<100000x64xf32, #tpu.memory_space<hbm>>, %arg4: memref<100000x64xf32, #tpu.memory_space<hbm>>, %arg5: memref<16384x64xf32, #tpu.memory_space<hbm>>, %arg6: memref<16384x64xf32, #tpu.memory_space<hbm>>, %arg7: memref<512xi32, #tpu.memory_space<vmem>>, %arg8: memref<256x64xf32, #tpu.memory_space<vmem>>, %arg9: memref<256x64xf32, #tpu.memory_space<vmem>>, %arg10: memref<!tpu.dma_semaphore, #tpu.memory_space<semaphore_mem>>) attributes {dimension_semantics = [#tpu.dimension_semantics<core_parallel>, #tpu.dimension_semantics<subcore_parallel>], iteration_bounds = array<i64: 2, 16>, scalar_prefetch = 0 : i64, scratch_operands = 4 : i64, tpu.core_type = #tpu.core_type<sc_vector_subcore>, window_params = [{transform_indices = #map}, {transform_indices = #map}, {transform_indices = #map}, {transform_indices = #map}, {transform_indices = #map}]} {
    %mul3A = arith.constant 2 : i32
    %mul3A_0 = arith.muli %arg1, %mul3A : i32
    %add3A = arith.addi %mul3A_0, %arg0 : i32
    %mul3A_1 = arith.constant 512 : i32
    %mul3A_2 = arith.muli %add3A, %mul3A_1 : i32
    "tpu.region"() ({
      %run_scoped3A = tpu.sem_alloc : memref<!tpu.dma_semaphore, #tpu.memory_space<semaphore_mem>>
      %dma_start3A = arith.constant 0 : i32
      %dma_start3A_34 = tpu.memref_slice %arg2[%add3A, %dma_start3A] : memref<32x512xi32, #tpu.memory_space<hbm>> -> memref<1x512xi32, #tpu.memory_space<hbm>>
      %dma_start3A_35 = tpu.memref_squeeze %dma_start3A_34 : memref<1x512xi32, #tpu.memory_space<hbm>> -> memref<512xi32, #tpu.memory_space<hbm>>
      %dma_start3A_36 = arith.constant 0 : i32
      %dma_start3A_37 = tpu.memref_slice %arg2[%add3A, %dma_start3A_36] : memref<32x512xi32, #tpu.memory_space<hbm>> -> memref<1x512xi32, #tpu.memory_space<hbm>>
      %dma_start3A_38 = tpu.memref_squeeze %dma_start3A_37 : memref<1x512xi32, #tpu.memory_space<hbm>> -> memref<512xi32, #tpu.memory_space<hbm>>
      tpu.enqueue_dma source(%dma_start3A_38 : memref<512xi32, #tpu.memory_space<hbm>>) target(%arg7 : memref<512xi32, #tpu.memory_space<vmem>>) target_semaphore(%run_scoped3A : memref<!tpu.dma_semaphore, #tpu.memory_space<semaphore_mem>>)
      %dma_wait3A = arith.constant 0 : i32
      %dma_wait3A_39 = tpu.memref_slice %arg2[%add3A, %dma_wait3A] : memref<32x512xi32, #tpu.memory_space<hbm>> -> memref<1x512xi32, #tpu.memory_space<hbm>>
      %dma_wait3A_40 = tpu.memref_squeeze %dma_wait3A_39 : memref<1x512xi32, #tpu.memory_space<hbm>> -> memref<512xi32, #tpu.memory_space<hbm>>
      %dma_wait3A_41 = arith.constant 0 : i32
      %dma_wait3A_42 = tpu.memref_slice %arg2[%add3A, %dma_wait3A_41] : memref<32x512xi32, #tpu.memory_space<hbm>> -> memref<1x512xi32, #tpu.memory_space<hbm>>
      %dma_wait3A_43 = tpu.memref_squeeze %dma_wait3A_42 : memref<1x512xi32, #tpu.memory_space<hbm>> -> memref<512xi32, #tpu.memory_space<hbm>>
      tpu.wait_dma2 semaphore(%run_scoped3A : memref<!tpu.dma_semaphore, #tpu.memory_space<semaphore_mem>>) src(%dma_wait3A_43 : memref<512xi32, #tpu.memory_space<hbm>>) dst(%arg7 : memref<512xi32, #tpu.memory_space<vmem>>)
      tpu.yield
    }) : () -> ()
    %scan3A = arith.constant 0 : i32
    %scan3A_3 = arith.constant 0 : i32
    %scan3A_4 = arith.constant 16 : i32
    %scan3A_5 = arith.addi %scan3A_3, %scan3A_4 : i32
    %scan3A_6 = arith.constant 1 : i32
    scf.for %scan3A_34 = %scan3A_3 to %scan3A_5 step %scan3A_6  : i32 {
      %mul3A_35 = arith.constant 16 : i32
      %mul3A_36 = arith.muli %scan3A_34, %mul3A_35 : i32
      %add3A_37 = arith.constant 0 : i32
      %add3A_38 = arith.addi %add3A_37, %mul3A_36 : i32
      %get3A = arith.index_cast %add3A_38 : i32 to index
      %get3A_39 = tpu.vector_load %arg7[%get3A] {strides = array<i32>} : memref<512xi32, #tpu.memory_space<vmem>>, vector<16xi32>,
      %get3A_40 = vector.shape_cast %get3A_39 : vector<16xi32> to vector<16xi32>
      %slice3A = vector.extract_strided_slice %get3A_40 {offsets = [0], sizes = [1], strides = [1]} : vector<16xi32> to vector<1xi32>
      %squeeze3A = vector.extract %slice3A[0] : i32 from vector<1xi32>
      %mul3A_41 = arith.constant 16 : i32
      %mul3A_42 = arith.muli %scan3A_34, %mul3A_41 : i32
      %add3A_43 = arith.constant 0 : i32
      %add3A_44 = arith.addi %mul3A_42, %add3A_43 : i32
      %dma_start3A = arith.constant 0 : i32
      %dma_start3A_45 = tpu.memref_slice %arg8[%add3A_44, %dma_start3A] : memref<256x64xf32, #tpu.memory_space<vmem>> -> memref<1x64xf32, #tpu.memory_space<vmem>>
      %dma_start3A_46 = tpu.memref_squeeze %dma_start3A_45 : memref<1x64xf32, #tpu.memory_space<vmem>> -> memref<64xf32, #tpu.memory_space<vmem>>
      %dma_start3A_47 = arith.constant 0 : i32
      %dma_start3A_48 = tpu.memref_slice %arg3[%squeeze3A, %dma_start3A_47] : memref<100000x64xf32, #tpu.memory_space<hbm>> -> memref<1x64xf32, #tpu.memory_space<hbm>>
      %dma_start3A_49 = tpu.memref_squeeze %dma_start3A_48 : memref<1x64xf32, #tpu.memory_space<hbm>> -> memref<64xf32, #tpu.memory_space<hbm>>
      %dma_start3A_50 = arith.constant 0 : i32
      %dma_start3A_51 = tpu.memref_slice %arg8[%add3A_44, %dma_start3A_50] : memref<256x64xf32, #tpu.memory_space<vmem>> -> memref<1x64xf32, #tpu.memory_space<vmem>>
      %dma_start3A_52 = tpu.memref_squeeze %dma_start3A_51 : memref<1x64xf32, #tpu.memory_space<vmem>> -> memref<64xf32, #tpu.memory_space<vmem>>
      %dma_start3A_53 = arith.constant 0 : i32
      %dma_start3A_54 = tpu.memref_slice %arg3[%squeeze3A, %dma_start3A_53] : memref<100000x64xf32, #tpu.memory_space<hbm>> -> memref<1x64xf32, #tpu.memory_space<hbm>>
      %dma_start3A_55 = tpu.memref_squeeze %dma_start3A_54 : memref<1x64xf32, #tpu.memory_space<hbm>> -> memref<64xf32, #tpu.memory_space<hbm>>
      tpu.enqueue_dma source(%dma_start3A_55 : memref<64xf32, #tpu.memory_space<hbm>>) target(%dma_start3A_52 : memref<64xf32, #tpu.memory_space<vmem>>) target_semaphore(%arg10 : memref<!tpu.dma_semaphore, #tpu.memory_space<semaphore_mem>>)
      %dma_start3A_56 = arith.constant 0 : i32
      %dma_start3A_57 = tpu.memref_slice %arg9[%add3A_44, %dma_start3A_56] : memref<256x64xf32, #tpu.memory_space<vmem>> -> memref<1x64xf32, #tpu.memory_space<vmem>>
      %dma_start3A_58 = tpu.memref_squeeze %dma_start3A_57 : memref<1x64xf32, #tpu.memory_space<vmem>> -> memref<64xf32, #tpu.memory_space<vmem>>
      %dma_start3A_59 = arith.constant 0 : i32
      %dma_start3A_60 = tpu.memref_slice %arg4[%squeeze3A, %dma_start3A_59] : memref<100000x64xf32, #tpu.memory_space<hbm>> -> memref<1x64xf32, #tpu.memory_space<hbm>>
      %dma_start3A_61 = tpu.memref_squeeze %dma_start3A_60 : memref<1x64xf32, #tpu.memory_space<hbm>> -> memref<64xf32, #tpu.memory_space<hbm>>
      %dma_start3A_62 = arith.constant 0 : i32
      %dma_start3A_63 = tpu.memref_slice %arg9[%add3A_44, %dma_start3A_62] : memref<256x64xf32, #tpu.memory_space<vmem>> -> memref<1x64xf32, #tpu.memory_space<vmem>>
      %dma_start3A_64 = tpu.memref_squeeze %dma_start3A_63 : memref<1x64xf32, #tpu.memory_space<vmem>> -> memref<64xf32, #tpu.memory_space<vmem>>
      %dma_start3A_65 = arith.constant 0 : i32
      %dma_start3A_66 = tpu.memref_slice %arg4[%squeeze3A, %dma_start3A_65] : memref<100000x64xf32, #tpu.memory_space<hbm>> -> memref<1x64xf32, #tpu.memory_space<hbm>>
      %dma_start3A_67 = tpu.memref_squeeze %dma_start3A_66 : memref<1x64xf32, #tpu.memory_space<hbm>> -> memref<64xf32, #tpu.memory_space<hbm>>
      tpu.enqueue_dma source(%dma_start3A_67 : memref<64xf32, #tpu.memory_space<hbm>>) target(%dma_start3A_64 : memref<64xf32, #tpu.memory_space<vmem>>) target_semaphore(%arg10 : memref<!tpu.dma_semaphore, #tpu.memory_space<semaphore_mem>>)
      %slice3A_68 = vector.extract_strided_slice %get3A_40 {offsets = [1], sizes = [1], strides = [1]} : vector<16xi32> to vector<1xi32>
      %squeeze3A_69 = vector.extract %slice3A_68[0] : i32 from vector<1xi32>
      %mul3A_70 = arith.constant 16 : i32
      %mul3A_71 = arith.muli %scan3A_34, %mul3A_70 : i32
      %add3A_72 = arith.constant 1 : i32
      %add3A_73 = arith.addi %mul3A_71, %add3A_72 : i32
      %dma_start3A_74 = arith.constant 0 : i32
      %dma_start3A_75 = tpu.memref_slice %arg8[%add3A_73, %dma_start3A_74] : memref<256x64xf32, #tpu.memory_space<vmem>> -> memref<1x64xf32, #tpu.memory_space<vmem>>
      %dma_start3A_76 = tpu.memref_squeeze %dma_start3A_75 : memref<1x64xf32, #tpu.memory_space<vmem>> -> memref<64xf32, #tpu.memory_space<vmem>>
      %dma_start3A_77 = arith.constant 0 : i32
      %dma_start3A_78 = tpu.memref_slice %arg3[%squeeze3A_69, %dma_start3A_77] : memref<100000x64xf32, #tpu.memory_space<hbm>> -> memref<1x64xf32, #tpu.memory_space<hbm>>
      %dma_start3A_79 = tpu.memref_squeeze %dma_start3A_78 : memref<1x64xf32, #tpu.memory_space<hbm>> -> memref<64xf32, #tpu.memory_space<hbm>>
      %dma_start3A_80 = arith.constant 0 : i32
      %dma_start3A_81 = tpu.memref_slice %arg8[%add3A_73, %dma_start3A_80] : memref<256x64xf32, #tpu.memory_space<vmem>> -> memref<1x64xf32, #tpu.memory_space<vmem>>
      %dma_start3A_82 = tpu.memref_squeeze %dma_start3A_81 : memref<1x64xf32, #tpu.memory_space<vmem>> -> memref<64xf32, #tpu.memory_space<vmem>>
      %dma_start3A_83 = arith.constant 0 : i32
      %dma_start3A_84 = tpu.memref_slice %arg3[%squeeze3A_69, %dma_start3A_83] : memref<100000x64xf32, #tpu.memory_space<hbm>> -> memref<1x64xf32, #tpu.memory_space<hbm>>
      %dma_start3A_85 = tpu.memref_squeeze %dma_start3A_84 : memref<1x64xf32, #tpu.memory_space<hbm>> -> memref<64xf32, #tpu.memory_space<hbm>>
      tpu.enqueue_dma source(%dma_start3A_85 : memref<64xf32, #tpu.memory_space<hbm>>) target(%dma_start3A_82 : memref<64xf32, #tpu.memory_space<vmem>>) target_semaphore(%arg10 : memref<!tpu.dma_semaphore, #tpu.memory_space<semaphore_mem>>)
      %dma_start3A_86 = arith.constant 0 : i32
      %dma_start3A_87 = tpu.memref_slice %arg9[%add3A_73, %dma_start3A_86] : memref<256x64xf32, #tpu.memory_space<vmem>> -> memref<1x64xf32, #tpu.memory_space<vmem>>
      %dma_start3A_88 = tpu.memref_squeeze %dma_start3A_87 : memref<1x64xf32, #tpu.memory_space<vmem>> -> memref<64xf32, #tpu.memory_space<vmem>>
      %dma_start3A_89 = arith.constant 0 : i32
      %dma_start3A_90 = tpu.memref_slice %arg4[%squeeze3A_69, %dma_start3A_89] : memref<100000x64xf32, #tpu.memory_space<hbm>> -> memref<1x64xf32, #tpu.memory_space<hbm>>
      %dma_start3A_91 = tpu.memref_squeeze %dma_start3A_90 : memref<1x64xf32, #tpu.memory_space<hbm>> -> memref<64xf32, #tpu.memory_space<hbm>>
      %dma_start3A_92 = arith.constant 0 : i32
      %dma_start3A_93 = tpu.memref_slice %arg9[%add3A_73, %dma_start3A_92] : memref<256x64xf32, #tpu.memory_space<vmem>> -> memref<1x64xf32, #tpu.memory_space<vmem>>
      %dma_start3A_94 = tpu.memref_squeeze %dma_start3A_93 : memref<1x64xf32, #tpu.memory_space<vmem>> -> memref<64xf32, #tpu.memory_space<vmem>>
      %dma_start3A_95 = arith.constant 0 : i32
      %dma_start3A_96 = tpu.memref_slice %arg4[%squeeze3A_69, %dma_start3A_95] : memref<100000x64xf32, #tpu.memory_space<hbm>> -> memref<1x64xf32, #tpu.memory_space<hbm>>
      %dma_start3A_97 = tpu.memref_squeeze %dma_start3A_96 : memref<1x64xf32, #tpu.memory_space<hbm>> -> memref<64xf32, #tpu.memory_space<hbm>>
      tpu.enqueue_dma source(%dma_start3A_97 : memref<64xf32, #tpu.memory_space<hbm>>) target(%dma_start3A_94 : memref<64xf32, #tpu.memory_space<vmem>>) target_semaphore(%arg10 : memref<!tpu.dma_semaphore, #tpu.memory_space<semaphore_mem>>)
      %slice3A_98 = vector.extract_strided_slice %get3A_40 {offsets = [2], sizes = [1], strides = [1]} : vector<16xi32> to vector<1xi32>
      %squeeze3A_99 = vector.extract %slice3A_98[0] : i32 from vector<1xi32>
      %mul3A_100 = arith.constant 16 : i32
      %mul3A_101 = arith.muli %scan3A_34, %mul3A_100 : i32
      %add3A_102 = arith.constant 2 : i32
      %add3A_103 = arith.addi %mul3A_101, %add3A_102 : i32
      %dma_start3A_104 = arith.constant 0 : i32
      %dma_start3A_105 = tpu.memref_slice %arg8[%add3A_103, %dma_start3A_104] : memref<256x64xf32, #tpu.memory_space<vmem>> -> memref<1x64xf32, #tpu.memory_space<vmem>>
      %dma_start3A_106 = tpu.memref_squeeze %dma_start3A_105 : memref<1x64xf32, #tpu.memory_space<vmem>> -> memref<64xf32, #tpu.memory_space<vmem>>
      %dma_start3A_107 = arith.constant 0 : i32
      %dma_start3A_108 = tpu.memref_slice %arg3[%squeeze3A_99, %dma_start3A_107] : memref<100000x64xf32, #tpu.memory_space<hbm>> -> memref<1x64xf32, #tpu.memory_space<hbm>>
      %dma_start3A_109 = tpu.memref_squeeze %dma_start3A_108 : memref<1x64xf32, #tpu.memory_space<hbm>> -> memref<64xf32, #tpu.memory_space<hbm>>
      %dma_start3A_110 = arith.constant 0 : i32
      %dma_start3A_111 = tpu.memref_slice %arg8[%add3A_103, %dma_start3A_110] : memref<256x64xf32, #tpu.memory_space<vmem>> -> memref<1x64xf32, #tpu.memory_space<vmem>>
      %dma_start3A_112 = tpu.memref_squeeze %dma_start3A_111 : memref<1x64xf32, #tpu.memory_space<vmem>> -> memref<64xf32, #tpu.memory_space<vmem>>
      %dma_start3A_113 = arith.constant 0 : i32
      %dma_start3A_114 = tpu.memref_slice %arg3[%squeeze3A_99, %dma_start3A_113] : memref<100000x64xf32, #tpu.memory_space<hbm>> -> memref<1x64xf32, #tpu.memory_space<hbm>>
      %dma_start3A_115 = tpu.memref_squeeze %dma_start3A_114 : memref<1x64xf32, #tpu.memory_space<hbm>> -> memref<64xf32, #tpu.memory_space<hbm>>
      tpu.enqueue_dma source(%dma_start3A_115 : memref<64xf32, #tpu.memory_space<hbm>>) target(%dma_start3A_112 : memref<64xf32, #tpu.memory_space<vmem>>) target_semaphore(%arg10 : memref<!tpu.dma_semaphore, #tpu.memory_space<semaphore_mem>>)
      %dma_start3A_116 = arith.constant 0 : i32
      %dma_start3A_117 = tpu.memref_slice %arg9[%add3A_103, %dma_start3A_116] : memref<256x64xf32, #tpu.memory_space<vmem>> -> memref<1x64xf32, #tpu.memory_space<vmem>>
      %dma_start3A_118 = tpu.memref_squeeze %dma_start3A_117 : memref<1x64xf32, #tpu.memory_space<vmem>> -> memref<64xf32, #tpu.memory_space<vmem>>
      %dma_start3A_119 = arith.constant 0 : i32
      %dma_start3A_120 = tpu.memref_slice %arg4[%squeeze3A_99, %dma_start3A_119] : memref<100000x64xf32, #tpu.memory_space<hbm>> -> memref<1x64xf32, #tpu.memory_space<hbm>>
      %dma_start3A_121 = tpu.memref_squeeze %dma_start3A_120 : memref<1x64xf32, #tpu.memory_space<hbm>> -> memref<64xf32, #tpu.memory_space<hbm>>
      %dma_start3A_122 = arith.constant 0 : i32
      %dma_start3A_123 = tpu.memref_slice %arg9[%add3A_103, %dma_start3A_122] : memref<256x64xf32, #tpu.memory_space<vmem>> -> memref<1x64xf32, #tpu.memory_space<vmem>>
      %dma_start3A_124 = tpu.memref_squeeze %dma_start3A_123 : memref<1x64xf32, #tpu.memory_space<vmem>> -> memref<64xf32, #tpu.memory_space<vmem>>
      %dma_start3A_125 = arith.constant 0 : i32
      %dma_start3A_126 = tpu.memref_slice %arg4[%squeeze3A_99, %dma_start3A_125] : memref<100000x64xf32, #tpu.memory_space<hbm>> -> memref<1x64xf32, #tpu.memory_space<hbm>>
      %dma_start3A_127 = tpu.memref_squeeze %dma_start3A_126 : memref<1x64xf32, #tpu.memory_space<hbm>> -> memref<64xf32, #tpu.memory_space<hbm>>
      tpu.enqueue_dma source(%dma_start3A_127 : memref<64xf32, #tpu.memory_space<hbm>>) target(%dma_start3A_124 : memref<64xf32, #tpu.memory_space<vmem>>) target_semaphore(%arg10 : memref<!tpu.dma_semaphore, #tpu.memory_space<semaphore_mem>>)
      %slice3A_128 = vector.extract_strided_slice %get3A_40 {offsets = [3], sizes = [1], strides = [1]} : vector<16xi32> to vector<1xi32>
      %squeeze3A_129 = vector.extract %slice3A_128[0] : i32 from vector<1xi32>
      %mul3A_130 = arith.constant 16 : i32
      %mul3A_131 = arith.muli %scan3A_34, %mul3A_130 : i32
      %add3A_132 = arith.constant 3 : i32
      %add3A_133 = arith.addi %mul3A_131, %add3A_132 : i32
      %dma_start3A_134 = arith.constant 0 : i32
      %dma_start3A_135 = tpu.memref_slice %arg8[%add3A_133, %dma_start3A_134] : memref<256x64xf32, #tpu.memory_space<vmem>> -> memref<1x64xf32, #tpu.memory_space<vmem>>
      %dma_start3A_136 = tpu.memref_squeeze %dma_start3A_135 : memref<1x64xf32, #tpu.memory_space<vmem>> -> memref<64xf32, #tpu.memory_space<vmem>>
      %dma_start3A_137 = arith.constant 0 : i32
      %dma_start3A_138 = tpu.memref_slice %arg3[%squeeze3A_129, %dma_start3A_137] : memref<100000x64xf32, #tpu.memory_space<hbm>> -> memref<1x64xf32, #tpu.memory_space<hbm>>
      %dma_start3A_139 = tpu.memref_squeeze %dma_start3A_138 : memref<1x64xf32, #tpu.memory_space<hbm>> -> memref<64xf32, #tpu.memory_space<hbm>>
      %dma_start3A_140 = arith.constant 0 : i32
      %dma_start3A_141 = tpu.memref_slice %arg8[%add3A_133, %dma_start3A_140] : memref<256x64xf32, #tpu.memory_space<vmem>> -> memref<1x64xf32, #tpu.memory_space<vmem>>
      %dma_start3A_142 = tpu.memref_squeeze %dma_start3A_141 : memref<1x64xf32, #tpu.memory_space<vmem>> -> memref<64xf32, #tpu.memory_space<vmem>>
      %dma_start3A_143 = arith.constant 0 : i32
      %dma_start3A_144 = tpu.memref_slice %arg3[%squeeze3A_129, %dma_start3A_143] : memref<100000x64xf32, #tpu.memory_space<hbm>> -> memref<1x64xf32, #tpu.memory_space<hbm>>
      %dma_start3A_145 = tpu.memref_squeeze %dma_start3A_144 : memref<1x64xf32, #tpu.memory_space<hbm>> -> memref<64xf32, #tpu.memory_space<hbm>>
      tpu.enqueue_dma source(%dma_start3A_145 : memref<64xf32, #tpu.memory_space<hbm>>) target(%dma_start3A_142 : memref<64xf32, #tpu.memory_space<vmem>>) target_semaphore(%arg10 : memref<!tpu.dma_semaphore, #tpu.memory_space<semaphore_mem>>)
      %dma_start3A_146 = arith.constant 0 : i32
      %dma_start3A_147 = tpu.memref_slice %arg9[%add3A_133, %dma_start3A_146] : memref<256x64xf32, #tpu.memory_space<vmem>> -> memref<1x64xf32, #tpu.memory_space<vmem>>
      %dma_start3A_148 = tpu.memref_squeeze %dma_start3A_147 : memref<1x64xf32, #tpu.memory_space<vmem>> -> memref<64xf32, #tpu.memory_space<vmem>>
      %dma_start3A_149 = arith.constant 0 : i32
      %dma_start3A_150 = tpu.memref_slice %arg4[%squeeze3A_129, %dma_start3A_149] : memref<100000x64xf32, #tpu.memory_space<hbm>> -> memref<1x64xf32, #tpu.memory_space<hbm>>
      %dma_start3A_151 = tpu.memref_squeeze %dma_start3A_150 : memref<1x64xf32, #tpu.memory_space<hbm>> -> memref<64xf32, #tpu.memory_space<hbm>>
      %dma_start3A_152 = arith.constant 0 : i32
      %dma_start3A_153 = tpu.memref_slice %arg9[%add3A_133, %dma_start3A_152] : memref<256x64xf32, #tpu.memory_space<vmem>> -> memref<1x64xf32, #tpu.memory_space<vmem>>
      %dma_start3A_154 = tpu.memref_squeeze %dma_start3A_153 : memref<1x64xf32, #tpu.memory_space<vmem>> -> memref<64xf32, #tpu.memory_space<vmem>>
      %dma_start3A_155 = arith.constant 0 : i32
      %dma_start3A_156 = tpu.memref_slice %arg4[%squeeze3A_129, %dma_start3A_155] : memref<100000x64xf32, #tpu.memory_space<hbm>> -> memref<1x64xf32, #tpu.memory_space<hbm>>
      %dma_start3A_157 = tpu.memref_squeeze %dma_start3A_156 : memref<1x64xf32, #tpu.memory_space<hbm>> -> memref<64xf32, #tpu.memory_space<hbm>>
      tpu.enqueue_dma source(%dma_start3A_157 : memref<64xf32, #tpu.memory_space<hbm>>) target(%dma_start3A_154 : memref<64xf32, #tpu.memory_space<vmem>>) target_semaphore(%arg10 : memref<!tpu.dma_semaphore, #tpu.memory_space<semaphore_mem>>)
      %slice3A_158 = vector.extract_strided_slice %get3A_40 {offsets = [4], sizes = [1], strides = [1]} : vector<16xi32> to vector<1xi32>
      %squeeze3A_159 = vector.extract %slice3A_158[0] : i32 from vector<1xi32>
      %mul3A_160 = arith.constant 16 : i32
      %mul3A_161 = arith.muli %scan3A_34, %mul3A_160 : i32
      %add3A_162 = arith.constant 4 : i32
      %add3A_163 = arith.addi %mul3A_161, %add3A_162 : i32
      %dma_start3A_164 = arith.constant 0 : i32
      %dma_start3A_165 = tpu.memref_slice %arg8[%add3A_163, %dma_start3A_164] : memref<256x64xf32, #tpu.memory_space<vmem>> -> memref<1x64xf32, #tpu.memory_space<vmem>>
      %dma_start3A_166 = tpu.memref_squeeze %dma_start3A_165 : memref<1x64xf32, #tpu.memory_space<vmem>> -> memref<64xf32, #tpu.memory_space<vmem>>
      %dma_start3A_167 = arith.constant 0 : i32
      %dma_start3A_168 = tpu.memref_slice %arg3[%squeeze3A_159, %dma_start3A_167] : memref<100000x64xf32, #tpu.memory_space<hbm>> -> memref<1x64xf32, #tpu.memory_space<hbm>>
      %dma_start3A_169 = tpu.memref_squeeze %dma_start3A_168 : memref<1x64xf32, #tpu.memory_space<hbm>> -> memref<64xf32, #tpu.memory_space<hbm>>
      %dma_start3A_170 = arith.constant 0 : i32
      %dma_start3A_171 = tpu.memref_slice %arg8[%add3A_163, %dma_start3A_170] : memref<256x64xf32, #tpu.memory_space<vmem>> -> memref<1x64xf32, #tpu.memory_space<vmem>>
      %dma_start3A_172 = tpu.memref_squeeze %dma_start3A_171 : memref<1x64xf32, #tpu.memory_space<vmem>> -> memref<64xf32, #tpu.memory_space<vmem>>
      %dma_start3A_173 = arith.constant 0 : i32
      %dma_start3A_174 = tpu.memref_slice %arg3[%squeeze3A_159, %dma_start3A_173] : memref<100000x64xf32, #tpu.memory_space<hbm>> -> memref<1x64xf32, #tpu.memory_space<hbm>>
      %dma_start3A_175 = tpu.memref_squeeze %dma_start3A_174 : memref<1x64xf32, #tpu.memory_space<hbm>> -> memref<64xf32, #tpu.memory_space<hbm>>
      tpu.enqueue_dma source(%dma_start3A_175 : memref<64xf32, #tpu.memory_space<hbm>>) target(%dma_start3A_172 : memref<64xf32, #tpu.memory_space<vmem>>) target_semaphore(%arg10 : memref<!tpu.dma_semaphore, #tpu.memory_space<semaphore_mem>>)
      %dma_start3A_176 = arith.constant 0 : i32
      %dma_start3A_177 = tpu.memref_slice %arg9[%add3A_163, %dma_start3A_176] : memref<256x64xf32, #tpu.memory_space<vmem>> -> memref<1x64xf32, #tpu.memory_space<vmem>>
      %dma_start3A_178 = tpu.memref_squeeze %dma_start3A_177 : memref<1x64xf32, #tpu.memory_space<vmem>> -> memref<64xf32, #tpu.memory_space<vmem>>
      %dma_start3A_179 = arith.constant 0 : i32
      %dma_start3A_180 = tpu.memref_slice %arg4[%squeeze3A_159, %dma_start3A_179] : memref<100000x64xf32, #tpu.memory_space<hbm>> -> memref<1x64xf32, #tpu.memory_space<hbm>>
      %dma_start3A_181 = tpu.memref_squeeze %dma_start3A_180 : memref<1x64xf32, #tpu.memory_space<hbm>> -> memref<64xf32, #tpu.memory_space<hbm>>
      %dma_start3A_182 = arith.constant 0 : i32
      %dma_start3A_183 = tpu.memref_slice %arg9[%add3A_163, %dma_start3A_182] : memref<256x64xf32, #tpu.memory_space<vmem>> -> memref<1x64xf32, #tpu.memory_space<vmem>>
      %dma_start3A_184 = tpu.memref_squeeze %dma_start3A_183 : memref<1x64xf32, #tpu.memory_space<vmem>> -> memref<64xf32, #tpu.memory_space<vmem>>
      %dma_start3A_185 = arith.constant 0 : i32
      %dma_start3A_186 = tpu.memref_slice %arg4[%squeeze3A_159, %dma_start3A_185] : memref<100000x64xf32, #tpu.memory_space<hbm>> -> memref<1x64xf32, #tpu.memory_space<hbm>>
      %dma_start3A_187 = tpu.memref_squeeze %dma_start3A_186 : memref<1x64xf32, #tpu.memory_space<hbm>> -> memref<64xf32, #tpu.memory_space<hbm>>
      tpu.enqueue_dma source(%dma_start3A_187 : memref<64xf32, #tpu.memory_space<hbm>>) target(%dma_start3A_184 : memref<64xf32, #tpu.memory_space<vmem>>) target_semaphore(%arg10 : memref<!tpu.dma_semaphore, #tpu.memory_space<semaphore_mem>>)
      %slice3A_188 = vector.extract_strided_slice %get3A_40 {offsets = [5], sizes = [1], strides = [1]} : vector<16xi32> to vector<1xi32>
      %squeeze3A_189 = vector.extract %slice3A_188[0] : i32 from vector<1xi32>
      %mul3A_190 = arith.constant 16 : i32
      %mul3A_191 = arith.muli %scan3A_34, %mul3A_190 : i32
      %add3A_192 = arith.constant 5 : i32
      %add3A_193 = arith.addi %mul3A_191, %add3A_192 : i32
      %dma_start3A_194 = arith.constant 0 : i32
      %dma_start3A_195 = tpu.memref_slice %arg8[%add3A_193, %dma_start3A_194] : memref<256x64xf32, #tpu.memory_space<vmem>> -> memref<1x64xf32, #tpu.memory_space<vmem>>
      %dma_start3A_196 = tpu.memref_squeeze %dma_start3A_195 : memref<1x64xf32, #tpu.memory_space<vmem>> -> memref<64xf32, #tpu.memory_space<vmem>>
      %dma_start3A_197 = arith.constant 0 : i32
      %dma_start3A_198 = tpu.memref_slice %arg3[%squeeze3A_189, %dma_start3A_197] : memref<100000x64xf32, #tpu.memory_space<hbm>> -> memref<1x64xf32, #tpu.memory_space<hbm>>
      %dma_start3A_199 = tpu.memref_squeeze %dma_start3A_198 : memref<1x64xf32, #tpu.memory_space<hbm>> -> memref<64xf32, #tpu.memory_space<hbm>>
      %dma_start3A_200 = arith.constant 0 : i32
      %dma_start3A_201 = tpu.memref_slice %arg8[%add3A_193, %dma_start3A_200] : memref<256x64xf32, #tpu.memory_space<vmem>> -> memref<1x64xf32, #tpu.memory_space<vmem>>
      %dma_start3A_202 = tpu.memref_squeeze %dma_start3A_201 : memref<1x64xf32, #tpu.memory_space<vmem>> -> memref<64xf32, #tpu.memory_space<vmem>>
      %dma_start3A_203 = arith.constant 0 : i32
      %dma_start3A_204 = tpu.memref_slice %arg3[%squeeze3A_189, %dma_start3A_203] : memref<100000x64xf32, #tpu.memory_space<hbm>> -> memref<1x64xf32, #tpu.memory_space<hbm>>
      %dma_start3A_205 = tpu.memref_squeeze %dma_start3A_204 : memref<1x64xf32, #tpu.memory_space<hbm>> -> memref<64xf32, #tpu.memory_space<hbm>>
      tpu.enqueue_dma source(%dma_start3A_205 : memref<64xf32, #tpu.memory_space<hbm>>) target(%dma_start3A_202 : memref<64xf32, #tpu.memory_space<vmem>>) target_semaphore(%arg10 : memref<!tpu.dma_semaphore, #tpu.memory_space<semaphore_mem>>)
      %dma_start3A_206 = arith.constant 0 : i32
      %dma_start3A_207 = tpu.memref_slice %arg9[%add3A_193, %dma_start3A_206] : memref<256x64xf32, #tpu.memory_space<vmem>> -> memref<1x64xf32, #tpu.memory_space<vmem>>
      %dma_start3A_208 = tpu.memref_squeeze %dma_start3A_207 : memref<1x64xf32, #tpu.memory_space<vmem>> -> memref<64xf32, #tpu.memory_space<vmem>>
      %dma_start3A_209 = arith.constant 0 : i32
      %dma_start3A_210 = tpu.memref_slice %arg4[%squeeze3A_189, %dma_start3A_209] : memref<100000x64xf32, #tpu.memory_space<hbm>> -> memref<1x64xf32, #tpu.memory_space<hbm>>
      %dma_start3A_211 = tpu.memref_squeeze %dma_start3A_210 : memref<1x64xf32, #tpu.memory_space<hbm>> -> memref<64xf32, #tpu.memory_space<hbm>>
      %dma_start3A_212 = arith.constant 0 : i32
      %dma_start3A_213 = tpu.memref_slice %arg9[%add3A_193, %dma_start3A_212] : memref<256x64xf32, #tpu.memory_space<vmem>> -> memref<1x64xf32, #tpu.memory_space<vmem>>
      %dma_start3A_214 = tpu.memref_squeeze %dma_start3A_213 : memref<1x64xf32, #tpu.memory_space<vmem>> -> memref<64xf32, #tpu.memory_space<vmem>>
      %dma_start3A_215 = arith.constant 0 : i32
      %dma_start3A_216 = tpu.memref_slice %arg4[%squeeze3A_189, %dma_start3A_215] : memref<100000x64xf32, #tpu.memory_space<hbm>> -> memref<1x64xf32, #tpu.memory_space<hbm>>
      %dma_start3A_217 = tpu.memref_squeeze %dma_start3A_216 : memref<1x64xf32, #tpu.memory_space<hbm>> -> memref<64xf32, #tpu.memory_space<hbm>>
      tpu.enqueue_dma source(%dma_start3A_217 : memref<64xf32, #tpu.memory_space<hbm>>) target(%dma_start3A_214 : memref<64xf32, #tpu.memory_space<vmem>>) target_semaphore(%arg10 : memref<!tpu.dma_semaphore, #tpu.memory_space<semaphore_mem>>)
      %slice3A_218 = vector.extract_strided_slice %get3A_40 {offsets = [6], sizes = [1], strides = [1]} : vector<16xi32> to vector<1xi32>
      %squeeze3A_219 = vector.extract %slice3A_218[0] : i32 from vector<1xi32>
      %mul3A_220 = arith.constant 16 : i32
      %mul3A_221 = arith.muli %scan3A_34, %mul3A_220 : i32
      %add3A_222 = arith.constant 6 : i32
      %add3A_223 = arith.addi %mul3A_221, %add3A_222 : i32
      %dma_start3A_224 = arith.constant 0 : i32
      %dma_start3A_225 = tpu.memref_slice %arg8[%add3A_223, %dma_start3A_224] : memref<256x64xf32, #tpu.memory_space<vmem>> -> memref<1x64xf32, #tpu.memory_space<vmem>>
      %dma_start3A_226 = tpu.memref_squeeze %dma_start3A_225 : memref<1x64xf32, #tpu.memory_space<vmem>> -> memref<64xf32, #tpu.memory_space<vmem>>
      %dma_start3A_227 = arith.constant 0 : i32
      %dma_start3A_228 = tpu.memref_slice %arg3[%squeeze3A_219, %dma_start3A_227] : memref<100000x64xf32, #tpu.memory_space<hbm>> -> memref<1x64xf32, #tpu.memory_space<hbm>>
      %dma_start3A_229 = tpu.memref_squeeze %dma_start3A_228 : memref<1x64xf32, #tpu.memory_space<hbm>> -> memref<64xf32, #tpu.memory_space<hbm>>
      %dma_start3A_230 = arith.constant 0 : i32
      %dma_start3A_231 = tpu.memref_slice %arg8[%add3A_223, %dma_start3A_230] : memref<256x64xf32, #tpu.memory_space<vmem>> -> memref<1x64xf32, #tpu.memory_space<vmem>>
      %dma_start3A_232 = tpu.memref_squeeze %dma_start3A_231 : memref<1x64xf32, #tpu.memory_space<vmem>> -> memref<64xf32, #tpu.memory_space<vmem>>
      %dma_start3A_233 = arith.constant 0 : i32
      %dma_start3A_234 = tpu.memref_slice %arg3[%squeeze3A_219, %dma_start3A_233] : memref<100000x64xf32, #tpu.memory_space<hbm>> -> memref<1x64xf32, #tpu.memory_space<hbm>>
      %dma_start3A_235 = tpu.memref_squeeze %dma_start3A_234 : memref<1x64xf32, #tpu.memory_space<hbm>> -> memref<64xf32, #tpu.memory_space<hbm>>
      tpu.enqueue_dma source(%dma_start3A_235 : memref<64xf32, #tpu.memory_space<hbm>>) target(%dma_start3A_232 : memref<64xf32, #tpu.memory_space<vmem>>) target_semaphore(%arg10 : memref<!tpu.dma_semaphore, #tpu.memory_space<semaphore_mem>>)
      %dma_start3A_236 = arith.constant 0 : i32
      %dma_start3A_237 = tpu.memref_slice %arg9[%add3A_223, %dma_start3A_236] : memref<256x64xf32, #tpu.memory_space<vmem>> -> memref<1x64xf32, #tpu.memory_space<vmem>>
      %dma_start3A_238 = tpu.memref_squeeze %dma_start3A_237 : memref<1x64xf32, #tpu.memory_space<vmem>> -> memref<64xf32, #tpu.memory_space<vmem>>
      %dma_start3A_239 = arith.constant 0 : i32
      %dma_start3A_240 = tpu.memref_slice %arg4[%squeeze3A_219, %dma_start3A_239] : memref<100000x64xf32, #tpu.memory_space<hbm>> -> memref<1x64xf32, #tpu.memory_space<hbm>>
      %dma_start3A_241 = tpu.memref_squeeze %dma_start3A_240 : memref<1x64xf32, #tpu.memory_space<hbm>> -> memref<64xf32, #tpu.memory_space<hbm>>
      %dma_start3A_242 = arith.constant 0 : i32
      %dma_start3A_243 = tpu.memref_slice %arg9[%add3A_223, %dma_start3A_242] : memref<256x64xf32, #tpu.memory_space<vmem>> -> memref<1x64xf32, #tpu.memory_space<vmem>>
      %dma_start3A_244 = tpu.memref_squeeze %dma_start3A_243 : memref<1x64xf32, #tpu.memory_space<vmem>> -> memref<64xf32, #tpu.memory_space<vmem>>
      %dma_start3A_245 = arith.constant 0 : i32
      %dma_start3A_246 = tpu.memref_slice %arg4[%squeeze3A_219, %dma_start3A_245] : memref<100000x64xf32, #tpu.memory_space<hbm>> -> memref<1x64xf32, #tpu.memory_space<hbm>>
      %dma_start3A_247 = tpu.memref_squeeze %dma_start3A_246 : memref<1x64xf32, #tpu.memory_space<hbm>> -> memref<64xf32, #tpu.memory_space<hbm>>
      tpu.enqueue_dma source(%dma_start3A_247 : memref<64xf32, #tpu.memory_space<hbm>>) target(%dma_start3A_244 : memref<64xf32, #tpu.memory_space<vmem>>) target_semaphore(%arg10 : memref<!tpu.dma_semaphore, #tpu.memory_space<semaphore_mem>>)
      %slice3A_248 = vector.extract_strided_slice %get3A_40 {offsets = [7], sizes = [1], strides = [1]} : vector<16xi32> to vector<1xi32>
      %squeeze3A_249 = vector.extract %slice3A_248[0] : i32 from vector<1xi32>
      %mul3A_250 = arith.constant 16 : i32
      %mul3A_251 = arith.muli %scan3A_34, %mul3A_250 : i32
      %add3A_252 = arith.constant 7 : i32
      %add3A_253 = arith.addi %mul3A_251, %add3A_252 : i32
      %dma_start3A_254 = arith.constant 0 : i32
      %dma_start3A_255 = tpu.memref_slice %arg8[%add3A_253, %dma_start3A_254] : memref<256x64xf32, #tpu.memory_space<vmem>> -> memref<1x64xf32, #tpu.memory_space<vmem>>
      %dma_start3A_256 = tpu.memref_squeeze %dma_start3A_255 : memref<1x64xf32, #tpu.memory_space<vmem>> -> memref<64xf32, #tpu.memory_space<vmem>>
      %dma_start3A_257 = arith.constant 0 : i32
      %dma_start3A_258 = tpu.memref_slice %arg3[%squeeze3A_249, %dma_start3A_257] : memref<100000x64xf32, #tpu.memory_space<hbm>> -> memref<1x64xf32, #tpu.memory_space<hbm>>
      %dma_start3A_259 = tpu.memref_squeeze %dma_start3A_258 : memref<1x64xf32, #tpu.memory_space<hbm>> -> memref<64xf32, #tpu.memory_space<hbm>>
      %dma_start3A_260 = arith.constant 0 : i32
      %dma_start3A_261 = tpu.memref_slice %arg8[%add3A_253, %dma_start3A_260] : memref<256x64xf32, #tpu.memory_space<vmem>> -> memref<1x64xf32, #tpu.memory_space<vmem>>
      %dma_start3A_262 = tpu.memref_squeeze %dma_start3A_261 : memref<1x64xf32, #tpu.memory_space<vmem>> -> memref<64xf32, #tpu.memory_space<vmem>>
      %dma_start3A_263 = arith.constant 0 : i32
      %dma_start3A_264 = tpu.memref_slice %arg3[%squeeze3A_249, %dma_start3A_263] : memref<100000x64xf32, #tpu.memory_space<hbm>> -> memref<1x64xf32, #tpu.memory_space<hbm>>
      %dma_start3A_265 = tpu.memref_squeeze %dma_start3A_264 : memref<1x64xf32, #tpu.memory_space<hbm>> -> memref<64xf32, #tpu.memory_space<hbm>>
      tpu.enqueue_dma source(%dma_start3A_265 : memref<64xf32, #tpu.memory_space<hbm>>) target(%dma_start3A_262 : memref<64xf32, #tpu.memory_space<vmem>>) target_semaphore(%arg10 : memref<!tpu.dma_semaphore, #tpu.memory_space<semaphore_mem>>)
      %dma_start3A_266 = arith.constant 0 : i32
      %dma_start3A_267 = tpu.memref_slice %arg9[%add3A_253, %dma_start3A_266] : memref<256x64xf32, #tpu.memory_space<vmem>> -> memref<1x64xf32, #tpu.memory_space<vmem>>
      %dma_start3A_268 = tpu.memref_squeeze %dma_start3A_267 : memref<1x64xf32, #tpu.memory_space<vmem>> -> memref<64xf32, #tpu.memory_space<vmem>>
      %dma_start3A_269 = arith.constant 0 : i32
      %dma_start3A_270 = tpu.memref_slice %arg4[%squeeze3A_249, %dma_start3A_269] : memref<100000x64xf32, #tpu.memory_space<hbm>> -> memref<1x64xf32, #tpu.memory_space<hbm>>
      %dma_start3A_271 = tpu.memref_squeeze %dma_start3A_270 : memref<1x64xf32, #tpu.memory_space<hbm>> -> memref<64xf32, #tpu.memory_space<hbm>>
      %dma_start3A_272 = arith.constant 0 : i32
      %dma_start3A_273 = tpu.memref_slice %arg9[%add3A_253, %dma_start3A_272] : memref<256x64xf32, #tpu.memory_space<vmem>> -> memref<1x64xf32, #tpu.memory_space<vmem>>
      %dma_start3A_274 = tpu.memref_squeeze %dma_start3A_273 : memref<1x64xf32, #tpu.memory_space<vmem>> -> memref<64xf32, #tpu.memory_space<vmem>>
      %dma_start3A_275 = arith.constant 0 : i32
      %dma_start3A_276 = tpu.memref_slice %arg4[%squeeze3A_249, %dma_start3A_275] : memref<100000x64xf32, #tpu.memory_space<hbm>> -> memref<1x64xf32, #tpu.memory_space<hbm>>
      %dma_start3A_277 = tpu.memref_squeeze %dma_start3A_276 : memref<1x64xf32, #tpu.memory_space<hbm>> -> memref<64xf32, #tpu.memory_space<hbm>>
      tpu.enqueue_dma source(%dma_start3A_277 : memref<64xf32, #tpu.memory_space<hbm>>) target(%dma_start3A_274 : memref<64xf32, #tpu.memory_space<vmem>>) target_semaphore(%arg10 : memref<!tpu.dma_semaphore, #tpu.memory_space<semaphore_mem>>)
      %slice3A_278 = vector.extract_strided_slice %get3A_40 {offsets = [8], sizes = [1], strides = [1]} : vector<16xi32> to vector<1xi32>
      %squeeze3A_279 = vector.extract %slice3A_278[0] : i32 from vector<1xi32>
      %mul3A_280 = arith.constant 16 : i32
      %mul3A_281 = arith.muli %scan3A_34, %mul3A_280 : i32
      %add3A_282 = arith.constant 8 : i32
      %add3A_283 = arith.addi %mul3A_281, %add3A_282 : i32
      %dma_start3A_284 = arith.constant 0 : i32
      %dma_start3A_285 = tpu.memref_slice %arg8[%add3A_283, %dma_start3A_284] : memref<256x64xf32, #tpu.memory_space<vmem>> -> memref<1x64xf32, #tpu.memory_space<vmem>>
      %dma_start3A_286 = tpu.memref_squeeze %dma_start3A_285 : memref<1x64xf32, #tpu.memory_space<vmem>> -> memref<64xf32, #tpu.memory_space<vmem>>
      %dma_start3A_287 = arith.constant 0 : i32
      %dma_start3A_288 = tpu.memref_slice %arg3[%squeeze3A_279, %dma_start3A_287] : memref<100000x64xf32, #tpu.memory_space<hbm>> -> memref<1x64xf32, #tpu.memory_space<hbm>>
      %dma_start3A_289 = tpu.memref_squeeze %dma_start3A_288 : memref<1x64xf32, #tpu.memory_space<hbm>> -> memref<64xf32, #tpu.memory_space<hbm>>
      %dma_start3A_290 = arith.constant 0 : i32
      %dma_start3A_291 = tpu.memref_slice %arg8[%add3A_283, %dma_start3A_290] : memref<256x64xf32, #tpu.memory_space<vmem>> -> memref<1x64xf32, #tpu.memory_space<vmem>>
      %dma_start3A_292 = tpu.memref_squeeze %dma_start3A_291 : memref<1x64xf32, #tpu.memory_space<vmem>> -> memref<64xf32, #tpu.memory_space<vmem>>
      %dma_start3A_293 = arith.constant 0 : i32
      %dma_start3A_294 = tpu.memref_slice %arg3[%squeeze3A_279, %dma_start3A_293] : memref<100000x64xf32, #tpu.memory_space<hbm>> -> memref<1x64xf32, #tpu.memory_space<hbm>>
      %dma_start3A_295 = tpu.memref_squeeze %dma_start3A_294 : memref<1x64xf32, #tpu.memory_space<hbm>> -> memref<64xf32, #tpu.memory_space<hbm>>
      tpu.enqueue_dma source(%dma_start3A_295 : memref<64xf32, #tpu.memory_space<hbm>>) target(%dma_start3A_292 : memref<64xf32, #tpu.memory_space<vmem>>) target_semaphore(%arg10 : memref<!tpu.dma_semaphore, #tpu.memory_space<semaphore_mem>>)
      %dma_start3A_296 = arith.constant 0 : i32
      %dma_start3A_297 = tpu.memref_slice %arg9[%add3A_283, %dma_start3A_296] : memref<256x64xf32, #tpu.memory_space<vmem>> -> memref<1x64xf32, #tpu.memory_space<vmem>>
      %dma_start3A_298 = tpu.memref_squeeze %dma_start3A_297 : memref<1x64xf32, #tpu.memory_space<vmem>> -> memref<64xf32, #tpu.memory_space<vmem>>
      %dma_start3A_299 = arith.constant 0 : i32
      %dma_start3A_300 = tpu.memref_slice %arg4[%squeeze3A_279, %dma_start3A_299] : memref<100000x64xf32, #tpu.memory_space<hbm>> -> memref<1x64xf32, #tpu.memory_space<hbm>>
      %dma_start3A_301 = tpu.memref_squeeze %dma_start3A_300 : memref<1x64xf32, #tpu.memory_space<hbm>> -> memref<64xf32, #tpu.memory_space<hbm>>
      %dma_start3A_302 = arith.constant 0 : i32
      %dma_start3A_303 = tpu.memref_slice %arg9[%add3A_283, %dma_start3A_302] : memref<256x64xf32, #tpu.memory_space<vmem>> -> memref<1x64xf32, #tpu.memory_space<vmem>>
      %dma_start3A_304 = tpu.memref_squeeze %dma_start3A_303 : memref<1x64xf32, #tpu.memory_space<vmem>> -> memref<64xf32, #tpu.memory_space<vmem>>
      %dma_start3A_305 = arith.constant 0 : i32
      %dma_start3A_306 = tpu.memref_slice %arg4[%squeeze3A_279, %dma_start3A_305] : memref<100000x64xf32, #tpu.memory_space<hbm>> -> memref<1x64xf32, #tpu.memory_space<hbm>>
      %dma_start3A_307 = tpu.memref_squeeze %dma_start3A_306 : memref<1x64xf32, #tpu.memory_space<hbm>> -> memref<64xf32, #tpu.memory_space<hbm>>
      tpu.enqueue_dma source(%dma_start3A_307 : memref<64xf32, #tpu.memory_space<hbm>>) target(%dma_start3A_304 : memref<64xf32, #tpu.memory_space<vmem>>) target_semaphore(%arg10 : memref<!tpu.dma_semaphore, #tpu.memory_space<semaphore_mem>>)
      %slice3A_308 = vector.extract_strided_slice %get3A_40 {offsets = [9], sizes = [1], strides = [1]} : vector<16xi32> to vector<1xi32>
      %squeeze3A_309 = vector.extract %slice3A_308[0] : i32 from vector<1xi32>
      %mul3A_310 = arith.constant 16 : i32
      %mul3A_311 = arith.muli %scan3A_34, %mul3A_310 : i32
      %add3A_312 = arith.constant 9 : i32
      %add3A_313 = arith.addi %mul3A_311, %add3A_312 : i32
      %dma_start3A_314 = arith.constant 0 : i32
      %dma_start3A_315 = tpu.memref_slice %arg8[%add3A_313, %dma_start3A_314] : memref<256x64xf32, #tpu.memory_space<vmem>> -> memref<1x64xf32, #tpu.memory_space<vmem>>
      %dma_start3A_316 = tpu.memref_squeeze %dma_start3A_315 : memref<1x64xf32, #tpu.memory_space<vmem>> -> memref<64xf32, #tpu.memory_space<vmem>>
      %dma_start3A_317 = arith.constant 0 : i32
      %dma_start3A_318 = tpu.memref_slice %arg3[%squeeze3A_309, %dma_start3A_317] : memref<100000x64xf32, #tpu.memory_space<hbm>> -> memref<1x64xf32, #tpu.memory_space<hbm>>
      %dma_start3A_319 = tpu.memref_squeeze %dma_start3A_318 : memref<1x64xf32, #tpu.memory_space<hbm>> -> memref<64xf32, #tpu.memory_space<hbm>>
      %dma_start3A_320 = arith.constant 0 : i32
      %dma_start3A_321 = tpu.memref_slice %arg8[%add3A_313, %dma_start3A_320] : memref<256x64xf32, #tpu.memory_space<vmem>> -> memref<1x64xf32, #tpu.memory_space<vmem>>
      %dma_start3A_322 = tpu.memref_squeeze %dma_start3A_321 : memref<1x64xf32, #tpu.memory_space<vmem>> -> memref<64xf32, #tpu.memory_space<vmem>>
      %dma_start3A_323 = arith.constant 0 : i32
      %dma_start3A_324 = tpu.memref_slice %arg3[%squeeze3A_309, %dma_start3A_323] : memref<100000x64xf32, #tpu.memory_space<hbm>> -> memref<1x64xf32, #tpu.memory_space<hbm>>
      %dma_start3A_325 = tpu.memref_squeeze %dma_start3A_324 : memref<1x64xf32, #tpu.memory_space<hbm>> -> memref<64xf32, #tpu.memory_space<hbm>>
      tpu.enqueue_dma source(%dma_start3A_325 : memref<64xf32, #tpu.memory_space<hbm>>) target(%dma_start3A_322 : memref<64xf32, #tpu.memory_space<vmem>>) target_semaphore(%arg10 : memref<!tpu.dma_semaphore, #tpu.memory_space<semaphore_mem>>)
      %dma_start3A_326 = arith.constant 0 : i32
      %dma_start3A_327 = tpu.memref_slice %arg9[%add3A_313, %dma_start3A_326] : memref<256x64xf32, #tpu.memory_space<vmem>> -> memref<1x64xf32, #tpu.memory_space<vmem>>
      %dma_start3A_328 = tpu.memref_squeeze %dma_start3A_327 : memref<1x64xf32, #tpu.memory_space<vmem>> -> memref<64xf32, #tpu.memory_space<vmem>>
      %dma_start3A_329 = arith.constant 0 : i32
      %dma_start3A_330 = tpu.memref_slice %arg4[%squeeze3A_309, %dma_start3A_329] : memref<100000x64xf32, #tpu.memory_space<hbm>> -> memref<1x64xf32, #tpu.memory_space<hbm>>
      %dma_start3A_331 = tpu.memref_squeeze %dma_start3A_330 : memref<1x64xf32, #tpu.memory_space<hbm>> -> memref<64xf32, #tpu.memory_space<hbm>>
      %dma_start3A_332 = arith.constant 0 : i32
      %dma_start3A_333 = tpu.memref_slice %arg9[%add3A_313, %dma_start3A_332] : memref<256x64xf32, #tpu.memory_space<vmem>> -> memref<1x64xf32, #tpu.memory_space<vmem>>
      %dma_start3A_334 = tpu.memref_squeeze %dma_start3A_333 : memref<1x64xf32, #tpu.memory_space<vmem>> -> memref<64xf32, #tpu.memory_space<vmem>>
      %dma_start3A_335 = arith.constant 0 : i32
      %dma_start3A_336 = tpu.memref_slice %arg4[%squeeze3A_309, %dma_start3A_335] : memref<100000x64xf32, #tpu.memory_space<hbm>> -> memref<1x64xf32, #tpu.memory_space<hbm>>
      %dma_start3A_337 = tpu.memref_squeeze %dma_start3A_336 : memref<1x64xf32, #tpu.memory_space<hbm>> -> memref<64xf32, #tpu.memory_space<hbm>>
      tpu.enqueue_dma source(%dma_start3A_337 : memref<64xf32, #tpu.memory_space<hbm>>) target(%dma_start3A_334 : memref<64xf32, #tpu.memory_space<vmem>>) target_semaphore(%arg10 : memref<!tpu.dma_semaphore, #tpu.memory_space<semaphore_mem>>)
      %slice3A_338 = vector.extract_strided_slice %get3A_40 {offsets = [10], sizes = [1], strides = [1]} : vector<16xi32> to vector<1xi32>
      %squeeze3A_339 = vector.extract %slice3A_338[0] : i32 from vector<1xi32>
      %mul3A_340 = arith.constant 16 : i32
      %mul3A_341 = arith.muli %scan3A_34, %mul3A_340 : i32
      %add3A_342 = arith.constant 10 : i32
      %add3A_343 = arith.addi %mul3A_341, %add3A_342 : i32
      %dma_start3A_344 = arith.constant 0 : i32
      %dma_start3A_345 = tpu.memref_slice %arg8[%add3A_343, %dma_start3A_344] : memref<256x64xf32, #tpu.memory_space<vmem>> -> memref<1x64xf32, #tpu.memory_space<vmem>>
      %dma_start3A_346 = tpu.memref_squeeze %dma_start3A_345 : memref<1x64xf32, #tpu.memory_space<vmem>> -> memref<64xf32, #tpu.memory_space<vmem>>
      %dma_start3A_347 = arith.constant 0 : i32
      %dma_start3A_348 = tpu.memref_slice %arg3[%squeeze3A_339, %dma_start3A_347] : memref<100000x64xf32, #tpu.memory_space<hbm>> -> memref<1x64xf32, #tpu.memory_space<hbm>>
      %dma_start3A_349 = tpu.memref_squeeze %dma_start3A_348 : memref<1x64xf32, #tpu.memory_space<hbm>> -> memref<64xf32, #tpu.memory_space<hbm>>
      %dma_start3A_350 = arith.constant 0 : i32
      %dma_start3A_351 = tpu.memref_slice %arg8[%add3A_343, %dma_start3A_350] : memref<256x64xf32, #tpu.memory_space<vmem>> -> memref<1x64xf32, #tpu.memory_space<vmem>>
      %dma_start3A_352 = tpu.memref_squeeze %dma_start3A_351 : memref<1x64xf32, #tpu.memory_space<vmem>> -> memref<64xf32, #tpu.memory_space<vmem>>
      %dma_start3A_353 = arith.constant 0 : i32
      %dma_start3A_354 = tpu.memref_slice %arg3[%squeeze3A_339, %dma_start3A_353] : memref<100000x64xf32, #tpu.memory_space<hbm>> -> memref<1x64xf32, #tpu.memory_space<hbm>>
      %dma_start3A_355 = tpu.memref_squeeze %dma_start3A_354 : memref<1x64xf32, #tpu.memory_space<hbm>> -> memref<64xf32, #tpu.memory_space<hbm>>
      tpu.enqueue_dma source(%dma_start3A_355 : memref<64xf32, #tpu.memory_space<hbm>>) target(%dma_start3A_352 : memref<64xf32, #tpu.memory_space<vmem>>) target_semaphore(%arg10 : memref<!tpu.dma_semaphore, #tpu.memory_space<semaphore_mem>>)
      %dma_start3A_356 = arith.constant 0 : i32
      %dma_start3A_357 = tpu.memref_slice %arg9[%add3A_343, %dma_start3A_356] : memref<256x64xf32, #tpu.memory_space<vmem>> -> memref<1x64xf32, #tpu.memory_space<vmem>>
      %dma_start3A_358 = tpu.memref_squeeze %dma_start3A_357 : memref<1x64xf32, #tpu.memory_space<vmem>> -> memref<64xf32, #tpu.memory_space<vmem>>
      %dma_start3A_359 = arith.constant 0 : i32
      %dma_start3A_360 = tpu.memref_slice %arg4[%squeeze3A_339, %dma_start3A_359] : memref<100000x64xf32, #tpu.memory_space<hbm>> -> memref<1x64xf32, #tpu.memory_space<hbm>>
      %dma_start3A_361 = tpu.memref_squeeze %dma_start3A_360 : memref<1x64xf32, #tpu.memory_space<hbm>> -> memref<64xf32, #tpu.memory_space<hbm>>
      %dma_start3A_362 = arith.constant 0 : i32
      %dma_start3A_363 = tpu.memref_slice %arg9[%add3A_343, %dma_start3A_362] : memref<256x64xf32, #tpu.memory_space<vmem>> -> memref<1x64xf32, #tpu.memory_space<vmem>>
      %dma_start3A_364 = tpu.memref_squeeze %dma_start3A_363 : memref<1x64xf32, #tpu.memory_space<vmem>> -> memref<64xf32, #tpu.memory_space<vmem>>
      %dma_start3A_365 = arith.constant 0 : i32
      %dma_start3A_366 = tpu.memref_slice %arg4[%squeeze3A_339, %dma_start3A_365] : memref<100000x64xf32, #tpu.memory_space<hbm>> -> memref<1x64xf32, #tpu.memory_space<hbm>>
      %dma_start3A_367 = tpu.memref_squeeze %dma_start3A_366 : memref<1x64xf32, #tpu.memory_space<hbm>> -> memref<64xf32, #tpu.memory_space<hbm>>
      tpu.enqueue_dma source(%dma_start3A_367 : memref<64xf32, #tpu.memory_space<hbm>>) target(%dma_start3A_364 : memref<64xf32, #tpu.memory_space<vmem>>) target_semaphore(%arg10 : memref<!tpu.dma_semaphore, #tpu.memory_space<semaphore_mem>>)
      %slice3A_368 = vector.extract_strided_slice %get3A_40 {offsets = [11], sizes = [1], strides = [1]} : vector<16xi32> to vector<1xi32>
      %squeeze3A_369 = vector.extract %slice3A_368[0] : i32 from vector<1xi32>
      %mul3A_370 = arith.constant 16 : i32
      %mul3A_371 = arith.muli %scan3A_34, %mul3A_370 : i32
      %add3A_372 = arith.constant 11 : i32
      %add3A_373 = arith.addi %mul3A_371, %add3A_372 : i32
      %dma_start3A_374 = arith.constant 0 : i32
      %dma_start3A_375 = tpu.memref_slice %arg8[%add3A_373, %dma_start3A_374] : memref<256x64xf32, #tpu.memory_space<vmem>> -> memref<1x64xf32, #tpu.memory_space<vmem>>
      %dma_start3A_376 = tpu.memref_squeeze %dma_start3A_375 : memref<1x64xf32, #tpu.memory_space<vmem>> -> memref<64xf32, #tpu.memory_space<vmem>>
      %dma_start3A_377 = arith.constant 0 : i32
      %dma_start3A_378 = tpu.memref_slice %arg3[%squeeze3A_369, %dma_start3A_377] : memref<100000x64xf32, #tpu.memory_space<hbm>> -> memref<1x64xf32, #tpu.memory_space<hbm>>
      %dma_start3A_379 = tpu.memref_squeeze %dma_start3A_378 : memref<1x64xf32, #tpu.memory_space<hbm>> -> memref<64xf32, #tpu.memory_space<hbm>>
      %dma_start3A_380 = arith.constant 0 : i32
      %dma_start3A_381 = tpu.memref_slice %arg8[%add3A_373, %dma_start3A_380] : memref<256x64xf32, #tpu.memory_space<vmem>> -> memref<1x64xf32, #tpu.memory_space<vmem>>
      %dma_start3A_382 = tpu.memref_squeeze %dma_start3A_381 : memref<1x64xf32, #tpu.memory_space<vmem>> -> memref<64xf32, #tpu.memory_space<vmem>>
      %dma_start3A_383 = arith.constant 0 : i32
      %dma_start3A_384 = tpu.memref_slice %arg3[%squeeze3A_369, %dma_start3A_383] : memref<100000x64xf32, #tpu.memory_space<hbm>> -> memref<1x64xf32, #tpu.memory_space<hbm>>
      %dma_start3A_385 = tpu.memref_squeeze %dma_start3A_384 : memref<1x64xf32, #tpu.memory_space<hbm>> -> memref<64xf32, #tpu.memory_space<hbm>>
      tpu.enqueue_dma source(%dma_start3A_385 : memref<64xf32, #tpu.memory_space<hbm>>) target(%dma_start3A_382 : memref<64xf32, #tpu.memory_space<vmem>>) target_semaphore(%arg10 : memref<!tpu.dma_semaphore, #tpu.memory_space<semaphore_mem>>)
      %dma_start3A_386 = arith.constant 0 : i32
      %dma_start3A_387 = tpu.memref_slice %arg9[%add3A_373, %dma_start3A_386] : memref<256x64xf32, #tpu.memory_space<vmem>> -> memref<1x64xf32, #tpu.memory_space<vmem>>
      %dma_start3A_388 = tpu.memref_squeeze %dma_start3A_387 : memref<1x64xf32, #tpu.memory_space<vmem>> -> memref<64xf32, #tpu.memory_space<vmem>>
      %dma_start3A_389 = arith.constant 0 : i32
      %dma_start3A_390 = tpu.memref_slice %arg4[%squeeze3A_369, %dma_start3A_389] : memref<100000x64xf32, #tpu.memory_space<hbm>> -> memref<1x64xf32, #tpu.memory_space<hbm>>
      %dma_start3A_391 = tpu.memref_squeeze %dma_start3A_390 : memref<1x64xf32, #tpu.memory_space<hbm>> -> memref<64xf32, #tpu.memory_space<hbm>>
      %dma_start3A_392 = arith.constant 0 : i32
      %dma_start3A_393 = tpu.memref_slice %arg9[%add3A_373, %dma_start3A_392] : memref<256x64xf32, #tpu.memory_space<vmem>> -> memref<1x64xf32, #tpu.memory_space<vmem>>
      %dma_start3A_394 = tpu.memref_squeeze %dma_start3A_393 : memref<1x64xf32, #tpu.memory_space<vmem>> -> memref<64xf32, #tpu.memory_space<vmem>>
      %dma_start3A_395 = arith.constant 0 : i32
      %dma_start3A_396 = tpu.memref_slice %arg4[%squeeze3A_369, %dma_start3A_395] : memref<100000x64xf32, #tpu.memory_space<hbm>> -> memref<1x64xf32, #tpu.memory_space<hbm>>
      %dma_start3A_397 = tpu.memref_squeeze %dma_start3A_396 : memref<1x64xf32, #tpu.memory_space<hbm>> -> memref<64xf32, #tpu.memory_space<hbm>>
      tpu.enqueue_dma source(%dma_start3A_397 : memref<64xf32, #tpu.memory_space<hbm>>) target(%dma_start3A_394 : memref<64xf32, #tpu.memory_space<vmem>>) target_semaphore(%arg10 : memref<!tpu.dma_semaphore, #tpu.memory_space<semaphore_mem>>)
      %slice3A_398 = vector.extract_strided_slice %get3A_40 {offsets = [12], sizes = [1], strides = [1]} : vector<16xi32> to vector<1xi32>
      %squeeze3A_399 = vector.extract %slice3A_398[0] : i32 from vector<1xi32>
      %mul3A_400 = arith.constant 16 : i32
      %mul3A_401 = arith.muli %scan3A_34, %mul3A_400 : i32
      %add3A_402 = arith.constant 12 : i32
      %add3A_403 = arith.addi %mul3A_401, %add3A_402 : i32
      %dma_start3A_404 = arith.constant 0 : i32
      %dma_start3A_405 = tpu.memref_slice %arg8[%add3A_403, %dma_start3A_404] : memref<256x64xf32, #tpu.memory_space<vmem>> -> memref<1x64xf32, #tpu.memory_space<vmem>>
      %dma_start3A_406 = tpu.memref_squeeze %dma_start3A_405 : memref<1x64xf32, #tpu.memory_space<vmem>> -> memref<64xf32, #tpu.memory_space<vmem>>
      %dma_start3A_407 = arith.constant 0 : i32
      %dma_start3A_408 = tpu.memref_slice %arg3[%squeeze3A_399, %dma_start3A_407] : memref<100000x64xf32, #tpu.memory_space<hbm>> -> memref<1x64xf32, #tpu.memory_space<hbm>>
      %dma_start3A_409 = tpu.memref_squeeze %dma_start3A_408 : memref<1x64xf32, #tpu.memory_space<hbm>> -> memref<64xf32, #tpu.memory_space<hbm>>
      %dma_start3A_410 = arith.constant 0 : i32
      %dma_start3A_411 = tpu.memref_slice %arg8[%add3A_403, %dma_start3A_410] : memref<256x64xf32, #tpu.memory_space<vmem>> -> memref<1x64xf32, #tpu.memory_space<vmem>>
      %dma_start3A_412 = tpu.memref_squeeze %dma_start3A_411 : memref<1x64xf32, #tpu.memory_space<vmem>> -> memref<64xf32, #tpu.memory_space<vmem>>
      %dma_start3A_413 = arith.constant 0 : i32
      %dma_start3A_414 = tpu.memref_slice %arg3[%squeeze3A_399, %dma_start3A_413] : memref<100000x64xf32, #tpu.memory_space<hbm>> -> memref<1x64xf32, #tpu.memory_space<hbm>>
      %dma_start3A_415 = tpu.memref_squeeze %dma_start3A_414 : memref<1x64xf32, #tpu.memory_space<hbm>> -> memref<64xf32, #tpu.memory_space<hbm>>
      tpu.enqueue_dma source(%dma_start3A_415 : memref<64xf32, #tpu.memory_space<hbm>>) target(%dma_start3A_412 : memref<64xf32, #tpu.memory_space<vmem>>) target_semaphore(%arg10 : memref<!tpu.dma_semaphore, #tpu.memory_space<semaphore_mem>>)
      %dma_start3A_416 = arith.constant 0 : i32
      %dma_start3A_417 = tpu.memref_slice %arg9[%add3A_403, %dma_start3A_416] : memref<256x64xf32, #tpu.memory_space<vmem>> -> memref<1x64xf32, #tpu.memory_space<vmem>>
      %dma_start3A_418 = tpu.memref_squeeze %dma_start3A_417 : memref<1x64xf32, #tpu.memory_space<vmem>> -> memref<64xf32, #tpu.memory_space<vmem>>
      %dma_start3A_419 = arith.constant 0 : i32
      %dma_start3A_420 = tpu.memref_slice %arg4[%squeeze3A_399, %dma_start3A_419] : memref<100000x64xf32, #tpu.memory_space<hbm>> -> memref<1x64xf32, #tpu.memory_space<hbm>>
      %dma_start3A_421 = tpu.memref_squeeze %dma_start3A_420 : memref<1x64xf32, #tpu.memory_space<hbm>> -> memref<64xf32, #tpu.memory_space<hbm>>
      %dma_start3A_422 = arith.constant 0 : i32
      %dma_start3A_423 = tpu.memref_slice %arg9[%add3A_403, %dma_start3A_422] : memref<256x64xf32, #tpu.memory_space<vmem>> -> memref<1x64xf32, #tpu.memory_space<vmem>>
      %dma_start3A_424 = tpu.memref_squeeze %dma_start3A_423 : memref<1x64xf32, #tpu.memory_space<vmem>> -> memref<64xf32, #tpu.memory_space<vmem>>
      %dma_start3A_425 = arith.constant 0 : i32
      %dma_start3A_426 = tpu.memref_slice %arg4[%squeeze3A_399, %dma_start3A_425] : memref<100000x64xf32, #tpu.memory_space<hbm>> -> memref<1x64xf32, #tpu.memory_space<hbm>>
      %dma_start3A_427 = tpu.memref_squeeze %dma_start3A_426 : memref<1x64xf32, #tpu.memory_space<hbm>> -> memref<64xf32, #tpu.memory_space<hbm>>
      tpu.enqueue_dma source(%dma_start3A_427 : memref<64xf32, #tpu.memory_space<hbm>>) target(%dma_start3A_424 : memref<64xf32, #tpu.memory_space<vmem>>) target_semaphore(%arg10 : memref<!tpu.dma_semaphore, #tpu.memory_space<semaphore_mem>>)
      %slice3A_428 = vector.extract_strided_slice %get3A_40 {offsets = [13], sizes = [1], strides = [1]} : vector<16xi32> to vector<1xi32>
      %squeeze3A_429 = vector.extract %slice3A_428[0] : i32 from vector<1xi32>
      %mul3A_430 = arith.constant 16 : i32
      %mul3A_431 = arith.muli %scan3A_34, %mul3A_430 : i32
      %add3A_432 = arith.constant 13 : i32
      %add3A_433 = arith.addi %mul3A_431, %add3A_432 : i32
      %dma_start3A_434 = arith.constant 0 : i32
      %dma_start3A_435 = tpu.memref_slice %arg8[%add3A_433, %dma_start3A_434] : memref<256x64xf32, #tpu.memory_space<vmem>> -> memref<1x64xf32, #tpu.memory_space<vmem>>
      %dma_start3A_436 = tpu.memref_squeeze %dma_start3A_435 : memref<1x64xf32, #tpu.memory_space<vmem>> -> memref<64xf32, #tpu.memory_space<vmem>>
      %dma_start3A_437 = arith.constant 0 : i32
      %dma_start3A_438 = tpu.memref_slice %arg3[%squeeze3A_429, %dma_start3A_437] : memref<100000x64xf32, #tpu.memory_space<hbm>> -> memref<1x64xf32, #tpu.memory_space<hbm>>
      %dma_start3A_439 = tpu.memref_squeeze %dma_start3A_438 : memref<1x64xf32, #tpu.memory_space<hbm>> -> memref<64xf32, #tpu.memory_space<hbm>>
      %dma_start3A_440 = arith.constant 0 : i32
      %dma_start3A_441 = tpu.memref_slice %arg8[%add3A_433, %dma_start3A_440] : memref<256x64xf32, #tpu.memory_space<vmem>> -> memref<1x64xf32, #tpu.memory_space<vmem>>
      %dma_start3A_442 = tpu.memref_squeeze %dma_start3A_441 : memref<1x64xf32, #tpu.memory_space<vmem>> -> memref<64xf32, #tpu.memory_space<vmem>>
      %dma_start3A_443 = arith.constant 0 : i32
      %dma_start3A_444 = tpu.memref_slice %arg3[%squeeze3A_429, %dma_start3A_443] : memref<100000x64xf32, #tpu.memory_space<hbm>> -> memref<1x64xf32, #tpu.memory_space<hbm>>
      %dma_start3A_445 = tpu.memref_squeeze %dma_start3A_444 : memref<1x64xf32, #tpu.memory_space<hbm>> -> memref<64xf32, #tpu.memory_space<hbm>>
      tpu.enqueue_dma source(%dma_start3A_445 : memref<64xf32, #tpu.memory_space<hbm>>) target(%dma_start3A_442 : memref<64xf32, #tpu.memory_space<vmem>>) target_semaphore(%arg10 : memref<!tpu.dma_semaphore, #tpu.memory_space<semaphore_mem>>)
      %dma_start3A_446 = arith.constant 0 : i32
      %dma_start3A_447 = tpu.memref_slice %arg9[%add3A_433, %dma_start3A_446] : memref<256x64xf32, #tpu.memory_space<vmem>> -> memref<1x64xf32, #tpu.memory_space<vmem>>
      %dma_start3A_448 = tpu.memref_squeeze %dma_start3A_447 : memref<1x64xf32, #tpu.memory_space<vmem>> -> memref<64xf32, #tpu.memory_space<vmem>>
      %dma_start3A_449 = arith.constant 0 : i32
      %dma_start3A_450 = tpu.memref_slice %arg4[%squeeze3A_429, %dma_start3A_449] : memref<100000x64xf32, #tpu.memory_space<hbm>> -> memref<1x64xf32, #tpu.memory_space<hbm>>
      %dma_start3A_451 = tpu.memref_squeeze %dma_start3A_450 : memref<1x64xf32, #tpu.memory_space<hbm>> -> memref<64xf32, #tpu.memory_space<hbm>>
      %dma_start3A_452 = arith.constant 0 : i32
      %dma_start3A_453 = tpu.memref_slice %arg9[%add3A_433, %dma_start3A_452] : memref<256x64xf32, #tpu.memory_space<vmem>> -> memref<1x64xf32, #tpu.memory_space<vmem>>
      %dma_start3A_454 = tpu.memref_squeeze %dma_start3A_453 : memref<1x64xf32, #tpu.memory_space<vmem>> -> memref<64xf32, #tpu.memory_space<vmem>>
      %dma_start3A_455 = arith.constant 0 : i32
      %dma_start3A_456 = tpu.memref_slice %arg4[%squeeze3A_429, %dma_start3A_455] : memref<100000x64xf32, #tpu.memory_space<hbm>> -> memref<1x64xf32, #tpu.memory_space<hbm>>
      %dma_start3A_457 = tpu.memref_squeeze %dma_start3A_456 : memref<1x64xf32, #tpu.memory_space<hbm>> -> memref<64xf32, #tpu.memory_space<hbm>>
      tpu.enqueue_dma source(%dma_start3A_457 : memref<64xf32, #tpu.memory_space<hbm>>) target(%dma_start3A_454 : memref<64xf32, #tpu.memory_space<vmem>>) target_semaphore(%arg10 : memref<!tpu.dma_semaphore, #tpu.memory_space<semaphore_mem>>)
      %slice3A_458 = vector.extract_strided_slice %get3A_40 {offsets = [14], sizes = [1], strides = [1]} : vector<16xi32> to vector<1xi32>
      %squeeze3A_459 = vector.extract %slice3A_458[0] : i32 from vector<1xi32>
      %mul3A_460 = arith.constant 16 : i32
      %mul3A_461 = arith.muli %scan3A_34, %mul3A_460 : i32
      %add3A_462 = arith.constant 14 : i32
      %add3A_463 = arith.addi %mul3A_461, %add3A_462 : i32
      %dma_start3A_464 = arith.constant 0 : i32
      %dma_start3A_465 = tpu.memref_slice %arg8[%add3A_463, %dma_start3A_464] : memref<256x64xf32, #tpu.memory_space<vmem>> -> memref<1x64xf32, #tpu.memory_space<vmem>>
      %dma_start3A_466 = tpu.memref_squeeze %dma_start3A_465 : memref<1x64xf32, #tpu.memory_space<vmem>> -> memref<64xf32, #tpu.memory_space<vmem>>
      %dma_start3A_467 = arith.constant 0 : i32
      %dma_start3A_468 = tpu.memref_slice %arg3[%squeeze3A_459, %dma_start3A_467] : memref<100000x64xf32, #tpu.memory_space<hbm>> -> memref<1x64xf32, #tpu.memory_space<hbm>>
      %dma_start3A_469 = tpu.memref_squeeze %dma_start3A_468 : memref<1x64xf32, #tpu.memory_space<hbm>> -> memref<64xf32, #tpu.memory_space<hbm>>
      %dma_start3A_470 = arith.constant 0 : i32
      %dma_start3A_471 = tpu.memref_slice %arg8[%add3A_463, %dma_start3A_470] : memref<256x64xf32, #tpu.memory_space<vmem>> -> memref<1x64xf32, #tpu.memory_space<vmem>>
      %dma_start3A_472 = tpu.memref_squeeze %dma_start3A_471 : memref<1x64xf32, #tpu.memory_space<vmem>> -> memref<64xf32, #tpu.memory_space<vmem>>
      %dma_start3A_473 = arith.constant 0 : i32
      %dma_start3A_474 = tpu.memref_slice %arg3[%squeeze3A_459, %dma_start3A_473] : memref<100000x64xf32, #tpu.memory_space<hbm>> -> memref<1x64xf32, #tpu.memory_space<hbm>>
      %dma_start3A_475 = tpu.memref_squeeze %dma_start3A_474 : memref<1x64xf32, #tpu.memory_space<hbm>> -> memref<64xf32, #tpu.memory_space<hbm>>
      tpu.enqueue_dma source(%dma_start3A_475 : memref<64xf32, #tpu.memory_space<hbm>>) target(%dma_start3A_472 : memref<64xf32, #tpu.memory_space<vmem>>) target_semaphore(%arg10 : memref<!tpu.dma_semaphore, #tpu.memory_space<semaphore_mem>>)
      %dma_start3A_476 = arith.constant 0 : i32
      %dma_start3A_477 = tpu.memref_slice %arg9[%add3A_463, %dma_start3A_476] : memref<256x64xf32, #tpu.memory_space<vmem>> -> memref<1x64xf32, #tpu.memory_space<vmem>>
      %dma_start3A_478 = tpu.memref_squeeze %dma_start3A_477 : memref<1x64xf32, #tpu.memory_space<vmem>> -> memref<64xf32, #tpu.memory_space<vmem>>
      %dma_start3A_479 = arith.constant 0 : i32
      %dma_start3A_480 = tpu.memref_slice %arg4[%squeeze3A_459, %dma_start3A_479] : memref<100000x64xf32, #tpu.memory_space<hbm>> -> memref<1x64xf32, #tpu.memory_space<hbm>>
      %dma_start3A_481 = tpu.memref_squeeze %dma_start3A_480 : memref<1x64xf32, #tpu.memory_space<hbm>> -> memref<64xf32, #tpu.memory_space<hbm>>
      %dma_start3A_482 = arith.constant 0 : i32
      %dma_start3A_483 = tpu.memref_slice %arg9[%add3A_463, %dma_start3A_482] : memref<256x64xf32, #tpu.memory_space<vmem>> -> memref<1x64xf32, #tpu.memory_space<vmem>>
      %dma_start3A_484 = tpu.memref_squeeze %dma_start3A_483 : memref<1x64xf32, #tpu.memory_space<vmem>> -> memref<64xf32, #tpu.memory_space<vmem>>
      %dma_start3A_485 = arith.constant 0 : i32
      %dma_start3A_486 = tpu.memref_slice %arg4[%squeeze3A_459, %dma_start3A_485] : memref<100000x64xf32, #tpu.memory_space<hbm>> -> memref<1x64xf32, #tpu.memory_space<hbm>>
      %dma_start3A_487 = tpu.memref_squeeze %dma_start3A_486 : memref<1x64xf32, #tpu.memory_space<hbm>> -> memref<64xf32, #tpu.memory_space<hbm>>
      tpu.enqueue_dma source(%dma_start3A_487 : memref<64xf32, #tpu.memory_space<hbm>>) target(%dma_start3A_484 : memref<64xf32, #tpu.memory_space<vmem>>) target_semaphore(%arg10 : memref<!tpu.dma_semaphore, #tpu.memory_space<semaphore_mem>>)
      %slice3A_488 = vector.extract_strided_slice %get3A_40 {offsets = [15], sizes = [1], strides = [1]} : vector<16xi32> to vector<1xi32>
      %squeeze3A_489 = vector.extract %slice3A_488[0] : i32 from vector<1xi32>
      %mul3A_490 = arith.constant 16 : i32
      %mul3A_491 = arith.muli %scan3A_34, %mul3A_490 : i32
      %add3A_492 = arith.constant 15 : i32
      %add3A_493 = arith.addi %mul3A_491, %add3A_492 : i32
      %dma_start3A_494 = arith.constant 0 : i32
      %dma_start3A_495 = tpu.memref_slice %arg8[%add3A_493, %dma_start3A_494] : memref<256x64xf32, #tpu.memory_space<vmem>> -> memref<1x64xf32, #tpu.memory_space<vmem>>
      %dma_start3A_496 = tpu.memref_squeeze %dma_start3A_495 : memref<1x64xf32, #tpu.memory_space<vmem>> -> memref<64xf32, #tpu.memory_space<vmem>>
      %dma_start3A_497 = arith.constant 0 : i32
      %dma_start3A_498 = tpu.memref_slice %arg3[%squeeze3A_489, %dma_start3A_497] : memref<100000x64xf32, #tpu.memory_space<hbm>> -> memref<1x64xf32, #tpu.memory_space<hbm>>
      %dma_start3A_499 = tpu.memref_squeeze %dma_start3A_498 : memref<1x64xf32, #tpu.memory_space<hbm>> -> memref<64xf32, #tpu.memory_space<hbm>>
      %dma_start3A_500 = arith.constant 0 : i32
      %dma_start3A_501 = tpu.memref_slice %arg8[%add3A_493, %dma_start3A_500] : memref<256x64xf32, #tpu.memory_space<vmem>> -> memref<1x64xf32, #tpu.memory_space<vmem>>
      %dma_start3A_502 = tpu.memref_squeeze %dma_start3A_501 : memref<1x64xf32, #tpu.memory_space<vmem>> -> memref<64xf32, #tpu.memory_space<vmem>>
      %dma_start3A_503 = arith.constant 0 : i32
      %dma_start3A_504 = tpu.memref_slice %arg3[%squeeze3A_489, %dma_start3A_503] : memref<100000x64xf32, #tpu.memory_space<hbm>> -> memref<1x64xf32, #tpu.memory_space<hbm>>
      %dma_start3A_505 = tpu.memref_squeeze %dma_start3A_504 : memref<1x64xf32, #tpu.memory_space<hbm>> -> memref<64xf32, #tpu.memory_space<hbm>>
      tpu.enqueue_dma source(%dma_start3A_505 : memref<64xf32, #tpu.memory_space<hbm>>) target(%dma_start3A_502 : memref<64xf32, #tpu.memory_space<vmem>>) target_semaphore(%arg10 : memref<!tpu.dma_semaphore, #tpu.memory_space<semaphore_mem>>)
      %dma_start3A_506 = arith.constant 0 : i32
      %dma_start3A_507 = tpu.memref_slice %arg9[%add3A_493, %dma_start3A_506] : memref<256x64xf32, #tpu.memory_space<vmem>> -> memref<1x64xf32, #tpu.memory_space<vmem>>
      %dma_start3A_508 = tpu.memref_squeeze %dma_start3A_507 : memref<1x64xf32, #tpu.memory_space<vmem>> -> memref<64xf32, #tpu.memory_space<vmem>>
      %dma_start3A_509 = arith.constant 0 : i32
      %dma_start3A_510 = tpu.memref_slice %arg4[%squeeze3A_489, %dma_start3A_509] : memref<100000x64xf32, #tpu.memory_space<hbm>> -> memref<1x64xf32, #tpu.memory_space<hbm>>
      %dma_start3A_511 = tpu.memref_squeeze %dma_start3A_510 : memref<1x64xf32, #tpu.memory_space<hbm>> -> memref<64xf32, #tpu.memory_space<hbm>>
      %dma_start3A_512 = arith.constant 0 : i32
      %dma_start3A_513 = tpu.memref_slice %arg9[%add3A_493, %dma_start3A_512] : memref<256x64xf32, #tpu.memory_space<vmem>> -> memref<1x64xf32, #tpu.memory_space<vmem>>
      %dma_start3A_514 = tpu.memref_squeeze %dma_start3A_513 : memref<1x64xf32, #tpu.memory_space<vmem>> -> memref<64xf32, #tpu.memory_space<vmem>>
      %dma_start3A_515 = arith.constant 0 : i32
      %dma_start3A_516 = tpu.memref_slice %arg4[%squeeze3A_489, %dma_start3A_515] : memref<100000x64xf32, #tpu.memory_space<hbm>> -> memref<1x64xf32, #tpu.memory_space<hbm>>
      %dma_start3A_517 = tpu.memref_squeeze %dma_start3A_516 : memref<1x64xf32, #tpu.memory_space<hbm>> -> memref<64xf32, #tpu.memory_space<hbm>>
      tpu.enqueue_dma source(%dma_start3A_517 : memref<64xf32, #tpu.memory_space<hbm>>) target(%dma_start3A_514 : memref<64xf32, #tpu.memory_space<vmem>>) target_semaphore(%arg10 : memref<!tpu.dma_semaphore, #tpu.memory_space<semaphore_mem>>)
    }
    %scan3A_7 = arith.constant 16 : i32
    %scan3A_8 = arith.constant 0 : i32
    %scan3A_9 = arith.constant 0 : i32
    %scan3A_10 = arith.constant 256 : i32
    %scan3A_11 = arith.addi %scan3A_9, %scan3A_10 : i32
    %scan3A_12 = arith.constant 1 : i32
    scf.for %scan3A_34 = %scan3A_9 to %scan3A_11 step %scan3A_12  : i32 {
      %dma_wait3A = arith.constant 0 : i32
      %dma_wait3A_35 = arith.constant 0 : i32
      %dma_wait3A_36 = tpu.memref_slice %arg8[%scan3A_34, %dma_wait3A_35] : memref<256x64xf32, #tpu.memory_space<vmem>> -> memref<1x64xf32, #tpu.memory_space<vmem>>
      %dma_wait3A_37 = tpu.memref_squeeze %dma_wait3A_36 : memref<1x64xf32, #tpu.memory_space<vmem>> -> memref<64xf32, #tpu.memory_space<vmem>>
      %dma_wait3A_38 = arith.constant 0 : i32
      %dma_wait3A_39 = tpu.memref_slice %arg3[%dma_wait3A, %dma_wait3A_38] : memref<100000x64xf32, #tpu.memory_space<hbm>> -> memref<1x64xf32, #tpu.memory_space<hbm>>
      %dma_wait3A_40 = tpu.memref_squeeze %dma_wait3A_39 : memref<1x64xf32, #tpu.memory_space<hbm>> -> memref<64xf32, #tpu.memory_space<hbm>>
      %dma_wait3A_41 = arith.constant 0 : i32
      %dma_wait3A_42 = tpu.memref_slice %arg8[%scan3A_34, %dma_wait3A_41] : memref<256x64xf32, #tpu.memory_space<vmem>> -> memref<1x64xf32, #tpu.memory_space<vmem>>
      %dma_wait3A_43 = tpu.memref_squeeze %dma_wait3A_42 : memref<1x64xf32, #tpu.memory_space<vmem>> -> memref<64xf32, #tpu.memory_space<vmem>>
      %dma_wait3A_44 = arith.constant 0 : i32
      %dma_wait3A_45 = tpu.memref_slice %arg3[%dma_wait3A, %dma_wait3A_44] : memref<100000x64xf32, #tpu.memory_space<hbm>> -> memref<1x64xf32, #tpu.memory_space<hbm>>
      %dma_wait3A_46 = tpu.memref_squeeze %dma_wait3A_45 : memref<1x64xf32, #tpu.memory_space<hbm>> -> memref<64xf32, #tpu.memory_space<hbm>>
      tpu.wait_dma2 semaphore(%arg10 : memref<!tpu.dma_semaphore, #tpu.memory_space<semaphore_mem>>) src(%dma_wait3A_46 : memref<64xf32, #tpu.memory_space<hbm>>) dst(%dma_wait3A_43 : memref<64xf32, #tpu.memory_space<vmem>>)
      %dma_wait3A_47 = arith.constant 0 : i32
      %dma_wait3A_48 = arith.constant 0 : i32
      %dma_wait3A_49 = tpu.memref_slice %arg9[%scan3A_34, %dma_wait3A_48] : memref<256x64xf32, #tpu.memory_space<vmem>> -> memref<1x64xf32, #tpu.memory_space<vmem>>
      %dma_wait3A_50 = tpu.memref_squeeze %dma_wait3A_49 : memref<1x64xf32, #tpu.memory_space<vmem>> -> memref<64xf32, #tpu.memory_space<vmem>>
      %dma_wait3A_51 = arith.constant 0 : i32
      %dma_wait3A_52 = tpu.memref_slice %arg4[%dma_wait3A_47, %dma_wait3A_51] : memref<100000x64xf32, #tpu.memory_space<hbm>> -> memref<1x64xf32, #tpu.memory_space<hbm>>
      %dma_wait3A_53 = tpu.memref_squeeze %dma_wait3A_52 : memref<1x64xf32, #tpu.memory_space<hbm>> -> memref<64xf32, #tpu.memory_space<hbm>>
      %dma_wait3A_54 = arith.constant 0 : i32
      %dma_wait3A_55 = tpu.memref_slice %arg9[%scan3A_34, %dma_wait3A_54] : memref<256x64xf32, #tpu.memory_space<vmem>> -> memref<1x64xf32, #tpu.memory_space<vmem>>
      %dma_wait3A_56 = tpu.memref_squeeze %dma_wait3A_55 : memref<1x64xf32, #tpu.memory_space<vmem>> -> memref<64xf32, #tpu.memory_space<vmem>>
      %dma_wait3A_57 = arith.constant 0 : i32
      %dma_wait3A_58 = tpu.memref_slice %arg4[%dma_wait3A_47, %dma_wait3A_57] : memref<100000x64xf32, #tpu.memory_space<hbm>> -> memref<1x64xf32, #tpu.memory_space<hbm>>
      %dma_wait3A_59 = tpu.memref_squeeze %dma_wait3A_58 : memref<1x64xf32, #tpu.memory_space<hbm>> -> memref<64xf32, #tpu.memory_space<hbm>>
      tpu.wait_dma2 semaphore(%arg10 : memref<!tpu.dma_semaphore, #tpu.memory_space<semaphore_mem>>) src(%dma_wait3A_59 : memref<64xf32, #tpu.memory_space<hbm>>) dst(%dma_wait3A_56 : memref<64xf32, #tpu.memory_space<vmem>>)
    }
    %scan3A_13 = arith.constant 256 : i32
    %add3A_14 = arith.constant 0 : i32
    %add3A_15 = arith.addi %mul3A_2, %add3A_14 : i32
    "tpu.region"() ({
      %run_scoped3A = tpu.sem_alloc : memref<!tpu.dma_semaphore, #tpu.memory_space<semaphore_mem>>
      %dma_start3A = arith.constant 0 : i32
      %dma_start3A_34 = tpu.memref_slice %arg5[%add3A_15, %dma_start3A] : memref<16384x64xf32, #tpu.memory_space<hbm>> -> memref<256x64xf32, #tpu.memory_space<hbm>>
      %dma_start3A_35 = arith.constant 0 : i32
      %dma_start3A_36 = tpu.memref_slice %arg5[%add3A_15, %dma_start3A_35] : memref<16384x64xf32, #tpu.memory_space<hbm>> -> memref<256x64xf32, #tpu.memory_space<hbm>>
      tpu.enqueue_dma source(%arg8 : memref<256x64xf32, #tpu.memory_space<vmem>>) target(%dma_start3A_36 : memref<256x64xf32, #tpu.memory_space<hbm>>) target_semaphore(%run_scoped3A : memref<!tpu.dma_semaphore, #tpu.memory_space<semaphore_mem>>)
      %dma_wait3A = arith.constant 0 : i32
      %dma_wait3A_37 = tpu.memref_slice %arg5[%add3A_15, %dma_wait3A] : memref<16384x64xf32, #tpu.memory_space<hbm>> -> memref<256x64xf32, #tpu.memory_space<hbm>>
      %dma_wait3A_38 = arith.constant 0 : i32
      %dma_wait3A_39 = tpu.memref_slice %arg5[%add3A_15, %dma_wait3A_38] : memref<16384x64xf32, #tpu.memory_space<hbm>> -> memref<256x64xf32, #tpu.memory_space<hbm>>
      tpu.wait_dma2 semaphore(%run_scoped3A : memref<!tpu.dma_semaphore, #tpu.memory_space<semaphore_mem>>) src(%arg8 : memref<256x64xf32, #tpu.memory_space<vmem>>) dst(%dma_wait3A_39 : memref<256x64xf32, #tpu.memory_space<hbm>>)
      tpu.yield
    }) : () -> ()
    %add3A_16 = arith.constant 0 : i32
    %add3A_17 = arith.addi %mul3A_2, %add3A_16 : i32
    "tpu.region"() ({
      %run_scoped3A = tpu.sem_alloc : memref<!tpu.dma_semaphore, #tpu.memory_space<semaphore_mem>>
      %dma_start3A = arith.constant 0 : i32
      %dma_start3A_34 = tpu.memref_slice %arg6[%add3A_17, %dma_start3A] : memref<16384x64xf32, #tpu.memory_space<hbm>> -> memref<256x64xf32, #tpu.memory_space<hbm>>
      %dma_start3A_35 = arith.constant 0 : i32
      %dma_start3A_36 = tpu.memref_slice %arg6[%add3A_17, %dma_start3A_35] : memref<16384x64xf32, #tpu.memory_space<hbm>> -> memref<256x64xf32, #tpu.memory_space<hbm>>
      tpu.enqueue_dma source(%arg9 : memref<256x64xf32, #tpu.memory_space<vmem>>) target(%dma_start3A_36 : memref<256x64xf32, #tpu.memory_space<hbm>>) target_semaphore(%run_scoped3A : memref<!tpu.dma_semaphore, #tpu.memory_space<semaphore_mem>>)
      %dma_wait3A = arith.constant 0 : i32
      %dma_wait3A_37 = tpu.memref_slice %arg6[%add3A_17, %dma_wait3A] : memref<16384x64xf32, #tpu.memory_space<hbm>> -> memref<256x64xf32, #tpu.memory_space<hbm>>
      %dma_wait3A_38 = arith.constant 0 : i32
      %dma_wait3A_39 = tpu.memref_slice %arg6[%add3A_17, %dma_wait3A_38] : memref<16384x64xf32, #tpu.memory_space<hbm>> -> memref<256x64xf32, #tpu.memory_space<hbm>>
      tpu.wait_dma2 semaphore(%run_scoped3A : memref<!tpu.dma_semaphore, #tpu.memory_space<semaphore_mem>>) src(%arg9 : memref<256x64xf32, #tpu.memory_space<vmem>>) dst(%dma_wait3A_39 : memref<256x64xf32, #tpu.memory_space<hbm>>)
      tpu.yield
    }) : () -> ()
    %scan3A_18 = arith.constant 0 : i32
    %scan3A_19 = arith.constant 0 : i32
    %scan3A_20 = arith.constant 16 : i32
    %scan3A_21 = arith.addi %scan3A_19, %scan3A_20 : i32
    %scan3A_22 = arith.constant 1 : i32
    scf.for %scan3A_34 = %scan3A_19 to %scan3A_21 step %scan3A_22  : i32 {
      %mul3A_35 = arith.constant 16 : i32
      %mul3A_36 = arith.muli %scan3A_34, %mul3A_35 : i32
      %add3A_37 = arith.constant 256 : i32
      %add3A_38 = arith.addi %add3A_37, %mul3A_36 : i32
      %get3A = arith.index_cast %add3A_38 : i32 to index
      %get3A_39 = tpu.vector_load %arg7[%get3A] {strides = array<i32>} : memref<512xi32, #tpu.memory_space<vmem>>, vector<16xi32>,
      %get3A_40 = vector.shape_cast %get3A_39 : vector<16xi32> to vector<16xi32>
      %slice3A = vector.extract_strided_slice %get3A_40 {offsets = [0], sizes = [1], strides = [1]} : vector<16xi32> to vector<1xi32>
      %squeeze3A = vector.extract %slice3A[0] : i32 from vector<1xi32>
      %mul3A_41 = arith.constant 16 : i32
      %mul3A_42 = arith.muli %scan3A_34, %mul3A_41 : i32
      %add3A_43 = arith.constant 0 : i32
      %add3A_44 = arith.addi %mul3A_42, %add3A_43 : i32
      %dma_start3A = arith.constant 0 : i32
      %dma_start3A_45 = tpu.memref_slice %arg8[%add3A_44, %dma_start3A] : memref<256x64xf32, #tpu.memory_space<vmem>> -> memref<1x64xf32, #tpu.memory_space<vmem>>
      %dma_start3A_46 = tpu.memref_squeeze %dma_start3A_45 : memref<1x64xf32, #tpu.memory_space<vmem>> -> memref<64xf32, #tpu.memory_space<vmem>>
      %dma_start3A_47 = arith.constant 0 : i32
      %dma_start3A_48 = tpu.memref_slice %arg3[%squeeze3A, %dma_start3A_47] : memref<100000x64xf32, #tpu.memory_space<hbm>> -> memref<1x64xf32, #tpu.memory_space<hbm>>
      %dma_start3A_49 = tpu.memref_squeeze %dma_start3A_48 : memref<1x64xf32, #tpu.memory_space<hbm>> -> memref<64xf32, #tpu.memory_space<hbm>>
      %dma_start3A_50 = arith.constant 0 : i32
      %dma_start3A_51 = tpu.memref_slice %arg8[%add3A_44, %dma_start3A_50] : memref<256x64xf32, #tpu.memory_space<vmem>> -> memref<1x64xf32, #tpu.memory_space<vmem>>
      %dma_start3A_52 = tpu.memref_squeeze %dma_start3A_51 : memref<1x64xf32, #tpu.memory_space<vmem>> -> memref<64xf32, #tpu.memory_space<vmem>>
      %dma_start3A_53 = arith.constant 0 : i32
      %dma_start3A_54 = tpu.memref_slice %arg3[%squeeze3A, %dma_start3A_53] : memref<100000x64xf32, #tpu.memory_space<hbm>> -> memref<1x64xf32, #tpu.memory_space<hbm>>
      %dma_start3A_55 = tpu.memref_squeeze %dma_start3A_54 : memref<1x64xf32, #tpu.memory_space<hbm>> -> memref<64xf32, #tpu.memory_space<hbm>>
      tpu.enqueue_dma source(%dma_start3A_55 : memref<64xf32, #tpu.memory_space<hbm>>) target(%dma_start3A_52 : memref<64xf32, #tpu.memory_space<vmem>>) target_semaphore(%arg10 : memref<!tpu.dma_semaphore, #tpu.memory_space<semaphore_mem>>)
      %dma_start3A_56 = arith.constant 0 : i32
      %dma_start3A_57 = tpu.memref_slice %arg9[%add3A_44, %dma_start3A_56] : memref<256x64xf32, #tpu.memory_space<vmem>> -> memref<1x64xf32, #tpu.memory_space<vmem>>
      %dma_start3A_58 = tpu.memref_squeeze %dma_start3A_57 : memref<1x64xf32, #tpu.memory_space<vmem>> -> memref<64xf32, #tpu.memory_space<vmem>>
      %dma_start3A_59 = arith.constant 0 : i32
      %dma_start3A_60 = tpu.memref_slice %arg4[%squeeze3A, %dma_start3A_59] : memref<100000x64xf32, #tpu.memory_space<hbm>> -> memref<1x64xf32, #tpu.memory_space<hbm>>
      %dma_start3A_61 = tpu.memref_squeeze %dma_start3A_60 : memref<1x64xf32, #tpu.memory_space<hbm>> -> memref<64xf32, #tpu.memory_space<hbm>>
      %dma_start3A_62 = arith.constant 0 : i32
      %dma_start3A_63 = tpu.memref_slice %arg9[%add3A_44, %dma_start3A_62] : memref<256x64xf32, #tpu.memory_space<vmem>> -> memref<1x64xf32, #tpu.memory_space<vmem>>
      %dma_start3A_64 = tpu.memref_squeeze %dma_start3A_63 : memref<1x64xf32, #tpu.memory_space<vmem>> -> memref<64xf32, #tpu.memory_space<vmem>>
      %dma_start3A_65 = arith.constant 0 : i32
      %dma_start3A_66 = tpu.memref_slice %arg4[%squeeze3A, %dma_start3A_65] : memref<100000x64xf32, #tpu.memory_space<hbm>> -> memref<1x64xf32, #tpu.memory_space<hbm>>
      %dma_start3A_67 = tpu.memref_squeeze %dma_start3A_66 : memref<1x64xf32, #tpu.memory_space<hbm>> -> memref<64xf32, #tpu.memory_space<hbm>>
      tpu.enqueue_dma source(%dma_start3A_67 : memref<64xf32, #tpu.memory_space<hbm>>) target(%dma_start3A_64 : memref<64xf32, #tpu.memory_space<vmem>>) target_semaphore(%arg10 : memref<!tpu.dma_semaphore, #tpu.memory_space<semaphore_mem>>)
      %slice3A_68 = vector.extract_strided_slice %get3A_40 {offsets = [1], sizes = [1], strides = [1]} : vector<16xi32> to vector<1xi32>
      %squeeze3A_69 = vector.extract %slice3A_68[0] : i32 from vector<1xi32>
      %mul3A_70 = arith.constant 16 : i32
      %mul3A_71 = arith.muli %scan3A_34, %mul3A_70 : i32
      %add3A_72 = arith.constant 1 : i32
      %add3A_73 = arith.addi %mul3A_71, %add3A_72 : i32
      %dma_start3A_74 = arith.constant 0 : i32
      %dma_start3A_75 = tpu.memref_slice %arg8[%add3A_73, %dma_start3A_74] : memref<256x64xf32, #tpu.memory_space<vmem>> -> memref<1x64xf32, #tpu.memory_space<vmem>>
      %dma_start3A_76 = tpu.memref_squeeze %dma_start3A_75 : memref<1x64xf32, #tpu.memory_space<vmem>> -> memref<64xf32, #tpu.memory_space<vmem>>
      %dma_start3A_77 = arith.constant 0 : i32
      %dma_start3A_78 = tpu.memref_slice %arg3[%squeeze3A_69, %dma_start3A_77] : memref<100000x64xf32, #tpu.memory_space<hbm>> -> memref<1x64xf32, #tpu.memory_space<hbm>>
      %dma_start3A_79 = tpu.memref_squeeze %dma_start3A_78 : memref<1x64xf32, #tpu.memory_space<hbm>> -> memref<64xf32, #tpu.memory_space<hbm>>
      %dma_start3A_80 = arith.constant 0 : i32
      %dma_start3A_81 = tpu.memref_slice %arg8[%add3A_73, %dma_start3A_80] : memref<256x64xf32, #tpu.memory_space<vmem>> -> memref<1x64xf32, #tpu.memory_space<vmem>>
      %dma_start3A_82 = tpu.memref_squeeze %dma_start3A_81 : memref<1x64xf32, #tpu.memory_space<vmem>> -> memref<64xf32, #tpu.memory_space<vmem>>
      %dma_start3A_83 = arith.constant 0 : i32
      %dma_start3A_84 = tpu.memref_slice %arg3[%squeeze3A_69, %dma_start3A_83] : memref<100000x64xf32, #tpu.memory_space<hbm>> -> memref<1x64xf32, #tpu.memory_space<hbm>>
      %dma_start3A_85 = tpu.memref_squeeze %dma_start3A_84 : memref<1x64xf32, #tpu.memory_space<hbm>> -> memref<64xf32, #tpu.memory_space<hbm>>
      tpu.enqueue_dma source(%dma_start3A_85 : memref<64xf32, #tpu.memory_space<hbm>>) target(%dma_start3A_82 : memref<64xf32, #tpu.memory_space<vmem>>) target_semaphore(%arg10 : memref<!tpu.dma_semaphore, #tpu.memory_space<semaphore_mem>>)
      %dma_start3A_86 = arith.constant 0 : i32
      %dma_start3A_87 = tpu.memref_slice %arg9[%add3A_73, %dma_start3A_86] : memref<256x64xf32, #tpu.memory_space<vmem>> -> memref<1x64xf32, #tpu.memory_space<vmem>>
      %dma_start3A_88 = tpu.memref_squeeze %dma_start3A_87 : memref<1x64xf32, #tpu.memory_space<vmem>> -> memref<64xf32, #tpu.memory_space<vmem>>
      %dma_start3A_89 = arith.constant 0 : i32
      %dma_start3A_90 = tpu.memref_slice %arg4[%squeeze3A_69, %dma_start3A_89] : memref<100000x64xf32, #tpu.memory_space<hbm>> -> memref<1x64xf32, #tpu.memory_space<hbm>>
      %dma_start3A_91 = tpu.memref_squeeze %dma_start3A_90 : memref<1x64xf32, #tpu.memory_space<hbm>> -> memref<64xf32, #tpu.memory_space<hbm>>
      %dma_start3A_92 = arith.constant 0 : i32
      %dma_start3A_93 = tpu.memref_slice %arg9[%add3A_73, %dma_start3A_92] : memref<256x64xf32, #tpu.memory_space<vmem>> -> memref<1x64xf32, #tpu.memory_space<vmem>>
      %dma_start3A_94 = tpu.memref_squeeze %dma_start3A_93 : memref<1x64xf32, #tpu.memory_space<vmem>> -> memref<64xf32, #tpu.memory_space<vmem>>
      %dma_start3A_95 = arith.constant 0 : i32
      %dma_start3A_96 = tpu.memref_slice %arg4[%squeeze3A_69, %dma_start3A_95] : memref<100000x64xf32, #tpu.memory_space<hbm>> -> memref<1x64xf32, #tpu.memory_space<hbm>>
      %dma_start3A_97 = tpu.memref_squeeze %dma_start3A_96 : memref<1x64xf32, #tpu.memory_space<hbm>> -> memref<64xf32, #tpu.memory_space<hbm>>
      tpu.enqueue_dma source(%dma_start3A_97 : memref<64xf32, #tpu.memory_space<hbm>>) target(%dma_start3A_94 : memref<64xf32, #tpu.memory_space<vmem>>) target_semaphore(%arg10 : memref<!tpu.dma_semaphore, #tpu.memory_space<semaphore_mem>>)
      %slice3A_98 = vector.extract_strided_slice %get3A_40 {offsets = [2], sizes = [1], strides = [1]} : vector<16xi32> to vector<1xi32>
      %squeeze3A_99 = vector.extract %slice3A_98[0] : i32 from vector<1xi32>
      %mul3A_100 = arith.constant 16 : i32
      %mul3A_101 = arith.muli %scan3A_34, %mul3A_100 : i32
      %add3A_102 = arith.constant 2 : i32
      %add3A_103 = arith.addi %mul3A_101, %add3A_102 : i32
      %dma_start3A_104 = arith.constant 0 : i32
      %dma_start3A_105 = tpu.memref_slice %arg8[%add3A_103, %dma_start3A_104] : memref<256x64xf32, #tpu.memory_space<vmem>> -> memref<1x64xf32, #tpu.memory_space<vmem>>
      %dma_start3A_106 = tpu.memref_squeeze %dma_start3A_105 : memref<1x64xf32, #tpu.memory_space<vmem>> -> memref<64xf32, #tpu.memory_space<vmem>>
      %dma_start3A_107 = arith.constant 0 : i32
      %dma_start3A_108 = tpu.memref_slice %arg3[%squeeze3A_99, %dma_start3A_107] : memref<100000x64xf32, #tpu.memory_space<hbm>> -> memref<1x64xf32, #tpu.memory_space<hbm>>
      %dma_start3A_109 = tpu.memref_squeeze %dma_start3A_108 : memref<1x64xf32, #tpu.memory_space<hbm>> -> memref<64xf32, #tpu.memory_space<hbm>>
      %dma_start3A_110 = arith.constant 0 : i32
      %dma_start3A_111 = tpu.memref_slice %arg8[%add3A_103, %dma_start3A_110] : memref<256x64xf32, #tpu.memory_space<vmem>> -> memref<1x64xf32, #tpu.memory_space<vmem>>
      %dma_start3A_112 = tpu.memref_squeeze %dma_start3A_111 : memref<1x64xf32, #tpu.memory_space<vmem>> -> memref<64xf32, #tpu.memory_space<vmem>>
      %dma_start3A_113 = arith.constant 0 : i32
      %dma_start3A_114 = tpu.memref_slice %arg3[%squeeze3A_99, %dma_start3A_113] : memref<100000x64xf32, #tpu.memory_space<hbm>> -> memref<1x64xf32, #tpu.memory_space<hbm>>
      %dma_start3A_115 = tpu.memref_squeeze %dma_start3A_114 : memref<1x64xf32, #tpu.memory_space<hbm>> -> memref<64xf32, #tpu.memory_space<hbm>>
      tpu.enqueue_dma source(%dma_start3A_115 : memref<64xf32, #tpu.memory_space<hbm>>) target(%dma_start3A_112 : memref<64xf32, #tpu.memory_space<vmem>>) target_semaphore(%arg10 : memref<!tpu.dma_semaphore, #tpu.memory_space<semaphore_mem>>)
      %dma_start3A_116 = arith.constant 0 : i32
      %dma_start3A_117 = tpu.memref_slice %arg9[%add3A_103, %dma_start3A_116] : memref<256x64xf32, #tpu.memory_space<vmem>> -> memref<1x64xf32, #tpu.memory_space<vmem>>
      %dma_start3A_118 = tpu.memref_squeeze %dma_start3A_117 : memref<1x64xf32, #tpu.memory_space<vmem>> -> memref<64xf32, #tpu.memory_space<vmem>>
      %dma_start3A_119 = arith.constant 0 : i32
      %dma_start3A_120 = tpu.memref_slice %arg4[%squeeze3A_99, %dma_start3A_119] : memref<100000x64xf32, #tpu.memory_space<hbm>> -> memref<1x64xf32, #tpu.memory_space<hbm>>
      %dma_start3A_121 = tpu.memref_squeeze %dma_start3A_120 : memref<1x64xf32, #tpu.memory_space<hbm>> -> memref<64xf32, #tpu.memory_space<hbm>>
      %dma_start3A_122 = arith.constant 0 : i32
      %dma_start3A_123 = tpu.memref_slice %arg9[%add3A_103, %dma_start3A_122] : memref<256x64xf32, #tpu.memory_space<vmem>> -> memref<1x64xf32, #tpu.memory_space<vmem>>
      %dma_start3A_124 = tpu.memref_squeeze %dma_start3A_123 : memref<1x64xf32, #tpu.memory_space<vmem>> -> memref<64xf32, #tpu.memory_space<vmem>>
      %dma_start3A_125 = arith.constant 0 : i32
      %dma_start3A_126 = tpu.memref_slice %arg4[%squeeze3A_99, %dma_start3A_125] : memref<100000x64xf32, #tpu.memory_space<hbm>> -> memref<1x64xf32, #tpu.memory_space<hbm>>
      %dma_start3A_127 = tpu.memref_squeeze %dma_start3A_126 : memref<1x64xf32, #tpu.memory_space<hbm>> -> memref<64xf32, #tpu.memory_space<hbm>>
      tpu.enqueue_dma source(%dma_start3A_127 : memref<64xf32, #tpu.memory_space<hbm>>) target(%dma_start3A_124 : memref<64xf32, #tpu.memory_space<vmem>>) target_semaphore(%arg10 : memref<!tpu.dma_semaphore, #tpu.memory_space<semaphore_mem>>)
      %slice3A_128 = vector.extract_strided_slice %get3A_40 {offsets = [3], sizes = [1], strides = [1]} : vector<16xi32> to vector<1xi32>
      %squeeze3A_129 = vector.extract %slice3A_128[0] : i32 from vector<1xi32>
      %mul3A_130 = arith.constant 16 : i32
      %mul3A_131 = arith.muli %scan3A_34, %mul3A_130 : i32
      %add3A_132 = arith.constant 3 : i32
      %add3A_133 = arith.addi %mul3A_131, %add3A_132 : i32
      %dma_start3A_134 = arith.constant 0 : i32
      %dma_start3A_135 = tpu.memref_slice %arg8[%add3A_133, %dma_start3A_134] : memref<256x64xf32, #tpu.memory_space<vmem>> -> memref<1x64xf32, #tpu.memory_space<vmem>>
      %dma_start3A_136 = tpu.memref_squeeze %dma_start3A_135 : memref<1x64xf32, #tpu.memory_space<vmem>> -> memref<64xf32, #tpu.memory_space<vmem>>
      %dma_start3A_137 = arith.constant 0 : i32
      %dma_start3A_138 = tpu.memref_slice %arg3[%squeeze3A_129, %dma_start3A_137] : memref<100000x64xf32, #tpu.memory_space<hbm>> -> memref<1x64xf32, #tpu.memory_space<hbm>>
      %dma_start3A_139 = tpu.memref_squeeze %dma_start3A_138 : memref<1x64xf32, #tpu.memory_space<hbm>> -> memref<64xf32, #tpu.memory_space<hbm>>
      %dma_start3A_140 = arith.constant 0 : i32
      %dma_start3A_141 = tpu.memref_slice %arg8[%add3A_133, %dma_start3A_140] : memref<256x64xf32, #tpu.memory_space<vmem>> -> memref<1x64xf32, #tpu.memory_space<vmem>>
      %dma_start3A_142 = tpu.memref_squeeze %dma_start3A_141 : memref<1x64xf32, #tpu.memory_space<vmem>> -> memref<64xf32, #tpu.memory_space<vmem>>
      %dma_start3A_143 = arith.constant 0 : i32
      %dma_start3A_144 = tpu.memref_slice %arg3[%squeeze3A_129, %dma_start3A_143] : memref<100000x64xf32, #tpu.memory_space<hbm>> -> memref<1x64xf32, #tpu.memory_space<hbm>>
      %dma_start3A_145 = tpu.memref_squeeze %dma_start3A_144 : memref<1x64xf32, #tpu.memory_space<hbm>> -> memref<64xf32, #tpu.memory_space<hbm>>
      tpu.enqueue_dma source(%dma_start3A_145 : memref<64xf32, #tpu.memory_space<hbm>>) target(%dma_start3A_142 : memref<64xf32, #tpu.memory_space<vmem>>) target_semaphore(%arg10 : memref<!tpu.dma_semaphore, #tpu.memory_space<semaphore_mem>>)
      %dma_start3A_146 = arith.constant 0 : i32
      %dma_start3A_147 = tpu.memref_slice %arg9[%add3A_133, %dma_start3A_146] : memref<256x64xf32, #tpu.memory_space<vmem>> -> memref<1x64xf32, #tpu.memory_space<vmem>>
      %dma_start3A_148 = tpu.memref_squeeze %dma_start3A_147 : memref<1x64xf32, #tpu.memory_space<vmem>> -> memref<64xf32, #tpu.memory_space<vmem>>
      %dma_start3A_149 = arith.constant 0 : i32
      %dma_start3A_150 = tpu.memref_slice %arg4[%squeeze3A_129, %dma_start3A_149] : memref<100000x64xf32, #tpu.memory_space<hbm>> -> memref<1x64xf32, #tpu.memory_space<hbm>>
      %dma_start3A_151 = tpu.memref_squeeze %dma_start3A_150 : memref<1x64xf32, #tpu.memory_space<hbm>> -> memref<64xf32, #tpu.memory_space<hbm>>
      %dma_start3A_152 = arith.constant 0 : i32
      %dma_start3A_153 = tpu.memref_slice %arg9[%add3A_133, %dma_start3A_152] : memref<256x64xf32, #tpu.memory_space<vmem>> -> memref<1x64xf32, #tpu.memory_space<vmem>>
      %dma_start3A_154 = tpu.memref_squeeze %dma_start3A_153 : memref<1x64xf32, #tpu.memory_space<vmem>> -> memref<64xf32, #tpu.memory_space<vmem>>
      %dma_start3A_155 = arith.constant 0 : i32
      %dma_start3A_156 = tpu.memref_slice %arg4[%squeeze3A_129, %dma_start3A_155] : memref<100000x64xf32, #tpu.memory_space<hbm>> -> memref<1x64xf32, #tpu.memory_space<hbm>>
      %dma_start3A_157 = tpu.memref_squeeze %dma_start3A_156 : memref<1x64xf32, #tpu.memory_space<hbm>> -> memref<64xf32, #tpu.memory_space<hbm>>
      tpu.enqueue_dma source(%dma_start3A_157 : memref<64xf32, #tpu.memory_space<hbm>>) target(%dma_start3A_154 : memref<64xf32, #tpu.memory_space<vmem>>) target_semaphore(%arg10 : memref<!tpu.dma_semaphore, #tpu.memory_space<semaphore_mem>>)
      %slice3A_158 = vector.extract_strided_slice %get3A_40 {offsets = [4], sizes = [1], strides = [1]} : vector<16xi32> to vector<1xi32>
      %squeeze3A_159 = vector.extract %slice3A_158[0] : i32 from vector<1xi32>
      %mul3A_160 = arith.constant 16 : i32
      %mul3A_161 = arith.muli %scan3A_34, %mul3A_160 : i32
      %add3A_162 = arith.constant 4 : i32
      %add3A_163 = arith.addi %mul3A_161, %add3A_162 : i32
      %dma_start3A_164 = arith.constant 0 : i32
      %dma_start3A_165 = tpu.memref_slice %arg8[%add3A_163, %dma_start3A_164] : memref<256x64xf32, #tpu.memory_space<vmem>> -> memref<1x64xf32, #tpu.memory_space<vmem>>
      %dma_start3A_166 = tpu.memref_squeeze %dma_start3A_165 : memref<1x64xf32, #tpu.memory_space<vmem>> -> memref<64xf32, #tpu.memory_space<vmem>>
      %dma_start3A_167 = arith.constant 0 : i32
      %dma_start3A_168 = tpu.memref_slice %arg3[%squeeze3A_159, %dma_start3A_167] : memref<100000x64xf32, #tpu.memory_space<hbm>> -> memref<1x64xf32, #tpu.memory_space<hbm>>
      %dma_start3A_169 = tpu.memref_squeeze %dma_start3A_168 : memref<1x64xf32, #tpu.memory_space<hbm>> -> memref<64xf32, #tpu.memory_space<hbm>>
      %dma_start3A_170 = arith.constant 0 : i32
      %dma_start3A_171 = tpu.memref_slice %arg8[%add3A_163, %dma_start3A_170] : memref<256x64xf32, #tpu.memory_space<vmem>> -> memref<1x64xf32, #tpu.memory_space<vmem>>
      %dma_start3A_172 = tpu.memref_squeeze %dma_start3A_171 : memref<1x64xf32, #tpu.memory_space<vmem>> -> memref<64xf32, #tpu.memory_space<vmem>>
      %dma_start3A_173 = arith.constant 0 : i32
      %dma_start3A_174 = tpu.memref_slice %arg3[%squeeze3A_159, %dma_start3A_173] : memref<100000x64xf32, #tpu.memory_space<hbm>> -> memref<1x64xf32, #tpu.memory_space<hbm>>
      %dma_start3A_175 = tpu.memref_squeeze %dma_start3A_174 : memref<1x64xf32, #tpu.memory_space<hbm>> -> memref<64xf32, #tpu.memory_space<hbm>>
      tpu.enqueue_dma source(%dma_start3A_175 : memref<64xf32, #tpu.memory_space<hbm>>) target(%dma_start3A_172 : memref<64xf32, #tpu.memory_space<vmem>>) target_semaphore(%arg10 : memref<!tpu.dma_semaphore, #tpu.memory_space<semaphore_mem>>)
      %dma_start3A_176 = arith.constant 0 : i32
      %dma_start3A_177 = tpu.memref_slice %arg9[%add3A_163, %dma_start3A_176] : memref<256x64xf32, #tpu.memory_space<vmem>> -> memref<1x64xf32, #tpu.memory_space<vmem>>
      %dma_start3A_178 = tpu.memref_squeeze %dma_start3A_177 : memref<1x64xf32, #tpu.memory_space<vmem>> -> memref<64xf32, #tpu.memory_space<vmem>>
      %dma_start3A_179 = arith.constant 0 : i32
      %dma_start3A_180 = tpu.memref_slice %arg4[%squeeze3A_159, %dma_start3A_179] : memref<100000x64xf32, #tpu.memory_space<hbm>> -> memref<1x64xf32, #tpu.memory_space<hbm>>
      %dma_start3A_181 = tpu.memref_squeeze %dma_start3A_180 : memref<1x64xf32, #tpu.memory_space<hbm>> -> memref<64xf32, #tpu.memory_space<hbm>>
      %dma_start3A_182 = arith.constant 0 : i32
      %dma_start3A_183 = tpu.memref_slice %arg9[%add3A_163, %dma_start3A_182] : memref<256x64xf32, #tpu.memory_space<vmem>> -> memref<1x64xf32, #tpu.memory_space<vmem>>
      %dma_start3A_184 = tpu.memref_squeeze %dma_start3A_183 : memref<1x64xf32, #tpu.memory_space<vmem>> -> memref<64xf32, #tpu.memory_space<vmem>>
      %dma_start3A_185 = arith.constant 0 : i32
      %dma_start3A_186 = tpu.memref_slice %arg4[%squeeze3A_159, %dma_start3A_185] : memref<100000x64xf32, #tpu.memory_space<hbm>> -> memref<1x64xf32, #tpu.memory_space<hbm>>
      %dma_start3A_187 = tpu.memref_squeeze %dma_start3A_186 : memref<1x64xf32, #tpu.memory_space<hbm>> -> memref<64xf32, #tpu.memory_space<hbm>>
      tpu.enqueue_dma source(%dma_start3A_187 : memref<64xf32, #tpu.memory_space<hbm>>) target(%dma_start3A_184 : memref<64xf32, #tpu.memory_space<vmem>>) target_semaphore(%arg10 : memref<!tpu.dma_semaphore, #tpu.memory_space<semaphore_mem>>)
      %slice3A_188 = vector.extract_strided_slice %get3A_40 {offsets = [5], sizes = [1], strides = [1]} : vector<16xi32> to vector<1xi32>
      %squeeze3A_189 = vector.extract %slice3A_188[0] : i32 from vector<1xi32>
      %mul3A_190 = arith.constant 16 : i32
      %mul3A_191 = arith.muli %scan3A_34, %mul3A_190 : i32
      %add3A_192 = arith.constant 5 : i32
      %add3A_193 = arith.addi %mul3A_191, %add3A_192 : i32
      %dma_start3A_194 = arith.constant 0 : i32
      %dma_start3A_195 = tpu.memref_slice %arg8[%add3A_193, %dma_start3A_194] : memref<256x64xf32, #tpu.memory_space<vmem>> -> memref<1x64xf32, #tpu.memory_space<vmem>>
      %dma_start3A_196 = tpu.memref_squeeze %dma_start3A_195 : memref<1x64xf32, #tpu.memory_space<vmem>> -> memref<64xf32, #tpu.memory_space<vmem>>
      %dma_start3A_197 = arith.constant 0 : i32
      %dma_start3A_198 = tpu.memref_slice %arg3[%squeeze3A_189, %dma_start3A_197] : memref<100000x64xf32, #tpu.memory_space<hbm>> -> memref<1x64xf32, #tpu.memory_space<hbm>>
      %dma_start3A_199 = tpu.memref_squeeze %dma_start3A_198 : memref<1x64xf32, #tpu.memory_space<hbm>> -> memref<64xf32, #tpu.memory_space<hbm>>
      %dma_start3A_200 = arith.constant 0 : i32
      %dma_start3A_201 = tpu.memref_slice %arg8[%add3A_193, %dma_start3A_200] : memref<256x64xf32, #tpu.memory_space<vmem>> -> memref<1x64xf32, #tpu.memory_space<vmem>>
      %dma_start3A_202 = tpu.memref_squeeze %dma_start3A_201 : memref<1x64xf32, #tpu.memory_space<vmem>> -> memref<64xf32, #tpu.memory_space<vmem>>
      %dma_start3A_203 = arith.constant 0 : i32
      %dma_start3A_204 = tpu.memref_slice %arg3[%squeeze3A_189, %dma_start3A_203] : memref<100000x64xf32, #tpu.memory_space<hbm>> -> memref<1x64xf32, #tpu.memory_space<hbm>>
      %dma_start3A_205 = tpu.memref_squeeze %dma_start3A_204 : memref<1x64xf32, #tpu.memory_space<hbm>> -> memref<64xf32, #tpu.memory_space<hbm>>
      tpu.enqueue_dma source(%dma_start3A_205 : memref<64xf32, #tpu.memory_space<hbm>>) target(%dma_start3A_202 : memref<64xf32, #tpu.memory_space<vmem>>) target_semaphore(%arg10 : memref<!tpu.dma_semaphore, #tpu.memory_space<semaphore_mem>>)
      %dma_start3A_206 = arith.constant 0 : i32
      %dma_start3A_207 = tpu.memref_slice %arg9[%add3A_193, %dma_start3A_206] : memref<256x64xf32, #tpu.memory_space<vmem>> -> memref<1x64xf32, #tpu.memory_space<vmem>>
      %dma_start3A_208 = tpu.memref_squeeze %dma_start3A_207 : memref<1x64xf32, #tpu.memory_space<vmem>> -> memref<64xf32, #tpu.memory_space<vmem>>
      %dma_start3A_209 = arith.constant 0 : i32
      %dma_start3A_210 = tpu.memref_slice %arg4[%squeeze3A_189, %dma_start3A_209] : memref<100000x64xf32, #tpu.memory_space<hbm>> -> memref<1x64xf32, #tpu.memory_space<hbm>>
      %dma_start3A_211 = tpu.memref_squeeze %dma_start3A_210 : memref<1x64xf32, #tpu.memory_space<hbm>> -> memref<64xf32, #tpu.memory_space<hbm>>
      %dma_start3A_212 = arith.constant 0 : i32
      %dma_start3A_213 = tpu.memref_slice %arg9[%add3A_193, %dma_start3A_212] : memref<256x64xf32, #tpu.memory_space<vmem>> -> memref<1x64xf32, #tpu.memory_space<vmem>>
      %dma_start3A_214 = tpu.memref_squeeze %dma_start3A_213 : memref<1x64xf32, #tpu.memory_space<vmem>> -> memref<64xf32, #tpu.memory_space<vmem>>
      %dma_start3A_215 = arith.constant 0 : i32
      %dma_start3A_216 = tpu.memref_slice %arg4[%squeeze3A_189, %dma_start3A_215] : memref<100000x64xf32, #tpu.memory_space<hbm>> -> memref<1x64xf32, #tpu.memory_space<hbm>>
      %dma_start3A_217 = tpu.memref_squeeze %dma_start3A_216 : memref<1x64xf32, #tpu.memory_space<hbm>> -> memref<64xf32, #tpu.memory_space<hbm>>
      tpu.enqueue_dma source(%dma_start3A_217 : memref<64xf32, #tpu.memory_space<hbm>>) target(%dma_start3A_214 : memref<64xf32, #tpu.memory_space<vmem>>) target_semaphore(%arg10 : memref<!tpu.dma_semaphore, #tpu.memory_space<semaphore_mem>>)
      %slice3A_218 = vector.extract_strided_slice %get3A_40 {offsets = [6], sizes = [1], strides = [1]} : vector<16xi32> to vector<1xi32>
      %squeeze3A_219 = vector.extract %slice3A_218[0] : i32 from vector<1xi32>
      %mul3A_220 = arith.constant 16 : i32
      %mul3A_221 = arith.muli %scan3A_34, %mul3A_220 : i32
      %add3A_222 = arith.constant 6 : i32
      %add3A_223 = arith.addi %mul3A_221, %add3A_222 : i32
      %dma_start3A_224 = arith.constant 0 : i32
      %dma_start3A_225 = tpu.memref_slice %arg8[%add3A_223, %dma_start3A_224] : memref<256x64xf32, #tpu.memory_space<vmem>> -> memref<1x64xf32, #tpu.memory_space<vmem>>
      %dma_start3A_226 = tpu.memref_squeeze %dma_start3A_225 : memref<1x64xf32, #tpu.memory_space<vmem>> -> memref<64xf32, #tpu.memory_space<vmem>>
      %dma_start3A_227 = arith.constant 0 : i32
      %dma_start3A_228 = tpu.memref_slice %arg3[%squeeze3A_219, %dma_start3A_227] : memref<100000x64xf32, #tpu.memory_space<hbm>> -> memref<1x64xf32, #tpu.memory_space<hbm>>
      %dma_start3A_229 = tpu.memref_squeeze %dma_start3A_228 : memref<1x64xf32, #tpu.memory_space<hbm>> -> memref<64xf32, #tpu.memory_space<hbm>>
      %dma_start3A_230 = arith.constant 0 : i32
      %dma_start3A_231 = tpu.memref_slice %arg8[%add3A_223, %dma_start3A_230] : memref<256x64xf32, #tpu.memory_space<vmem>> -> memref<1x64xf32, #tpu.memory_space<vmem>>
      %dma_start3A_232 = tpu.memref_squeeze %dma_start3A_231 : memref<1x64xf32, #tpu.memory_space<vmem>> -> memref<64xf32, #tpu.memory_space<vmem>>
      %dma_start3A_233 = arith.constant 0 : i32
      %dma_start3A_234 = tpu.memref_slice %arg3[%squeeze3A_219, %dma_start3A_233] : memref<100000x64xf32, #tpu.memory_space<hbm>> -> memref<1x64xf32, #tpu.memory_space<hbm>>
      %dma_start3A_235 = tpu.memref_squeeze %dma_start3A_234 : memref<1x64xf32, #tpu.memory_space<hbm>> -> memref<64xf32, #tpu.memory_space<hbm>>
      tpu.enqueue_dma source(%dma_start3A_235 : memref<64xf32, #tpu.memory_space<hbm>>) target(%dma_start3A_232 : memref<64xf32, #tpu.memory_space<vmem>>) target_semaphore(%arg10 : memref<!tpu.dma_semaphore, #tpu.memory_space<semaphore_mem>>)
      %dma_start3A_236 = arith.constant 0 : i32
      %dma_start3A_237 = tpu.memref_slice %arg9[%add3A_223, %dma_start3A_236] : memref<256x64xf32, #tpu.memory_space<vmem>> -> memref<1x64xf32, #tpu.memory_space<vmem>>
      %dma_start3A_238 = tpu.memref_squeeze %dma_start3A_237 : memref<1x64xf32, #tpu.memory_space<vmem>> -> memref<64xf32, #tpu.memory_space<vmem>>
      %dma_start3A_239 = arith.constant 0 : i32
      %dma_start3A_240 = tpu.memref_slice %arg4[%squeeze3A_219, %dma_start3A_239] : memref<100000x64xf32, #tpu.memory_space<hbm>> -> memref<1x64xf32, #tpu.memory_space<hbm>>
      %dma_start3A_241 = tpu.memref_squeeze %dma_start3A_240 : memref<1x64xf32, #tpu.memory_space<hbm>> -> memref<64xf32, #tpu.memory_space<hbm>>
      %dma_start3A_242 = arith.constant 0 : i32
      %dma_start3A_243 = tpu.memref_slice %arg9[%add3A_223, %dma_start3A_242] : memref<256x64xf32, #tpu.memory_space<vmem>> -> memref<1x64xf32, #tpu.memory_space<vmem>>
      %dma_start3A_244 = tpu.memref_squeeze %dma_start3A_243 : memref<1x64xf32, #tpu.memory_space<vmem>> -> memref<64xf32, #tpu.memory_space<vmem>>
      %dma_start3A_245 = arith.constant 0 : i32
      %dma_start3A_246 = tpu.memref_slice %arg4[%squeeze3A_219, %dma_start3A_245] : memref<100000x64xf32, #tpu.memory_space<hbm>> -> memref<1x64xf32, #tpu.memory_space<hbm>>
      %dma_start3A_247 = tpu.memref_squeeze %dma_start3A_246 : memref<1x64xf32, #tpu.memory_space<hbm>> -> memref<64xf32, #tpu.memory_space<hbm>>
      tpu.enqueue_dma source(%dma_start3A_247 : memref<64xf32, #tpu.memory_space<hbm>>) target(%dma_start3A_244 : memref<64xf32, #tpu.memory_space<vmem>>) target_semaphore(%arg10 : memref<!tpu.dma_semaphore, #tpu.memory_space<semaphore_mem>>)
      %slice3A_248 = vector.extract_strided_slice %get3A_40 {offsets = [7], sizes = [1], strides = [1]} : vector<16xi32> to vector<1xi32>
      %squeeze3A_249 = vector.extract %slice3A_248[0] : i32 from vector<1xi32>
      %mul3A_250 = arith.constant 16 : i32
      %mul3A_251 = arith.muli %scan3A_34, %mul3A_250 : i32
      %add3A_252 = arith.constant 7 : i32
      %add3A_253 = arith.addi %mul3A_251, %add3A_252 : i32
      %dma_start3A_254 = arith.constant 0 : i32
      %dma_start3A_255 = tpu.memref_slice %arg8[%add3A_253, %dma_start3A_254] : memref<256x64xf32, #tpu.memory_space<vmem>> -> memref<1x64xf32, #tpu.memory_space<vmem>>
      %dma_start3A_256 = tpu.memref_squeeze %dma_start3A_255 : memref<1x64xf32, #tpu.memory_space<vmem>> -> memref<64xf32, #tpu.memory_space<vmem>>
      %dma_start3A_257 = arith.constant 0 : i32
      %dma_start3A_258 = tpu.memref_slice %arg3[%squeeze3A_249, %dma_start3A_257] : memref<100000x64xf32, #tpu.memory_space<hbm>> -> memref<1x64xf32, #tpu.memory_space<hbm>>
      %dma_start3A_259 = tpu.memref_squeeze %dma_start3A_258 : memref<1x64xf32, #tpu.memory_space<hbm>> -> memref<64xf32, #tpu.memory_space<hbm>>
      %dma_start3A_260 = arith.constant 0 : i32
      %dma_start3A_261 = tpu.memref_slice %arg8[%add3A_253, %dma_start3A_260] : memref<256x64xf32, #tpu.memory_space<vmem>> -> memref<1x64xf32, #tpu.memory_space<vmem>>
      %dma_start3A_262 = tpu.memref_squeeze %dma_start3A_261 : memref<1x64xf32, #tpu.memory_space<vmem>> -> memref<64xf32, #tpu.memory_space<vmem>>
      %dma_start3A_263 = arith.constant 0 : i32
      %dma_start3A_264 = tpu.memref_slice %arg3[%squeeze3A_249, %dma_start3A_263] : memref<100000x64xf32, #tpu.memory_space<hbm>> -> memref<1x64xf32, #tpu.memory_space<hbm>>
      %dma_start3A_265 = tpu.memref_squeeze %dma_start3A_264 : memref<1x64xf32, #tpu.memory_space<hbm>> -> memref<64xf32, #tpu.memory_space<hbm>>
      tpu.enqueue_dma source(%dma_start3A_265 : memref<64xf32, #tpu.memory_space<hbm>>) target(%dma_start3A_262 : memref<64xf32, #tpu.memory_space<vmem>>) target_semaphore(%arg10 : memref<!tpu.dma_semaphore, #tpu.memory_space<semaphore_mem>>)
      %dma_start3A_266 = arith.constant 0 : i32
      %dma_start3A_267 = tpu.memref_slice %arg9[%add3A_253, %dma_start3A_266] : memref<256x64xf32, #tpu.memory_space<vmem>> -> memref<1x64xf32, #tpu.memory_space<vmem>>
      %dma_start3A_268 = tpu.memref_squeeze %dma_start3A_267 : memref<1x64xf32, #tpu.memory_space<vmem>> -> memref<64xf32, #tpu.memory_space<vmem>>
      %dma_start3A_269 = arith.constant 0 : i32
      %dma_start3A_270 = tpu.memref_slice %arg4[%squeeze3A_249, %dma_start3A_269] : memref<100000x64xf32, #tpu.memory_space<hbm>> -> memref<1x64xf32, #tpu.memory_space<hbm>>
      %dma_start3A_271 = tpu.memref_squeeze %dma_start3A_270 : memref<1x64xf32, #tpu.memory_space<hbm>> -> memref<64xf32, #tpu.memory_space<hbm>>
      %dma_start3A_272 = arith.constant 0 : i32
      %dma_start3A_273 = tpu.memref_slice %arg9[%add3A_253, %dma_start3A_272] : memref<256x64xf32, #tpu.memory_space<vmem>> -> memref<1x64xf32, #tpu.memory_space<vmem>>
      %dma_start3A_274 = tpu.memref_squeeze %dma_start3A_273 : memref<1x64xf32, #tpu.memory_space<vmem>> -> memref<64xf32, #tpu.memory_space<vmem>>
      %dma_start3A_275 = arith.constant 0 : i32
      %dma_start3A_276 = tpu.memref_slice %arg4[%squeeze3A_249, %dma_start3A_275] : memref<100000x64xf32, #tpu.memory_space<hbm>> -> memref<1x64xf32, #tpu.memory_space<hbm>>
      %dma_start3A_277 = tpu.memref_squeeze %dma_start3A_276 : memref<1x64xf32, #tpu.memory_space<hbm>> -> memref<64xf32, #tpu.memory_space<hbm>>
      tpu.enqueue_dma source(%dma_start3A_277 : memref<64xf32, #tpu.memory_space<hbm>>) target(%dma_start3A_274 : memref<64xf32, #tpu.memory_space<vmem>>) target_semaphore(%arg10 : memref<!tpu.dma_semaphore, #tpu.memory_space<semaphore_mem>>)
      %slice3A_278 = vector.extract_strided_slice %get3A_40 {offsets = [8], sizes = [1], strides = [1]} : vector<16xi32> to vector<1xi32>
      %squeeze3A_279 = vector.extract %slice3A_278[0] : i32 from vector<1xi32>
      %mul3A_280 = arith.constant 16 : i32
      %mul3A_281 = arith.muli %scan3A_34, %mul3A_280 : i32
      %add3A_282 = arith.constant 8 : i32
      %add3A_283 = arith.addi %mul3A_281, %add3A_282 : i32
      %dma_start3A_284 = arith.constant 0 : i32
      %dma_start3A_285 = tpu.memref_slice %arg8[%add3A_283, %dma_start3A_284] : memref<256x64xf32, #tpu.memory_space<vmem>> -> memref<1x64xf32, #tpu.memory_space<vmem>>
      %dma_start3A_286 = tpu.memref_squeeze %dma_start3A_285 : memref<1x64xf32, #tpu.memory_space<vmem>> -> memref<64xf32, #tpu.memory_space<vmem>>
      %dma_start3A_287 = arith.constant 0 : i32
      %dma_start3A_288 = tpu.memref_slice %arg3[%squeeze3A_279, %dma_start3A_287] : memref<100000x64xf32, #tpu.memory_space<hbm>> -> memref<1x64xf32, #tpu.memory_space<hbm>>
      %dma_start3A_289 = tpu.memref_squeeze %dma_start3A_288 : memref<1x64xf32, #tpu.memory_space<hbm>> -> memref<64xf32, #tpu.memory_space<hbm>>
      %dma_start3A_290 = arith.constant 0 : i32
      %dma_start3A_291 = tpu.memref_slice %arg8[%add3A_283, %dma_start3A_290] : memref<256x64xf32, #tpu.memory_space<vmem>> -> memref<1x64xf32, #tpu.memory_space<vmem>>
      %dma_start3A_292 = tpu.memref_squeeze %dma_start3A_291 : memref<1x64xf32, #tpu.memory_space<vmem>> -> memref<64xf32, #tpu.memory_space<vmem>>
      %dma_start3A_293 = arith.constant 0 : i32
      %dma_start3A_294 = tpu.memref_slice %arg3[%squeeze3A_279, %dma_start3A_293] : memref<100000x64xf32, #tpu.memory_space<hbm>> -> memref<1x64xf32, #tpu.memory_space<hbm>>
      %dma_start3A_295 = tpu.memref_squeeze %dma_start3A_294 : memref<1x64xf32, #tpu.memory_space<hbm>> -> memref<64xf32, #tpu.memory_space<hbm>>
      tpu.enqueue_dma source(%dma_start3A_295 : memref<64xf32, #tpu.memory_space<hbm>>) target(%dma_start3A_292 : memref<64xf32, #tpu.memory_space<vmem>>) target_semaphore(%arg10 : memref<!tpu.dma_semaphore, #tpu.memory_space<semaphore_mem>>)
      %dma_start3A_296 = arith.constant 0 : i32
      %dma_start3A_297 = tpu.memref_slice %arg9[%add3A_283, %dma_start3A_296] : memref<256x64xf32, #tpu.memory_space<vmem>> -> memref<1x64xf32, #tpu.memory_space<vmem>>
      %dma_start3A_298 = tpu.memref_squeeze %dma_start3A_297 : memref<1x64xf32, #tpu.memory_space<vmem>> -> memref<64xf32, #tpu.memory_space<vmem>>
      %dma_start3A_299 = arith.constant 0 : i32
      %dma_start3A_300 = tpu.memref_slice %arg4[%squeeze3A_279, %dma_start3A_299] : memref<100000x64xf32, #tpu.memory_space<hbm>> -> memref<1x64xf32, #tpu.memory_space<hbm>>
      %dma_start3A_301 = tpu.memref_squeeze %dma_start3A_300 : memref<1x64xf32, #tpu.memory_space<hbm>> -> memref<64xf32, #tpu.memory_space<hbm>>
      %dma_start3A_302 = arith.constant 0 : i32
      %dma_start3A_303 = tpu.memref_slice %arg9[%add3A_283, %dma_start3A_302] : memref<256x64xf32, #tpu.memory_space<vmem>> -> memref<1x64xf32, #tpu.memory_space<vmem>>
      %dma_start3A_304 = tpu.memref_squeeze %dma_start3A_303 : memref<1x64xf32, #tpu.memory_space<vmem>> -> memref<64xf32, #tpu.memory_space<vmem>>
      %dma_start3A_305 = arith.constant 0 : i32
      %dma_start3A_306 = tpu.memref_slice %arg4[%squeeze3A_279, %dma_start3A_305] : memref<100000x64xf32, #tpu.memory_space<hbm>> -> memref<1x64xf32, #tpu.memory_space<hbm>>
      %dma_start3A_307 = tpu.memref_squeeze %dma_start3A_306 : memref<1x64xf32, #tpu.memory_space<hbm>> -> memref<64xf32, #tpu.memory_space<hbm>>
      tpu.enqueue_dma source(%dma_start3A_307 : memref<64xf32, #tpu.memory_space<hbm>>) target(%dma_start3A_304 : memref<64xf32, #tpu.memory_space<vmem>>) target_semaphore(%arg10 : memref<!tpu.dma_semaphore, #tpu.memory_space<semaphore_mem>>)
      %slice3A_308 = vector.extract_strided_slice %get3A_40 {offsets = [9], sizes = [1], strides = [1]} : vector<16xi32> to vector<1xi32>
      %squeeze3A_309 = vector.extract %slice3A_308[0] : i32 from vector<1xi32>
      %mul3A_310 = arith.constant 16 : i32
      %mul3A_311 = arith.muli %scan3A_34, %mul3A_310 : i32
      %add3A_312 = arith.constant 9 : i32
      %add3A_313 = arith.addi %mul3A_311, %add3A_312 : i32
      %dma_start3A_314 = arith.constant 0 : i32
      %dma_start3A_315 = tpu.memref_slice %arg8[%add3A_313, %dma_start3A_314] : memref<256x64xf32, #tpu.memory_space<vmem>> -> memref<1x64xf32, #tpu.memory_space<vmem>>
      %dma_start3A_316 = tpu.memref_squeeze %dma_start3A_315 : memref<1x64xf32, #tpu.memory_space<vmem>> -> memref<64xf32, #tpu.memory_space<vmem>>
      %dma_start3A_317 = arith.constant 0 : i32
      %dma_start3A_318 = tpu.memref_slice %arg3[%squeeze3A_309, %dma_start3A_317] : memref<100000x64xf32, #tpu.memory_space<hbm>> -> memref<1x64xf32, #tpu.memory_space<hbm>>
      %dma_start3A_319 = tpu.memref_squeeze %dma_start3A_318 : memref<1x64xf32, #tpu.memory_space<hbm>> -> memref<64xf32, #tpu.memory_space<hbm>>
      %dma_start3A_320 = arith.constant 0 : i32
      %dma_start3A_321 = tpu.memref_slice %arg8[%add3A_313, %dma_start3A_320] : memref<256x64xf32, #tpu.memory_space<vmem>> -> memref<1x64xf32, #tpu.memory_space<vmem>>
      %dma_start3A_322 = tpu.memref_squeeze %dma_start3A_321 : memref<1x64xf32, #tpu.memory_space<vmem>> -> memref<64xf32, #tpu.memory_space<vmem>>
      %dma_start3A_323 = arith.constant 0 : i32
      %dma_start3A_324 = tpu.memref_slice %arg3[%squeeze3A_309, %dma_start3A_323] : memref<100000x64xf32, #tpu.memory_space<hbm>> -> memref<1x64xf32, #tpu.memory_space<hbm>>
      %dma_start3A_325 = tpu.memref_squeeze %dma_start3A_324 : memref<1x64xf32, #tpu.memory_space<hbm>> -> memref<64xf32, #tpu.memory_space<hbm>>
      tpu.enqueue_dma source(%dma_start3A_325 : memref<64xf32, #tpu.memory_space<hbm>>) target(%dma_start3A_322 : memref<64xf32, #tpu.memory_space<vmem>>) target_semaphore(%arg10 : memref<!tpu.dma_semaphore, #tpu.memory_space<semaphore_mem>>)
      %dma_start3A_326 = arith.constant 0 : i32
      %dma_start3A_327 = tpu.memref_slice %arg9[%add3A_313, %dma_start3A_326] : memref<256x64xf32, #tpu.memory_space<vmem>> -> memref<1x64xf32, #tpu.memory_space<vmem>>
      %dma_start3A_328 = tpu.memref_squeeze %dma_start3A_327 : memref<1x64xf32, #tpu.memory_space<vmem>> -> memref<64xf32, #tpu.memory_space<vmem>>
      %dma_start3A_329 = arith.constant 0 : i32
      %dma_start3A_330 = tpu.memref_slice %arg4[%squeeze3A_309, %dma_start3A_329] : memref<100000x64xf32, #tpu.memory_space<hbm>> -> memref<1x64xf32, #tpu.memory_space<hbm>>
      %dma_start3A_331 = tpu.memref_squeeze %dma_start3A_330 : memref<1x64xf32, #tpu.memory_space<hbm>> -> memref<64xf32, #tpu.memory_space<hbm>>
      %dma_start3A_332 = arith.constant 0 : i32
      %dma_start3A_333 = tpu.memref_slice %arg9[%add3A_313, %dma_start3A_332] : memref<256x64xf32, #tpu.memory_space<vmem>> -> memref<1x64xf32, #tpu.memory_space<vmem>>
      %dma_start3A_334 = tpu.memref_squeeze %dma_start3A_333 : memref<1x64xf32, #tpu.memory_space<vmem>> -> memref<64xf32, #tpu.memory_space<vmem>>
      %dma_start3A_335 = arith.constant 0 : i32
      %dma_start3A_336 = tpu.memref_slice %arg4[%squeeze3A_309, %dma_start3A_335] : memref<100000x64xf32, #tpu.memory_space<hbm>> -> memref<1x64xf32, #tpu.memory_space<hbm>>
      %dma_start3A_337 = tpu.memref_squeeze %dma_start3A_336 : memref<1x64xf32, #tpu.memory_space<hbm>> -> memref<64xf32, #tpu.memory_space<hbm>>
      tpu.enqueue_dma source(%dma_start3A_337 : memref<64xf32, #tpu.memory_space<hbm>>) target(%dma_start3A_334 : memref<64xf32, #tpu.memory_space<vmem>>) target_semaphore(%arg10 : memref<!tpu.dma_semaphore, #tpu.memory_space<semaphore_mem>>)
      %slice3A_338 = vector.extract_strided_slice %get3A_40 {offsets = [10], sizes = [1], strides = [1]} : vector<16xi32> to vector<1xi32>
      %squeeze3A_339 = vector.extract %slice3A_338[0] : i32 from vector<1xi32>
      %mul3A_340 = arith.constant 16 : i32
      %mul3A_341 = arith.muli %scan3A_34, %mul3A_340 : i32
      %add3A_342 = arith.constant 10 : i32
      %add3A_343 = arith.addi %mul3A_341, %add3A_342 : i32
      %dma_start3A_344 = arith.constant 0 : i32
      %dma_start3A_345 = tpu.memref_slice %arg8[%add3A_343, %dma_start3A_344] : memref<256x64xf32, #tpu.memory_space<vmem>> -> memref<1x64xf32, #tpu.memory_space<vmem>>
      %dma_start3A_346 = tpu.memref_squeeze %dma_start3A_345 : memref<1x64xf32, #tpu.memory_space<vmem>> -> memref<64xf32, #tpu.memory_space<vmem>>
      %dma_start3A_347 = arith.constant 0 : i32
      %dma_start3A_348 = tpu.memref_slice %arg3[%squeeze3A_339, %dma_start3A_347] : memref<100000x64xf32, #tpu.memory_space<hbm>> -> memref<1x64xf32, #tpu.memory_space<hbm>>
      %dma_start3A_349 = tpu.memref_squeeze %dma_start3A_348 : memref<1x64xf32, #tpu.memory_space<hbm>> -> memref<64xf32, #tpu.memory_space<hbm>>
      %dma_start3A_350 = arith.constant 0 : i32
      %dma_start3A_351 = tpu.memref_slice %arg8[%add3A_343, %dma_start3A_350] : memref<256x64xf32, #tpu.memory_space<vmem>> -> memref<1x64xf32, #tpu.memory_space<vmem>>
      %dma_start3A_352 = tpu.memref_squeeze %dma_start3A_351 : memref<1x64xf32, #tpu.memory_space<vmem>> -> memref<64xf32, #tpu.memory_space<vmem>>
      %dma_start3A_353 = arith.constant 0 : i32
      %dma_start3A_354 = tpu.memref_slice %arg3[%squeeze3A_339, %dma_start3A_353] : memref<100000x64xf32, #tpu.memory_space<hbm>> -> memref<1x64xf32, #tpu.memory_space<hbm>>
      %dma_start3A_355 = tpu.memref_squeeze %dma_start3A_354 : memref<1x64xf32, #tpu.memory_space<hbm>> -> memref<64xf32, #tpu.memory_space<hbm>>
      tpu.enqueue_dma source(%dma_start3A_355 : memref<64xf32, #tpu.memory_space<hbm>>) target(%dma_start3A_352 : memref<64xf32, #tpu.memory_space<vmem>>) target_semaphore(%arg10 : memref<!tpu.dma_semaphore, #tpu.memory_space<semaphore_mem>>)
      %dma_start3A_356 = arith.constant 0 : i32
      %dma_start3A_357 = tpu.memref_slice %arg9[%add3A_343, %dma_start3A_356] : memref<256x64xf32, #tpu.memory_space<vmem>> -> memref<1x64xf32, #tpu.memory_space<vmem>>
      %dma_start3A_358 = tpu.memref_squeeze %dma_start3A_357 : memref<1x64xf32, #tpu.memory_space<vmem>> -> memref<64xf32, #tpu.memory_space<vmem>>
      %dma_start3A_359 = arith.constant 0 : i32
      %dma_start3A_360 = tpu.memref_slice %arg4[%squeeze3A_339, %dma_start3A_359] : memref<100000x64xf32, #tpu.memory_space<hbm>> -> memref<1x64xf32, #tpu.memory_space<hbm>>
      %dma_start3A_361 = tpu.memref_squeeze %dma_start3A_360 : memref<1x64xf32, #tpu.memory_space<hbm>> -> memref<64xf32, #tpu.memory_space<hbm>>
      %dma_start3A_362 = arith.constant 0 : i32
      %dma_start3A_363 = tpu.memref_slice %arg9[%add3A_343, %dma_start3A_362] : memref<256x64xf32, #tpu.memory_space<vmem>> -> memref<1x64xf32, #tpu.memory_space<vmem>>
      %dma_start3A_364 = tpu.memref_squeeze %dma_start3A_363 : memref<1x64xf32, #tpu.memory_space<vmem>> -> memref<64xf32, #tpu.memory_space<vmem>>
      %dma_start3A_365 = arith.constant 0 : i32
      %dma_start3A_366 = tpu.memref_slice %arg4[%squeeze3A_339, %dma_start3A_365] : memref<100000x64xf32, #tpu.memory_space<hbm>> -> memref<1x64xf32, #tpu.memory_space<hbm>>
      %dma_start3A_367 = tpu.memref_squeeze %dma_start3A_366 : memref<1x64xf32, #tpu.memory_space<hbm>> -> memref<64xf32, #tpu.memory_space<hbm>>
      tpu.enqueue_dma source(%dma_start3A_367 : memref<64xf32, #tpu.memory_space<hbm>>) target(%dma_start3A_364 : memref<64xf32, #tpu.memory_space<vmem>>) target_semaphore(%arg10 : memref<!tpu.dma_semaphore, #tpu.memory_space<semaphore_mem>>)
      %slice3A_368 = vector.extract_strided_slice %get3A_40 {offsets = [11], sizes = [1], strides = [1]} : vector<16xi32> to vector<1xi32>
      %squeeze3A_369 = vector.extract %slice3A_368[0] : i32 from vector<1xi32>
      %mul3A_370 = arith.constant 16 : i32
      %mul3A_371 = arith.muli %scan3A_34, %mul3A_370 : i32
      %add3A_372 = arith.constant 11 : i32
      %add3A_373 = arith.addi %mul3A_371, %add3A_372 : i32
      %dma_start3A_374 = arith.constant 0 : i32
      %dma_start3A_375 = tpu.memref_slice %arg8[%add3A_373, %dma_start3A_374] : memref<256x64xf32, #tpu.memory_space<vmem>> -> memref<1x64xf32, #tpu.memory_space<vmem>>
      %dma_start3A_376 = tpu.memref_squeeze %dma_start3A_375 : memref<1x64xf32, #tpu.memory_space<vmem>> -> memref<64xf32, #tpu.memory_space<vmem>>
      %dma_start3A_377 = arith.constant 0 : i32
      %dma_start3A_378 = tpu.memref_slice %arg3[%squeeze3A_369, %dma_start3A_377] : memref<100000x64xf32, #tpu.memory_space<hbm>> -> memref<1x64xf32, #tpu.memory_space<hbm>>
      %dma_start3A_379 = tpu.memref_squeeze %dma_start3A_378 : memref<1x64xf32, #tpu.memory_space<hbm>> -> memref<64xf32, #tpu.memory_space<hbm>>
      %dma_start3A_380 = arith.constant 0 : i32
      %dma_start3A_381 = tpu.memref_slice %arg8[%add3A_373, %dma_start3A_380] : memref<256x64xf32, #tpu.memory_space<vmem>> -> memref<1x64xf32, #tpu.memory_space<vmem>>
      %dma_start3A_382 = tpu.memref_squeeze %dma_start3A_381 : memref<1x64xf32, #tpu.memory_space<vmem>> -> memref<64xf32, #tpu.memory_space<vmem>>
      %dma_start3A_383 = arith.constant 0 : i32
      %dma_start3A_384 = tpu.memref_slice %arg3[%squeeze3A_369, %dma_start3A_383] : memref<100000x64xf32, #tpu.memory_space<hbm>> -> memref<1x64xf32, #tpu.memory_space<hbm>>
      %dma_start3A_385 = tpu.memref_squeeze %dma_start3A_384 : memref<1x64xf32, #tpu.memory_space<hbm>> -> memref<64xf32, #tpu.memory_space<hbm>>
      tpu.enqueue_dma source(%dma_start3A_385 : memref<64xf32, #tpu.memory_space<hbm>>) target(%dma_start3A_382 : memref<64xf32, #tpu.memory_space<vmem>>) target_semaphore(%arg10 : memref<!tpu.dma_semaphore, #tpu.memory_space<semaphore_mem>>)
      %dma_start3A_386 = arith.constant 0 : i32
      %dma_start3A_387 = tpu.memref_slice %arg9[%add3A_373, %dma_start3A_386] : memref<256x64xf32, #tpu.memory_space<vmem>> -> memref<1x64xf32, #tpu.memory_space<vmem>>
      %dma_start3A_388 = tpu.memref_squeeze %dma_start3A_387 : memref<1x64xf32, #tpu.memory_space<vmem>> -> memref<64xf32, #tpu.memory_space<vmem>>
      %dma_start3A_389 = arith.constant 0 : i32
      %dma_start3A_390 = tpu.memref_slice %arg4[%squeeze3A_369, %dma_start3A_389] : memref<100000x64xf32, #tpu.memory_space<hbm>> -> memref<1x64xf32, #tpu.memory_space<hbm>>
      %dma_start3A_391 = tpu.memref_squeeze %dma_start3A_390 : memref<1x64xf32, #tpu.memory_space<hbm>> -> memref<64xf32, #tpu.memory_space<hbm>>
      %dma_start3A_392 = arith.constant 0 : i32
      %dma_start3A_393 = tpu.memref_slice %arg9[%add3A_373, %dma_start3A_392] : memref<256x64xf32, #tpu.memory_space<vmem>> -> memref<1x64xf32, #tpu.memory_space<vmem>>
      %dma_start3A_394 = tpu.memref_squeeze %dma_start3A_393 : memref<1x64xf32, #tpu.memory_space<vmem>> -> memref<64xf32, #tpu.memory_space<vmem>>
      %dma_start3A_395 = arith.constant 0 : i32
      %dma_start3A_396 = tpu.memref_slice %arg4[%squeeze3A_369, %dma_start3A_395] : memref<100000x64xf32, #tpu.memory_space<hbm>> -> memref<1x64xf32, #tpu.memory_space<hbm>>
      %dma_start3A_397 = tpu.memref_squeeze %dma_start3A_396 : memref<1x64xf32, #tpu.memory_space<hbm>> -> memref<64xf32, #tpu.memory_space<hbm>>
      tpu.enqueue_dma source(%dma_start3A_397 : memref<64xf32, #tpu.memory_space<hbm>>) target(%dma_start3A_394 : memref<64xf32, #tpu.memory_space<vmem>>) target_semaphore(%arg10 : memref<!tpu.dma_semaphore, #tpu.memory_space<semaphore_mem>>)
      %slice3A_398 = vector.extract_strided_slice %get3A_40 {offsets = [12], sizes = [1], strides = [1]} : vector<16xi32> to vector<1xi32>
      %squeeze3A_399 = vector.extract %slice3A_398[0] : i32 from vector<1xi32>
      %mul3A_400 = arith.constant 16 : i32
      %mul3A_401 = arith.muli %scan3A_34, %mul3A_400 : i32
      %add3A_402 = arith.constant 12 : i32
      %add3A_403 = arith.addi %mul3A_401, %add3A_402 : i32
      %dma_start3A_404 = arith.constant 0 : i32
      %dma_start3A_405 = tpu.memref_slice %arg8[%add3A_403, %dma_start3A_404] : memref<256x64xf32, #tpu.memory_space<vmem>> -> memref<1x64xf32, #tpu.memory_space<vmem>>
      %dma_start3A_406 = tpu.memref_squeeze %dma_start3A_405 : memref<1x64xf32, #tpu.memory_space<vmem>> -> memref<64xf32, #tpu.memory_space<vmem>>
      %dma_start3A_407 = arith.constant 0 : i32
      %dma_start3A_408 = tpu.memref_slice %arg3[%squeeze3A_399, %dma_start3A_407] : memref<100000x64xf32, #tpu.memory_space<hbm>> -> memref<1x64xf32, #tpu.memory_space<hbm>>
      %dma_start3A_409 = tpu.memref_squeeze %dma_start3A_408 : memref<1x64xf32, #tpu.memory_space<hbm>> -> memref<64xf32, #tpu.memory_space<hbm>>
      %dma_start3A_410 = arith.constant 0 : i32
      %dma_start3A_411 = tpu.memref_slice %arg8[%add3A_403, %dma_start3A_410] : memref<256x64xf32, #tpu.memory_space<vmem>> -> memref<1x64xf32, #tpu.memory_space<vmem>>
      %dma_start3A_412 = tpu.memref_squeeze %dma_start3A_411 : memref<1x64xf32, #tpu.memory_space<vmem>> -> memref<64xf32, #tpu.memory_space<vmem>>
      %dma_start3A_413 = arith.constant 0 : i32
      %dma_start3A_414 = tpu.memref_slice %arg3[%squeeze3A_399, %dma_start3A_413] : memref<100000x64xf32, #tpu.memory_space<hbm>> -> memref<1x64xf32, #tpu.memory_space<hbm>>
      %dma_start3A_415 = tpu.memref_squeeze %dma_start3A_414 : memref<1x64xf32, #tpu.memory_space<hbm>> -> memref<64xf32, #tpu.memory_space<hbm>>
      tpu.enqueue_dma source(%dma_start3A_415 : memref<64xf32, #tpu.memory_space<hbm>>) target(%dma_start3A_412 : memref<64xf32, #tpu.memory_space<vmem>>) target_semaphore(%arg10 : memref<!tpu.dma_semaphore, #tpu.memory_space<semaphore_mem>>)
      %dma_start3A_416 = arith.constant 0 : i32
      %dma_start3A_417 = tpu.memref_slice %arg9[%add3A_403, %dma_start3A_416] : memref<256x64xf32, #tpu.memory_space<vmem>> -> memref<1x64xf32, #tpu.memory_space<vmem>>
      %dma_start3A_418 = tpu.memref_squeeze %dma_start3A_417 : memref<1x64xf32, #tpu.memory_space<vmem>> -> memref<64xf32, #tpu.memory_space<vmem>>
      %dma_start3A_419 = arith.constant 0 : i32
      %dma_start3A_420 = tpu.memref_slice %arg4[%squeeze3A_399, %dma_start3A_419] : memref<100000x64xf32, #tpu.memory_space<hbm>> -> memref<1x64xf32, #tpu.memory_space<hbm>>
      %dma_start3A_421 = tpu.memref_squeeze %dma_start3A_420 : memref<1x64xf32, #tpu.memory_space<hbm>> -> memref<64xf32, #tpu.memory_space<hbm>>
      %dma_start3A_422 = arith.constant 0 : i32
      %dma_start3A_423 = tpu.memref_slice %arg9[%add3A_403, %dma_start3A_422] : memref<256x64xf32, #tpu.memory_space<vmem>> -> memref<1x64xf32, #tpu.memory_space<vmem>>
      %dma_start3A_424 = tpu.memref_squeeze %dma_start3A_423 : memref<1x64xf32, #tpu.memory_space<vmem>> -> memref<64xf32, #tpu.memory_space<vmem>>
      %dma_start3A_425 = arith.constant 0 : i32
      %dma_start3A_426 = tpu.memref_slice %arg4[%squeeze3A_399, %dma_start3A_425] : memref<100000x64xf32, #tpu.memory_space<hbm>> -> memref<1x64xf32, #tpu.memory_space<hbm>>
      %dma_start3A_427 = tpu.memref_squeeze %dma_start3A_426 : memref<1x64xf32, #tpu.memory_space<hbm>> -> memref<64xf32, #tpu.memory_space<hbm>>
      tpu.enqueue_dma source(%dma_start3A_427 : memref<64xf32, #tpu.memory_space<hbm>>) target(%dma_start3A_424 : memref<64xf32, #tpu.memory_space<vmem>>) target_semaphore(%arg10 : memref<!tpu.dma_semaphore, #tpu.memory_space<semaphore_mem>>)
      %slice3A_428 = vector.extract_strided_slice %get3A_40 {offsets = [13], sizes = [1], strides = [1]} : vector<16xi32> to vector<1xi32>
      %squeeze3A_429 = vector.extract %slice3A_428[0] : i32 from vector<1xi32>
      %mul3A_430 = arith.constant 16 : i32
      %mul3A_431 = arith.muli %scan3A_34, %mul3A_430 : i32
      %add3A_432 = arith.constant 13 : i32
      %add3A_433 = arith.addi %mul3A_431, %add3A_432 : i32
      %dma_start3A_434 = arith.constant 0 : i32
      %dma_start3A_435 = tpu.memref_slice %arg8[%add3A_433, %dma_start3A_434] : memref<256x64xf32, #tpu.memory_space<vmem>> -> memref<1x64xf32, #tpu.memory_space<vmem>>
      %dma_start3A_436 = tpu.memref_squeeze %dma_start3A_435 : memref<1x64xf32, #tpu.memory_space<vmem>> -> memref<64xf32, #tpu.memory_space<vmem>>
      %dma_start3A_437 = arith.constant 0 : i32
      %dma_start3A_438 = tpu.memref_slice %arg3[%squeeze3A_429, %dma_start3A_437] : memref<100000x64xf32, #tpu.memory_space<hbm>> -> memref<1x64xf32, #tpu.memory_space<hbm>>
      %dma_start3A_439 = tpu.memref_squeeze %dma_start3A_438 : memref<1x64xf32, #tpu.memory_space<hbm>> -> memref<64xf32, #tpu.memory_space<hbm>>
      %dma_start3A_440 = arith.constant 0 : i32
      %dma_start3A_441 = tpu.memref_slice %arg8[%add3A_433, %dma_start3A_440] : memref<256x64xf32, #tpu.memory_space<vmem>> -> memref<1x64xf32, #tpu.memory_space<vmem>>
      %dma_start3A_442 = tpu.memref_squeeze %dma_start3A_441 : memref<1x64xf32, #tpu.memory_space<vmem>> -> memref<64xf32, #tpu.memory_space<vmem>>
      %dma_start3A_443 = arith.constant 0 : i32
      %dma_start3A_444 = tpu.memref_slice %arg3[%squeeze3A_429, %dma_start3A_443] : memref<100000x64xf32, #tpu.memory_space<hbm>> -> memref<1x64xf32, #tpu.memory_space<hbm>>
      %dma_start3A_445 = tpu.memref_squeeze %dma_start3A_444 : memref<1x64xf32, #tpu.memory_space<hbm>> -> memref<64xf32, #tpu.memory_space<hbm>>
      tpu.enqueue_dma source(%dma_start3A_445 : memref<64xf32, #tpu.memory_space<hbm>>) target(%dma_start3A_442 : memref<64xf32, #tpu.memory_space<vmem>>) target_semaphore(%arg10 : memref<!tpu.dma_semaphore, #tpu.memory_space<semaphore_mem>>)
      %dma_start3A_446 = arith.constant 0 : i32
      %dma_start3A_447 = tpu.memref_slice %arg9[%add3A_433, %dma_start3A_446] : memref<256x64xf32, #tpu.memory_space<vmem>> -> memref<1x64xf32, #tpu.memory_space<vmem>>
      %dma_start3A_448 = tpu.memref_squeeze %dma_start3A_447 : memref<1x64xf32, #tpu.memory_space<vmem>> -> memref<64xf32, #tpu.memory_space<vmem>>
      %dma_start3A_449 = arith.constant 0 : i32
      %dma_start3A_450 = tpu.memref_slice %arg4[%squeeze3A_429, %dma_start3A_449] : memref<100000x64xf32, #tpu.memory_space<hbm>> -> memref<1x64xf32, #tpu.memory_space<hbm>>
      %dma_start3A_451 = tpu.memref_squeeze %dma_start3A_450 : memref<1x64xf32, #tpu.memory_space<hbm>> -> memref<64xf32, #tpu.memory_space<hbm>>
      %dma_start3A_452 = arith.constant 0 : i32
      %dma_start3A_453 = tpu.memref_slice %arg9[%add3A_433, %dma_start3A_452] : memref<256x64xf32, #tpu.memory_space<vmem>> -> memref<1x64xf32, #tpu.memory_space<vmem>>
      %dma_start3A_454 = tpu.memref_squeeze %dma_start3A_453 : memref<1x64xf32, #tpu.memory_space<vmem>> -> memref<64xf32, #tpu.memory_space<vmem>>
      %dma_start3A_455 = arith.constant 0 : i32
      %dma_start3A_456 = tpu.memref_slice %arg4[%squeeze3A_429, %dma_start3A_455] : memref<100000x64xf32, #tpu.memory_space<hbm>> -> memref<1x64xf32, #tpu.memory_space<hbm>>
      %dma_start3A_457 = tpu.memref_squeeze %dma_start3A_456 : memref<1x64xf32, #tpu.memory_space<hbm>> -> memref<64xf32, #tpu.memory_space<hbm>>
      tpu.enqueue_dma source(%dma_start3A_457 : memref<64xf32, #tpu.memory_space<hbm>>) target(%dma_start3A_454 : memref<64xf32, #tpu.memory_space<vmem>>) target_semaphore(%arg10 : memref<!tpu.dma_semaphore, #tpu.memory_space<semaphore_mem>>)
      %slice3A_458 = vector.extract_strided_slice %get3A_40 {offsets = [14], sizes = [1], strides = [1]} : vector<16xi32> to vector<1xi32>
      %squeeze3A_459 = vector.extract %slice3A_458[0] : i32 from vector<1xi32>
      %mul3A_460 = arith.constant 16 : i32
      %mul3A_461 = arith.muli %scan3A_34, %mul3A_460 : i32
      %add3A_462 = arith.constant 14 : i32
      %add3A_463 = arith.addi %mul3A_461, %add3A_462 : i32
      %dma_start3A_464 = arith.constant 0 : i32
      %dma_start3A_465 = tpu.memref_slice %arg8[%add3A_463, %dma_start3A_464] : memref<256x64xf32, #tpu.memory_space<vmem>> -> memref<1x64xf32, #tpu.memory_space<vmem>>
      %dma_start3A_466 = tpu.memref_squeeze %dma_start3A_465 : memref<1x64xf32, #tpu.memory_space<vmem>> -> memref<64xf32, #tpu.memory_space<vmem>>
      %dma_start3A_467 = arith.constant 0 : i32
      %dma_start3A_468 = tpu.memref_slice %arg3[%squeeze3A_459, %dma_start3A_467] : memref<100000x64xf32, #tpu.memory_space<hbm>> -> memref<1x64xf32, #tpu.memory_space<hbm>>
      %dma_start3A_469 = tpu.memref_squeeze %dma_start3A_468 : memref<1x64xf32, #tpu.memory_space<hbm>> -> memref<64xf32, #tpu.memory_space<hbm>>
      %dma_start3A_470 = arith.constant 0 : i32
      %dma_start3A_471 = tpu.memref_slice %arg8[%add3A_463, %dma_start3A_470] : memref<256x64xf32, #tpu.memory_space<vmem>> -> memref<1x64xf32, #tpu.memory_space<vmem>>
      %dma_start3A_472 = tpu.memref_squeeze %dma_start3A_471 : memref<1x64xf32, #tpu.memory_space<vmem>> -> memref<64xf32, #tpu.memory_space<vmem>>
      %dma_start3A_473 = arith.constant 0 : i32
      %dma_start3A_474 = tpu.memref_slice %arg3[%squeeze3A_459, %dma_start3A_473] : memref<100000x64xf32, #tpu.memory_space<hbm>> -> memref<1x64xf32, #tpu.memory_space<hbm>>
      %dma_start3A_475 = tpu.memref_squeeze %dma_start3A_474 : memref<1x64xf32, #tpu.memory_space<hbm>> -> memref<64xf32, #tpu.memory_space<hbm>>
      tpu.enqueue_dma source(%dma_start3A_475 : memref<64xf32, #tpu.memory_space<hbm>>) target(%dma_start3A_472 : memref<64xf32, #tpu.memory_space<vmem>>) target_semaphore(%arg10 : memref<!tpu.dma_semaphore, #tpu.memory_space<semaphore_mem>>)
      %dma_start3A_476 = arith.constant 0 : i32
      %dma_start3A_477 = tpu.memref_slice %arg9[%add3A_463, %dma_start3A_476] : memref<256x64xf32, #tpu.memory_space<vmem>> -> memref<1x64xf32, #tpu.memory_space<vmem>>
      %dma_start3A_478 = tpu.memref_squeeze %dma_start3A_477 : memref<1x64xf32, #tpu.memory_space<vmem>> -> memref<64xf32, #tpu.memory_space<vmem>>
      %dma_start3A_479 = arith.constant 0 : i32
      %dma_start3A_480 = tpu.memref_slice %arg4[%squeeze3A_459, %dma_start3A_479] : memref<100000x64xf32, #tpu.memory_space<hbm>> -> memref<1x64xf32, #tpu.memory_space<hbm>>
      %dma_start3A_481 = tpu.memref_squeeze %dma_start3A_480 : memref<1x64xf32, #tpu.memory_space<hbm>> -> memref<64xf32, #tpu.memory_space<hbm>>
      %dma_start3A_482 = arith.constant 0 : i32
      %dma_start3A_483 = tpu.memref_slice %arg9[%add3A_463, %dma_start3A_482] : memref<256x64xf32, #tpu.memory_space<vmem>> -> memref<1x64xf32, #tpu.memory_space<vmem>>
      %dma_start3A_484 = tpu.memref_squeeze %dma_start3A_483 : memref<1x64xf32, #tpu.memory_space<vmem>> -> memref<64xf32, #tpu.memory_space<vmem>>
      %dma_start3A_485 = arith.constant 0 : i32
      %dma_start3A_486 = tpu.memref_slice %arg4[%squeeze3A_459, %dma_start3A_485] : memref<100000x64xf32, #tpu.memory_space<hbm>> -> memref<1x64xf32, #tpu.memory_space<hbm>>
      %dma_start3A_487 = tpu.memref_squeeze %dma_start3A_486 : memref<1x64xf32, #tpu.memory_space<hbm>> -> memref<64xf32, #tpu.memory_space<hbm>>
      tpu.enqueue_dma source(%dma_start3A_487 : memref<64xf32, #tpu.memory_space<hbm>>) target(%dma_start3A_484 : memref<64xf32, #tpu.memory_space<vmem>>) target_semaphore(%arg10 : memref<!tpu.dma_semaphore, #tpu.memory_space<semaphore_mem>>)
      %slice3A_488 = vector.extract_strided_slice %get3A_40 {offsets = [15], sizes = [1], strides = [1]} : vector<16xi32> to vector<1xi32>
      %squeeze3A_489 = vector.extract %slice3A_488[0] : i32 from vector<1xi32>
      %mul3A_490 = arith.constant 16 : i32
      %mul3A_491 = arith.muli %scan3A_34, %mul3A_490 : i32
      %add3A_492 = arith.constant 15 : i32
      %add3A_493 = arith.addi %mul3A_491, %add3A_492 : i32
      %dma_start3A_494 = arith.constant 0 : i32
      %dma_start3A_495 = tpu.memref_slice %arg8[%add3A_493, %dma_start3A_494] : memref<256x64xf32, #tpu.memory_space<vmem>> -> memref<1x64xf32, #tpu.memory_space<vmem>>
      %dma_start3A_496 = tpu.memref_squeeze %dma_start3A_495 : memref<1x64xf32, #tpu.memory_space<vmem>> -> memref<64xf32, #tpu.memory_space<vmem>>
      %dma_start3A_497 = arith.constant 0 : i32
      %dma_start3A_498 = tpu.memref_slice %arg3[%squeeze3A_489, %dma_start3A_497] : memref<100000x64xf32, #tpu.memory_space<hbm>> -> memref<1x64xf32, #tpu.memory_space<hbm>>
      %dma_start3A_499 = tpu.memref_squeeze %dma_start3A_498 : memref<1x64xf32, #tpu.memory_space<hbm>> -> memref<64xf32, #tpu.memory_space<hbm>>
      %dma_start3A_500 = arith.constant 0 : i32
      %dma_start3A_501 = tpu.memref_slice %arg8[%add3A_493, %dma_start3A_500] : memref<256x64xf32, #tpu.memory_space<vmem>> -> memref<1x64xf32, #tpu.memory_space<vmem>>
      %dma_start3A_502 = tpu.memref_squeeze %dma_start3A_501 : memref<1x64xf32, #tpu.memory_space<vmem>> -> memref<64xf32, #tpu.memory_space<vmem>>
      %dma_start3A_503 = arith.constant 0 : i32
      %dma_start3A_504 = tpu.memref_slice %arg3[%squeeze3A_489, %dma_start3A_503] : memref<100000x64xf32, #tpu.memory_space<hbm>> -> memref<1x64xf32, #tpu.memory_space<hbm>>
      %dma_start3A_505 = tpu.memref_squeeze %dma_start3A_504 : memref<1x64xf32, #tpu.memory_space<hbm>> -> memref<64xf32, #tpu.memory_space<hbm>>
      tpu.enqueue_dma source(%dma_start3A_505 : memref<64xf32, #tpu.memory_space<hbm>>) target(%dma_start3A_502 : memref<64xf32, #tpu.memory_space<vmem>>) target_semaphore(%arg10 : memref<!tpu.dma_semaphore, #tpu.memory_space<semaphore_mem>>)
      %dma_start3A_506 = arith.constant 0 : i32
      %dma_start3A_507 = tpu.memref_slice %arg9[%add3A_493, %dma_start3A_506] : memref<256x64xf32, #tpu.memory_space<vmem>> -> memref<1x64xf32, #tpu.memory_space<vmem>>
      %dma_start3A_508 = tpu.memref_squeeze %dma_start3A_507 : memref<1x64xf32, #tpu.memory_space<vmem>> -> memref<64xf32, #tpu.memory_space<vmem>>
      %dma_start3A_509 = arith.constant 0 : i32
      %dma_start3A_510 = tpu.memref_slice %arg4[%squeeze3A_489, %dma_start3A_509] : memref<100000x64xf32, #tpu.memory_space<hbm>> -> memref<1x64xf32, #tpu.memory_space<hbm>>
      %dma_start3A_511 = tpu.memref_squeeze %dma_start3A_510 : memref<1x64xf32, #tpu.memory_space<hbm>> -> memref<64xf32, #tpu.memory_space<hbm>>
      %dma_start3A_512 = arith.constant 0 : i32
      %dma_start3A_513 = tpu.memref_slice %arg9[%add3A_493, %dma_start3A_512] : memref<256x64xf32, #tpu.memory_space<vmem>> -> memref<1x64xf32, #tpu.memory_space<vmem>>
      %dma_start3A_514 = tpu.memref_squeeze %dma_start3A_513 : memref<1x64xf32, #tpu.memory_space<vmem>> -> memref<64xf32, #tpu.memory_space<vmem>>
      %dma_start3A_515 = arith.constant 0 : i32
      %dma_start3A_516 = tpu.memref_slice %arg4[%squeeze3A_489, %dma_start3A_515] : memref<100000x64xf32, #tpu.memory_space<hbm>> -> memref<1x64xf32, #tpu.memory_space<hbm>>
      %dma_start3A_517 = tpu.memref_squeeze %dma_start3A_516 : memref<1x64xf32, #tpu.memory_space<hbm>> -> memref<64xf32, #tpu.memory_space<hbm>>
      tpu.enqueue_dma source(%dma_start3A_517 : memref<64xf32, #tpu.memory_space<hbm>>) target(%dma_start3A_514 : memref<64xf32, #tpu.memory_space<vmem>>) target_semaphore(%arg10 : memref<!tpu.dma_semaphore, #tpu.memory_space<semaphore_mem>>)
    }
    %scan3A_23 = arith.constant 16 : i32
    %scan3A_24 = arith.constant 0 : i32
    %scan3A_25 = arith.constant 0 : i32
    %scan3A_26 = arith.constant 256 : i32
    %scan3A_27 = arith.addi %scan3A_25, %scan3A_26 : i32
    %scan3A_28 = arith.constant 1 : i32
    scf.for %scan3A_34 = %scan3A_25 to %scan3A_27 step %scan3A_28  : i32 {
      %dma_wait3A = arith.constant 0 : i32
      %dma_wait3A_35 = arith.constant 0 : i32
      %dma_wait3A_36 = tpu.memref_slice %arg8[%scan3A_34, %dma_wait3A_35] : memref<256x64xf32, #tpu.memory_space<vmem>> -> memref<1x64xf32, #tpu.memory_space<vmem>>
      %dma_wait3A_37 = tpu.memref_squeeze %dma_wait3A_36 : memref<1x64xf32, #tpu.memory_space<vmem>> -> memref<64xf32, #tpu.memory_space<vmem>>
      %dma_wait3A_38 = arith.constant 0 : i32
      %dma_wait3A_39 = tpu.memref_slice %arg3[%dma_wait3A, %dma_wait3A_38] : memref<100000x64xf32, #tpu.memory_space<hbm>> -> memref<1x64xf32, #tpu.memory_space<hbm>>
      %dma_wait3A_40 = tpu.memref_squeeze %dma_wait3A_39 : memref<1x64xf32, #tpu.memory_space<hbm>> -> memref<64xf32, #tpu.memory_space<hbm>>
      %dma_wait3A_41 = arith.constant 0 : i32
      %dma_wait3A_42 = tpu.memref_slice %arg8[%scan3A_34, %dma_wait3A_41] : memref<256x64xf32, #tpu.memory_space<vmem>> -> memref<1x64xf32, #tpu.memory_space<vmem>>
      %dma_wait3A_43 = tpu.memref_squeeze %dma_wait3A_42 : memref<1x64xf32, #tpu.memory_space<vmem>> -> memref<64xf32, #tpu.memory_space<vmem>>
      %dma_wait3A_44 = arith.constant 0 : i32
      %dma_wait3A_45 = tpu.memref_slice %arg3[%dma_wait3A, %dma_wait3A_44] : memref<100000x64xf32, #tpu.memory_space<hbm>> -> memref<1x64xf32, #tpu.memory_space<hbm>>
      %dma_wait3A_46 = tpu.memref_squeeze %dma_wait3A_45 : memref<1x64xf32, #tpu.memory_space<hbm>> -> memref<64xf32, #tpu.memory_space<hbm>>
      tpu.wait_dma2 semaphore(%arg10 : memref<!tpu.dma_semaphore, #tpu.memory_space<semaphore_mem>>) src(%dma_wait3A_46 : memref<64xf32, #tpu.memory_space<hbm>>) dst(%dma_wait3A_43 : memref<64xf32, #tpu.memory_space<vmem>>)
      %dma_wait3A_47 = arith.constant 0 : i32
      %dma_wait3A_48 = arith.constant 0 : i32
      %dma_wait3A_49 = tpu.memref_slice %arg9[%scan3A_34, %dma_wait3A_48] : memref<256x64xf32, #tpu.memory_space<vmem>> -> memref<1x64xf32, #tpu.memory_space<vmem>>
      %dma_wait3A_50 = tpu.memref_squeeze %dma_wait3A_49 : memref<1x64xf32, #tpu.memory_space<vmem>> -> memref<64xf32, #tpu.memory_space<vmem>>
      %dma_wait3A_51 = arith.constant 0 : i32
      %dma_wait3A_52 = tpu.memref_slice %arg4[%dma_wait3A_47, %dma_wait3A_51] : memref<100000x64xf32, #tpu.memory_space<hbm>> -> memref<1x64xf32, #tpu.memory_space<hbm>>
      %dma_wait3A_53 = tpu.memref_squeeze %dma_wait3A_52 : memref<1x64xf32, #tpu.memory_space<hbm>> -> memref<64xf32, #tpu.memory_space<hbm>>
      %dma_wait3A_54 = arith.constant 0 : i32
      %dma_wait3A_55 = tpu.memref_slice %arg9[%scan3A_34, %dma_wait3A_54] : memref<256x64xf32, #tpu.memory_space<vmem>> -> memref<1x64xf32, #tpu.memory_space<vmem>>
      %dma_wait3A_56 = tpu.memref_squeeze %dma_wait3A_55 : memref<1x64xf32, #tpu.memory_space<vmem>> -> memref<64xf32, #tpu.memory_space<vmem>>
      %dma_wait3A_57 = arith.constant 0 : i32
      %dma_wait3A_58 = tpu.memref_slice %arg4[%dma_wait3A_47, %dma_wait3A_57] : memref<100000x64xf32, #tpu.memory_space<hbm>> -> memref<1x64xf32, #tpu.memory_space<hbm>>
      %dma_wait3A_59 = tpu.memref_squeeze %dma_wait3A_58 : memref<1x64xf32, #tpu.memory_space<hbm>> -> memref<64xf32, #tpu.memory_space<hbm>>
      tpu.wait_dma2 semaphore(%arg10 : memref<!tpu.dma_semaphore, #tpu.memory_space<semaphore_mem>>) src(%dma_wait3A_59 : memref<64xf32, #tpu.memory_space<hbm>>) dst(%dma_wait3A_56 : memref<64xf32, #tpu.memory_space<vmem>>)
    }
    %scan3A_29 = arith.constant 256 : i32
    %add3A_30 = arith.constant 256 : i32
    %add3A_31 = arith.addi %mul3A_2, %add3A_30 : i32
    "tpu.region"() ({
      %run_scoped3A = tpu.sem_alloc : memref<!tpu.dma_semaphore, #tpu.memory_space<semaphore_mem>>
      %dma_start3A = arith.constant 0 : i32
      %dma_start3A_34 = tpu.memref_slice %arg5[%add3A_31, %dma_start3A] : memref<16384x64xf32, #tpu.memory_space<hbm>> -> memref<256x64xf32, #tpu.memory_space<hbm>>
      %dma_start3A_35 = arith.constant 0 : i32
      %dma_start3A_36 = tpu.memref_slice %arg5[%add3A_31, %dma_start3A_35] : memref<16384x64xf32, #tpu.memory_space<hbm>> -> memref<256x64xf32, #tpu.memory_space<hbm>>
      tpu.enqueue_dma source(%arg8 : memref<256x64xf32, #tpu.memory_space<vmem>>) target(%dma_start3A_36 : memref<256x64xf32, #tpu.memory_space<hbm>>) target_semaphore(%run_scoped3A : memref<!tpu.dma_semaphore, #tpu.memory_space<semaphore_mem>>)
      %dma_wait3A = arith.constant 0 : i32
      %dma_wait3A_37 = tpu.memref_slice %arg5[%add3A_31, %dma_wait3A] : memref<16384x64xf32, #tpu.memory_space<hbm>> -> memref<256x64xf32, #tpu.memory_space<hbm>>
      %dma_wait3A_38 = arith.constant 0 : i32
      %dma_wait3A_39 = tpu.memref_slice %arg5[%add3A_31, %dma_wait3A_38] : memref<16384x64xf32, #tpu.memory_space<hbm>> -> memref<256x64xf32, #tpu.memory_space<hbm>>
      tpu.wait_dma2 semaphore(%run_scoped3A : memref<!tpu.dma_semaphore, #tpu.memory_space<semaphore_mem>>) src(%arg8 : memref<256x64xf32, #tpu.memory_space<vmem>>) dst(%dma_wait3A_39 : memref<256x64xf32, #tpu.memory_space<hbm>>)
      tpu.yield
    }) : () -> ()
    %add3A_32 = arith.constant 256 : i32
    %add3A_33 = arith.addi %mul3A_2, %add3A_32 : i32
    "tpu.region"() ({
      %run_scoped3A = tpu.sem_alloc : memref<!tpu.dma_semaphore, #tpu.memory_space<semaphore_mem>>
      %dma_start3A = arith.constant 0 : i32
      %dma_start3A_34 = tpu.memref_slice %arg6[%add3A_33, %dma_start3A] : memref<16384x64xf32, #tpu.memory_space<hbm>> -> memref<256x64xf32, #tpu.memory_space<hbm>>
      %dma_start3A_35 = arith.constant 0 : i32
      %dma_start3A_36 = tpu.memref_slice %arg6[%add3A_33, %dma_start3A_35] : memref<16384x64xf32, #tpu.memory_space<hbm>> -> memref<256x64xf32, #tpu.memory_space<hbm>>
      tpu.enqueue_dma source(%arg9 : memref<256x64xf32, #tpu.memory_space<vmem>>) target(%dma_start3A_36 : memref<256x64xf32, #tpu.memory_space<hbm>>) target_semaphore(%run_scoped3A : memref<!tpu.dma_semaphore, #tpu.memory_space<semaphore_mem>>)
      %dma_wait3A = arith.constant 0 : i32
      %dma_wait3A_37 = tpu.memref_slice %arg6[%add3A_33, %dma_wait3A] : memref<16384x64xf32, #tpu.memory_space<hbm>> -> memref<256x64xf32, #tpu.memory_space<hbm>>
      %dma_wait3A_38 = arith.constant 0 : i32
      %dma_wait3A_39 = tpu.memref_slice %arg6[%add3A_33, %dma_wait3A_38] : memref<16384x64xf32, #tpu.memory_space<hbm>> -> memref<256x64xf32, #tpu.memory_space<hbm>>
      tpu.wait_dma2 semaphore(%run_scoped3A : memref<!tpu.dma_semaphore, #tpu.memory_space<semaphore_mem>>) src(%arg9 : memref<256x64xf32, #tpu.memory_space<vmem>>) dst(%dma_wait3A_39 : memref<256x64xf32, #tpu.memory_space<hbm>>)
      tpu.yield
    }) : () -> ()
    return
  }
}

#map = affine_map<(d0, d1) -> (0, 0)>
module attributes {stable_mosaic.version = 14 : i64} {
  func.func @_sc_gather_pair(%arg0: i32, %arg1: i32, %arg2: memref<32x512xi32, #tpu.memory_space<hbm>>, %arg3: memref<1000000x64xf32, #tpu.memory_space<hbm>>, %arg4: memref<1000000x64xf32, #tpu.memory_space<hbm>>, %arg5: memref<16384x64xf32, #tpu.memory_space<hbm>>, %arg6: memref<16384x64xf32, #tpu.memory_space<hbm>>, %arg7: memref<512xi32, #tpu.memory_space<vmem>>, %arg8: memref<256x64xf32, #tpu.memory_space<vmem>>, %arg9: memref<256x64xf32, #tpu.memory_space<vmem>>, %arg10: memref<!tpu.dma_semaphore, #tpu.memory_space<semaphore_mem>>) attributes {dimension_semantics = [#tpu.dimension_semantics<core_parallel>, #tpu.dimension_semantics<subcore_parallel>], iteration_bounds = array<i64: 2, 16>, scalar_prefetch = 0 : i64, scratch_operands = 4 : i64, tpu.core_type = #tpu.core_type<sc_vector_subcore>, window_params = [{transform_indices = #map}, {transform_indices = #map}, {transform_indices = #map}, {transform_indices = #map}, {transform_indices = #map}]} {
    %mul3A = arith.constant 2 : i32
    %mul3A_0 = arith.muli %arg1, %mul3A : i32
    %add3A = arith.addi %mul3A_0, %arg0 : i32
    %mul3A_1 = arith.constant 512 : i32
    %mul3A_2 = arith.muli %add3A, %mul3A_1 : i32
    "tpu.region"() ({
      %run_scoped3A = tpu.sem_alloc : memref<!tpu.dma_semaphore, #tpu.memory_space<semaphore_mem>>
      %dma_start3A = arith.constant 0 : i32
      %dma_start3A_34 = tpu.memref_slice %arg2[%add3A, %dma_start3A] : memref<32x512xi32, #tpu.memory_space<hbm>> -> memref<1x512xi32, #tpu.memory_space<hbm>>
      %dma_start3A_35 = tpu.memref_squeeze %dma_start3A_34 : memref<1x512xi32, #tpu.memory_space<hbm>> -> memref<512xi32, #tpu.memory_space<hbm>>
      %dma_start3A_36 = arith.constant 0 : i32
      %dma_start3A_37 = tpu.memref_slice %arg2[%add3A, %dma_start3A_36] : memref<32x512xi32, #tpu.memory_space<hbm>> -> memref<1x512xi32, #tpu.memory_space<hbm>>
      %dma_start3A_38 = tpu.memref_squeeze %dma_start3A_37 : memref<1x512xi32, #tpu.memory_space<hbm>> -> memref<512xi32, #tpu.memory_space<hbm>>
      tpu.enqueue_dma source(%dma_start3A_38 : memref<512xi32, #tpu.memory_space<hbm>>) target(%arg7 : memref<512xi32, #tpu.memory_space<vmem>>) target_semaphore(%run_scoped3A : memref<!tpu.dma_semaphore, #tpu.memory_space<semaphore_mem>>)
      %dma_wait3A = arith.constant 0 : i32
      %dma_wait3A_39 = tpu.memref_slice %arg2[%add3A, %dma_wait3A] : memref<32x512xi32, #tpu.memory_space<hbm>> -> memref<1x512xi32, #tpu.memory_space<hbm>>
      %dma_wait3A_40 = tpu.memref_squeeze %dma_wait3A_39 : memref<1x512xi32, #tpu.memory_space<hbm>> -> memref<512xi32, #tpu.memory_space<hbm>>
      %dma_wait3A_41 = arith.constant 0 : i32
      %dma_wait3A_42 = tpu.memref_slice %arg2[%add3A, %dma_wait3A_41] : memref<32x512xi32, #tpu.memory_space<hbm>> -> memref<1x512xi32, #tpu.memory_space<hbm>>
      %dma_wait3A_43 = tpu.memref_squeeze %dma_wait3A_42 : memref<1x512xi32, #tpu.memory_space<hbm>> -> memref<512xi32, #tpu.memory_space<hbm>>
      tpu.wait_dma2 semaphore(%run_scoped3A : memref<!tpu.dma_semaphore, #tpu.memory_space<semaphore_mem>>) src(%dma_wait3A_43 : memref<512xi32, #tpu.memory_space<hbm>>) dst(%arg7 : memref<512xi32, #tpu.memory_space<vmem>>)
      tpu.yield
    }) : () -> ()
    %scan3A = arith.constant 0 : i32
    %scan3A_3 = arith.constant 0 : i32
    %scan3A_4 = arith.constant 16 : i32
    %scan3A_5 = arith.addi %scan3A_3, %scan3A_4 : i32
    %scan3A_6 = arith.constant 1 : i32
    scf.for %scan3A_34 = %scan3A_3 to %scan3A_5 step %scan3A_6  : i32 {
      %mul3A_35 = arith.constant 16 : i32
      %mul3A_36 = arith.muli %scan3A_34, %mul3A_35 : i32
      %add3A_37 = arith.constant 0 : i32
      %add3A_38 = arith.addi %add3A_37, %mul3A_36 : i32
      %get3A = arith.index_cast %add3A_38 : i32 to index
      %get3A_39 = tpu.vector_load %arg7[%get3A] {strides = array<i32>} : memref<512xi32, #tpu.memory_space<vmem>>, vector<16xi32>,
      %get3A_40 = vector.shape_cast %get3A_39 : vector<16xi32> to vector<16xi32>
      %slice3A = vector.extract_strided_slice %get3A_40 {offsets = [0], sizes = [1], strides = [1]} : vector<16xi32> to vector<1xi32>
      %squeeze3A = vector.extract %slice3A[0] : i32 from vector<1xi32>
      %mul3A_41 = arith.constant 16 : i32
      %mul3A_42 = arith.muli %scan3A_34, %mul3A_41 : i32
      %add3A_43 = arith.constant 0 : i32
      %add3A_44 = arith.addi %mul3A_42, %add3A_43 : i32
      %dma_start3A = arith.constant 0 : i32
      %dma_start3A_45 = tpu.memref_slice %arg8[%add3A_44, %dma_start3A] : memref<256x64xf32, #tpu.memory_space<vmem>> -> memref<1x64xf32, #tpu.memory_space<vmem>>
      %dma_start3A_46 = tpu.memref_squeeze %dma_start3A_45 : memref<1x64xf32, #tpu.memory_space<vmem>> -> memref<64xf32, #tpu.memory_space<vmem>>
      %dma_start3A_47 = arith.constant 0 : i32
      %dma_start3A_48 = tpu.memref_slice %arg3[%squeeze3A, %dma_start3A_47] : memref<1000000x64xf32, #tpu.memory_space<hbm>> -> memref<1x64xf32, #tpu.memory_space<hbm>>
      %dma_start3A_49 = tpu.memref_squeeze %dma_start3A_48 : memref<1x64xf32, #tpu.memory_space<hbm>> -> memref<64xf32, #tpu.memory_space<hbm>>
      %dma_start3A_50 = arith.constant 0 : i32
      %dma_start3A_51 = tpu.memref_slice %arg8[%add3A_44, %dma_start3A_50] : memref<256x64xf32, #tpu.memory_space<vmem>> -> memref<1x64xf32, #tpu.memory_space<vmem>>
      %dma_start3A_52 = tpu.memref_squeeze %dma_start3A_51 : memref<1x64xf32, #tpu.memory_space<vmem>> -> memref<64xf32, #tpu.memory_space<vmem>>
      %dma_start3A_53 = arith.constant 0 : i32
      %dma_start3A_54 = tpu.memref_slice %arg3[%squeeze3A, %dma_start3A_53] : memref<1000000x64xf32, #tpu.memory_space<hbm>> -> memref<1x64xf32, #tpu.memory_space<hbm>>
      %dma_start3A_55 = tpu.memref_squeeze %dma_start3A_54 : memref<1x64xf32, #tpu.memory_space<hbm>> -> memref<64xf32, #tpu.memory_space<hbm>>
      tpu.enqueue_dma source(%dma_start3A_55 : memref<64xf32, #tpu.memory_space<hbm>>) target(%dma_start3A_52 : memref<64xf32, #tpu.memory_space<vmem>>) target_semaphore(%arg10 : memref<!tpu.dma_semaphore, #tpu.memory_space<semaphore_mem>>)
      %dma_start3A_56 = arith.constant 0 : i32
      %dma_start3A_57 = tpu.memref_slice %arg9[%add3A_44, %dma_start3A_56] : memref<256x64xf32, #tpu.memory_space<vmem>> -> memref<1x64xf32, #tpu.memory_space<vmem>>
      %dma_start3A_58 = tpu.memref_squeeze %dma_start3A_57 : memref<1x64xf32, #tpu.memory_space<vmem>> -> memref<64xf32, #tpu.memory_space<vmem>>
      %dma_start3A_59 = arith.constant 0 : i32
      %dma_start3A_60 = tpu.memref_slice %arg4[%squeeze3A, %dma_start3A_59] : memref<1000000x64xf32, #tpu.memory_space<hbm>> -> memref<1x64xf32, #tpu.memory_space<hbm>>
      %dma_start3A_61 = tpu.memref_squeeze %dma_start3A_60 : memref<1x64xf32, #tpu.memory_space<hbm>> -> memref<64xf32, #tpu.memory_space<hbm>>
      %dma_start3A_62 = arith.constant 0 : i32
      %dma_start3A_63 = tpu.memref_slice %arg9[%add3A_44, %dma_start3A_62] : memref<256x64xf32, #tpu.memory_space<vmem>> -> memref<1x64xf32, #tpu.memory_space<vmem>>
      %dma_start3A_64 = tpu.memref_squeeze %dma_start3A_63 : memref<1x64xf32, #tpu.memory_space<vmem>> -> memref<64xf32, #tpu.memory_space<vmem>>
      %dma_start3A_65 = arith.constant 0 : i32
      %dma_start3A_66 = tpu.memref_slice %arg4[%squeeze3A, %dma_start3A_65] : memref<1000000x64xf32, #tpu.memory_space<hbm>> -> memref<1x64xf32, #tpu.memory_space<hbm>>
      %dma_start3A_67 = tpu.memref_squeeze %dma_start3A_66 : memref<1x64xf32, #tpu.memory_space<hbm>> -> memref<64xf32, #tpu.memory_space<hbm>>
      tpu.enqueue_dma source(%dma_start3A_67 : memref<64xf32, #tpu.memory_space<hbm>>) target(%dma_start3A_64 : memref<64xf32, #tpu.memory_space<vmem>>) target_semaphore(%arg10 : memref<!tpu.dma_semaphore, #tpu.memory_space<semaphore_mem>>)
      %slice3A_68 = vector.extract_strided_slice %get3A_40 {offsets = [1], sizes = [1], strides = [1]} : vector<16xi32> to vector<1xi32>
      %squeeze3A_69 = vector.extract %slice3A_68[0] : i32 from vector<1xi32>
      %mul3A_70 = arith.constant 16 : i32
      %mul3A_71 = arith.muli %scan3A_34, %mul3A_70 : i32
      %add3A_72 = arith.constant 1 : i32
      %add3A_73 = arith.addi %mul3A_71, %add3A_72 : i32
      %dma_start3A_74 = arith.constant 0 : i32
      %dma_start3A_75 = tpu.memref_slice %arg8[%add3A_73, %dma_start3A_74] : memref<256x64xf32, #tpu.memory_space<vmem>> -> memref<1x64xf32, #tpu.memory_space<vmem>>
      %dma_start3A_76 = tpu.memref_squeeze %dma_start3A_75 : memref<1x64xf32, #tpu.memory_space<vmem>> -> memref<64xf32, #tpu.memory_space<vmem>>
      %dma_start3A_77 = arith.constant 0 : i32
      %dma_start3A_78 = tpu.memref_slice %arg3[%squeeze3A_69, %dma_start3A_77] : memref<1000000x64xf32, #tpu.memory_space<hbm>> -> memref<1x64xf32, #tpu.memory_space<hbm>>
      %dma_start3A_79 = tpu.memref_squeeze %dma_start3A_78 : memref<1x64xf32, #tpu.memory_space<hbm>> -> memref<64xf32, #tpu.memory_space<hbm>>
      %dma_start3A_80 = arith.constant 0 : i32
      %dma_start3A_81 = tpu.memref_slice %arg8[%add3A_73, %dma_start3A_80] : memref<256x64xf32, #tpu.memory_space<vmem>> -> memref<1x64xf32, #tpu.memory_space<vmem>>
      %dma_start3A_82 = tpu.memref_squeeze %dma_start3A_81 : memref<1x64xf32, #tpu.memory_space<vmem>> -> memref<64xf32, #tpu.memory_space<vmem>>
      %dma_start3A_83 = arith.constant 0 : i32
      %dma_start3A_84 = tpu.memref_slice %arg3[%squeeze3A_69, %dma_start3A_83] : memref<1000000x64xf32, #tpu.memory_space<hbm>> -> memref<1x64xf32, #tpu.memory_space<hbm>>
      %dma_start3A_85 = tpu.memref_squeeze %dma_start3A_84 : memref<1x64xf32, #tpu.memory_space<hbm>> -> memref<64xf32, #tpu.memory_space<hbm>>
      tpu.enqueue_dma source(%dma_start3A_85 : memref<64xf32, #tpu.memory_space<hbm>>) target(%dma_start3A_82 : memref<64xf32, #tpu.memory_space<vmem>>) target_semaphore(%arg10 : memref<!tpu.dma_semaphore, #tpu.memory_space<semaphore_mem>>)
      %dma_start3A_86 = arith.constant 0 : i32
      %dma_start3A_87 = tpu.memref_slice %arg9[%add3A_73, %dma_start3A_86] : memref<256x64xf32, #tpu.memory_space<vmem>> -> memref<1x64xf32, #tpu.memory_space<vmem>>
      %dma_start3A_88 = tpu.memref_squeeze %dma_start3A_87 : memref<1x64xf32, #tpu.memory_space<vmem>> -> memref<64xf32, #tpu.memory_space<vmem>>
      %dma_start3A_89 = arith.constant 0 : i32
      %dma_start3A_90 = tpu.memref_slice %arg4[%squeeze3A_69, %dma_start3A_89] : memref<1000000x64xf32, #tpu.memory_space<hbm>> -> memref<1x64xf32, #tpu.memory_space<hbm>>
      %dma_start3A_91 = tpu.memref_squeeze %dma_start3A_90 : memref<1x64xf32, #tpu.memory_space<hbm>> -> memref<64xf32, #tpu.memory_space<hbm>>
      %dma_start3A_92 = arith.constant 0 : i32
      %dma_start3A_93 = tpu.memref_slice %arg9[%add3A_73, %dma_start3A_92] : memref<256x64xf32, #tpu.memory_space<vmem>> -> memref<1x64xf32, #tpu.memory_space<vmem>>
      %dma_start3A_94 = tpu.memref_squeeze %dma_start3A_93 : memref<1x64xf32, #tpu.memory_space<vmem>> -> memref<64xf32, #tpu.memory_space<vmem>>
      %dma_start3A_95 = arith.constant 0 : i32
      %dma_start3A_96 = tpu.memref_slice %arg4[%squeeze3A_69, %dma_start3A_95] : memref<1000000x64xf32, #tpu.memory_space<hbm>> -> memref<1x64xf32, #tpu.memory_space<hbm>>
      %dma_start3A_97 = tpu.memref_squeeze %dma_start3A_96 : memref<1x64xf32, #tpu.memory_space<hbm>> -> memref<64xf32, #tpu.memory_space<hbm>>
      tpu.enqueue_dma source(%dma_start3A_97 : memref<64xf32, #tpu.memory_space<hbm>>) target(%dma_start3A_94 : memref<64xf32, #tpu.memory_space<vmem>>) target_semaphore(%arg10 : memref<!tpu.dma_semaphore, #tpu.memory_space<semaphore_mem>>)
      %slice3A_98 = vector.extract_strided_slice %get3A_40 {offsets = [2], sizes = [1], strides = [1]} : vector<16xi32> to vector<1xi32>
      %squeeze3A_99 = vector.extract %slice3A_98[0] : i32 from vector<1xi32>
      %mul3A_100 = arith.constant 16 : i32
      %mul3A_101 = arith.muli %scan3A_34, %mul3A_100 : i32
      %add3A_102 = arith.constant 2 : i32
      %add3A_103 = arith.addi %mul3A_101, %add3A_102 : i32
      %dma_start3A_104 = arith.constant 0 : i32
      %dma_start3A_105 = tpu.memref_slice %arg8[%add3A_103, %dma_start3A_104] : memref<256x64xf32, #tpu.memory_space<vmem>> -> memref<1x64xf32, #tpu.memory_space<vmem>>
      %dma_start3A_106 = tpu.memref_squeeze %dma_start3A_105 : memref<1x64xf32, #tpu.memory_space<vmem>> -> memref<64xf32, #tpu.memory_space<vmem>>
      %dma_start3A_107 = arith.constant 0 : i32
      %dma_start3A_108 = tpu.memref_slice %arg3[%squeeze3A_99, %dma_start3A_107] : memref<1000000x64xf32, #tpu.memory_space<hbm>> -> memref<1x64xf32, #tpu.memory_space<hbm>>
      %dma_start3A_109 = tpu.memref_squeeze %dma_start3A_108 : memref<1x64xf32, #tpu.memory_space<hbm>> -> memref<64xf32, #tpu.memory_space<hbm>>
      %dma_start3A_110 = arith.constant 0 : i32
      %dma_start3A_111 = tpu.memref_slice %arg8[%add3A_103, %dma_start3A_110] : memref<256x64xf32, #tpu.memory_space<vmem>> -> memref<1x64xf32, #tpu.memory_space<vmem>>
      %dma_start3A_112 = tpu.memref_squeeze %dma_start3A_111 : memref<1x64xf32, #tpu.memory_space<vmem>> -> memref<64xf32, #tpu.memory_space<vmem>>
      %dma_start3A_113 = arith.constant 0 : i32
      %dma_start3A_114 = tpu.memref_slice %arg3[%squeeze3A_99, %dma_start3A_113] : memref<1000000x64xf32, #tpu.memory_space<hbm>> -> memref<1x64xf32, #tpu.memory_space<hbm>>
      %dma_start3A_115 = tpu.memref_squeeze %dma_start3A_114 : memref<1x64xf32, #tpu.memory_space<hbm>> -> memref<64xf32, #tpu.memory_space<hbm>>
      tpu.enqueue_dma source(%dma_start3A_115 : memref<64xf32, #tpu.memory_space<hbm>>) target(%dma_start3A_112 : memref<64xf32, #tpu.memory_space<vmem>>) target_semaphore(%arg10 : memref<!tpu.dma_semaphore, #tpu.memory_space<semaphore_mem>>)
      %dma_start3A_116 = arith.constant 0 : i32
      %dma_start3A_117 = tpu.memref_slice %arg9[%add3A_103, %dma_start3A_116] : memref<256x64xf32, #tpu.memory_space<vmem>> -> memref<1x64xf32, #tpu.memory_space<vmem>>
      %dma_start3A_118 = tpu.memref_squeeze %dma_start3A_117 : memref<1x64xf32, #tpu.memory_space<vmem>> -> memref<64xf32, #tpu.memory_space<vmem>>
      %dma_start3A_119 = arith.constant 0 : i32
      %dma_start3A_120 = tpu.memref_slice %arg4[%squeeze3A_99, %dma_start3A_119] : memref<1000000x64xf32, #tpu.memory_space<hbm>> -> memref<1x64xf32, #tpu.memory_space<hbm>>
      %dma_start3A_121 = tpu.memref_squeeze %dma_start3A_120 : memref<1x64xf32, #tpu.memory_space<hbm>> -> memref<64xf32, #tpu.memory_space<hbm>>
      %dma_start3A_122 = arith.constant 0 : i32
      %dma_start3A_123 = tpu.memref_slice %arg9[%add3A_103, %dma_start3A_122] : memref<256x64xf32, #tpu.memory_space<vmem>> -> memref<1x64xf32, #tpu.memory_space<vmem>>
      %dma_start3A_124 = tpu.memref_squeeze %dma_start3A_123 : memref<1x64xf32, #tpu.memory_space<vmem>> -> memref<64xf32, #tpu.memory_space<vmem>>
      %dma_start3A_125 = arith.constant 0 : i32
      %dma_start3A_126 = tpu.memref_slice %arg4[%squeeze3A_99, %dma_start3A_125] : memref<1000000x64xf32, #tpu.memory_space<hbm>> -> memref<1x64xf32, #tpu.memory_space<hbm>>
      %dma_start3A_127 = tpu.memref_squeeze %dma_start3A_126 : memref<1x64xf32, #tpu.memory_space<hbm>> -> memref<64xf32, #tpu.memory_space<hbm>>
      tpu.enqueue_dma source(%dma_start3A_127 : memref<64xf32, #tpu.memory_space<hbm>>) target(%dma_start3A_124 : memref<64xf32, #tpu.memory_space<vmem>>) target_semaphore(%arg10 : memref<!tpu.dma_semaphore, #tpu.memory_space<semaphore_mem>>)
      %slice3A_128 = vector.extract_strided_slice %get3A_40 {offsets = [3], sizes = [1], strides = [1]} : vector<16xi32> to vector<1xi32>
      %squeeze3A_129 = vector.extract %slice3A_128[0] : i32 from vector<1xi32>
      %mul3A_130 = arith.constant 16 : i32
      %mul3A_131 = arith.muli %scan3A_34, %mul3A_130 : i32
      %add3A_132 = arith.constant 3 : i32
      %add3A_133 = arith.addi %mul3A_131, %add3A_132 : i32
      %dma_start3A_134 = arith.constant 0 : i32
      %dma_start3A_135 = tpu.memref_slice %arg8[%add3A_133, %dma_start3A_134] : memref<256x64xf32, #tpu.memory_space<vmem>> -> memref<1x64xf32, #tpu.memory_space<vmem>>
      %dma_start3A_136 = tpu.memref_squeeze %dma_start3A_135 : memref<1x64xf32, #tpu.memory_space<vmem>> -> memref<64xf32, #tpu.memory_space<vmem>>
      %dma_start3A_137 = arith.constant 0 : i32
      %dma_start3A_138 = tpu.memref_slice %arg3[%squeeze3A_129, %dma_start3A_137] : memref<1000000x64xf32, #tpu.memory_space<hbm>> -> memref<1x64xf32, #tpu.memory_space<hbm>>
      %dma_start3A_139 = tpu.memref_squeeze %dma_start3A_138 : memref<1x64xf32, #tpu.memory_space<hbm>> -> memref<64xf32, #tpu.memory_space<hbm>>
      %dma_start3A_140 = arith.constant 0 : i32
      %dma_start3A_141 = tpu.memref_slice %arg8[%add3A_133, %dma_start3A_140] : memref<256x64xf32, #tpu.memory_space<vmem>> -> memref<1x64xf32, #tpu.memory_space<vmem>>
      %dma_start3A_142 = tpu.memref_squeeze %dma_start3A_141 : memref<1x64xf32, #tpu.memory_space<vmem>> -> memref<64xf32, #tpu.memory_space<vmem>>
      %dma_start3A_143 = arith.constant 0 : i32
      %dma_start3A_144 = tpu.memref_slice %arg3[%squeeze3A_129, %dma_start3A_143] : memref<1000000x64xf32, #tpu.memory_space<hbm>> -> memref<1x64xf32, #tpu.memory_space<hbm>>
      %dma_start3A_145 = tpu.memref_squeeze %dma_start3A_144 : memref<1x64xf32, #tpu.memory_space<hbm>> -> memref<64xf32, #tpu.memory_space<hbm>>
      tpu.enqueue_dma source(%dma_start3A_145 : memref<64xf32, #tpu.memory_space<hbm>>) target(%dma_start3A_142 : memref<64xf32, #tpu.memory_space<vmem>>) target_semaphore(%arg10 : memref<!tpu.dma_semaphore, #tpu.memory_space<semaphore_mem>>)
      %dma_start3A_146 = arith.constant 0 : i32
      %dma_start3A_147 = tpu.memref_slice %arg9[%add3A_133, %dma_start3A_146] : memref<256x64xf32, #tpu.memory_space<vmem>> -> memref<1x64xf32, #tpu.memory_space<vmem>>
      %dma_start3A_148 = tpu.memref_squeeze %dma_start3A_147 : memref<1x64xf32, #tpu.memory_space<vmem>> -> memref<64xf32, #tpu.memory_space<vmem>>
      %dma_start3A_149 = arith.constant 0 : i32
      %dma_start3A_150 = tpu.memref_slice %arg4[%squeeze3A_129, %dma_start3A_149] : memref<1000000x64xf32, #tpu.memory_space<hbm>> -> memref<1x64xf32, #tpu.memory_space<hbm>>
      %dma_start3A_151 = tpu.memref_squeeze %dma_start3A_150 : memref<1x64xf32, #tpu.memory_space<hbm>> -> memref<64xf32, #tpu.memory_space<hbm>>
      %dma_start3A_152 = arith.constant 0 : i32
      %dma_start3A_153 = tpu.memref_slice %arg9[%add3A_133, %dma_start3A_152] : memref<256x64xf32, #tpu.memory_space<vmem>> -> memref<1x64xf32, #tpu.memory_space<vmem>>
      %dma_start3A_154 = tpu.memref_squeeze %dma_start3A_153 : memref<1x64xf32, #tpu.memory_space<vmem>> -> memref<64xf32, #tpu.memory_space<vmem>>
      %dma_start3A_155 = arith.constant 0 : i32
      %dma_start3A_156 = tpu.memref_slice %arg4[%squeeze3A_129, %dma_start3A_155] : memref<1000000x64xf32, #tpu.memory_space<hbm>> -> memref<1x64xf32, #tpu.memory_space<hbm>>
      %dma_start3A_157 = tpu.memref_squeeze %dma_start3A_156 : memref<1x64xf32, #tpu.memory_space<hbm>> -> memref<64xf32, #tpu.memory_space<hbm>>
      tpu.enqueue_dma source(%dma_start3A_157 : memref<64xf32, #tpu.memory_space<hbm>>) target(%dma_start3A_154 : memref<64xf32, #tpu.memory_space<vmem>>) target_semaphore(%arg10 : memref<!tpu.dma_semaphore, #tpu.memory_space<semaphore_mem>>)
      %slice3A_158 = vector.extract_strided_slice %get3A_40 {offsets = [4], sizes = [1], strides = [1]} : vector<16xi32> to vector<1xi32>
      %squeeze3A_159 = vector.extract %slice3A_158[0] : i32 from vector<1xi32>
      %mul3A_160 = arith.constant 16 : i32
      %mul3A_161 = arith.muli %scan3A_34, %mul3A_160 : i32
      %add3A_162 = arith.constant 4 : i32
      %add3A_163 = arith.addi %mul3A_161, %add3A_162 : i32
      %dma_start3A_164 = arith.constant 0 : i32
      %dma_start3A_165 = tpu.memref_slice %arg8[%add3A_163, %dma_start3A_164] : memref<256x64xf32, #tpu.memory_space<vmem>> -> memref<1x64xf32, #tpu.memory_space<vmem>>
      %dma_start3A_166 = tpu.memref_squeeze %dma_start3A_165 : memref<1x64xf32, #tpu.memory_space<vmem>> -> memref<64xf32, #tpu.memory_space<vmem>>
      %dma_start3A_167 = arith.constant 0 : i32
      %dma_start3A_168 = tpu.memref_slice %arg3[%squeeze3A_159, %dma_start3A_167] : memref<1000000x64xf32, #tpu.memory_space<hbm>> -> memref<1x64xf32, #tpu.memory_space<hbm>>
      %dma_start3A_169 = tpu.memref_squeeze %dma_start3A_168 : memref<1x64xf32, #tpu.memory_space<hbm>> -> memref<64xf32, #tpu.memory_space<hbm>>
      %dma_start3A_170 = arith.constant 0 : i32
      %dma_start3A_171 = tpu.memref_slice %arg8[%add3A_163, %dma_start3A_170] : memref<256x64xf32, #tpu.memory_space<vmem>> -> memref<1x64xf32, #tpu.memory_space<vmem>>
      %dma_start3A_172 = tpu.memref_squeeze %dma_start3A_171 : memref<1x64xf32, #tpu.memory_space<vmem>> -> memref<64xf32, #tpu.memory_space<vmem>>
      %dma_start3A_173 = arith.constant 0 : i32
      %dma_start3A_174 = tpu.memref_slice %arg3[%squeeze3A_159, %dma_start3A_173] : memref<1000000x64xf32, #tpu.memory_space<hbm>> -> memref<1x64xf32, #tpu.memory_space<hbm>>
      %dma_start3A_175 = tpu.memref_squeeze %dma_start3A_174 : memref<1x64xf32, #tpu.memory_space<hbm>> -> memref<64xf32, #tpu.memory_space<hbm>>
      tpu.enqueue_dma source(%dma_start3A_175 : memref<64xf32, #tpu.memory_space<hbm>>) target(%dma_start3A_172 : memref<64xf32, #tpu.memory_space<vmem>>) target_semaphore(%arg10 : memref<!tpu.dma_semaphore, #tpu.memory_space<semaphore_mem>>)
      %dma_start3A_176 = arith.constant 0 : i32
      %dma_start3A_177 = tpu.memref_slice %arg9[%add3A_163, %dma_start3A_176] : memref<256x64xf32, #tpu.memory_space<vmem>> -> memref<1x64xf32, #tpu.memory_space<vmem>>
      %dma_start3A_178 = tpu.memref_squeeze %dma_start3A_177 : memref<1x64xf32, #tpu.memory_space<vmem>> -> memref<64xf32, #tpu.memory_space<vmem>>
      %dma_start3A_179 = arith.constant 0 : i32
      %dma_start3A_180 = tpu.memref_slice %arg4[%squeeze3A_159, %dma_start3A_179] : memref<1000000x64xf32, #tpu.memory_space<hbm>> -> memref<1x64xf32, #tpu.memory_space<hbm>>
      %dma_start3A_181 = tpu.memref_squeeze %dma_start3A_180 : memref<1x64xf32, #tpu.memory_space<hbm>> -> memref<64xf32, #tpu.memory_space<hbm>>
      %dma_start3A_182 = arith.constant 0 : i32
      %dma_start3A_183 = tpu.memref_slice %arg9[%add3A_163, %dma_start3A_182] : memref<256x64xf32, #tpu.memory_space<vmem>> -> memref<1x64xf32, #tpu.memory_space<vmem>>
      %dma_start3A_184 = tpu.memref_squeeze %dma_start3A_183 : memref<1x64xf32, #tpu.memory_space<vmem>> -> memref<64xf32, #tpu.memory_space<vmem>>
      %dma_start3A_185 = arith.constant 0 : i32
      %dma_start3A_186 = tpu.memref_slice %arg4[%squeeze3A_159, %dma_start3A_185] : memref<1000000x64xf32, #tpu.memory_space<hbm>> -> memref<1x64xf32, #tpu.memory_space<hbm>>
      %dma_start3A_187 = tpu.memref_squeeze %dma_start3A_186 : memref<1x64xf32, #tpu.memory_space<hbm>> -> memref<64xf32, #tpu.memory_space<hbm>>
      tpu.enqueue_dma source(%dma_start3A_187 : memref<64xf32, #tpu.memory_space<hbm>>) target(%dma_start3A_184 : memref<64xf32, #tpu.memory_space<vmem>>) target_semaphore(%arg10 : memref<!tpu.dma_semaphore, #tpu.memory_space<semaphore_mem>>)
      %slice3A_188 = vector.extract_strided_slice %get3A_40 {offsets = [5], sizes = [1], strides = [1]} : vector<16xi32> to vector<1xi32>
      %squeeze3A_189 = vector.extract %slice3A_188[0] : i32 from vector<1xi32>
      %mul3A_190 = arith.constant 16 : i32
      %mul3A_191 = arith.muli %scan3A_34, %mul3A_190 : i32
      %add3A_192 = arith.constant 5 : i32
      %add3A_193 = arith.addi %mul3A_191, %add3A_192 : i32
      %dma_start3A_194 = arith.constant 0 : i32
      %dma_start3A_195 = tpu.memref_slice %arg8[%add3A_193, %dma_start3A_194] : memref<256x64xf32, #tpu.memory_space<vmem>> -> memref<1x64xf32, #tpu.memory_space<vmem>>
      %dma_start3A_196 = tpu.memref_squeeze %dma_start3A_195 : memref<1x64xf32, #tpu.memory_space<vmem>> -> memref<64xf32, #tpu.memory_space<vmem>>
      %dma_start3A_197 = arith.constant 0 : i32
      %dma_start3A_198 = tpu.memref_slice %arg3[%squeeze3A_189, %dma_start3A_197] : memref<1000000x64xf32, #tpu.memory_space<hbm>> -> memref<1x64xf32, #tpu.memory_space<hbm>>
      %dma_start3A_199 = tpu.memref_squeeze %dma_start3A_198 : memref<1x64xf32, #tpu.memory_space<hbm>> -> memref<64xf32, #tpu.memory_space<hbm>>
      %dma_start3A_200 = arith.constant 0 : i32
      %dma_start3A_201 = tpu.memref_slice %arg8[%add3A_193, %dma_start3A_200] : memref<256x64xf32, #tpu.memory_space<vmem>> -> memref<1x64xf32, #tpu.memory_space<vmem>>
      %dma_start3A_202 = tpu.memref_squeeze %dma_start3A_201 : memref<1x64xf32, #tpu.memory_space<vmem>> -> memref<64xf32, #tpu.memory_space<vmem>>
      %dma_start3A_203 = arith.constant 0 : i32
      %dma_start3A_204 = tpu.memref_slice %arg3[%squeeze3A_189, %dma_start3A_203] : memref<1000000x64xf32, #tpu.memory_space<hbm>> -> memref<1x64xf32, #tpu.memory_space<hbm>>
      %dma_start3A_205 = tpu.memref_squeeze %dma_start3A_204 : memref<1x64xf32, #tpu.memory_space<hbm>> -> memref<64xf32, #tpu.memory_space<hbm>>
      tpu.enqueue_dma source(%dma_start3A_205 : memref<64xf32, #tpu.memory_space<hbm>>) target(%dma_start3A_202 : memref<64xf32, #tpu.memory_space<vmem>>) target_semaphore(%arg10 : memref<!tpu.dma_semaphore, #tpu.memory_space<semaphore_mem>>)
      %dma_start3A_206 = arith.constant 0 : i32
      %dma_start3A_207 = tpu.memref_slice %arg9[%add3A_193, %dma_start3A_206] : memref<256x64xf32, #tpu.memory_space<vmem>> -> memref<1x64xf32, #tpu.memory_space<vmem>>
      %dma_start3A_208 = tpu.memref_squeeze %dma_start3A_207 : memref<1x64xf32, #tpu.memory_space<vmem>> -> memref<64xf32, #tpu.memory_space<vmem>>
      %dma_start3A_209 = arith.constant 0 : i32
      %dma_start3A_210 = tpu.memref_slice %arg4[%squeeze3A_189, %dma_start3A_209] : memref<1000000x64xf32, #tpu.memory_space<hbm>> -> memref<1x64xf32, #tpu.memory_space<hbm>>
      %dma_start3A_211 = tpu.memref_squeeze %dma_start3A_210 : memref<1x64xf32, #tpu.memory_space<hbm>> -> memref<64xf32, #tpu.memory_space<hbm>>
      %dma_start3A_212 = arith.constant 0 : i32
      %dma_start3A_213 = tpu.memref_slice %arg9[%add3A_193, %dma_start3A_212] : memref<256x64xf32, #tpu.memory_space<vmem>> -> memref<1x64xf32, #tpu.memory_space<vmem>>
      %dma_start3A_214 = tpu.memref_squeeze %dma_start3A_213 : memref<1x64xf32, #tpu.memory_space<vmem>> -> memref<64xf32, #tpu.memory_space<vmem>>
      %dma_start3A_215 = arith.constant 0 : i32
      %dma_start3A_216 = tpu.memref_slice %arg4[%squeeze3A_189, %dma_start3A_215] : memref<1000000x64xf32, #tpu.memory_space<hbm>> -> memref<1x64xf32, #tpu.memory_space<hbm>>
      %dma_start3A_217 = tpu.memref_squeeze %dma_start3A_216 : memref<1x64xf32, #tpu.memory_space<hbm>> -> memref<64xf32, #tpu.memory_space<hbm>>
      tpu.enqueue_dma source(%dma_start3A_217 : memref<64xf32, #tpu.memory_space<hbm>>) target(%dma_start3A_214 : memref<64xf32, #tpu.memory_space<vmem>>) target_semaphore(%arg10 : memref<!tpu.dma_semaphore, #tpu.memory_space<semaphore_mem>>)
      %slice3A_218 = vector.extract_strided_slice %get3A_40 {offsets = [6], sizes = [1], strides = [1]} : vector<16xi32> to vector<1xi32>
      %squeeze3A_219 = vector.extract %slice3A_218[0] : i32 from vector<1xi32>
      %mul3A_220 = arith.constant 16 : i32
      %mul3A_221 = arith.muli %scan3A_34, %mul3A_220 : i32
      %add3A_222 = arith.constant 6 : i32
      %add3A_223 = arith.addi %mul3A_221, %add3A_222 : i32
      %dma_start3A_224 = arith.constant 0 : i32
      %dma_start3A_225 = tpu.memref_slice %arg8[%add3A_223, %dma_start3A_224] : memref<256x64xf32, #tpu.memory_space<vmem>> -> memref<1x64xf32, #tpu.memory_space<vmem>>
      %dma_start3A_226 = tpu.memref_squeeze %dma_start3A_225 : memref<1x64xf32, #tpu.memory_space<vmem>> -> memref<64xf32, #tpu.memory_space<vmem>>
      %dma_start3A_227 = arith.constant 0 : i32
      %dma_start3A_228 = tpu.memref_slice %arg3[%squeeze3A_219, %dma_start3A_227] : memref<1000000x64xf32, #tpu.memory_space<hbm>> -> memref<1x64xf32, #tpu.memory_space<hbm>>
      %dma_start3A_229 = tpu.memref_squeeze %dma_start3A_228 : memref<1x64xf32, #tpu.memory_space<hbm>> -> memref<64xf32, #tpu.memory_space<hbm>>
      %dma_start3A_230 = arith.constant 0 : i32
      %dma_start3A_231 = tpu.memref_slice %arg8[%add3A_223, %dma_start3A_230] : memref<256x64xf32, #tpu.memory_space<vmem>> -> memref<1x64xf32, #tpu.memory_space<vmem>>
      %dma_start3A_232 = tpu.memref_squeeze %dma_start3A_231 : memref<1x64xf32, #tpu.memory_space<vmem>> -> memref<64xf32, #tpu.memory_space<vmem>>
      %dma_start3A_233 = arith.constant 0 : i32
      %dma_start3A_234 = tpu.memref_slice %arg3[%squeeze3A_219, %dma_start3A_233] : memref<1000000x64xf32, #tpu.memory_space<hbm>> -> memref<1x64xf32, #tpu.memory_space<hbm>>
      %dma_start3A_235 = tpu.memref_squeeze %dma_start3A_234 : memref<1x64xf32, #tpu.memory_space<hbm>> -> memref<64xf32, #tpu.memory_space<hbm>>
      tpu.enqueue_dma source(%dma_start3A_235 : memref<64xf32, #tpu.memory_space<hbm>>) target(%dma_start3A_232 : memref<64xf32, #tpu.memory_space<vmem>>) target_semaphore(%arg10 : memref<!tpu.dma_semaphore, #tpu.memory_space<semaphore_mem>>)
      %dma_start3A_236 = arith.constant 0 : i32
      %dma_start3A_237 = tpu.memref_slice %arg9[%add3A_223, %dma_start3A_236] : memref<256x64xf32, #tpu.memory_space<vmem>> -> memref<1x64xf32, #tpu.memory_space<vmem>>
      %dma_start3A_238 = tpu.memref_squeeze %dma_start3A_237 : memref<1x64xf32, #tpu.memory_space<vmem>> -> memref<64xf32, #tpu.memory_space<vmem>>
      %dma_start3A_239 = arith.constant 0 : i32
      %dma_start3A_240 = tpu.memref_slice %arg4[%squeeze3A_219, %dma_start3A_239] : memref<1000000x64xf32, #tpu.memory_space<hbm>> -> memref<1x64xf32, #tpu.memory_space<hbm>>
      %dma_start3A_241 = tpu.memref_squeeze %dma_start3A_240 : memref<1x64xf32, #tpu.memory_space<hbm>> -> memref<64xf32, #tpu.memory_space<hbm>>
      %dma_start3A_242 = arith.constant 0 : i32
      %dma_start3A_243 = tpu.memref_slice %arg9[%add3A_223, %dma_start3A_242] : memref<256x64xf32, #tpu.memory_space<vmem>> -> memref<1x64xf32, #tpu.memory_space<vmem>>
      %dma_start3A_244 = tpu.memref_squeeze %dma_start3A_243 : memref<1x64xf32, #tpu.memory_space<vmem>> -> memref<64xf32, #tpu.memory_space<vmem>>
      %dma_start3A_245 = arith.constant 0 : i32
      %dma_start3A_246 = tpu.memref_slice %arg4[%squeeze3A_219, %dma_start3A_245] : memref<1000000x64xf32, #tpu.memory_space<hbm>> -> memref<1x64xf32, #tpu.memory_space<hbm>>
      %dma_start3A_247 = tpu.memref_squeeze %dma_start3A_246 : memref<1x64xf32, #tpu.memory_space<hbm>> -> memref<64xf32, #tpu.memory_space<hbm>>
      tpu.enqueue_dma source(%dma_start3A_247 : memref<64xf32, #tpu.memory_space<hbm>>) target(%dma_start3A_244 : memref<64xf32, #tpu.memory_space<vmem>>) target_semaphore(%arg10 : memref<!tpu.dma_semaphore, #tpu.memory_space<semaphore_mem>>)
      %slice3A_248 = vector.extract_strided_slice %get3A_40 {offsets = [7], sizes = [1], strides = [1]} : vector<16xi32> to vector<1xi32>
      %squeeze3A_249 = vector.extract %slice3A_248[0] : i32 from vector<1xi32>
      %mul3A_250 = arith.constant 16 : i32
      %mul3A_251 = arith.muli %scan3A_34, %mul3A_250 : i32
      %add3A_252 = arith.constant 7 : i32
      %add3A_253 = arith.addi %mul3A_251, %add3A_252 : i32
      %dma_start3A_254 = arith.constant 0 : i32
      %dma_start3A_255 = tpu.memref_slice %arg8[%add3A_253, %dma_start3A_254] : memref<256x64xf32, #tpu.memory_space<vmem>> -> memref<1x64xf32, #tpu.memory_space<vmem>>
      %dma_start3A_256 = tpu.memref_squeeze %dma_start3A_255 : memref<1x64xf32, #tpu.memory_space<vmem>> -> memref<64xf32, #tpu.memory_space<vmem>>
      %dma_start3A_257 = arith.constant 0 : i32
      %dma_start3A_258 = tpu.memref_slice %arg3[%squeeze3A_249, %dma_start3A_257] : memref<1000000x64xf32, #tpu.memory_space<hbm>> -> memref<1x64xf32, #tpu.memory_space<hbm>>
      %dma_start3A_259 = tpu.memref_squeeze %dma_start3A_258 : memref<1x64xf32, #tpu.memory_space<hbm>> -> memref<64xf32, #tpu.memory_space<hbm>>
      %dma_start3A_260 = arith.constant 0 : i32
      %dma_start3A_261 = tpu.memref_slice %arg8[%add3A_253, %dma_start3A_260] : memref<256x64xf32, #tpu.memory_space<vmem>> -> memref<1x64xf32, #tpu.memory_space<vmem>>
      %dma_start3A_262 = tpu.memref_squeeze %dma_start3A_261 : memref<1x64xf32, #tpu.memory_space<vmem>> -> memref<64xf32, #tpu.memory_space<vmem>>
      %dma_start3A_263 = arith.constant 0 : i32
      %dma_start3A_264 = tpu.memref_slice %arg3[%squeeze3A_249, %dma_start3A_263] : memref<1000000x64xf32, #tpu.memory_space<hbm>> -> memref<1x64xf32, #tpu.memory_space<hbm>>
      %dma_start3A_265 = tpu.memref_squeeze %dma_start3A_264 : memref<1x64xf32, #tpu.memory_space<hbm>> -> memref<64xf32, #tpu.memory_space<hbm>>
      tpu.enqueue_dma source(%dma_start3A_265 : memref<64xf32, #tpu.memory_space<hbm>>) target(%dma_start3A_262 : memref<64xf32, #tpu.memory_space<vmem>>) target_semaphore(%arg10 : memref<!tpu.dma_semaphore, #tpu.memory_space<semaphore_mem>>)
      %dma_start3A_266 = arith.constant 0 : i32
      %dma_start3A_267 = tpu.memref_slice %arg9[%add3A_253, %dma_start3A_266] : memref<256x64xf32, #tpu.memory_space<vmem>> -> memref<1x64xf32, #tpu.memory_space<vmem>>
      %dma_start3A_268 = tpu.memref_squeeze %dma_start3A_267 : memref<1x64xf32, #tpu.memory_space<vmem>> -> memref<64xf32, #tpu.memory_space<vmem>>
      %dma_start3A_269 = arith.constant 0 : i32
      %dma_start3A_270 = tpu.memref_slice %arg4[%squeeze3A_249, %dma_start3A_269] : memref<1000000x64xf32, #tpu.memory_space<hbm>> -> memref<1x64xf32, #tpu.memory_space<hbm>>
      %dma_start3A_271 = tpu.memref_squeeze %dma_start3A_270 : memref<1x64xf32, #tpu.memory_space<hbm>> -> memref<64xf32, #tpu.memory_space<hbm>>
      %dma_start3A_272 = arith.constant 0 : i32
      %dma_start3A_273 = tpu.memref_slice %arg9[%add3A_253, %dma_start3A_272] : memref<256x64xf32, #tpu.memory_space<vmem>> -> memref<1x64xf32, #tpu.memory_space<vmem>>
      %dma_start3A_274 = tpu.memref_squeeze %dma_start3A_273 : memref<1x64xf32, #tpu.memory_space<vmem>> -> memref<64xf32, #tpu.memory_space<vmem>>
      %dma_start3A_275 = arith.constant 0 : i32
      %dma_start3A_276 = tpu.memref_slice %arg4[%squeeze3A_249, %dma_start3A_275] : memref<1000000x64xf32, #tpu.memory_space<hbm>> -> memref<1x64xf32, #tpu.memory_space<hbm>>
      %dma_start3A_277 = tpu.memref_squeeze %dma_start3A_276 : memref<1x64xf32, #tpu.memory_space<hbm>> -> memref<64xf32, #tpu.memory_space<hbm>>
      tpu.enqueue_dma source(%dma_start3A_277 : memref<64xf32, #tpu.memory_space<hbm>>) target(%dma_start3A_274 : memref<64xf32, #tpu.memory_space<vmem>>) target_semaphore(%arg10 : memref<!tpu.dma_semaphore, #tpu.memory_space<semaphore_mem>>)
      %slice3A_278 = vector.extract_strided_slice %get3A_40 {offsets = [8], sizes = [1], strides = [1]} : vector<16xi32> to vector<1xi32>
      %squeeze3A_279 = vector.extract %slice3A_278[0] : i32 from vector<1xi32>
      %mul3A_280 = arith.constant 16 : i32
      %mul3A_281 = arith.muli %scan3A_34, %mul3A_280 : i32
      %add3A_282 = arith.constant 8 : i32
      %add3A_283 = arith.addi %mul3A_281, %add3A_282 : i32
      %dma_start3A_284 = arith.constant 0 : i32
      %dma_start3A_285 = tpu.memref_slice %arg8[%add3A_283, %dma_start3A_284] : memref<256x64xf32, #tpu.memory_space<vmem>> -> memref<1x64xf32, #tpu.memory_space<vmem>>
      %dma_start3A_286 = tpu.memref_squeeze %dma_start3A_285 : memref<1x64xf32, #tpu.memory_space<vmem>> -> memref<64xf32, #tpu.memory_space<vmem>>
      %dma_start3A_287 = arith.constant 0 : i32
      %dma_start3A_288 = tpu.memref_slice %arg3[%squeeze3A_279, %dma_start3A_287] : memref<1000000x64xf32, #tpu.memory_space<hbm>> -> memref<1x64xf32, #tpu.memory_space<hbm>>
      %dma_start3A_289 = tpu.memref_squeeze %dma_start3A_288 : memref<1x64xf32, #tpu.memory_space<hbm>> -> memref<64xf32, #tpu.memory_space<hbm>>
      %dma_start3A_290 = arith.constant 0 : i32
      %dma_start3A_291 = tpu.memref_slice %arg8[%add3A_283, %dma_start3A_290] : memref<256x64xf32, #tpu.memory_space<vmem>> -> memref<1x64xf32, #tpu.memory_space<vmem>>
      %dma_start3A_292 = tpu.memref_squeeze %dma_start3A_291 : memref<1x64xf32, #tpu.memory_space<vmem>> -> memref<64xf32, #tpu.memory_space<vmem>>
      %dma_start3A_293 = arith.constant 0 : i32
      %dma_start3A_294 = tpu.memref_slice %arg3[%squeeze3A_279, %dma_start3A_293] : memref<1000000x64xf32, #tpu.memory_space<hbm>> -> memref<1x64xf32, #tpu.memory_space<hbm>>
      %dma_start3A_295 = tpu.memref_squeeze %dma_start3A_294 : memref<1x64xf32, #tpu.memory_space<hbm>> -> memref<64xf32, #tpu.memory_space<hbm>>
      tpu.enqueue_dma source(%dma_start3A_295 : memref<64xf32, #tpu.memory_space<hbm>>) target(%dma_start3A_292 : memref<64xf32, #tpu.memory_space<vmem>>) target_semaphore(%arg10 : memref<!tpu.dma_semaphore, #tpu.memory_space<semaphore_mem>>)
      %dma_start3A_296 = arith.constant 0 : i32
      %dma_start3A_297 = tpu.memref_slice %arg9[%add3A_283, %dma_start3A_296] : memref<256x64xf32, #tpu.memory_space<vmem>> -> memref<1x64xf32, #tpu.memory_space<vmem>>
      %dma_start3A_298 = tpu.memref_squeeze %dma_start3A_297 : memref<1x64xf32, #tpu.memory_space<vmem>> -> memref<64xf32, #tpu.memory_space<vmem>>
      %dma_start3A_299 = arith.constant 0 : i32
      %dma_start3A_300 = tpu.memref_slice %arg4[%squeeze3A_279, %dma_start3A_299] : memref<1000000x64xf32, #tpu.memory_space<hbm>> -> memref<1x64xf32, #tpu.memory_space<hbm>>
      %dma_start3A_301 = tpu.memref_squeeze %dma_start3A_300 : memref<1x64xf32, #tpu.memory_space<hbm>> -> memref<64xf32, #tpu.memory_space<hbm>>
      %dma_start3A_302 = arith.constant 0 : i32
      %dma_start3A_303 = tpu.memref_slice %arg9[%add3A_283, %dma_start3A_302] : memref<256x64xf32, #tpu.memory_space<vmem>> -> memref<1x64xf32, #tpu.memory_space<vmem>>
      %dma_start3A_304 = tpu.memref_squeeze %dma_start3A_303 : memref<1x64xf32, #tpu.memory_space<vmem>> -> memref<64xf32, #tpu.memory_space<vmem>>
      %dma_start3A_305 = arith.constant 0 : i32
      %dma_start3A_306 = tpu.memref_slice %arg4[%squeeze3A_279, %dma_start3A_305] : memref<1000000x64xf32, #tpu.memory_space<hbm>> -> memref<1x64xf32, #tpu.memory_space<hbm>>
      %dma_start3A_307 = tpu.memref_squeeze %dma_start3A_306 : memref<1x64xf32, #tpu.memory_space<hbm>> -> memref<64xf32, #tpu.memory_space<hbm>>
      tpu.enqueue_dma source(%dma_start3A_307 : memref<64xf32, #tpu.memory_space<hbm>>) target(%dma_start3A_304 : memref<64xf32, #tpu.memory_space<vmem>>) target_semaphore(%arg10 : memref<!tpu.dma_semaphore, #tpu.memory_space<semaphore_mem>>)
      %slice3A_308 = vector.extract_strided_slice %get3A_40 {offsets = [9], sizes = [1], strides = [1]} : vector<16xi32> to vector<1xi32>
      %squeeze3A_309 = vector.extract %slice3A_308[0] : i32 from vector<1xi32>
      %mul3A_310 = arith.constant 16 : i32
      %mul3A_311 = arith.muli %scan3A_34, %mul3A_310 : i32
      %add3A_312 = arith.constant 9 : i32
      %add3A_313 = arith.addi %mul3A_311, %add3A_312 : i32
      %dma_start3A_314 = arith.constant 0 : i32
      %dma_start3A_315 = tpu.memref_slice %arg8[%add3A_313, %dma_start3A_314] : memref<256x64xf32, #tpu.memory_space<vmem>> -> memref<1x64xf32, #tpu.memory_space<vmem>>
      %dma_start3A_316 = tpu.memref_squeeze %dma_start3A_315 : memref<1x64xf32, #tpu.memory_space<vmem>> -> memref<64xf32, #tpu.memory_space<vmem>>
      %dma_start3A_317 = arith.constant 0 : i32
      %dma_start3A_318 = tpu.memref_slice %arg3[%squeeze3A_309, %dma_start3A_317] : memref<1000000x64xf32, #tpu.memory_space<hbm>> -> memref<1x64xf32, #tpu.memory_space<hbm>>
      %dma_start3A_319 = tpu.memref_squeeze %dma_start3A_318 : memref<1x64xf32, #tpu.memory_space<hbm>> -> memref<64xf32, #tpu.memory_space<hbm>>
      %dma_start3A_320 = arith.constant 0 : i32
      %dma_start3A_321 = tpu.memref_slice %arg8[%add3A_313, %dma_start3A_320] : memref<256x64xf32, #tpu.memory_space<vmem>> -> memref<1x64xf32, #tpu.memory_space<vmem>>
      %dma_start3A_322 = tpu.memref_squeeze %dma_start3A_321 : memref<1x64xf32, #tpu.memory_space<vmem>> -> memref<64xf32, #tpu.memory_space<vmem>>
      %dma_start3A_323 = arith.constant 0 : i32
      %dma_start3A_324 = tpu.memref_slice %arg3[%squeeze3A_309, %dma_start3A_323] : memref<1000000x64xf32, #tpu.memory_space<hbm>> -> memref<1x64xf32, #tpu.memory_space<hbm>>
      %dma_start3A_325 = tpu.memref_squeeze %dma_start3A_324 : memref<1x64xf32, #tpu.memory_space<hbm>> -> memref<64xf32, #tpu.memory_space<hbm>>
      tpu.enqueue_dma source(%dma_start3A_325 : memref<64xf32, #tpu.memory_space<hbm>>) target(%dma_start3A_322 : memref<64xf32, #tpu.memory_space<vmem>>) target_semaphore(%arg10 : memref<!tpu.dma_semaphore, #tpu.memory_space<semaphore_mem>>)
      %dma_start3A_326 = arith.constant 0 : i32
      %dma_start3A_327 = tpu.memref_slice %arg9[%add3A_313, %dma_start3A_326] : memref<256x64xf32, #tpu.memory_space<vmem>> -> memref<1x64xf32, #tpu.memory_space<vmem>>
      %dma_start3A_328 = tpu.memref_squeeze %dma_start3A_327 : memref<1x64xf32, #tpu.memory_space<vmem>> -> memref<64xf32, #tpu.memory_space<vmem>>
      %dma_start3A_329 = arith.constant 0 : i32
      %dma_start3A_330 = tpu.memref_slice %arg4[%squeeze3A_309, %dma_start3A_329] : memref<1000000x64xf32, #tpu.memory_space<hbm>> -> memref<1x64xf32, #tpu.memory_space<hbm>>
      %dma_start3A_331 = tpu.memref_squeeze %dma_start3A_330 : memref<1x64xf32, #tpu.memory_space<hbm>> -> memref<64xf32, #tpu.memory_space<hbm>>
      %dma_start3A_332 = arith.constant 0 : i32
      %dma_start3A_333 = tpu.memref_slice %arg9[%add3A_313, %dma_start3A_332] : memref<256x64xf32, #tpu.memory_space<vmem>> -> memref<1x64xf32, #tpu.memory_space<vmem>>
      %dma_start3A_334 = tpu.memref_squeeze %dma_start3A_333 : memref<1x64xf32, #tpu.memory_space<vmem>> -> memref<64xf32, #tpu.memory_space<vmem>>
      %dma_start3A_335 = arith.constant 0 : i32
      %dma_start3A_336 = tpu.memref_slice %arg4[%squeeze3A_309, %dma_start3A_335] : memref<1000000x64xf32, #tpu.memory_space<hbm>> -> memref<1x64xf32, #tpu.memory_space<hbm>>
      %dma_start3A_337 = tpu.memref_squeeze %dma_start3A_336 : memref<1x64xf32, #tpu.memory_space<hbm>> -> memref<64xf32, #tpu.memory_space<hbm>>
      tpu.enqueue_dma source(%dma_start3A_337 : memref<64xf32, #tpu.memory_space<hbm>>) target(%dma_start3A_334 : memref<64xf32, #tpu.memory_space<vmem>>) target_semaphore(%arg10 : memref<!tpu.dma_semaphore, #tpu.memory_space<semaphore_mem>>)
      %slice3A_338 = vector.extract_strided_slice %get3A_40 {offsets = [10], sizes = [1], strides = [1]} : vector<16xi32> to vector<1xi32>
      %squeeze3A_339 = vector.extract %slice3A_338[0] : i32 from vector<1xi32>
      %mul3A_340 = arith.constant 16 : i32
      %mul3A_341 = arith.muli %scan3A_34, %mul3A_340 : i32
      %add3A_342 = arith.constant 10 : i32
      %add3A_343 = arith.addi %mul3A_341, %add3A_342 : i32
      %dma_start3A_344 = arith.constant 0 : i32
      %dma_start3A_345 = tpu.memref_slice %arg8[%add3A_343, %dma_start3A_344] : memref<256x64xf32, #tpu.memory_space<vmem>> -> memref<1x64xf32, #tpu.memory_space<vmem>>
      %dma_start3A_346 = tpu.memref_squeeze %dma_start3A_345 : memref<1x64xf32, #tpu.memory_space<vmem>> -> memref<64xf32, #tpu.memory_space<vmem>>
      %dma_start3A_347 = arith.constant 0 : i32
      %dma_start3A_348 = tpu.memref_slice %arg3[%squeeze3A_339, %dma_start3A_347] : memref<1000000x64xf32, #tpu.memory_space<hbm>> -> memref<1x64xf32, #tpu.memory_space<hbm>>
      %dma_start3A_349 = tpu.memref_squeeze %dma_start3A_348 : memref<1x64xf32, #tpu.memory_space<hbm>> -> memref<64xf32, #tpu.memory_space<hbm>>
      %dma_start3A_350 = arith.constant 0 : i32
      %dma_start3A_351 = tpu.memref_slice %arg8[%add3A_343, %dma_start3A_350] : memref<256x64xf32, #tpu.memory_space<vmem>> -> memref<1x64xf32, #tpu.memory_space<vmem>>
      %dma_start3A_352 = tpu.memref_squeeze %dma_start3A_351 : memref<1x64xf32, #tpu.memory_space<vmem>> -> memref<64xf32, #tpu.memory_space<vmem>>
      %dma_start3A_353 = arith.constant 0 : i32
      %dma_start3A_354 = tpu.memref_slice %arg3[%squeeze3A_339, %dma_start3A_353] : memref<1000000x64xf32, #tpu.memory_space<hbm>> -> memref<1x64xf32, #tpu.memory_space<hbm>>
      %dma_start3A_355 = tpu.memref_squeeze %dma_start3A_354 : memref<1x64xf32, #tpu.memory_space<hbm>> -> memref<64xf32, #tpu.memory_space<hbm>>
      tpu.enqueue_dma source(%dma_start3A_355 : memref<64xf32, #tpu.memory_space<hbm>>) target(%dma_start3A_352 : memref<64xf32, #tpu.memory_space<vmem>>) target_semaphore(%arg10 : memref<!tpu.dma_semaphore, #tpu.memory_space<semaphore_mem>>)
      %dma_start3A_356 = arith.constant 0 : i32
      %dma_start3A_357 = tpu.memref_slice %arg9[%add3A_343, %dma_start3A_356] : memref<256x64xf32, #tpu.memory_space<vmem>> -> memref<1x64xf32, #tpu.memory_space<vmem>>
      %dma_start3A_358 = tpu.memref_squeeze %dma_start3A_357 : memref<1x64xf32, #tpu.memory_space<vmem>> -> memref<64xf32, #tpu.memory_space<vmem>>
      %dma_start3A_359 = arith.constant 0 : i32
      %dma_start3A_360 = tpu.memref_slice %arg4[%squeeze3A_339, %dma_start3A_359] : memref<1000000x64xf32, #tpu.memory_space<hbm>> -> memref<1x64xf32, #tpu.memory_space<hbm>>
      %dma_start3A_361 = tpu.memref_squeeze %dma_start3A_360 : memref<1x64xf32, #tpu.memory_space<hbm>> -> memref<64xf32, #tpu.memory_space<hbm>>
      %dma_start3A_362 = arith.constant 0 : i32
      %dma_start3A_363 = tpu.memref_slice %arg9[%add3A_343, %dma_start3A_362] : memref<256x64xf32, #tpu.memory_space<vmem>> -> memref<1x64xf32, #tpu.memory_space<vmem>>
      %dma_start3A_364 = tpu.memref_squeeze %dma_start3A_363 : memref<1x64xf32, #tpu.memory_space<vmem>> -> memref<64xf32, #tpu.memory_space<vmem>>
      %dma_start3A_365 = arith.constant 0 : i32
      %dma_start3A_366 = tpu.memref_slice %arg4[%squeeze3A_339, %dma_start3A_365] : memref<1000000x64xf32, #tpu.memory_space<hbm>> -> memref<1x64xf32, #tpu.memory_space<hbm>>
      %dma_start3A_367 = tpu.memref_squeeze %dma_start3A_366 : memref<1x64xf32, #tpu.memory_space<hbm>> -> memref<64xf32, #tpu.memory_space<hbm>>
      tpu.enqueue_dma source(%dma_start3A_367 : memref<64xf32, #tpu.memory_space<hbm>>) target(%dma_start3A_364 : memref<64xf32, #tpu.memory_space<vmem>>) target_semaphore(%arg10 : memref<!tpu.dma_semaphore, #tpu.memory_space<semaphore_mem>>)
      %slice3A_368 = vector.extract_strided_slice %get3A_40 {offsets = [11], sizes = [1], strides = [1]} : vector<16xi32> to vector<1xi32>
      %squeeze3A_369 = vector.extract %slice3A_368[0] : i32 from vector<1xi32>
      %mul3A_370 = arith.constant 16 : i32
      %mul3A_371 = arith.muli %scan3A_34, %mul3A_370 : i32
      %add3A_372 = arith.constant 11 : i32
      %add3A_373 = arith.addi %mul3A_371, %add3A_372 : i32
      %dma_start3A_374 = arith.constant 0 : i32
      %dma_start3A_375 = tpu.memref_slice %arg8[%add3A_373, %dma_start3A_374] : memref<256x64xf32, #tpu.memory_space<vmem>> -> memref<1x64xf32, #tpu.memory_space<vmem>>
      %dma_start3A_376 = tpu.memref_squeeze %dma_start3A_375 : memref<1x64xf32, #tpu.memory_space<vmem>> -> memref<64xf32, #tpu.memory_space<vmem>>
      %dma_start3A_377 = arith.constant 0 : i32
      %dma_start3A_378 = tpu.memref_slice %arg3[%squeeze3A_369, %dma_start3A_377] : memref<1000000x64xf32, #tpu.memory_space<hbm>> -> memref<1x64xf32, #tpu.memory_space<hbm>>
      %dma_start3A_379 = tpu.memref_squeeze %dma_start3A_378 : memref<1x64xf32, #tpu.memory_space<hbm>> -> memref<64xf32, #tpu.memory_space<hbm>>
      %dma_start3A_380 = arith.constant 0 : i32
      %dma_start3A_381 = tpu.memref_slice %arg8[%add3A_373, %dma_start3A_380] : memref<256x64xf32, #tpu.memory_space<vmem>> -> memref<1x64xf32, #tpu.memory_space<vmem>>
      %dma_start3A_382 = tpu.memref_squeeze %dma_start3A_381 : memref<1x64xf32, #tpu.memory_space<vmem>> -> memref<64xf32, #tpu.memory_space<vmem>>
      %dma_start3A_383 = arith.constant 0 : i32
      %dma_start3A_384 = tpu.memref_slice %arg3[%squeeze3A_369, %dma_start3A_383] : memref<1000000x64xf32, #tpu.memory_space<hbm>> -> memref<1x64xf32, #tpu.memory_space<hbm>>
      %dma_start3A_385 = tpu.memref_squeeze %dma_start3A_384 : memref<1x64xf32, #tpu.memory_space<hbm>> -> memref<64xf32, #tpu.memory_space<hbm>>
      tpu.enqueue_dma source(%dma_start3A_385 : memref<64xf32, #tpu.memory_space<hbm>>) target(%dma_start3A_382 : memref<64xf32, #tpu.memory_space<vmem>>) target_semaphore(%arg10 : memref<!tpu.dma_semaphore, #tpu.memory_space<semaphore_mem>>)
      %dma_start3A_386 = arith.constant 0 : i32
      %dma_start3A_387 = tpu.memref_slice %arg9[%add3A_373, %dma_start3A_386] : memref<256x64xf32, #tpu.memory_space<vmem>> -> memref<1x64xf32, #tpu.memory_space<vmem>>
      %dma_start3A_388 = tpu.memref_squeeze %dma_start3A_387 : memref<1x64xf32, #tpu.memory_space<vmem>> -> memref<64xf32, #tpu.memory_space<vmem>>
      %dma_start3A_389 = arith.constant 0 : i32
      %dma_start3A_390 = tpu.memref_slice %arg4[%squeeze3A_369, %dma_start3A_389] : memref<1000000x64xf32, #tpu.memory_space<hbm>> -> memref<1x64xf32, #tpu.memory_space<hbm>>
      %dma_start3A_391 = tpu.memref_squeeze %dma_start3A_390 : memref<1x64xf32, #tpu.memory_space<hbm>> -> memref<64xf32, #tpu.memory_space<hbm>>
      %dma_start3A_392 = arith.constant 0 : i32
      %dma_start3A_393 = tpu.memref_slice %arg9[%add3A_373, %dma_start3A_392] : memref<256x64xf32, #tpu.memory_space<vmem>> -> memref<1x64xf32, #tpu.memory_space<vmem>>
      %dma_start3A_394 = tpu.memref_squeeze %dma_start3A_393 : memref<1x64xf32, #tpu.memory_space<vmem>> -> memref<64xf32, #tpu.memory_space<vmem>>
      %dma_start3A_395 = arith.constant 0 : i32
      %dma_start3A_396 = tpu.memref_slice %arg4[%squeeze3A_369, %dma_start3A_395] : memref<1000000x64xf32, #tpu.memory_space<hbm>> -> memref<1x64xf32, #tpu.memory_space<hbm>>
      %dma_start3A_397 = tpu.memref_squeeze %dma_start3A_396 : memref<1x64xf32, #tpu.memory_space<hbm>> -> memref<64xf32, #tpu.memory_space<hbm>>
      tpu.enqueue_dma source(%dma_start3A_397 : memref<64xf32, #tpu.memory_space<hbm>>) target(%dma_start3A_394 : memref<64xf32, #tpu.memory_space<vmem>>) target_semaphore(%arg10 : memref<!tpu.dma_semaphore, #tpu.memory_space<semaphore_mem>>)
      %slice3A_398 = vector.extract_strided_slice %get3A_40 {offsets = [12], sizes = [1], strides = [1]} : vector<16xi32> to vector<1xi32>
      %squeeze3A_399 = vector.extract %slice3A_398[0] : i32 from vector<1xi32>
      %mul3A_400 = arith.constant 16 : i32
      %mul3A_401 = arith.muli %scan3A_34, %mul3A_400 : i32
      %add3A_402 = arith.constant 12 : i32
      %add3A_403 = arith.addi %mul3A_401, %add3A_402 : i32
      %dma_start3A_404 = arith.constant 0 : i32
      %dma_start3A_405 = tpu.memref_slice %arg8[%add3A_403, %dma_start3A_404] : memref<256x64xf32, #tpu.memory_space<vmem>> -> memref<1x64xf32, #tpu.memory_space<vmem>>
      %dma_start3A_406 = tpu.memref_squeeze %dma_start3A_405 : memref<1x64xf32, #tpu.memory_space<vmem>> -> memref<64xf32, #tpu.memory_space<vmem>>
      %dma_start3A_407 = arith.constant 0 : i32
      %dma_start3A_408 = tpu.memref_slice %arg3[%squeeze3A_399, %dma_start3A_407] : memref<1000000x64xf32, #tpu.memory_space<hbm>> -> memref<1x64xf32, #tpu.memory_space<hbm>>
      %dma_start3A_409 = tpu.memref_squeeze %dma_start3A_408 : memref<1x64xf32, #tpu.memory_space<hbm>> -> memref<64xf32, #tpu.memory_space<hbm>>
      %dma_start3A_410 = arith.constant 0 : i32
      %dma_start3A_411 = tpu.memref_slice %arg8[%add3A_403, %dma_start3A_410] : memref<256x64xf32, #tpu.memory_space<vmem>> -> memref<1x64xf32, #tpu.memory_space<vmem>>
      %dma_start3A_412 = tpu.memref_squeeze %dma_start3A_411 : memref<1x64xf32, #tpu.memory_space<vmem>> -> memref<64xf32, #tpu.memory_space<vmem>>
      %dma_start3A_413 = arith.constant 0 : i32
      %dma_start3A_414 = tpu.memref_slice %arg3[%squeeze3A_399, %dma_start3A_413] : memref<1000000x64xf32, #tpu.memory_space<hbm>> -> memref<1x64xf32, #tpu.memory_space<hbm>>
      %dma_start3A_415 = tpu.memref_squeeze %dma_start3A_414 : memref<1x64xf32, #tpu.memory_space<hbm>> -> memref<64xf32, #tpu.memory_space<hbm>>
      tpu.enqueue_dma source(%dma_start3A_415 : memref<64xf32, #tpu.memory_space<hbm>>) target(%dma_start3A_412 : memref<64xf32, #tpu.memory_space<vmem>>) target_semaphore(%arg10 : memref<!tpu.dma_semaphore, #tpu.memory_space<semaphore_mem>>)
      %dma_start3A_416 = arith.constant 0 : i32
      %dma_start3A_417 = tpu.memref_slice %arg9[%add3A_403, %dma_start3A_416] : memref<256x64xf32, #tpu.memory_space<vmem>> -> memref<1x64xf32, #tpu.memory_space<vmem>>
      %dma_start3A_418 = tpu.memref_squeeze %dma_start3A_417 : memref<1x64xf32, #tpu.memory_space<vmem>> -> memref<64xf32, #tpu.memory_space<vmem>>
      %dma_start3A_419 = arith.constant 0 : i32
      %dma_start3A_420 = tpu.memref_slice %arg4[%squeeze3A_399, %dma_start3A_419] : memref<1000000x64xf32, #tpu.memory_space<hbm>> -> memref<1x64xf32, #tpu.memory_space<hbm>>
      %dma_start3A_421 = tpu.memref_squeeze %dma_start3A_420 : memref<1x64xf32, #tpu.memory_space<hbm>> -> memref<64xf32, #tpu.memory_space<hbm>>
      %dma_start3A_422 = arith.constant 0 : i32
      %dma_start3A_423 = tpu.memref_slice %arg9[%add3A_403, %dma_start3A_422] : memref<256x64xf32, #tpu.memory_space<vmem>> -> memref<1x64xf32, #tpu.memory_space<vmem>>
      %dma_start3A_424 = tpu.memref_squeeze %dma_start3A_423 : memref<1x64xf32, #tpu.memory_space<vmem>> -> memref<64xf32, #tpu.memory_space<vmem>>
      %dma_start3A_425 = arith.constant 0 : i32
      %dma_start3A_426 = tpu.memref_slice %arg4[%squeeze3A_399, %dma_start3A_425] : memref<1000000x64xf32, #tpu.memory_space<hbm>> -> memref<1x64xf32, #tpu.memory_space<hbm>>
      %dma_start3A_427 = tpu.memref_squeeze %dma_start3A_426 : memref<1x64xf32, #tpu.memory_space<hbm>> -> memref<64xf32, #tpu.memory_space<hbm>>
      tpu.enqueue_dma source(%dma_start3A_427 : memref<64xf32, #tpu.memory_space<hbm>>) target(%dma_start3A_424 : memref<64xf32, #tpu.memory_space<vmem>>) target_semaphore(%arg10 : memref<!tpu.dma_semaphore, #tpu.memory_space<semaphore_mem>>)
      %slice3A_428 = vector.extract_strided_slice %get3A_40 {offsets = [13], sizes = [1], strides = [1]} : vector<16xi32> to vector<1xi32>
      %squeeze3A_429 = vector.extract %slice3A_428[0] : i32 from vector<1xi32>
      %mul3A_430 = arith.constant 16 : i32
      %mul3A_431 = arith.muli %scan3A_34, %mul3A_430 : i32
      %add3A_432 = arith.constant 13 : i32
      %add3A_433 = arith.addi %mul3A_431, %add3A_432 : i32
      %dma_start3A_434 = arith.constant 0 : i32
      %dma_start3A_435 = tpu.memref_slice %arg8[%add3A_433, %dma_start3A_434] : memref<256x64xf32, #tpu.memory_space<vmem>> -> memref<1x64xf32, #tpu.memory_space<vmem>>
      %dma_start3A_436 = tpu.memref_squeeze %dma_start3A_435 : memref<1x64xf32, #tpu.memory_space<vmem>> -> memref<64xf32, #tpu.memory_space<vmem>>
      %dma_start3A_437 = arith.constant 0 : i32
      %dma_start3A_438 = tpu.memref_slice %arg3[%squeeze3A_429, %dma_start3A_437] : memref<1000000x64xf32, #tpu.memory_space<hbm>> -> memref<1x64xf32, #tpu.memory_space<hbm>>
      %dma_start3A_439 = tpu.memref_squeeze %dma_start3A_438 : memref<1x64xf32, #tpu.memory_space<hbm>> -> memref<64xf32, #tpu.memory_space<hbm>>
      %dma_start3A_440 = arith.constant 0 : i32
      %dma_start3A_441 = tpu.memref_slice %arg8[%add3A_433, %dma_start3A_440] : memref<256x64xf32, #tpu.memory_space<vmem>> -> memref<1x64xf32, #tpu.memory_space<vmem>>
      %dma_start3A_442 = tpu.memref_squeeze %dma_start3A_441 : memref<1x64xf32, #tpu.memory_space<vmem>> -> memref<64xf32, #tpu.memory_space<vmem>>
      %dma_start3A_443 = arith.constant 0 : i32
      %dma_start3A_444 = tpu.memref_slice %arg3[%squeeze3A_429, %dma_start3A_443] : memref<1000000x64xf32, #tpu.memory_space<hbm>> -> memref<1x64xf32, #tpu.memory_space<hbm>>
      %dma_start3A_445 = tpu.memref_squeeze %dma_start3A_444 : memref<1x64xf32, #tpu.memory_space<hbm>> -> memref<64xf32, #tpu.memory_space<hbm>>
      tpu.enqueue_dma source(%dma_start3A_445 : memref<64xf32, #tpu.memory_space<hbm>>) target(%dma_start3A_442 : memref<64xf32, #tpu.memory_space<vmem>>) target_semaphore(%arg10 : memref<!tpu.dma_semaphore, #tpu.memory_space<semaphore_mem>>)
      %dma_start3A_446 = arith.constant 0 : i32
      %dma_start3A_447 = tpu.memref_slice %arg9[%add3A_433, %dma_start3A_446] : memref<256x64xf32, #tpu.memory_space<vmem>> -> memref<1x64xf32, #tpu.memory_space<vmem>>
      %dma_start3A_448 = tpu.memref_squeeze %dma_start3A_447 : memref<1x64xf32, #tpu.memory_space<vmem>> -> memref<64xf32, #tpu.memory_space<vmem>>
      %dma_start3A_449 = arith.constant 0 : i32
      %dma_start3A_450 = tpu.memref_slice %arg4[%squeeze3A_429, %dma_start3A_449] : memref<1000000x64xf32, #tpu.memory_space<hbm>> -> memref<1x64xf32, #tpu.memory_space<hbm>>
      %dma_start3A_451 = tpu.memref_squeeze %dma_start3A_450 : memref<1x64xf32, #tpu.memory_space<hbm>> -> memref<64xf32, #tpu.memory_space<hbm>>
      %dma_start3A_452 = arith.constant 0 : i32
      %dma_start3A_453 = tpu.memref_slice %arg9[%add3A_433, %dma_start3A_452] : memref<256x64xf32, #tpu.memory_space<vmem>> -> memref<1x64xf32, #tpu.memory_space<vmem>>
      %dma_start3A_454 = tpu.memref_squeeze %dma_start3A_453 : memref<1x64xf32, #tpu.memory_space<vmem>> -> memref<64xf32, #tpu.memory_space<vmem>>
      %dma_start3A_455 = arith.constant 0 : i32
      %dma_start3A_456 = tpu.memref_slice %arg4[%squeeze3A_429, %dma_start3A_455] : memref<1000000x64xf32, #tpu.memory_space<hbm>> -> memref<1x64xf32, #tpu.memory_space<hbm>>
      %dma_start3A_457 = tpu.memref_squeeze %dma_start3A_456 : memref<1x64xf32, #tpu.memory_space<hbm>> -> memref<64xf32, #tpu.memory_space<hbm>>
      tpu.enqueue_dma source(%dma_start3A_457 : memref<64xf32, #tpu.memory_space<hbm>>) target(%dma_start3A_454 : memref<64xf32, #tpu.memory_space<vmem>>) target_semaphore(%arg10 : memref<!tpu.dma_semaphore, #tpu.memory_space<semaphore_mem>>)
      %slice3A_458 = vector.extract_strided_slice %get3A_40 {offsets = [14], sizes = [1], strides = [1]} : vector<16xi32> to vector<1xi32>
      %squeeze3A_459 = vector.extract %slice3A_458[0] : i32 from vector<1xi32>
      %mul3A_460 = arith.constant 16 : i32
      %mul3A_461 = arith.muli %scan3A_34, %mul3A_460 : i32
      %add3A_462 = arith.constant 14 : i32
      %add3A_463 = arith.addi %mul3A_461, %add3A_462 : i32
      %dma_start3A_464 = arith.constant 0 : i32
      %dma_start3A_465 = tpu.memref_slice %arg8[%add3A_463, %dma_start3A_464] : memref<256x64xf32, #tpu.memory_space<vmem>> -> memref<1x64xf32, #tpu.memory_space<vmem>>
      %dma_start3A_466 = tpu.memref_squeeze %dma_start3A_465 : memref<1x64xf32, #tpu.memory_space<vmem>> -> memref<64xf32, #tpu.memory_space<vmem>>
      %dma_start3A_467 = arith.constant 0 : i32
      %dma_start3A_468 = tpu.memref_slice %arg3[%squeeze3A_459, %dma_start3A_467] : memref<1000000x64xf32, #tpu.memory_space<hbm>> -> memref<1x64xf32, #tpu.memory_space<hbm>>
      %dma_start3A_469 = tpu.memref_squeeze %dma_start3A_468 : memref<1x64xf32, #tpu.memory_space<hbm>> -> memref<64xf32, #tpu.memory_space<hbm>>
      %dma_start3A_470 = arith.constant 0 : i32
      %dma_start3A_471 = tpu.memref_slice %arg8[%add3A_463, %dma_start3A_470] : memref<256x64xf32, #tpu.memory_space<vmem>> -> memref<1x64xf32, #tpu.memory_space<vmem>>
      %dma_start3A_472 = tpu.memref_squeeze %dma_start3A_471 : memref<1x64xf32, #tpu.memory_space<vmem>> -> memref<64xf32, #tpu.memory_space<vmem>>
      %dma_start3A_473 = arith.constant 0 : i32
      %dma_start3A_474 = tpu.memref_slice %arg3[%squeeze3A_459, %dma_start3A_473] : memref<1000000x64xf32, #tpu.memory_space<hbm>> -> memref<1x64xf32, #tpu.memory_space<hbm>>
      %dma_start3A_475 = tpu.memref_squeeze %dma_start3A_474 : memref<1x64xf32, #tpu.memory_space<hbm>> -> memref<64xf32, #tpu.memory_space<hbm>>
      tpu.enqueue_dma source(%dma_start3A_475 : memref<64xf32, #tpu.memory_space<hbm>>) target(%dma_start3A_472 : memref<64xf32, #tpu.memory_space<vmem>>) target_semaphore(%arg10 : memref<!tpu.dma_semaphore, #tpu.memory_space<semaphore_mem>>)
      %dma_start3A_476 = arith.constant 0 : i32
      %dma_start3A_477 = tpu.memref_slice %arg9[%add3A_463, %dma_start3A_476] : memref<256x64xf32, #tpu.memory_space<vmem>> -> memref<1x64xf32, #tpu.memory_space<vmem>>
      %dma_start3A_478 = tpu.memref_squeeze %dma_start3A_477 : memref<1x64xf32, #tpu.memory_space<vmem>> -> memref<64xf32, #tpu.memory_space<vmem>>
      %dma_start3A_479 = arith.constant 0 : i32
      %dma_start3A_480 = tpu.memref_slice %arg4[%squeeze3A_459, %dma_start3A_479] : memref<1000000x64xf32, #tpu.memory_space<hbm>> -> memref<1x64xf32, #tpu.memory_space<hbm>>
      %dma_start3A_481 = tpu.memref_squeeze %dma_start3A_480 : memref<1x64xf32, #tpu.memory_space<hbm>> -> memref<64xf32, #tpu.memory_space<hbm>>
      %dma_start3A_482 = arith.constant 0 : i32
      %dma_start3A_483 = tpu.memref_slice %arg9[%add3A_463, %dma_start3A_482] : memref<256x64xf32, #tpu.memory_space<vmem>> -> memref<1x64xf32, #tpu.memory_space<vmem>>
      %dma_start3A_484 = tpu.memref_squeeze %dma_start3A_483 : memref<1x64xf32, #tpu.memory_space<vmem>> -> memref<64xf32, #tpu.memory_space<vmem>>
      %dma_start3A_485 = arith.constant 0 : i32
      %dma_start3A_486 = tpu.memref_slice %arg4[%squeeze3A_459, %dma_start3A_485] : memref<1000000x64xf32, #tpu.memory_space<hbm>> -> memref<1x64xf32, #tpu.memory_space<hbm>>
      %dma_start3A_487 = tpu.memref_squeeze %dma_start3A_486 : memref<1x64xf32, #tpu.memory_space<hbm>> -> memref<64xf32, #tpu.memory_space<hbm>>
      tpu.enqueue_dma source(%dma_start3A_487 : memref<64xf32, #tpu.memory_space<hbm>>) target(%dma_start3A_484 : memref<64xf32, #tpu.memory_space<vmem>>) target_semaphore(%arg10 : memref<!tpu.dma_semaphore, #tpu.memory_space<semaphore_mem>>)
      %slice3A_488 = vector.extract_strided_slice %get3A_40 {offsets = [15], sizes = [1], strides = [1]} : vector<16xi32> to vector<1xi32>
      %squeeze3A_489 = vector.extract %slice3A_488[0] : i32 from vector<1xi32>
      %mul3A_490 = arith.constant 16 : i32
      %mul3A_491 = arith.muli %scan3A_34, %mul3A_490 : i32
      %add3A_492 = arith.constant 15 : i32
      %add3A_493 = arith.addi %mul3A_491, %add3A_492 : i32
      %dma_start3A_494 = arith.constant 0 : i32
      %dma_start3A_495 = tpu.memref_slice %arg8[%add3A_493, %dma_start3A_494] : memref<256x64xf32, #tpu.memory_space<vmem>> -> memref<1x64xf32, #tpu.memory_space<vmem>>
      %dma_start3A_496 = tpu.memref_squeeze %dma_start3A_495 : memref<1x64xf32, #tpu.memory_space<vmem>> -> memref<64xf32, #tpu.memory_space<vmem>>
      %dma_start3A_497 = arith.constant 0 : i32
      %dma_start3A_498 = tpu.memref_slice %arg3[%squeeze3A_489, %dma_start3A_497] : memref<1000000x64xf32, #tpu.memory_space<hbm>> -> memref<1x64xf32, #tpu.memory_space<hbm>>
      %dma_start3A_499 = tpu.memref_squeeze %dma_start3A_498 : memref<1x64xf32, #tpu.memory_space<hbm>> -> memref<64xf32, #tpu.memory_space<hbm>>
      %dma_start3A_500 = arith.constant 0 : i32
      %dma_start3A_501 = tpu.memref_slice %arg8[%add3A_493, %dma_start3A_500] : memref<256x64xf32, #tpu.memory_space<vmem>> -> memref<1x64xf32, #tpu.memory_space<vmem>>
      %dma_start3A_502 = tpu.memref_squeeze %dma_start3A_501 : memref<1x64xf32, #tpu.memory_space<vmem>> -> memref<64xf32, #tpu.memory_space<vmem>>
      %dma_start3A_503 = arith.constant 0 : i32
      %dma_start3A_504 = tpu.memref_slice %arg3[%squeeze3A_489, %dma_start3A_503] : memref<1000000x64xf32, #tpu.memory_space<hbm>> -> memref<1x64xf32, #tpu.memory_space<hbm>>
      %dma_start3A_505 = tpu.memref_squeeze %dma_start3A_504 : memref<1x64xf32, #tpu.memory_space<hbm>> -> memref<64xf32, #tpu.memory_space<hbm>>
      tpu.enqueue_dma source(%dma_start3A_505 : memref<64xf32, #tpu.memory_space<hbm>>) target(%dma_start3A_502 : memref<64xf32, #tpu.memory_space<vmem>>) target_semaphore(%arg10 : memref<!tpu.dma_semaphore, #tpu.memory_space<semaphore_mem>>)
      %dma_start3A_506 = arith.constant 0 : i32
      %dma_start3A_507 = tpu.memref_slice %arg9[%add3A_493, %dma_start3A_506] : memref<256x64xf32, #tpu.memory_space<vmem>> -> memref<1x64xf32, #tpu.memory_space<vmem>>
      %dma_start3A_508 = tpu.memref_squeeze %dma_start3A_507 : memref<1x64xf32, #tpu.memory_space<vmem>> -> memref<64xf32, #tpu.memory_space<vmem>>
      %dma_start3A_509 = arith.constant 0 : i32
      %dma_start3A_510 = tpu.memref_slice %arg4[%squeeze3A_489, %dma_start3A_509] : memref<1000000x64xf32, #tpu.memory_space<hbm>> -> memref<1x64xf32, #tpu.memory_space<hbm>>
      %dma_start3A_511 = tpu.memref_squeeze %dma_start3A_510 : memref<1x64xf32, #tpu.memory_space<hbm>> -> memref<64xf32, #tpu.memory_space<hbm>>
      %dma_start3A_512 = arith.constant 0 : i32
      %dma_start3A_513 = tpu.memref_slice %arg9[%add3A_493, %dma_start3A_512] : memref<256x64xf32, #tpu.memory_space<vmem>> -> memref<1x64xf32, #tpu.memory_space<vmem>>
      %dma_start3A_514 = tpu.memref_squeeze %dma_start3A_513 : memref<1x64xf32, #tpu.memory_space<vmem>> -> memref<64xf32, #tpu.memory_space<vmem>>
      %dma_start3A_515 = arith.constant 0 : i32
      %dma_start3A_516 = tpu.memref_slice %arg4[%squeeze3A_489, %dma_start3A_515] : memref<1000000x64xf32, #tpu.memory_space<hbm>> -> memref<1x64xf32, #tpu.memory_space<hbm>>
      %dma_start3A_517 = tpu.memref_squeeze %dma_start3A_516 : memref<1x64xf32, #tpu.memory_space<hbm>> -> memref<64xf32, #tpu.memory_space<hbm>>
      tpu.enqueue_dma source(%dma_start3A_517 : memref<64xf32, #tpu.memory_space<hbm>>) target(%dma_start3A_514 : memref<64xf32, #tpu.memory_space<vmem>>) target_semaphore(%arg10 : memref<!tpu.dma_semaphore, #tpu.memory_space<semaphore_mem>>)
    }
    %scan3A_7 = arith.constant 16 : i32
    %scan3A_8 = arith.constant 0 : i32
    %scan3A_9 = arith.constant 0 : i32
    %scan3A_10 = arith.constant 256 : i32
    %scan3A_11 = arith.addi %scan3A_9, %scan3A_10 : i32
    %scan3A_12 = arith.constant 1 : i32
    scf.for %scan3A_34 = %scan3A_9 to %scan3A_11 step %scan3A_12  : i32 {
      %dma_wait3A = arith.constant 0 : i32
      %dma_wait3A_35 = arith.constant 0 : i32
      %dma_wait3A_36 = tpu.memref_slice %arg8[%scan3A_34, %dma_wait3A_35] : memref<256x64xf32, #tpu.memory_space<vmem>> -> memref<1x64xf32, #tpu.memory_space<vmem>>
      %dma_wait3A_37 = tpu.memref_squeeze %dma_wait3A_36 : memref<1x64xf32, #tpu.memory_space<vmem>> -> memref<64xf32, #tpu.memory_space<vmem>>
      %dma_wait3A_38 = arith.constant 0 : i32
      %dma_wait3A_39 = tpu.memref_slice %arg3[%dma_wait3A, %dma_wait3A_38] : memref<1000000x64xf32, #tpu.memory_space<hbm>> -> memref<1x64xf32, #tpu.memory_space<hbm>>
      %dma_wait3A_40 = tpu.memref_squeeze %dma_wait3A_39 : memref<1x64xf32, #tpu.memory_space<hbm>> -> memref<64xf32, #tpu.memory_space<hbm>>
      %dma_wait3A_41 = arith.constant 0 : i32
      %dma_wait3A_42 = tpu.memref_slice %arg8[%scan3A_34, %dma_wait3A_41] : memref<256x64xf32, #tpu.memory_space<vmem>> -> memref<1x64xf32, #tpu.memory_space<vmem>>
      %dma_wait3A_43 = tpu.memref_squeeze %dma_wait3A_42 : memref<1x64xf32, #tpu.memory_space<vmem>> -> memref<64xf32, #tpu.memory_space<vmem>>
      %dma_wait3A_44 = arith.constant 0 : i32
      %dma_wait3A_45 = tpu.memref_slice %arg3[%dma_wait3A, %dma_wait3A_44] : memref<1000000x64xf32, #tpu.memory_space<hbm>> -> memref<1x64xf32, #tpu.memory_space<hbm>>
      %dma_wait3A_46 = tpu.memref_squeeze %dma_wait3A_45 : memref<1x64xf32, #tpu.memory_space<hbm>> -> memref<64xf32, #tpu.memory_space<hbm>>
      tpu.wait_dma2 semaphore(%arg10 : memref<!tpu.dma_semaphore, #tpu.memory_space<semaphore_mem>>) src(%dma_wait3A_46 : memref<64xf32, #tpu.memory_space<hbm>>) dst(%dma_wait3A_43 : memref<64xf32, #tpu.memory_space<vmem>>)
      %dma_wait3A_47 = arith.constant 0 : i32
      %dma_wait3A_48 = arith.constant 0 : i32
      %dma_wait3A_49 = tpu.memref_slice %arg9[%scan3A_34, %dma_wait3A_48] : memref<256x64xf32, #tpu.memory_space<vmem>> -> memref<1x64xf32, #tpu.memory_space<vmem>>
      %dma_wait3A_50 = tpu.memref_squeeze %dma_wait3A_49 : memref<1x64xf32, #tpu.memory_space<vmem>> -> memref<64xf32, #tpu.memory_space<vmem>>
      %dma_wait3A_51 = arith.constant 0 : i32
      %dma_wait3A_52 = tpu.memref_slice %arg4[%dma_wait3A_47, %dma_wait3A_51] : memref<1000000x64xf32, #tpu.memory_space<hbm>> -> memref<1x64xf32, #tpu.memory_space<hbm>>
      %dma_wait3A_53 = tpu.memref_squeeze %dma_wait3A_52 : memref<1x64xf32, #tpu.memory_space<hbm>> -> memref<64xf32, #tpu.memory_space<hbm>>
      %dma_wait3A_54 = arith.constant 0 : i32
      %dma_wait3A_55 = tpu.memref_slice %arg9[%scan3A_34, %dma_wait3A_54] : memref<256x64xf32, #tpu.memory_space<vmem>> -> memref<1x64xf32, #tpu.memory_space<vmem>>
      %dma_wait3A_56 = tpu.memref_squeeze %dma_wait3A_55 : memref<1x64xf32, #tpu.memory_space<vmem>> -> memref<64xf32, #tpu.memory_space<vmem>>
      %dma_wait3A_57 = arith.constant 0 : i32
      %dma_wait3A_58 = tpu.memref_slice %arg4[%dma_wait3A_47, %dma_wait3A_57] : memref<1000000x64xf32, #tpu.memory_space<hbm>> -> memref<1x64xf32, #tpu.memory_space<hbm>>
      %dma_wait3A_59 = tpu.memref_squeeze %dma_wait3A_58 : memref<1x64xf32, #tpu.memory_space<hbm>> -> memref<64xf32, #tpu.memory_space<hbm>>
      tpu.wait_dma2 semaphore(%arg10 : memref<!tpu.dma_semaphore, #tpu.memory_space<semaphore_mem>>) src(%dma_wait3A_59 : memref<64xf32, #tpu.memory_space<hbm>>) dst(%dma_wait3A_56 : memref<64xf32, #tpu.memory_space<vmem>>)
    }
    %scan3A_13 = arith.constant 256 : i32
    %add3A_14 = arith.constant 0 : i32
    %add3A_15 = arith.addi %mul3A_2, %add3A_14 : i32
    "tpu.region"() ({
      %run_scoped3A = tpu.sem_alloc : memref<!tpu.dma_semaphore, #tpu.memory_space<semaphore_mem>>
      %dma_start3A = arith.constant 0 : i32
      %dma_start3A_34 = tpu.memref_slice %arg5[%add3A_15, %dma_start3A] : memref<16384x64xf32, #tpu.memory_space<hbm>> -> memref<256x64xf32, #tpu.memory_space<hbm>>
      %dma_start3A_35 = arith.constant 0 : i32
      %dma_start3A_36 = tpu.memref_slice %arg5[%add3A_15, %dma_start3A_35] : memref<16384x64xf32, #tpu.memory_space<hbm>> -> memref<256x64xf32, #tpu.memory_space<hbm>>
      tpu.enqueue_dma source(%arg8 : memref<256x64xf32, #tpu.memory_space<vmem>>) target(%dma_start3A_36 : memref<256x64xf32, #tpu.memory_space<hbm>>) target_semaphore(%run_scoped3A : memref<!tpu.dma_semaphore, #tpu.memory_space<semaphore_mem>>)
      %dma_wait3A = arith.constant 0 : i32
      %dma_wait3A_37 = tpu.memref_slice %arg5[%add3A_15, %dma_wait3A] : memref<16384x64xf32, #tpu.memory_space<hbm>> -> memref<256x64xf32, #tpu.memory_space<hbm>>
      %dma_wait3A_38 = arith.constant 0 : i32
      %dma_wait3A_39 = tpu.memref_slice %arg5[%add3A_15, %dma_wait3A_38] : memref<16384x64xf32, #tpu.memory_space<hbm>> -> memref<256x64xf32, #tpu.memory_space<hbm>>
      tpu.wait_dma2 semaphore(%run_scoped3A : memref<!tpu.dma_semaphore, #tpu.memory_space<semaphore_mem>>) src(%arg8 : memref<256x64xf32, #tpu.memory_space<vmem>>) dst(%dma_wait3A_39 : memref<256x64xf32, #tpu.memory_space<hbm>>)
      tpu.yield
    }) : () -> ()
    %add3A_16 = arith.constant 0 : i32
    %add3A_17 = arith.addi %mul3A_2, %add3A_16 : i32
    "tpu.region"() ({
      %run_scoped3A = tpu.sem_alloc : memref<!tpu.dma_semaphore, #tpu.memory_space<semaphore_mem>>
      %dma_start3A = arith.constant 0 : i32
      %dma_start3A_34 = tpu.memref_slice %arg6[%add3A_17, %dma_start3A] : memref<16384x64xf32, #tpu.memory_space<hbm>> -> memref<256x64xf32, #tpu.memory_space<hbm>>
      %dma_start3A_35 = arith.constant 0 : i32
      %dma_start3A_36 = tpu.memref_slice %arg6[%add3A_17, %dma_start3A_35] : memref<16384x64xf32, #tpu.memory_space<hbm>> -> memref<256x64xf32, #tpu.memory_space<hbm>>
      tpu.enqueue_dma source(%arg9 : memref<256x64xf32, #tpu.memory_space<vmem>>) target(%dma_start3A_36 : memref<256x64xf32, #tpu.memory_space<hbm>>) target_semaphore(%run_scoped3A : memref<!tpu.dma_semaphore, #tpu.memory_space<semaphore_mem>>)
      %dma_wait3A = arith.constant 0 : i32
      %dma_wait3A_37 = tpu.memref_slice %arg6[%add3A_17, %dma_wait3A] : memref<16384x64xf32, #tpu.memory_space<hbm>> -> memref<256x64xf32, #tpu.memory_space<hbm>>
      %dma_wait3A_38 = arith.constant 0 : i32
      %dma_wait3A_39 = tpu.memref_slice %arg6[%add3A_17, %dma_wait3A_38] : memref<16384x64xf32, #tpu.memory_space<hbm>> -> memref<256x64xf32, #tpu.memory_space<hbm>>
      tpu.wait_dma2 semaphore(%run_scoped3A : memref<!tpu.dma_semaphore, #tpu.memory_space<semaphore_mem>>) src(%arg9 : memref<256x64xf32, #tpu.memory_space<vmem>>) dst(%dma_wait3A_39 : memref<256x64xf32, #tpu.memory_space<hbm>>)
      tpu.yield
    }) : () -> ()
    %scan3A_18 = arith.constant 0 : i32
    %scan3A_19 = arith.constant 0 : i32
    %scan3A_20 = arith.constant 16 : i32
    %scan3A_21 = arith.addi %scan3A_19, %scan3A_20 : i32
    %scan3A_22 = arith.constant 1 : i32
    scf.for %scan3A_34 = %scan3A_19 to %scan3A_21 step %scan3A_22  : i32 {
      %mul3A_35 = arith.constant 16 : i32
      %mul3A_36 = arith.muli %scan3A_34, %mul3A_35 : i32
      %add3A_37 = arith.constant 256 : i32
      %add3A_38 = arith.addi %add3A_37, %mul3A_36 : i32
      %get3A = arith.index_cast %add3A_38 : i32 to index
      %get3A_39 = tpu.vector_load %arg7[%get3A] {strides = array<i32>} : memref<512xi32, #tpu.memory_space<vmem>>, vector<16xi32>,
      %get3A_40 = vector.shape_cast %get3A_39 : vector<16xi32> to vector<16xi32>
      %slice3A = vector.extract_strided_slice %get3A_40 {offsets = [0], sizes = [1], strides = [1]} : vector<16xi32> to vector<1xi32>
      %squeeze3A = vector.extract %slice3A[0] : i32 from vector<1xi32>
      %mul3A_41 = arith.constant 16 : i32
      %mul3A_42 = arith.muli %scan3A_34, %mul3A_41 : i32
      %add3A_43 = arith.constant 0 : i32
      %add3A_44 = arith.addi %mul3A_42, %add3A_43 : i32
      %dma_start3A = arith.constant 0 : i32
      %dma_start3A_45 = tpu.memref_slice %arg8[%add3A_44, %dma_start3A] : memref<256x64xf32, #tpu.memory_space<vmem>> -> memref<1x64xf32, #tpu.memory_space<vmem>>
      %dma_start3A_46 = tpu.memref_squeeze %dma_start3A_45 : memref<1x64xf32, #tpu.memory_space<vmem>> -> memref<64xf32, #tpu.memory_space<vmem>>
      %dma_start3A_47 = arith.constant 0 : i32
      %dma_start3A_48 = tpu.memref_slice %arg3[%squeeze3A, %dma_start3A_47] : memref<1000000x64xf32, #tpu.memory_space<hbm>> -> memref<1x64xf32, #tpu.memory_space<hbm>>
      %dma_start3A_49 = tpu.memref_squeeze %dma_start3A_48 : memref<1x64xf32, #tpu.memory_space<hbm>> -> memref<64xf32, #tpu.memory_space<hbm>>
      %dma_start3A_50 = arith.constant 0 : i32
      %dma_start3A_51 = tpu.memref_slice %arg8[%add3A_44, %dma_start3A_50] : memref<256x64xf32, #tpu.memory_space<vmem>> -> memref<1x64xf32, #tpu.memory_space<vmem>>
      %dma_start3A_52 = tpu.memref_squeeze %dma_start3A_51 : memref<1x64xf32, #tpu.memory_space<vmem>> -> memref<64xf32, #tpu.memory_space<vmem>>
      %dma_start3A_53 = arith.constant 0 : i32
      %dma_start3A_54 = tpu.memref_slice %arg3[%squeeze3A, %dma_start3A_53] : memref<1000000x64xf32, #tpu.memory_space<hbm>> -> memref<1x64xf32, #tpu.memory_space<hbm>>
      %dma_start3A_55 = tpu.memref_squeeze %dma_start3A_54 : memref<1x64xf32, #tpu.memory_space<hbm>> -> memref<64xf32, #tpu.memory_space<hbm>>
      tpu.enqueue_dma source(%dma_start3A_55 : memref<64xf32, #tpu.memory_space<hbm>>) target(%dma_start3A_52 : memref<64xf32, #tpu.memory_space<vmem>>) target_semaphore(%arg10 : memref<!tpu.dma_semaphore, #tpu.memory_space<semaphore_mem>>)
      %dma_start3A_56 = arith.constant 0 : i32
      %dma_start3A_57 = tpu.memref_slice %arg9[%add3A_44, %dma_start3A_56] : memref<256x64xf32, #tpu.memory_space<vmem>> -> memref<1x64xf32, #tpu.memory_space<vmem>>
      %dma_start3A_58 = tpu.memref_squeeze %dma_start3A_57 : memref<1x64xf32, #tpu.memory_space<vmem>> -> memref<64xf32, #tpu.memory_space<vmem>>
      %dma_start3A_59 = arith.constant 0 : i32
      %dma_start3A_60 = tpu.memref_slice %arg4[%squeeze3A, %dma_start3A_59] : memref<1000000x64xf32, #tpu.memory_space<hbm>> -> memref<1x64xf32, #tpu.memory_space<hbm>>
      %dma_start3A_61 = tpu.memref_squeeze %dma_start3A_60 : memref<1x64xf32, #tpu.memory_space<hbm>> -> memref<64xf32, #tpu.memory_space<hbm>>
      %dma_start3A_62 = arith.constant 0 : i32
      %dma_start3A_63 = tpu.memref_slice %arg9[%add3A_44, %dma_start3A_62] : memref<256x64xf32, #tpu.memory_space<vmem>> -> memref<1x64xf32, #tpu.memory_space<vmem>>
      %dma_start3A_64 = tpu.memref_squeeze %dma_start3A_63 : memref<1x64xf32, #tpu.memory_space<vmem>> -> memref<64xf32, #tpu.memory_space<vmem>>
      %dma_start3A_65 = arith.constant 0 : i32
      %dma_start3A_66 = tpu.memref_slice %arg4[%squeeze3A, %dma_start3A_65] : memref<1000000x64xf32, #tpu.memory_space<hbm>> -> memref<1x64xf32, #tpu.memory_space<hbm>>
      %dma_start3A_67 = tpu.memref_squeeze %dma_start3A_66 : memref<1x64xf32, #tpu.memory_space<hbm>> -> memref<64xf32, #tpu.memory_space<hbm>>
      tpu.enqueue_dma source(%dma_start3A_67 : memref<64xf32, #tpu.memory_space<hbm>>) target(%dma_start3A_64 : memref<64xf32, #tpu.memory_space<vmem>>) target_semaphore(%arg10 : memref<!tpu.dma_semaphore, #tpu.memory_space<semaphore_mem>>)
      %slice3A_68 = vector.extract_strided_slice %get3A_40 {offsets = [1], sizes = [1], strides = [1]} : vector<16xi32> to vector<1xi32>
      %squeeze3A_69 = vector.extract %slice3A_68[0] : i32 from vector<1xi32>
      %mul3A_70 = arith.constant 16 : i32
      %mul3A_71 = arith.muli %scan3A_34, %mul3A_70 : i32
      %add3A_72 = arith.constant 1 : i32
      %add3A_73 = arith.addi %mul3A_71, %add3A_72 : i32
      %dma_start3A_74 = arith.constant 0 : i32
      %dma_start3A_75 = tpu.memref_slice %arg8[%add3A_73, %dma_start3A_74] : memref<256x64xf32, #tpu.memory_space<vmem>> -> memref<1x64xf32, #tpu.memory_space<vmem>>
      %dma_start3A_76 = tpu.memref_squeeze %dma_start3A_75 : memref<1x64xf32, #tpu.memory_space<vmem>> -> memref<64xf32, #tpu.memory_space<vmem>>
      %dma_start3A_77 = arith.constant 0 : i32
      %dma_start3A_78 = tpu.memref_slice %arg3[%squeeze3A_69, %dma_start3A_77] : memref<1000000x64xf32, #tpu.memory_space<hbm>> -> memref<1x64xf32, #tpu.memory_space<hbm>>
      %dma_start3A_79 = tpu.memref_squeeze %dma_start3A_78 : memref<1x64xf32, #tpu.memory_space<hbm>> -> memref<64xf32, #tpu.memory_space<hbm>>
      %dma_start3A_80 = arith.constant 0 : i32
      %dma_start3A_81 = tpu.memref_slice %arg8[%add3A_73, %dma_start3A_80] : memref<256x64xf32, #tpu.memory_space<vmem>> -> memref<1x64xf32, #tpu.memory_space<vmem>>
      %dma_start3A_82 = tpu.memref_squeeze %dma_start3A_81 : memref<1x64xf32, #tpu.memory_space<vmem>> -> memref<64xf32, #tpu.memory_space<vmem>>
      %dma_start3A_83 = arith.constant 0 : i32
      %dma_start3A_84 = tpu.memref_slice %arg3[%squeeze3A_69, %dma_start3A_83] : memref<1000000x64xf32, #tpu.memory_space<hbm>> -> memref<1x64xf32, #tpu.memory_space<hbm>>
      %dma_start3A_85 = tpu.memref_squeeze %dma_start3A_84 : memref<1x64xf32, #tpu.memory_space<hbm>> -> memref<64xf32, #tpu.memory_space<hbm>>
      tpu.enqueue_dma source(%dma_start3A_85 : memref<64xf32, #tpu.memory_space<hbm>>) target(%dma_start3A_82 : memref<64xf32, #tpu.memory_space<vmem>>) target_semaphore(%arg10 : memref<!tpu.dma_semaphore, #tpu.memory_space<semaphore_mem>>)
      %dma_start3A_86 = arith.constant 0 : i32
      %dma_start3A_87 = tpu.memref_slice %arg9[%add3A_73, %dma_start3A_86] : memref<256x64xf32, #tpu.memory_space<vmem>> -> memref<1x64xf32, #tpu.memory_space<vmem>>
      %dma_start3A_88 = tpu.memref_squeeze %dma_start3A_87 : memref<1x64xf32, #tpu.memory_space<vmem>> -> memref<64xf32, #tpu.memory_space<vmem>>
      %dma_start3A_89 = arith.constant 0 : i32
      %dma_start3A_90 = tpu.memref_slice %arg4[%squeeze3A_69, %dma_start3A_89] : memref<1000000x64xf32, #tpu.memory_space<hbm>> -> memref<1x64xf32, #tpu.memory_space<hbm>>
      %dma_start3A_91 = tpu.memref_squeeze %dma_start3A_90 : memref<1x64xf32, #tpu.memory_space<hbm>> -> memref<64xf32, #tpu.memory_space<hbm>>
      %dma_start3A_92 = arith.constant 0 : i32
      %dma_start3A_93 = tpu.memref_slice %arg9[%add3A_73, %dma_start3A_92] : memref<256x64xf32, #tpu.memory_space<vmem>> -> memref<1x64xf32, #tpu.memory_space<vmem>>
      %dma_start3A_94 = tpu.memref_squeeze %dma_start3A_93 : memref<1x64xf32, #tpu.memory_space<vmem>> -> memref<64xf32, #tpu.memory_space<vmem>>
      %dma_start3A_95 = arith.constant 0 : i32
      %dma_start3A_96 = tpu.memref_slice %arg4[%squeeze3A_69, %dma_start3A_95] : memref<1000000x64xf32, #tpu.memory_space<hbm>> -> memref<1x64xf32, #tpu.memory_space<hbm>>
      %dma_start3A_97 = tpu.memref_squeeze %dma_start3A_96 : memref<1x64xf32, #tpu.memory_space<hbm>> -> memref<64xf32, #tpu.memory_space<hbm>>
      tpu.enqueue_dma source(%dma_start3A_97 : memref<64xf32, #tpu.memory_space<hbm>>) target(%dma_start3A_94 : memref<64xf32, #tpu.memory_space<vmem>>) target_semaphore(%arg10 : memref<!tpu.dma_semaphore, #tpu.memory_space<semaphore_mem>>)
      %slice3A_98 = vector.extract_strided_slice %get3A_40 {offsets = [2], sizes = [1], strides = [1]} : vector<16xi32> to vector<1xi32>
      %squeeze3A_99 = vector.extract %slice3A_98[0] : i32 from vector<1xi32>
      %mul3A_100 = arith.constant 16 : i32
      %mul3A_101 = arith.muli %scan3A_34, %mul3A_100 : i32
      %add3A_102 = arith.constant 2 : i32
      %add3A_103 = arith.addi %mul3A_101, %add3A_102 : i32
      %dma_start3A_104 = arith.constant 0 : i32
      %dma_start3A_105 = tpu.memref_slice %arg8[%add3A_103, %dma_start3A_104] : memref<256x64xf32, #tpu.memory_space<vmem>> -> memref<1x64xf32, #tpu.memory_space<vmem>>
      %dma_start3A_106 = tpu.memref_squeeze %dma_start3A_105 : memref<1x64xf32, #tpu.memory_space<vmem>> -> memref<64xf32, #tpu.memory_space<vmem>>
      %dma_start3A_107 = arith.constant 0 : i32
      %dma_start3A_108 = tpu.memref_slice %arg3[%squeeze3A_99, %dma_start3A_107] : memref<1000000x64xf32, #tpu.memory_space<hbm>> -> memref<1x64xf32, #tpu.memory_space<hbm>>
      %dma_start3A_109 = tpu.memref_squeeze %dma_start3A_108 : memref<1x64xf32, #tpu.memory_space<hbm>> -> memref<64xf32, #tpu.memory_space<hbm>>
      %dma_start3A_110 = arith.constant 0 : i32
      %dma_start3A_111 = tpu.memref_slice %arg8[%add3A_103, %dma_start3A_110] : memref<256x64xf32, #tpu.memory_space<vmem>> -> memref<1x64xf32, #tpu.memory_space<vmem>>
      %dma_start3A_112 = tpu.memref_squeeze %dma_start3A_111 : memref<1x64xf32, #tpu.memory_space<vmem>> -> memref<64xf32, #tpu.memory_space<vmem>>
      %dma_start3A_113 = arith.constant 0 : i32
      %dma_start3A_114 = tpu.memref_slice %arg3[%squeeze3A_99, %dma_start3A_113] : memref<1000000x64xf32, #tpu.memory_space<hbm>> -> memref<1x64xf32, #tpu.memory_space<hbm>>
      %dma_start3A_115 = tpu.memref_squeeze %dma_start3A_114 : memref<1x64xf32, #tpu.memory_space<hbm>> -> memref<64xf32, #tpu.memory_space<hbm>>
      tpu.enqueue_dma source(%dma_start3A_115 : memref<64xf32, #tpu.memory_space<hbm>>) target(%dma_start3A_112 : memref<64xf32, #tpu.memory_space<vmem>>) target_semaphore(%arg10 : memref<!tpu.dma_semaphore, #tpu.memory_space<semaphore_mem>>)
      %dma_start3A_116 = arith.constant 0 : i32
      %dma_start3A_117 = tpu.memref_slice %arg9[%add3A_103, %dma_start3A_116] : memref<256x64xf32, #tpu.memory_space<vmem>> -> memref<1x64xf32, #tpu.memory_space<vmem>>
      %dma_start3A_118 = tpu.memref_squeeze %dma_start3A_117 : memref<1x64xf32, #tpu.memory_space<vmem>> -> memref<64xf32, #tpu.memory_space<vmem>>
      %dma_start3A_119 = arith.constant 0 : i32
      %dma_start3A_120 = tpu.memref_slice %arg4[%squeeze3A_99, %dma_start3A_119] : memref<1000000x64xf32, #tpu.memory_space<hbm>> -> memref<1x64xf32, #tpu.memory_space<hbm>>
      %dma_start3A_121 = tpu.memref_squeeze %dma_start3A_120 : memref<1x64xf32, #tpu.memory_space<hbm>> -> memref<64xf32, #tpu.memory_space<hbm>>
      %dma_start3A_122 = arith.constant 0 : i32
      %dma_start3A_123 = tpu.memref_slice %arg9[%add3A_103, %dma_start3A_122] : memref<256x64xf32, #tpu.memory_space<vmem>> -> memref<1x64xf32, #tpu.memory_space<vmem>>
      %dma_start3A_124 = tpu.memref_squeeze %dma_start3A_123 : memref<1x64xf32, #tpu.memory_space<vmem>> -> memref<64xf32, #tpu.memory_space<vmem>>
      %dma_start3A_125 = arith.constant 0 : i32
      %dma_start3A_126 = tpu.memref_slice %arg4[%squeeze3A_99, %dma_start3A_125] : memref<1000000x64xf32, #tpu.memory_space<hbm>> -> memref<1x64xf32, #tpu.memory_space<hbm>>
      %dma_start3A_127 = tpu.memref_squeeze %dma_start3A_126 : memref<1x64xf32, #tpu.memory_space<hbm>> -> memref<64xf32, #tpu.memory_space<hbm>>
      tpu.enqueue_dma source(%dma_start3A_127 : memref<64xf32, #tpu.memory_space<hbm>>) target(%dma_start3A_124 : memref<64xf32, #tpu.memory_space<vmem>>) target_semaphore(%arg10 : memref<!tpu.dma_semaphore, #tpu.memory_space<semaphore_mem>>)
      %slice3A_128 = vector.extract_strided_slice %get3A_40 {offsets = [3], sizes = [1], strides = [1]} : vector<16xi32> to vector<1xi32>
      %squeeze3A_129 = vector.extract %slice3A_128[0] : i32 from vector<1xi32>
      %mul3A_130 = arith.constant 16 : i32
      %mul3A_131 = arith.muli %scan3A_34, %mul3A_130 : i32
      %add3A_132 = arith.constant 3 : i32
      %add3A_133 = arith.addi %mul3A_131, %add3A_132 : i32
      %dma_start3A_134 = arith.constant 0 : i32
      %dma_start3A_135 = tpu.memref_slice %arg8[%add3A_133, %dma_start3A_134] : memref<256x64xf32, #tpu.memory_space<vmem>> -> memref<1x64xf32, #tpu.memory_space<vmem>>
      %dma_start3A_136 = tpu.memref_squeeze %dma_start3A_135 : memref<1x64xf32, #tpu.memory_space<vmem>> -> memref<64xf32, #tpu.memory_space<vmem>>
      %dma_start3A_137 = arith.constant 0 : i32
      %dma_start3A_138 = tpu.memref_slice %arg3[%squeeze3A_129, %dma_start3A_137] : memref<1000000x64xf32, #tpu.memory_space<hbm>> -> memref<1x64xf32, #tpu.memory_space<hbm>>
      %dma_start3A_139 = tpu.memref_squeeze %dma_start3A_138 : memref<1x64xf32, #tpu.memory_space<hbm>> -> memref<64xf32, #tpu.memory_space<hbm>>
      %dma_start3A_140 = arith.constant 0 : i32
      %dma_start3A_141 = tpu.memref_slice %arg8[%add3A_133, %dma_start3A_140] : memref<256x64xf32, #tpu.memory_space<vmem>> -> memref<1x64xf32, #tpu.memory_space<vmem>>
      %dma_start3A_142 = tpu.memref_squeeze %dma_start3A_141 : memref<1x64xf32, #tpu.memory_space<vmem>> -> memref<64xf32, #tpu.memory_space<vmem>>
      %dma_start3A_143 = arith.constant 0 : i32
      %dma_start3A_144 = tpu.memref_slice %arg3[%squeeze3A_129, %dma_start3A_143] : memref<1000000x64xf32, #tpu.memory_space<hbm>> -> memref<1x64xf32, #tpu.memory_space<hbm>>
      %dma_start3A_145 = tpu.memref_squeeze %dma_start3A_144 : memref<1x64xf32, #tpu.memory_space<hbm>> -> memref<64xf32, #tpu.memory_space<hbm>>
      tpu.enqueue_dma source(%dma_start3A_145 : memref<64xf32, #tpu.memory_space<hbm>>) target(%dma_start3A_142 : memref<64xf32, #tpu.memory_space<vmem>>) target_semaphore(%arg10 : memref<!tpu.dma_semaphore, #tpu.memory_space<semaphore_mem>>)
      %dma_start3A_146 = arith.constant 0 : i32
      %dma_start3A_147 = tpu.memref_slice %arg9[%add3A_133, %dma_start3A_146] : memref<256x64xf32, #tpu.memory_space<vmem>> -> memref<1x64xf32, #tpu.memory_space<vmem>>
      %dma_start3A_148 = tpu.memref_squeeze %dma_start3A_147 : memref<1x64xf32, #tpu.memory_space<vmem>> -> memref<64xf32, #tpu.memory_space<vmem>>
      %dma_start3A_149 = arith.constant 0 : i32
      %dma_start3A_150 = tpu.memref_slice %arg4[%squeeze3A_129, %dma_start3A_149] : memref<1000000x64xf32, #tpu.memory_space<hbm>> -> memref<1x64xf32, #tpu.memory_space<hbm>>
      %dma_start3A_151 = tpu.memref_squeeze %dma_start3A_150 : memref<1x64xf32, #tpu.memory_space<hbm>> -> memref<64xf32, #tpu.memory_space<hbm>>
      %dma_start3A_152 = arith.constant 0 : i32
      %dma_start3A_153 = tpu.memref_slice %arg9[%add3A_133, %dma_start3A_152] : memref<256x64xf32, #tpu.memory_space<vmem>> -> memref<1x64xf32, #tpu.memory_space<vmem>>
      %dma_start3A_154 = tpu.memref_squeeze %dma_start3A_153 : memref<1x64xf32, #tpu.memory_space<vmem>> -> memref<64xf32, #tpu.memory_space<vmem>>
      %dma_start3A_155 = arith.constant 0 : i32
      %dma_start3A_156 = tpu.memref_slice %arg4[%squeeze3A_129, %dma_start3A_155] : memref<1000000x64xf32, #tpu.memory_space<hbm>> -> memref<1x64xf32, #tpu.memory_space<hbm>>
      %dma_start3A_157 = tpu.memref_squeeze %dma_start3A_156 : memref<1x64xf32, #tpu.memory_space<hbm>> -> memref<64xf32, #tpu.memory_space<hbm>>
      tpu.enqueue_dma source(%dma_start3A_157 : memref<64xf32, #tpu.memory_space<hbm>>) target(%dma_start3A_154 : memref<64xf32, #tpu.memory_space<vmem>>) target_semaphore(%arg10 : memref<!tpu.dma_semaphore, #tpu.memory_space<semaphore_mem>>)
      %slice3A_158 = vector.extract_strided_slice %get3A_40 {offsets = [4], sizes = [1], strides = [1]} : vector<16xi32> to vector<1xi32>
      %squeeze3A_159 = vector.extract %slice3A_158[0] : i32 from vector<1xi32>
      %mul3A_160 = arith.constant 16 : i32
      %mul3A_161 = arith.muli %scan3A_34, %mul3A_160 : i32
      %add3A_162 = arith.constant 4 : i32
      %add3A_163 = arith.addi %mul3A_161, %add3A_162 : i32
      %dma_start3A_164 = arith.constant 0 : i32
      %dma_start3A_165 = tpu.memref_slice %arg8[%add3A_163, %dma_start3A_164] : memref<256x64xf32, #tpu.memory_space<vmem>> -> memref<1x64xf32, #tpu.memory_space<vmem>>
      %dma_start3A_166 = tpu.memref_squeeze %dma_start3A_165 : memref<1x64xf32, #tpu.memory_space<vmem>> -> memref<64xf32, #tpu.memory_space<vmem>>
      %dma_start3A_167 = arith.constant 0 : i32
      %dma_start3A_168 = tpu.memref_slice %arg3[%squeeze3A_159, %dma_start3A_167] : memref<1000000x64xf32, #tpu.memory_space<hbm>> -> memref<1x64xf32, #tpu.memory_space<hbm>>
      %dma_start3A_169 = tpu.memref_squeeze %dma_start3A_168 : memref<1x64xf32, #tpu.memory_space<hbm>> -> memref<64xf32, #tpu.memory_space<hbm>>
      %dma_start3A_170 = arith.constant 0 : i32
      %dma_start3A_171 = tpu.memref_slice %arg8[%add3A_163, %dma_start3A_170] : memref<256x64xf32, #tpu.memory_space<vmem>> -> memref<1x64xf32, #tpu.memory_space<vmem>>
      %dma_start3A_172 = tpu.memref_squeeze %dma_start3A_171 : memref<1x64xf32, #tpu.memory_space<vmem>> -> memref<64xf32, #tpu.memory_space<vmem>>
      %dma_start3A_173 = arith.constant 0 : i32
      %dma_start3A_174 = tpu.memref_slice %arg3[%squeeze3A_159, %dma_start3A_173] : memref<1000000x64xf32, #tpu.memory_space<hbm>> -> memref<1x64xf32, #tpu.memory_space<hbm>>
      %dma_start3A_175 = tpu.memref_squeeze %dma_start3A_174 : memref<1x64xf32, #tpu.memory_space<hbm>> -> memref<64xf32, #tpu.memory_space<hbm>>
      tpu.enqueue_dma source(%dma_start3A_175 : memref<64xf32, #tpu.memory_space<hbm>>) target(%dma_start3A_172 : memref<64xf32, #tpu.memory_space<vmem>>) target_semaphore(%arg10 : memref<!tpu.dma_semaphore, #tpu.memory_space<semaphore_mem>>)
      %dma_start3A_176 = arith.constant 0 : i32
      %dma_start3A_177 = tpu.memref_slice %arg9[%add3A_163, %dma_start3A_176] : memref<256x64xf32, #tpu.memory_space<vmem>> -> memref<1x64xf32, #tpu.memory_space<vmem>>
      %dma_start3A_178 = tpu.memref_squeeze %dma_start3A_177 : memref<1x64xf32, #tpu.memory_space<vmem>> -> memref<64xf32, #tpu.memory_space<vmem>>
      %dma_start3A_179 = arith.constant 0 : i32
      %dma_start3A_180 = tpu.memref_slice %arg4[%squeeze3A_159, %dma_start3A_179] : memref<1000000x64xf32, #tpu.memory_space<hbm>> -> memref<1x64xf32, #tpu.memory_space<hbm>>
      %dma_start3A_181 = tpu.memref_squeeze %dma_start3A_180 : memref<1x64xf32, #tpu.memory_space<hbm>> -> memref<64xf32, #tpu.memory_space<hbm>>
      %dma_start3A_182 = arith.constant 0 : i32
      %dma_start3A_183 = tpu.memref_slice %arg9[%add3A_163, %dma_start3A_182] : memref<256x64xf32, #tpu.memory_space<vmem>> -> memref<1x64xf32, #tpu.memory_space<vmem>>
      %dma_start3A_184 = tpu.memref_squeeze %dma_start3A_183 : memref<1x64xf32, #tpu.memory_space<vmem>> -> memref<64xf32, #tpu.memory_space<vmem>>
      %dma_start3A_185 = arith.constant 0 : i32
      %dma_start3A_186 = tpu.memref_slice %arg4[%squeeze3A_159, %dma_start3A_185] : memref<1000000x64xf32, #tpu.memory_space<hbm>> -> memref<1x64xf32, #tpu.memory_space<hbm>>
      %dma_start3A_187 = tpu.memref_squeeze %dma_start3A_186 : memref<1x64xf32, #tpu.memory_space<hbm>> -> memref<64xf32, #tpu.memory_space<hbm>>
      tpu.enqueue_dma source(%dma_start3A_187 : memref<64xf32, #tpu.memory_space<hbm>>) target(%dma_start3A_184 : memref<64xf32, #tpu.memory_space<vmem>>) target_semaphore(%arg10 : memref<!tpu.dma_semaphore, #tpu.memory_space<semaphore_mem>>)
      %slice3A_188 = vector.extract_strided_slice %get3A_40 {offsets = [5], sizes = [1], strides = [1]} : vector<16xi32> to vector<1xi32>
      %squeeze3A_189 = vector.extract %slice3A_188[0] : i32 from vector<1xi32>
      %mul3A_190 = arith.constant 16 : i32
      %mul3A_191 = arith.muli %scan3A_34, %mul3A_190 : i32
      %add3A_192 = arith.constant 5 : i32
      %add3A_193 = arith.addi %mul3A_191, %add3A_192 : i32
      %dma_start3A_194 = arith.constant 0 : i32
      %dma_start3A_195 = tpu.memref_slice %arg8[%add3A_193, %dma_start3A_194] : memref<256x64xf32, #tpu.memory_space<vmem>> -> memref<1x64xf32, #tpu.memory_space<vmem>>
      %dma_start3A_196 = tpu.memref_squeeze %dma_start3A_195 : memref<1x64xf32, #tpu.memory_space<vmem>> -> memref<64xf32, #tpu.memory_space<vmem>>
      %dma_start3A_197 = arith.constant 0 : i32
      %dma_start3A_198 = tpu.memref_slice %arg3[%squeeze3A_189, %dma_start3A_197] : memref<1000000x64xf32, #tpu.memory_space<hbm>> -> memref<1x64xf32, #tpu.memory_space<hbm>>
      %dma_start3A_199 = tpu.memref_squeeze %dma_start3A_198 : memref<1x64xf32, #tpu.memory_space<hbm>> -> memref<64xf32, #tpu.memory_space<hbm>>
      %dma_start3A_200 = arith.constant 0 : i32
      %dma_start3A_201 = tpu.memref_slice %arg8[%add3A_193, %dma_start3A_200] : memref<256x64xf32, #tpu.memory_space<vmem>> -> memref<1x64xf32, #tpu.memory_space<vmem>>
      %dma_start3A_202 = tpu.memref_squeeze %dma_start3A_201 : memref<1x64xf32, #tpu.memory_space<vmem>> -> memref<64xf32, #tpu.memory_space<vmem>>
      %dma_start3A_203 = arith.constant 0 : i32
      %dma_start3A_204 = tpu.memref_slice %arg3[%squeeze3A_189, %dma_start3A_203] : memref<1000000x64xf32, #tpu.memory_space<hbm>> -> memref<1x64xf32, #tpu.memory_space<hbm>>
      %dma_start3A_205 = tpu.memref_squeeze %dma_start3A_204 : memref<1x64xf32, #tpu.memory_space<hbm>> -> memref<64xf32, #tpu.memory_space<hbm>>
      tpu.enqueue_dma source(%dma_start3A_205 : memref<64xf32, #tpu.memory_space<hbm>>) target(%dma_start3A_202 : memref<64xf32, #tpu.memory_space<vmem>>) target_semaphore(%arg10 : memref<!tpu.dma_semaphore, #tpu.memory_space<semaphore_mem>>)
      %dma_start3A_206 = arith.constant 0 : i32
      %dma_start3A_207 = tpu.memref_slice %arg9[%add3A_193, %dma_start3A_206] : memref<256x64xf32, #tpu.memory_space<vmem>> -> memref<1x64xf32, #tpu.memory_space<vmem>>
      %dma_start3A_208 = tpu.memref_squeeze %dma_start3A_207 : memref<1x64xf32, #tpu.memory_space<vmem>> -> memref<64xf32, #tpu.memory_space<vmem>>
      %dma_start3A_209 = arith.constant 0 : i32
      %dma_start3A_210 = tpu.memref_slice %arg4[%squeeze3A_189, %dma_start3A_209] : memref<1000000x64xf32, #tpu.memory_space<hbm>> -> memref<1x64xf32, #tpu.memory_space<hbm>>
      %dma_start3A_211 = tpu.memref_squeeze %dma_start3A_210 : memref<1x64xf32, #tpu.memory_space<hbm>> -> memref<64xf32, #tpu.memory_space<hbm>>
      %dma_start3A_212 = arith.constant 0 : i32
      %dma_start3A_213 = tpu.memref_slice %arg9[%add3A_193, %dma_start3A_212] : memref<256x64xf32, #tpu.memory_space<vmem>> -> memref<1x64xf32, #tpu.memory_space<vmem>>
      %dma_start3A_214 = tpu.memref_squeeze %dma_start3A_213 : memref<1x64xf32, #tpu.memory_space<vmem>> -> memref<64xf32, #tpu.memory_space<vmem>>
      %dma_start3A_215 = arith.constant 0 : i32
      %dma_start3A_216 = tpu.memref_slice %arg4[%squeeze3A_189, %dma_start3A_215] : memref<1000000x64xf32, #tpu.memory_space<hbm>> -> memref<1x64xf32, #tpu.memory_space<hbm>>
      %dma_start3A_217 = tpu.memref_squeeze %dma_start3A_216 : memref<1x64xf32, #tpu.memory_space<hbm>> -> memref<64xf32, #tpu.memory_space<hbm>>
      tpu.enqueue_dma source(%dma_start3A_217 : memref<64xf32, #tpu.memory_space<hbm>>) target(%dma_start3A_214 : memref<64xf32, #tpu.memory_space<vmem>>) target_semaphore(%arg10 : memref<!tpu.dma_semaphore, #tpu.memory_space<semaphore_mem>>)
      %slice3A_218 = vector.extract_strided_slice %get3A_40 {offsets = [6], sizes = [1], strides = [1]} : vector<16xi32> to vector<1xi32>
      %squeeze3A_219 = vector.extract %slice3A_218[0] : i32 from vector<1xi32>
      %mul3A_220 = arith.constant 16 : i32
      %mul3A_221 = arith.muli %scan3A_34, %mul3A_220 : i32
      %add3A_222 = arith.constant 6 : i32
      %add3A_223 = arith.addi %mul3A_221, %add3A_222 : i32
      %dma_start3A_224 = arith.constant 0 : i32
      %dma_start3A_225 = tpu.memref_slice %arg8[%add3A_223, %dma_start3A_224] : memref<256x64xf32, #tpu.memory_space<vmem>> -> memref<1x64xf32, #tpu.memory_space<vmem>>
      %dma_start3A_226 = tpu.memref_squeeze %dma_start3A_225 : memref<1x64xf32, #tpu.memory_space<vmem>> -> memref<64xf32, #tpu.memory_space<vmem>>
      %dma_start3A_227 = arith.constant 0 : i32
      %dma_start3A_228 = tpu.memref_slice %arg3[%squeeze3A_219, %dma_start3A_227] : memref<1000000x64xf32, #tpu.memory_space<hbm>> -> memref<1x64xf32, #tpu.memory_space<hbm>>
      %dma_start3A_229 = tpu.memref_squeeze %dma_start3A_228 : memref<1x64xf32, #tpu.memory_space<hbm>> -> memref<64xf32, #tpu.memory_space<hbm>>
      %dma_start3A_230 = arith.constant 0 : i32
      %dma_start3A_231 = tpu.memref_slice %arg8[%add3A_223, %dma_start3A_230] : memref<256x64xf32, #tpu.memory_space<vmem>> -> memref<1x64xf32, #tpu.memory_space<vmem>>
      %dma_start3A_232 = tpu.memref_squeeze %dma_start3A_231 : memref<1x64xf32, #tpu.memory_space<vmem>> -> memref<64xf32, #tpu.memory_space<vmem>>
      %dma_start3A_233 = arith.constant 0 : i32
      %dma_start3A_234 = tpu.memref_slice %arg3[%squeeze3A_219, %dma_start3A_233] : memref<1000000x64xf32, #tpu.memory_space<hbm>> -> memref<1x64xf32, #tpu.memory_space<hbm>>
      %dma_start3A_235 = tpu.memref_squeeze %dma_start3A_234 : memref<1x64xf32, #tpu.memory_space<hbm>> -> memref<64xf32, #tpu.memory_space<hbm>>
      tpu.enqueue_dma source(%dma_start3A_235 : memref<64xf32, #tpu.memory_space<hbm>>) target(%dma_start3A_232 : memref<64xf32, #tpu.memory_space<vmem>>) target_semaphore(%arg10 : memref<!tpu.dma_semaphore, #tpu.memory_space<semaphore_mem>>)
      %dma_start3A_236 = arith.constant 0 : i32
      %dma_start3A_237 = tpu.memref_slice %arg9[%add3A_223, %dma_start3A_236] : memref<256x64xf32, #tpu.memory_space<vmem>> -> memref<1x64xf32, #tpu.memory_space<vmem>>
      %dma_start3A_238 = tpu.memref_squeeze %dma_start3A_237 : memref<1x64xf32, #tpu.memory_space<vmem>> -> memref<64xf32, #tpu.memory_space<vmem>>
      %dma_start3A_239 = arith.constant 0 : i32
      %dma_start3A_240 = tpu.memref_slice %arg4[%squeeze3A_219, %dma_start3A_239] : memref<1000000x64xf32, #tpu.memory_space<hbm>> -> memref<1x64xf32, #tpu.memory_space<hbm>>
      %dma_start3A_241 = tpu.memref_squeeze %dma_start3A_240 : memref<1x64xf32, #tpu.memory_space<hbm>> -> memref<64xf32, #tpu.memory_space<hbm>>
      %dma_start3A_242 = arith.constant 0 : i32
      %dma_start3A_243 = tpu.memref_slice %arg9[%add3A_223, %dma_start3A_242] : memref<256x64xf32, #tpu.memory_space<vmem>> -> memref<1x64xf32, #tpu.memory_space<vmem>>
      %dma_start3A_244 = tpu.memref_squeeze %dma_start3A_243 : memref<1x64xf32, #tpu.memory_space<vmem>> -> memref<64xf32, #tpu.memory_space<vmem>>
      %dma_start3A_245 = arith.constant 0 : i32
      %dma_start3A_246 = tpu.memref_slice %arg4[%squeeze3A_219, %dma_start3A_245] : memref<1000000x64xf32, #tpu.memory_space<hbm>> -> memref<1x64xf32, #tpu.memory_space<hbm>>
      %dma_start3A_247 = tpu.memref_squeeze %dma_start3A_246 : memref<1x64xf32, #tpu.memory_space<hbm>> -> memref<64xf32, #tpu.memory_space<hbm>>
      tpu.enqueue_dma source(%dma_start3A_247 : memref<64xf32, #tpu.memory_space<hbm>>) target(%dma_start3A_244 : memref<64xf32, #tpu.memory_space<vmem>>) target_semaphore(%arg10 : memref<!tpu.dma_semaphore, #tpu.memory_space<semaphore_mem>>)
      %slice3A_248 = vector.extract_strided_slice %get3A_40 {offsets = [7], sizes = [1], strides = [1]} : vector<16xi32> to vector<1xi32>
      %squeeze3A_249 = vector.extract %slice3A_248[0] : i32 from vector<1xi32>
      %mul3A_250 = arith.constant 16 : i32
      %mul3A_251 = arith.muli %scan3A_34, %mul3A_250 : i32
      %add3A_252 = arith.constant 7 : i32
      %add3A_253 = arith.addi %mul3A_251, %add3A_252 : i32
      %dma_start3A_254 = arith.constant 0 : i32
      %dma_start3A_255 = tpu.memref_slice %arg8[%add3A_253, %dma_start3A_254] : memref<256x64xf32, #tpu.memory_space<vmem>> -> memref<1x64xf32, #tpu.memory_space<vmem>>
      %dma_start3A_256 = tpu.memref_squeeze %dma_start3A_255 : memref<1x64xf32, #tpu.memory_space<vmem>> -> memref<64xf32, #tpu.memory_space<vmem>>
      %dma_start3A_257 = arith.constant 0 : i32
      %dma_start3A_258 = tpu.memref_slice %arg3[%squeeze3A_249, %dma_start3A_257] : memref<1000000x64xf32, #tpu.memory_space<hbm>> -> memref<1x64xf32, #tpu.memory_space<hbm>>
      %dma_start3A_259 = tpu.memref_squeeze %dma_start3A_258 : memref<1x64xf32, #tpu.memory_space<hbm>> -> memref<64xf32, #tpu.memory_space<hbm>>
      %dma_start3A_260 = arith.constant 0 : i32
      %dma_start3A_261 = tpu.memref_slice %arg8[%add3A_253, %dma_start3A_260] : memref<256x64xf32, #tpu.memory_space<vmem>> -> memref<1x64xf32, #tpu.memory_space<vmem>>
      %dma_start3A_262 = tpu.memref_squeeze %dma_start3A_261 : memref<1x64xf32, #tpu.memory_space<vmem>> -> memref<64xf32, #tpu.memory_space<vmem>>
      %dma_start3A_263 = arith.constant 0 : i32
      %dma_start3A_264 = tpu.memref_slice %arg3[%squeeze3A_249, %dma_start3A_263] : memref<1000000x64xf32, #tpu.memory_space<hbm>> -> memref<1x64xf32, #tpu.memory_space<hbm>>
      %dma_start3A_265 = tpu.memref_squeeze %dma_start3A_264 : memref<1x64xf32, #tpu.memory_space<hbm>> -> memref<64xf32, #tpu.memory_space<hbm>>
      tpu.enqueue_dma source(%dma_start3A_265 : memref<64xf32, #tpu.memory_space<hbm>>) target(%dma_start3A_262 : memref<64xf32, #tpu.memory_space<vmem>>) target_semaphore(%arg10 : memref<!tpu.dma_semaphore, #tpu.memory_space<semaphore_mem>>)
      %dma_start3A_266 = arith.constant 0 : i32
      %dma_start3A_267 = tpu.memref_slice %arg9[%add3A_253, %dma_start3A_266] : memref<256x64xf32, #tpu.memory_space<vmem>> -> memref<1x64xf32, #tpu.memory_space<vmem>>
      %dma_start3A_268 = tpu.memref_squeeze %dma_start3A_267 : memref<1x64xf32, #tpu.memory_space<vmem>> -> memref<64xf32, #tpu.memory_space<vmem>>
      %dma_start3A_269 = arith.constant 0 : i32
      %dma_start3A_270 = tpu.memref_slice %arg4[%squeeze3A_249, %dma_start3A_269] : memref<1000000x64xf32, #tpu.memory_space<hbm>> -> memref<1x64xf32, #tpu.memory_space<hbm>>
      %dma_start3A_271 = tpu.memref_squeeze %dma_start3A_270 : memref<1x64xf32, #tpu.memory_space<hbm>> -> memref<64xf32, #tpu.memory_space<hbm>>
      %dma_start3A_272 = arith.constant 0 : i32
      %dma_start3A_273 = tpu.memref_slice %arg9[%add3A_253, %dma_start3A_272] : memref<256x64xf32, #tpu.memory_space<vmem>> -> memref<1x64xf32, #tpu.memory_space<vmem>>
      %dma_start3A_274 = tpu.memref_squeeze %dma_start3A_273 : memref<1x64xf32, #tpu.memory_space<vmem>> -> memref<64xf32, #tpu.memory_space<vmem>>
      %dma_start3A_275 = arith.constant 0 : i32
      %dma_start3A_276 = tpu.memref_slice %arg4[%squeeze3A_249, %dma_start3A_275] : memref<1000000x64xf32, #tpu.memory_space<hbm>> -> memref<1x64xf32, #tpu.memory_space<hbm>>
      %dma_start3A_277 = tpu.memref_squeeze %dma_start3A_276 : memref<1x64xf32, #tpu.memory_space<hbm>> -> memref<64xf32, #tpu.memory_space<hbm>>
      tpu.enqueue_dma source(%dma_start3A_277 : memref<64xf32, #tpu.memory_space<hbm>>) target(%dma_start3A_274 : memref<64xf32, #tpu.memory_space<vmem>>) target_semaphore(%arg10 : memref<!tpu.dma_semaphore, #tpu.memory_space<semaphore_mem>>)
      %slice3A_278 = vector.extract_strided_slice %get3A_40 {offsets = [8], sizes = [1], strides = [1]} : vector<16xi32> to vector<1xi32>
      %squeeze3A_279 = vector.extract %slice3A_278[0] : i32 from vector<1xi32>
      %mul3A_280 = arith.constant 16 : i32
      %mul3A_281 = arith.muli %scan3A_34, %mul3A_280 : i32
      %add3A_282 = arith.constant 8 : i32
      %add3A_283 = arith.addi %mul3A_281, %add3A_282 : i32
      %dma_start3A_284 = arith.constant 0 : i32
      %dma_start3A_285 = tpu.memref_slice %arg8[%add3A_283, %dma_start3A_284] : memref<256x64xf32, #tpu.memory_space<vmem>> -> memref<1x64xf32, #tpu.memory_space<vmem>>
      %dma_start3A_286 = tpu.memref_squeeze %dma_start3A_285 : memref<1x64xf32, #tpu.memory_space<vmem>> -> memref<64xf32, #tpu.memory_space<vmem>>
      %dma_start3A_287 = arith.constant 0 : i32
      %dma_start3A_288 = tpu.memref_slice %arg3[%squeeze3A_279, %dma_start3A_287] : memref<1000000x64xf32, #tpu.memory_space<hbm>> -> memref<1x64xf32, #tpu.memory_space<hbm>>
      %dma_start3A_289 = tpu.memref_squeeze %dma_start3A_288 : memref<1x64xf32, #tpu.memory_space<hbm>> -> memref<64xf32, #tpu.memory_space<hbm>>
      %dma_start3A_290 = arith.constant 0 : i32
      %dma_start3A_291 = tpu.memref_slice %arg8[%add3A_283, %dma_start3A_290] : memref<256x64xf32, #tpu.memory_space<vmem>> -> memref<1x64xf32, #tpu.memory_space<vmem>>
      %dma_start3A_292 = tpu.memref_squeeze %dma_start3A_291 : memref<1x64xf32, #tpu.memory_space<vmem>> -> memref<64xf32, #tpu.memory_space<vmem>>
      %dma_start3A_293 = arith.constant 0 : i32
      %dma_start3A_294 = tpu.memref_slice %arg3[%squeeze3A_279, %dma_start3A_293] : memref<1000000x64xf32, #tpu.memory_space<hbm>> -> memref<1x64xf32, #tpu.memory_space<hbm>>
      %dma_start3A_295 = tpu.memref_squeeze %dma_start3A_294 : memref<1x64xf32, #tpu.memory_space<hbm>> -> memref<64xf32, #tpu.memory_space<hbm>>
      tpu.enqueue_dma source(%dma_start3A_295 : memref<64xf32, #tpu.memory_space<hbm>>) target(%dma_start3A_292 : memref<64xf32, #tpu.memory_space<vmem>>) target_semaphore(%arg10 : memref<!tpu.dma_semaphore, #tpu.memory_space<semaphore_mem>>)
      %dma_start3A_296 = arith.constant 0 : i32
      %dma_start3A_297 = tpu.memref_slice %arg9[%add3A_283, %dma_start3A_296] : memref<256x64xf32, #tpu.memory_space<vmem>> -> memref<1x64xf32, #tpu.memory_space<vmem>>
      %dma_start3A_298 = tpu.memref_squeeze %dma_start3A_297 : memref<1x64xf32, #tpu.memory_space<vmem>> -> memref<64xf32, #tpu.memory_space<vmem>>
      %dma_start3A_299 = arith.constant 0 : i32
      %dma_start3A_300 = tpu.memref_slice %arg4[%squeeze3A_279, %dma_start3A_299] : memref<1000000x64xf32, #tpu.memory_space<hbm>> -> memref<1x64xf32, #tpu.memory_space<hbm>>
      %dma_start3A_301 = tpu.memref_squeeze %dma_start3A_300 : memref<1x64xf32, #tpu.memory_space<hbm>> -> memref<64xf32, #tpu.memory_space<hbm>>
      %dma_start3A_302 = arith.constant 0 : i32
      %dma_start3A_303 = tpu.memref_slice %arg9[%add3A_283, %dma_start3A_302] : memref<256x64xf32, #tpu.memory_space<vmem>> -> memref<1x64xf32, #tpu.memory_space<vmem>>
      %dma_start3A_304 = tpu.memref_squeeze %dma_start3A_303 : memref<1x64xf32, #tpu.memory_space<vmem>> -> memref<64xf32, #tpu.memory_space<vmem>>
      %dma_start3A_305 = arith.constant 0 : i32
      %dma_start3A_306 = tpu.memref_slice %arg4[%squeeze3A_279, %dma_start3A_305] : memref<1000000x64xf32, #tpu.memory_space<hbm>> -> memref<1x64xf32, #tpu.memory_space<hbm>>
      %dma_start3A_307 = tpu.memref_squeeze %dma_start3A_306 : memref<1x64xf32, #tpu.memory_space<hbm>> -> memref<64xf32, #tpu.memory_space<hbm>>
      tpu.enqueue_dma source(%dma_start3A_307 : memref<64xf32, #tpu.memory_space<hbm>>) target(%dma_start3A_304 : memref<64xf32, #tpu.memory_space<vmem>>) target_semaphore(%arg10 : memref<!tpu.dma_semaphore, #tpu.memory_space<semaphore_mem>>)
      %slice3A_308 = vector.extract_strided_slice %get3A_40 {offsets = [9], sizes = [1], strides = [1]} : vector<16xi32> to vector<1xi32>
      %squeeze3A_309 = vector.extract %slice3A_308[0] : i32 from vector<1xi32>
      %mul3A_310 = arith.constant 16 : i32
      %mul3A_311 = arith.muli %scan3A_34, %mul3A_310 : i32
      %add3A_312 = arith.constant 9 : i32
      %add3A_313 = arith.addi %mul3A_311, %add3A_312 : i32
      %dma_start3A_314 = arith.constant 0 : i32
      %dma_start3A_315 = tpu.memref_slice %arg8[%add3A_313, %dma_start3A_314] : memref<256x64xf32, #tpu.memory_space<vmem>> -> memref<1x64xf32, #tpu.memory_space<vmem>>
      %dma_start3A_316 = tpu.memref_squeeze %dma_start3A_315 : memref<1x64xf32, #tpu.memory_space<vmem>> -> memref<64xf32, #tpu.memory_space<vmem>>
      %dma_start3A_317 = arith.constant 0 : i32
      %dma_start3A_318 = tpu.memref_slice %arg3[%squeeze3A_309, %dma_start3A_317] : memref<1000000x64xf32, #tpu.memory_space<hbm>> -> memref<1x64xf32, #tpu.memory_space<hbm>>
      %dma_start3A_319 = tpu.memref_squeeze %dma_start3A_318 : memref<1x64xf32, #tpu.memory_space<hbm>> -> memref<64xf32, #tpu.memory_space<hbm>>
      %dma_start3A_320 = arith.constant 0 : i32
      %dma_start3A_321 = tpu.memref_slice %arg8[%add3A_313, %dma_start3A_320] : memref<256x64xf32, #tpu.memory_space<vmem>> -> memref<1x64xf32, #tpu.memory_space<vmem>>
      %dma_start3A_322 = tpu.memref_squeeze %dma_start3A_321 : memref<1x64xf32, #tpu.memory_space<vmem>> -> memref<64xf32, #tpu.memory_space<vmem>>
      %dma_start3A_323 = arith.constant 0 : i32
      %dma_start3A_324 = tpu.memref_slice %arg3[%squeeze3A_309, %dma_start3A_323] : memref<1000000x64xf32, #tpu.memory_space<hbm>> -> memref<1x64xf32, #tpu.memory_space<hbm>>
      %dma_start3A_325 = tpu.memref_squeeze %dma_start3A_324 : memref<1x64xf32, #tpu.memory_space<hbm>> -> memref<64xf32, #tpu.memory_space<hbm>>
      tpu.enqueue_dma source(%dma_start3A_325 : memref<64xf32, #tpu.memory_space<hbm>>) target(%dma_start3A_322 : memref<64xf32, #tpu.memory_space<vmem>>) target_semaphore(%arg10 : memref<!tpu.dma_semaphore, #tpu.memory_space<semaphore_mem>>)
      %dma_start3A_326 = arith.constant 0 : i32
      %dma_start3A_327 = tpu.memref_slice %arg9[%add3A_313, %dma_start3A_326] : memref<256x64xf32, #tpu.memory_space<vmem>> -> memref<1x64xf32, #tpu.memory_space<vmem>>
      %dma_start3A_328 = tpu.memref_squeeze %dma_start3A_327 : memref<1x64xf32, #tpu.memory_space<vmem>> -> memref<64xf32, #tpu.memory_space<vmem>>
      %dma_start3A_329 = arith.constant 0 : i32
      %dma_start3A_330 = tpu.memref_slice %arg4[%squeeze3A_309, %dma_start3A_329] : memref<1000000x64xf32, #tpu.memory_space<hbm>> -> memref<1x64xf32, #tpu.memory_space<hbm>>
      %dma_start3A_331 = tpu.memref_squeeze %dma_start3A_330 : memref<1x64xf32, #tpu.memory_space<hbm>> -> memref<64xf32, #tpu.memory_space<hbm>>
      %dma_start3A_332 = arith.constant 0 : i32
      %dma_start3A_333 = tpu.memref_slice %arg9[%add3A_313, %dma_start3A_332] : memref<256x64xf32, #tpu.memory_space<vmem>> -> memref<1x64xf32, #tpu.memory_space<vmem>>
      %dma_start3A_334 = tpu.memref_squeeze %dma_start3A_333 : memref<1x64xf32, #tpu.memory_space<vmem>> -> memref<64xf32, #tpu.memory_space<vmem>>
      %dma_start3A_335 = arith.constant 0 : i32
      %dma_start3A_336 = tpu.memref_slice %arg4[%squeeze3A_309, %dma_start3A_335] : memref<1000000x64xf32, #tpu.memory_space<hbm>> -> memref<1x64xf32, #tpu.memory_space<hbm>>
      %dma_start3A_337 = tpu.memref_squeeze %dma_start3A_336 : memref<1x64xf32, #tpu.memory_space<hbm>> -> memref<64xf32, #tpu.memory_space<hbm>>
      tpu.enqueue_dma source(%dma_start3A_337 : memref<64xf32, #tpu.memory_space<hbm>>) target(%dma_start3A_334 : memref<64xf32, #tpu.memory_space<vmem>>) target_semaphore(%arg10 : memref<!tpu.dma_semaphore, #tpu.memory_space<semaphore_mem>>)
      %slice3A_338 = vector.extract_strided_slice %get3A_40 {offsets = [10], sizes = [1], strides = [1]} : vector<16xi32> to vector<1xi32>
      %squeeze3A_339 = vector.extract %slice3A_338[0] : i32 from vector<1xi32>
      %mul3A_340 = arith.constant 16 : i32
      %mul3A_341 = arith.muli %scan3A_34, %mul3A_340 : i32
      %add3A_342 = arith.constant 10 : i32
      %add3A_343 = arith.addi %mul3A_341, %add3A_342 : i32
      %dma_start3A_344 = arith.constant 0 : i32
      %dma_start3A_345 = tpu.memref_slice %arg8[%add3A_343, %dma_start3A_344] : memref<256x64xf32, #tpu.memory_space<vmem>> -> memref<1x64xf32, #tpu.memory_space<vmem>>
      %dma_start3A_346 = tpu.memref_squeeze %dma_start3A_345 : memref<1x64xf32, #tpu.memory_space<vmem>> -> memref<64xf32, #tpu.memory_space<vmem>>
      %dma_start3A_347 = arith.constant 0 : i32
      %dma_start3A_348 = tpu.memref_slice %arg3[%squeeze3A_339, %dma_start3A_347] : memref<1000000x64xf32, #tpu.memory_space<hbm>> -> memref<1x64xf32, #tpu.memory_space<hbm>>
      %dma_start3A_349 = tpu.memref_squeeze %dma_start3A_348 : memref<1x64xf32, #tpu.memory_space<hbm>> -> memref<64xf32, #tpu.memory_space<hbm>>
      %dma_start3A_350 = arith.constant 0 : i32
      %dma_start3A_351 = tpu.memref_slice %arg8[%add3A_343, %dma_start3A_350] : memref<256x64xf32, #tpu.memory_space<vmem>> -> memref<1x64xf32, #tpu.memory_space<vmem>>
      %dma_start3A_352 = tpu.memref_squeeze %dma_start3A_351 : memref<1x64xf32, #tpu.memory_space<vmem>> -> memref<64xf32, #tpu.memory_space<vmem>>
      %dma_start3A_353 = arith.constant 0 : i32
      %dma_start3A_354 = tpu.memref_slice %arg3[%squeeze3A_339, %dma_start3A_353] : memref<1000000x64xf32, #tpu.memory_space<hbm>> -> memref<1x64xf32, #tpu.memory_space<hbm>>
      %dma_start3A_355 = tpu.memref_squeeze %dma_start3A_354 : memref<1x64xf32, #tpu.memory_space<hbm>> -> memref<64xf32, #tpu.memory_space<hbm>>
      tpu.enqueue_dma source(%dma_start3A_355 : memref<64xf32, #tpu.memory_space<hbm>>) target(%dma_start3A_352 : memref<64xf32, #tpu.memory_space<vmem>>) target_semaphore(%arg10 : memref<!tpu.dma_semaphore, #tpu.memory_space<semaphore_mem>>)
      %dma_start3A_356 = arith.constant 0 : i32
      %dma_start3A_357 = tpu.memref_slice %arg9[%add3A_343, %dma_start3A_356] : memref<256x64xf32, #tpu.memory_space<vmem>> -> memref<1x64xf32, #tpu.memory_space<vmem>>
      %dma_start3A_358 = tpu.memref_squeeze %dma_start3A_357 : memref<1x64xf32, #tpu.memory_space<vmem>> -> memref<64xf32, #tpu.memory_space<vmem>>
      %dma_start3A_359 = arith.constant 0 : i32
      %dma_start3A_360 = tpu.memref_slice %arg4[%squeeze3A_339, %dma_start3A_359] : memref<1000000x64xf32, #tpu.memory_space<hbm>> -> memref<1x64xf32, #tpu.memory_space<hbm>>
      %dma_start3A_361 = tpu.memref_squeeze %dma_start3A_360 : memref<1x64xf32, #tpu.memory_space<hbm>> -> memref<64xf32, #tpu.memory_space<hbm>>
      %dma_start3A_362 = arith.constant 0 : i32
      %dma_start3A_363 = tpu.memref_slice %arg9[%add3A_343, %dma_start3A_362] : memref<256x64xf32, #tpu.memory_space<vmem>> -> memref<1x64xf32, #tpu.memory_space<vmem>>
      %dma_start3A_364 = tpu.memref_squeeze %dma_start3A_363 : memref<1x64xf32, #tpu.memory_space<vmem>> -> memref<64xf32, #tpu.memory_space<vmem>>
      %dma_start3A_365 = arith.constant 0 : i32
      %dma_start3A_366 = tpu.memref_slice %arg4[%squeeze3A_339, %dma_start3A_365] : memref<1000000x64xf32, #tpu.memory_space<hbm>> -> memref<1x64xf32, #tpu.memory_space<hbm>>
      %dma_start3A_367 = tpu.memref_squeeze %dma_start3A_366 : memref<1x64xf32, #tpu.memory_space<hbm>> -> memref<64xf32, #tpu.memory_space<hbm>>
      tpu.enqueue_dma source(%dma_start3A_367 : memref<64xf32, #tpu.memory_space<hbm>>) target(%dma_start3A_364 : memref<64xf32, #tpu.memory_space<vmem>>) target_semaphore(%arg10 : memref<!tpu.dma_semaphore, #tpu.memory_space<semaphore_mem>>)
      %slice3A_368 = vector.extract_strided_slice %get3A_40 {offsets = [11], sizes = [1], strides = [1]} : vector<16xi32> to vector<1xi32>
      %squeeze3A_369 = vector.extract %slice3A_368[0] : i32 from vector<1xi32>
      %mul3A_370 = arith.constant 16 : i32
      %mul3A_371 = arith.muli %scan3A_34, %mul3A_370 : i32
      %add3A_372 = arith.constant 11 : i32
      %add3A_373 = arith.addi %mul3A_371, %add3A_372 : i32
      %dma_start3A_374 = arith.constant 0 : i32
      %dma_start3A_375 = tpu.memref_slice %arg8[%add3A_373, %dma_start3A_374] : memref<256x64xf32, #tpu.memory_space<vmem>> -> memref<1x64xf32, #tpu.memory_space<vmem>>
      %dma_start3A_376 = tpu.memref_squeeze %dma_start3A_375 : memref<1x64xf32, #tpu.memory_space<vmem>> -> memref<64xf32, #tpu.memory_space<vmem>>
      %dma_start3A_377 = arith.constant 0 : i32
      %dma_start3A_378 = tpu.memref_slice %arg3[%squeeze3A_369, %dma_start3A_377] : memref<1000000x64xf32, #tpu.memory_space<hbm>> -> memref<1x64xf32, #tpu.memory_space<hbm>>
      %dma_start3A_379 = tpu.memref_squeeze %dma_start3A_378 : memref<1x64xf32, #tpu.memory_space<hbm>> -> memref<64xf32, #tpu.memory_space<hbm>>
      %dma_start3A_380 = arith.constant 0 : i32
      %dma_start3A_381 = tpu.memref_slice %arg8[%add3A_373, %dma_start3A_380] : memref<256x64xf32, #tpu.memory_space<vmem>> -> memref<1x64xf32, #tpu.memory_space<vmem>>
      %dma_start3A_382 = tpu.memref_squeeze %dma_start3A_381 : memref<1x64xf32, #tpu.memory_space<vmem>> -> memref<64xf32, #tpu.memory_space<vmem>>
      %dma_start3A_383 = arith.constant 0 : i32
      %dma_start3A_384 = tpu.memref_slice %arg3[%squeeze3A_369, %dma_start3A_383] : memref<1000000x64xf32, #tpu.memory_space<hbm>> -> memref<1x64xf32, #tpu.memory_space<hbm>>
      %dma_start3A_385 = tpu.memref_squeeze %dma_start3A_384 : memref<1x64xf32, #tpu.memory_space<hbm>> -> memref<64xf32, #tpu.memory_space<hbm>>
      tpu.enqueue_dma source(%dma_start3A_385 : memref<64xf32, #tpu.memory_space<hbm>>) target(%dma_start3A_382 : memref<64xf32, #tpu.memory_space<vmem>>) target_semaphore(%arg10 : memref<!tpu.dma_semaphore, #tpu.memory_space<semaphore_mem>>)
      %dma_start3A_386 = arith.constant 0 : i32
      %dma_start3A_387 = tpu.memref_slice %arg9[%add3A_373, %dma_start3A_386] : memref<256x64xf32, #tpu.memory_space<vmem>> -> memref<1x64xf32, #tpu.memory_space<vmem>>
      %dma_start3A_388 = tpu.memref_squeeze %dma_start3A_387 : memref<1x64xf32, #tpu.memory_space<vmem>> -> memref<64xf32, #tpu.memory_space<vmem>>
      %dma_start3A_389 = arith.constant 0 : i32
      %dma_start3A_390 = tpu.memref_slice %arg4[%squeeze3A_369, %dma_start3A_389] : memref<1000000x64xf32, #tpu.memory_space<hbm>> -> memref<1x64xf32, #tpu.memory_space<hbm>>
      %dma_start3A_391 = tpu.memref_squeeze %dma_start3A_390 : memref<1x64xf32, #tpu.memory_space<hbm>> -> memref<64xf32, #tpu.memory_space<hbm>>
      %dma_start3A_392 = arith.constant 0 : i32
      %dma_start3A_393 = tpu.memref_slice %arg9[%add3A_373, %dma_start3A_392] : memref<256x64xf32, #tpu.memory_space<vmem>> -> memref<1x64xf32, #tpu.memory_space<vmem>>
      %dma_start3A_394 = tpu.memref_squeeze %dma_start3A_393 : memref<1x64xf32, #tpu.memory_space<vmem>> -> memref<64xf32, #tpu.memory_space<vmem>>
      %dma_start3A_395 = arith.constant 0 : i32
      %dma_start3A_396 = tpu.memref_slice %arg4[%squeeze3A_369, %dma_start3A_395] : memref<1000000x64xf32, #tpu.memory_space<hbm>> -> memref<1x64xf32, #tpu.memory_space<hbm>>
      %dma_start3A_397 = tpu.memref_squeeze %dma_start3A_396 : memref<1x64xf32, #tpu.memory_space<hbm>> -> memref<64xf32, #tpu.memory_space<hbm>>
      tpu.enqueue_dma source(%dma_start3A_397 : memref<64xf32, #tpu.memory_space<hbm>>) target(%dma_start3A_394 : memref<64xf32, #tpu.memory_space<vmem>>) target_semaphore(%arg10 : memref<!tpu.dma_semaphore, #tpu.memory_space<semaphore_mem>>)
      %slice3A_398 = vector.extract_strided_slice %get3A_40 {offsets = [12], sizes = [1], strides = [1]} : vector<16xi32> to vector<1xi32>
      %squeeze3A_399 = vector.extract %slice3A_398[0] : i32 from vector<1xi32>
      %mul3A_400 = arith.constant 16 : i32
      %mul3A_401 = arith.muli %scan3A_34, %mul3A_400 : i32
      %add3A_402 = arith.constant 12 : i32
      %add3A_403 = arith.addi %mul3A_401, %add3A_402 : i32
      %dma_start3A_404 = arith.constant 0 : i32
      %dma_start3A_405 = tpu.memref_slice %arg8[%add3A_403, %dma_start3A_404] : memref<256x64xf32, #tpu.memory_space<vmem>> -> memref<1x64xf32, #tpu.memory_space<vmem>>
      %dma_start3A_406 = tpu.memref_squeeze %dma_start3A_405 : memref<1x64xf32, #tpu.memory_space<vmem>> -> memref<64xf32, #tpu.memory_space<vmem>>
      %dma_start3A_407 = arith.constant 0 : i32
      %dma_start3A_408 = tpu.memref_slice %arg3[%squeeze3A_399, %dma_start3A_407] : memref<1000000x64xf32, #tpu.memory_space<hbm>> -> memref<1x64xf32, #tpu.memory_space<hbm>>
      %dma_start3A_409 = tpu.memref_squeeze %dma_start3A_408 : memref<1x64xf32, #tpu.memory_space<hbm>> -> memref<64xf32, #tpu.memory_space<hbm>>
      %dma_start3A_410 = arith.constant 0 : i32
      %dma_start3A_411 = tpu.memref_slice %arg8[%add3A_403, %dma_start3A_410] : memref<256x64xf32, #tpu.memory_space<vmem>> -> memref<1x64xf32, #tpu.memory_space<vmem>>
      %dma_start3A_412 = tpu.memref_squeeze %dma_start3A_411 : memref<1x64xf32, #tpu.memory_space<vmem>> -> memref<64xf32, #tpu.memory_space<vmem>>
      %dma_start3A_413 = arith.constant 0 : i32
      %dma_start3A_414 = tpu.memref_slice %arg3[%squeeze3A_399, %dma_start3A_413] : memref<1000000x64xf32, #tpu.memory_space<hbm>> -> memref<1x64xf32, #tpu.memory_space<hbm>>
      %dma_start3A_415 = tpu.memref_squeeze %dma_start3A_414 : memref<1x64xf32, #tpu.memory_space<hbm>> -> memref<64xf32, #tpu.memory_space<hbm>>
      tpu.enqueue_dma source(%dma_start3A_415 : memref<64xf32, #tpu.memory_space<hbm>>) target(%dma_start3A_412 : memref<64xf32, #tpu.memory_space<vmem>>) target_semaphore(%arg10 : memref<!tpu.dma_semaphore, #tpu.memory_space<semaphore_mem>>)
      %dma_start3A_416 = arith.constant 0 : i32
      %dma_start3A_417 = tpu.memref_slice %arg9[%add3A_403, %dma_start3A_416] : memref<256x64xf32, #tpu.memory_space<vmem>> -> memref<1x64xf32, #tpu.memory_space<vmem>>
      %dma_start3A_418 = tpu.memref_squeeze %dma_start3A_417 : memref<1x64xf32, #tpu.memory_space<vmem>> -> memref<64xf32, #tpu.memory_space<vmem>>
      %dma_start3A_419 = arith.constant 0 : i32
      %dma_start3A_420 = tpu.memref_slice %arg4[%squeeze3A_399, %dma_start3A_419] : memref<1000000x64xf32, #tpu.memory_space<hbm>> -> memref<1x64xf32, #tpu.memory_space<hbm>>
      %dma_start3A_421 = tpu.memref_squeeze %dma_start3A_420 : memref<1x64xf32, #tpu.memory_space<hbm>> -> memref<64xf32, #tpu.memory_space<hbm>>
      %dma_start3A_422 = arith.constant 0 : i32
      %dma_start3A_423 = tpu.memref_slice %arg9[%add3A_403, %dma_start3A_422] : memref<256x64xf32, #tpu.memory_space<vmem>> -> memref<1x64xf32, #tpu.memory_space<vmem>>
      %dma_start3A_424 = tpu.memref_squeeze %dma_start3A_423 : memref<1x64xf32, #tpu.memory_space<vmem>> -> memref<64xf32, #tpu.memory_space<vmem>>
      %dma_start3A_425 = arith.constant 0 : i32
      %dma_start3A_426 = tpu.memref_slice %arg4[%squeeze3A_399, %dma_start3A_425] : memref<1000000x64xf32, #tpu.memory_space<hbm>> -> memref<1x64xf32, #tpu.memory_space<hbm>>
      %dma_start3A_427 = tpu.memref_squeeze %dma_start3A_426 : memref<1x64xf32, #tpu.memory_space<hbm>> -> memref<64xf32, #tpu.memory_space<hbm>>
      tpu.enqueue_dma source(%dma_start3A_427 : memref<64xf32, #tpu.memory_space<hbm>>) target(%dma_start3A_424 : memref<64xf32, #tpu.memory_space<vmem>>) target_semaphore(%arg10 : memref<!tpu.dma_semaphore, #tpu.memory_space<semaphore_mem>>)
      %slice3A_428 = vector.extract_strided_slice %get3A_40 {offsets = [13], sizes = [1], strides = [1]} : vector<16xi32> to vector<1xi32>
      %squeeze3A_429 = vector.extract %slice3A_428[0] : i32 from vector<1xi32>
      %mul3A_430 = arith.constant 16 : i32
      %mul3A_431 = arith.muli %scan3A_34, %mul3A_430 : i32
      %add3A_432 = arith.constant 13 : i32
      %add3A_433 = arith.addi %mul3A_431, %add3A_432 : i32
      %dma_start3A_434 = arith.constant 0 : i32
      %dma_start3A_435 = tpu.memref_slice %arg8[%add3A_433, %dma_start3A_434] : memref<256x64xf32, #tpu.memory_space<vmem>> -> memref<1x64xf32, #tpu.memory_space<vmem>>
      %dma_start3A_436 = tpu.memref_squeeze %dma_start3A_435 : memref<1x64xf32, #tpu.memory_space<vmem>> -> memref<64xf32, #tpu.memory_space<vmem>>
      %dma_start3A_437 = arith.constant 0 : i32
      %dma_start3A_438 = tpu.memref_slice %arg3[%squeeze3A_429, %dma_start3A_437] : memref<1000000x64xf32, #tpu.memory_space<hbm>> -> memref<1x64xf32, #tpu.memory_space<hbm>>
      %dma_start3A_439 = tpu.memref_squeeze %dma_start3A_438 : memref<1x64xf32, #tpu.memory_space<hbm>> -> memref<64xf32, #tpu.memory_space<hbm>>
      %dma_start3A_440 = arith.constant 0 : i32
      %dma_start3A_441 = tpu.memref_slice %arg8[%add3A_433, %dma_start3A_440] : memref<256x64xf32, #tpu.memory_space<vmem>> -> memref<1x64xf32, #tpu.memory_space<vmem>>
      %dma_start3A_442 = tpu.memref_squeeze %dma_start3A_441 : memref<1x64xf32, #tpu.memory_space<vmem>> -> memref<64xf32, #tpu.memory_space<vmem>>
      %dma_start3A_443 = arith.constant 0 : i32
      %dma_start3A_444 = tpu.memref_slice %arg3[%squeeze3A_429, %dma_start3A_443] : memref<1000000x64xf32, #tpu.memory_space<hbm>> -> memref<1x64xf32, #tpu.memory_space<hbm>>
      %dma_start3A_445 = tpu.memref_squeeze %dma_start3A_444 : memref<1x64xf32, #tpu.memory_space<hbm>> -> memref<64xf32, #tpu.memory_space<hbm>>
      tpu.enqueue_dma source(%dma_start3A_445 : memref<64xf32, #tpu.memory_space<hbm>>) target(%dma_start3A_442 : memref<64xf32, #tpu.memory_space<vmem>>) target_semaphore(%arg10 : memref<!tpu.dma_semaphore, #tpu.memory_space<semaphore_mem>>)
      %dma_start3A_446 = arith.constant 0 : i32
      %dma_start3A_447 = tpu.memref_slice %arg9[%add3A_433, %dma_start3A_446] : memref<256x64xf32, #tpu.memory_space<vmem>> -> memref<1x64xf32, #tpu.memory_space<vmem>>
      %dma_start3A_448 = tpu.memref_squeeze %dma_start3A_447 : memref<1x64xf32, #tpu.memory_space<vmem>> -> memref<64xf32, #tpu.memory_space<vmem>>
      %dma_start3A_449 = arith.constant 0 : i32
      %dma_start3A_450 = tpu.memref_slice %arg4[%squeeze3A_429, %dma_start3A_449] : memref<1000000x64xf32, #tpu.memory_space<hbm>> -> memref<1x64xf32, #tpu.memory_space<hbm>>
      %dma_start3A_451 = tpu.memref_squeeze %dma_start3A_450 : memref<1x64xf32, #tpu.memory_space<hbm>> -> memref<64xf32, #tpu.memory_space<hbm>>
      %dma_start3A_452 = arith.constant 0 : i32
      %dma_start3A_453 = tpu.memref_slice %arg9[%add3A_433, %dma_start3A_452] : memref<256x64xf32, #tpu.memory_space<vmem>> -> memref<1x64xf32, #tpu.memory_space<vmem>>
      %dma_start3A_454 = tpu.memref_squeeze %dma_start3A_453 : memref<1x64xf32, #tpu.memory_space<vmem>> -> memref<64xf32, #tpu.memory_space<vmem>>
      %dma_start3A_455 = arith.constant 0 : i32
      %dma_start3A_456 = tpu.memref_slice %arg4[%squeeze3A_429, %dma_start3A_455] : memref<1000000x64xf32, #tpu.memory_space<hbm>> -> memref<1x64xf32, #tpu.memory_space<hbm>>
      %dma_start3A_457 = tpu.memref_squeeze %dma_start3A_456 : memref<1x64xf32, #tpu.memory_space<hbm>> -> memref<64xf32, #tpu.memory_space<hbm>>
      tpu.enqueue_dma source(%dma_start3A_457 : memref<64xf32, #tpu.memory_space<hbm>>) target(%dma_start3A_454 : memref<64xf32, #tpu.memory_space<vmem>>) target_semaphore(%arg10 : memref<!tpu.dma_semaphore, #tpu.memory_space<semaphore_mem>>)
      %slice3A_458 = vector.extract_strided_slice %get3A_40 {offsets = [14], sizes = [1], strides = [1]} : vector<16xi32> to vector<1xi32>
      %squeeze3A_459 = vector.extract %slice3A_458[0] : i32 from vector<1xi32>
      %mul3A_460 = arith.constant 16 : i32
      %mul3A_461 = arith.muli %scan3A_34, %mul3A_460 : i32
      %add3A_462 = arith.constant 14 : i32
      %add3A_463 = arith.addi %mul3A_461, %add3A_462 : i32
      %dma_start3A_464 = arith.constant 0 : i32
      %dma_start3A_465 = tpu.memref_slice %arg8[%add3A_463, %dma_start3A_464] : memref<256x64xf32, #tpu.memory_space<vmem>> -> memref<1x64xf32, #tpu.memory_space<vmem>>
      %dma_start3A_466 = tpu.memref_squeeze %dma_start3A_465 : memref<1x64xf32, #tpu.memory_space<vmem>> -> memref<64xf32, #tpu.memory_space<vmem>>
      %dma_start3A_467 = arith.constant 0 : i32
      %dma_start3A_468 = tpu.memref_slice %arg3[%squeeze3A_459, %dma_start3A_467] : memref<1000000x64xf32, #tpu.memory_space<hbm>> -> memref<1x64xf32, #tpu.memory_space<hbm>>
      %dma_start3A_469 = tpu.memref_squeeze %dma_start3A_468 : memref<1x64xf32, #tpu.memory_space<hbm>> -> memref<64xf32, #tpu.memory_space<hbm>>
      %dma_start3A_470 = arith.constant 0 : i32
      %dma_start3A_471 = tpu.memref_slice %arg8[%add3A_463, %dma_start3A_470] : memref<256x64xf32, #tpu.memory_space<vmem>> -> memref<1x64xf32, #tpu.memory_space<vmem>>
      %dma_start3A_472 = tpu.memref_squeeze %dma_start3A_471 : memref<1x64xf32, #tpu.memory_space<vmem>> -> memref<64xf32, #tpu.memory_space<vmem>>
      %dma_start3A_473 = arith.constant 0 : i32
      %dma_start3A_474 = tpu.memref_slice %arg3[%squeeze3A_459, %dma_start3A_473] : memref<1000000x64xf32, #tpu.memory_space<hbm>> -> memref<1x64xf32, #tpu.memory_space<hbm>>
      %dma_start3A_475 = tpu.memref_squeeze %dma_start3A_474 : memref<1x64xf32, #tpu.memory_space<hbm>> -> memref<64xf32, #tpu.memory_space<hbm>>
      tpu.enqueue_dma source(%dma_start3A_475 : memref<64xf32, #tpu.memory_space<hbm>>) target(%dma_start3A_472 : memref<64xf32, #tpu.memory_space<vmem>>) target_semaphore(%arg10 : memref<!tpu.dma_semaphore, #tpu.memory_space<semaphore_mem>>)
      %dma_start3A_476 = arith.constant 0 : i32
      %dma_start3A_477 = tpu.memref_slice %arg9[%add3A_463, %dma_start3A_476] : memref<256x64xf32, #tpu.memory_space<vmem>> -> memref<1x64xf32, #tpu.memory_space<vmem>>
      %dma_start3A_478 = tpu.memref_squeeze %dma_start3A_477 : memref<1x64xf32, #tpu.memory_space<vmem>> -> memref<64xf32, #tpu.memory_space<vmem>>
      %dma_start3A_479 = arith.constant 0 : i32
      %dma_start3A_480 = tpu.memref_slice %arg4[%squeeze3A_459, %dma_start3A_479] : memref<1000000x64xf32, #tpu.memory_space<hbm>> -> memref<1x64xf32, #tpu.memory_space<hbm>>
      %dma_start3A_481 = tpu.memref_squeeze %dma_start3A_480 : memref<1x64xf32, #tpu.memory_space<hbm>> -> memref<64xf32, #tpu.memory_space<hbm>>
      %dma_start3A_482 = arith.constant 0 : i32
      %dma_start3A_483 = tpu.memref_slice %arg9[%add3A_463, %dma_start3A_482] : memref<256x64xf32, #tpu.memory_space<vmem>> -> memref<1x64xf32, #tpu.memory_space<vmem>>
      %dma_start3A_484 = tpu.memref_squeeze %dma_start3A_483 : memref<1x64xf32, #tpu.memory_space<vmem>> -> memref<64xf32, #tpu.memory_space<vmem>>
      %dma_start3A_485 = arith.constant 0 : i32
      %dma_start3A_486 = tpu.memref_slice %arg4[%squeeze3A_459, %dma_start3A_485] : memref<1000000x64xf32, #tpu.memory_space<hbm>> -> memref<1x64xf32, #tpu.memory_space<hbm>>
      %dma_start3A_487 = tpu.memref_squeeze %dma_start3A_486 : memref<1x64xf32, #tpu.memory_space<hbm>> -> memref<64xf32, #tpu.memory_space<hbm>>
      tpu.enqueue_dma source(%dma_start3A_487 : memref<64xf32, #tpu.memory_space<hbm>>) target(%dma_start3A_484 : memref<64xf32, #tpu.memory_space<vmem>>) target_semaphore(%arg10 : memref<!tpu.dma_semaphore, #tpu.memory_space<semaphore_mem>>)
      %slice3A_488 = vector.extract_strided_slice %get3A_40 {offsets = [15], sizes = [1], strides = [1]} : vector<16xi32> to vector<1xi32>
      %squeeze3A_489 = vector.extract %slice3A_488[0] : i32 from vector<1xi32>
      %mul3A_490 = arith.constant 16 : i32
      %mul3A_491 = arith.muli %scan3A_34, %mul3A_490 : i32
      %add3A_492 = arith.constant 15 : i32
      %add3A_493 = arith.addi %mul3A_491, %add3A_492 : i32
      %dma_start3A_494 = arith.constant 0 : i32
      %dma_start3A_495 = tpu.memref_slice %arg8[%add3A_493, %dma_start3A_494] : memref<256x64xf32, #tpu.memory_space<vmem>> -> memref<1x64xf32, #tpu.memory_space<vmem>>
      %dma_start3A_496 = tpu.memref_squeeze %dma_start3A_495 : memref<1x64xf32, #tpu.memory_space<vmem>> -> memref<64xf32, #tpu.memory_space<vmem>>
      %dma_start3A_497 = arith.constant 0 : i32
      %dma_start3A_498 = tpu.memref_slice %arg3[%squeeze3A_489, %dma_start3A_497] : memref<1000000x64xf32, #tpu.memory_space<hbm>> -> memref<1x64xf32, #tpu.memory_space<hbm>>
      %dma_start3A_499 = tpu.memref_squeeze %dma_start3A_498 : memref<1x64xf32, #tpu.memory_space<hbm>> -> memref<64xf32, #tpu.memory_space<hbm>>
      %dma_start3A_500 = arith.constant 0 : i32
      %dma_start3A_501 = tpu.memref_slice %arg8[%add3A_493, %dma_start3A_500] : memref<256x64xf32, #tpu.memory_space<vmem>> -> memref<1x64xf32, #tpu.memory_space<vmem>>
      %dma_start3A_502 = tpu.memref_squeeze %dma_start3A_501 : memref<1x64xf32, #tpu.memory_space<vmem>> -> memref<64xf32, #tpu.memory_space<vmem>>
      %dma_start3A_503 = arith.constant 0 : i32
      %dma_start3A_504 = tpu.memref_slice %arg3[%squeeze3A_489, %dma_start3A_503] : memref<1000000x64xf32, #tpu.memory_space<hbm>> -> memref<1x64xf32, #tpu.memory_space<hbm>>
      %dma_start3A_505 = tpu.memref_squeeze %dma_start3A_504 : memref<1x64xf32, #tpu.memory_space<hbm>> -> memref<64xf32, #tpu.memory_space<hbm>>
      tpu.enqueue_dma source(%dma_start3A_505 : memref<64xf32, #tpu.memory_space<hbm>>) target(%dma_start3A_502 : memref<64xf32, #tpu.memory_space<vmem>>) target_semaphore(%arg10 : memref<!tpu.dma_semaphore, #tpu.memory_space<semaphore_mem>>)
      %dma_start3A_506 = arith.constant 0 : i32
      %dma_start3A_507 = tpu.memref_slice %arg9[%add3A_493, %dma_start3A_506] : memref<256x64xf32, #tpu.memory_space<vmem>> -> memref<1x64xf32, #tpu.memory_space<vmem>>
      %dma_start3A_508 = tpu.memref_squeeze %dma_start3A_507 : memref<1x64xf32, #tpu.memory_space<vmem>> -> memref<64xf32, #tpu.memory_space<vmem>>
      %dma_start3A_509 = arith.constant 0 : i32
      %dma_start3A_510 = tpu.memref_slice %arg4[%squeeze3A_489, %dma_start3A_509] : memref<1000000x64xf32, #tpu.memory_space<hbm>> -> memref<1x64xf32, #tpu.memory_space<hbm>>
      %dma_start3A_511 = tpu.memref_squeeze %dma_start3A_510 : memref<1x64xf32, #tpu.memory_space<hbm>> -> memref<64xf32, #tpu.memory_space<hbm>>
      %dma_start3A_512 = arith.constant 0 : i32
      %dma_start3A_513 = tpu.memref_slice %arg9[%add3A_493, %dma_start3A_512] : memref<256x64xf32, #tpu.memory_space<vmem>> -> memref<1x64xf32, #tpu.memory_space<vmem>>
      %dma_start3A_514 = tpu.memref_squeeze %dma_start3A_513 : memref<1x64xf32, #tpu.memory_space<vmem>> -> memref<64xf32, #tpu.memory_space<vmem>>
      %dma_start3A_515 = arith.constant 0 : i32
      %dma_start3A_516 = tpu.memref_slice %arg4[%squeeze3A_489, %dma_start3A_515] : memref<1000000x64xf32, #tpu.memory_space<hbm>> -> memref<1x64xf32, #tpu.memory_space<hbm>>
      %dma_start3A_517 = tpu.memref_squeeze %dma_start3A_516 : memref<1x64xf32, #tpu.memory_space<hbm>> -> memref<64xf32, #tpu.memory_space<hbm>>
      tpu.enqueue_dma source(%dma_start3A_517 : memref<64xf32, #tpu.memory_space<hbm>>) target(%dma_start3A_514 : memref<64xf32, #tpu.memory_space<vmem>>) target_semaphore(%arg10 : memref<!tpu.dma_semaphore, #tpu.memory_space<semaphore_mem>>)
    }
    %scan3A_23 = arith.constant 16 : i32
    %scan3A_24 = arith.constant 0 : i32
    %scan3A_25 = arith.constant 0 : i32
    %scan3A_26 = arith.constant 256 : i32
    %scan3A_27 = arith.addi %scan3A_25, %scan3A_26 : i32
    %scan3A_28 = arith.constant 1 : i32
    scf.for %scan3A_34 = %scan3A_25 to %scan3A_27 step %scan3A_28  : i32 {
      %dma_wait3A = arith.constant 0 : i32
      %dma_wait3A_35 = arith.constant 0 : i32
      %dma_wait3A_36 = tpu.memref_slice %arg8[%scan3A_34, %dma_wait3A_35] : memref<256x64xf32, #tpu.memory_space<vmem>> -> memref<1x64xf32, #tpu.memory_space<vmem>>
      %dma_wait3A_37 = tpu.memref_squeeze %dma_wait3A_36 : memref<1x64xf32, #tpu.memory_space<vmem>> -> memref<64xf32, #tpu.memory_space<vmem>>
      %dma_wait3A_38 = arith.constant 0 : i32
      %dma_wait3A_39 = tpu.memref_slice %arg3[%dma_wait3A, %dma_wait3A_38] : memref<1000000x64xf32, #tpu.memory_space<hbm>> -> memref<1x64xf32, #tpu.memory_space<hbm>>
      %dma_wait3A_40 = tpu.memref_squeeze %dma_wait3A_39 : memref<1x64xf32, #tpu.memory_space<hbm>> -> memref<64xf32, #tpu.memory_space<hbm>>
      %dma_wait3A_41 = arith.constant 0 : i32
      %dma_wait3A_42 = tpu.memref_slice %arg8[%scan3A_34, %dma_wait3A_41] : memref<256x64xf32, #tpu.memory_space<vmem>> -> memref<1x64xf32, #tpu.memory_space<vmem>>
      %dma_wait3A_43 = tpu.memref_squeeze %dma_wait3A_42 : memref<1x64xf32, #tpu.memory_space<vmem>> -> memref<64xf32, #tpu.memory_space<vmem>>
      %dma_wait3A_44 = arith.constant 0 : i32
      %dma_wait3A_45 = tpu.memref_slice %arg3[%dma_wait3A, %dma_wait3A_44] : memref<1000000x64xf32, #tpu.memory_space<hbm>> -> memref<1x64xf32, #tpu.memory_space<hbm>>
      %dma_wait3A_46 = tpu.memref_squeeze %dma_wait3A_45 : memref<1x64xf32, #tpu.memory_space<hbm>> -> memref<64xf32, #tpu.memory_space<hbm>>
      tpu.wait_dma2 semaphore(%arg10 : memref<!tpu.dma_semaphore, #tpu.memory_space<semaphore_mem>>) src(%dma_wait3A_46 : memref<64xf32, #tpu.memory_space<hbm>>) dst(%dma_wait3A_43 : memref<64xf32, #tpu.memory_space<vmem>>)
      %dma_wait3A_47 = arith.constant 0 : i32
      %dma_wait3A_48 = arith.constant 0 : i32
      %dma_wait3A_49 = tpu.memref_slice %arg9[%scan3A_34, %dma_wait3A_48] : memref<256x64xf32, #tpu.memory_space<vmem>> -> memref<1x64xf32, #tpu.memory_space<vmem>>
      %dma_wait3A_50 = tpu.memref_squeeze %dma_wait3A_49 : memref<1x64xf32, #tpu.memory_space<vmem>> -> memref<64xf32, #tpu.memory_space<vmem>>
      %dma_wait3A_51 = arith.constant 0 : i32
      %dma_wait3A_52 = tpu.memref_slice %arg4[%dma_wait3A_47, %dma_wait3A_51] : memref<1000000x64xf32, #tpu.memory_space<hbm>> -> memref<1x64xf32, #tpu.memory_space<hbm>>
      %dma_wait3A_53 = tpu.memref_squeeze %dma_wait3A_52 : memref<1x64xf32, #tpu.memory_space<hbm>> -> memref<64xf32, #tpu.memory_space<hbm>>
      %dma_wait3A_54 = arith.constant 0 : i32
      %dma_wait3A_55 = tpu.memref_slice %arg9[%scan3A_34, %dma_wait3A_54] : memref<256x64xf32, #tpu.memory_space<vmem>> -> memref<1x64xf32, #tpu.memory_space<vmem>>
      %dma_wait3A_56 = tpu.memref_squeeze %dma_wait3A_55 : memref<1x64xf32, #tpu.memory_space<vmem>> -> memref<64xf32, #tpu.memory_space<vmem>>
      %dma_wait3A_57 = arith.constant 0 : i32
      %dma_wait3A_58 = tpu.memref_slice %arg4[%dma_wait3A_47, %dma_wait3A_57] : memref<1000000x64xf32, #tpu.memory_space<hbm>> -> memref<1x64xf32, #tpu.memory_space<hbm>>
      %dma_wait3A_59 = tpu.memref_squeeze %dma_wait3A_58 : memref<1x64xf32, #tpu.memory_space<hbm>> -> memref<64xf32, #tpu.memory_space<hbm>>
      tpu.wait_dma2 semaphore(%arg10 : memref<!tpu.dma_semaphore, #tpu.memory_space<semaphore_mem>>) src(%dma_wait3A_59 : memref<64xf32, #tpu.memory_space<hbm>>) dst(%dma_wait3A_56 : memref<64xf32, #tpu.memory_space<vmem>>)
    }
    %scan3A_29 = arith.constant 256 : i32
    %add3A_30 = arith.constant 256 : i32
    %add3A_31 = arith.addi %mul3A_2, %add3A_30 : i32
    "tpu.region"() ({
      %run_scoped3A = tpu.sem_alloc : memref<!tpu.dma_semaphore, #tpu.memory_space<semaphore_mem>>
      %dma_start3A = arith.constant 0 : i32
      %dma_start3A_34 = tpu.memref_slice %arg5[%add3A_31, %dma_start3A] : memref<16384x64xf32, #tpu.memory_space<hbm>> -> memref<256x64xf32, #tpu.memory_space<hbm>>
      %dma_start3A_35 = arith.constant 0 : i32
      %dma_start3A_36 = tpu.memref_slice %arg5[%add3A_31, %dma_start3A_35] : memref<16384x64xf32, #tpu.memory_space<hbm>> -> memref<256x64xf32, #tpu.memory_space<hbm>>
      tpu.enqueue_dma source(%arg8 : memref<256x64xf32, #tpu.memory_space<vmem>>) target(%dma_start3A_36 : memref<256x64xf32, #tpu.memory_space<hbm>>) target_semaphore(%run_scoped3A : memref<!tpu.dma_semaphore, #tpu.memory_space<semaphore_mem>>)
      %dma_wait3A = arith.constant 0 : i32
      %dma_wait3A_37 = tpu.memref_slice %arg5[%add3A_31, %dma_wait3A] : memref<16384x64xf32, #tpu.memory_space<hbm>> -> memref<256x64xf32, #tpu.memory_space<hbm>>
      %dma_wait3A_38 = arith.constant 0 : i32
      %dma_wait3A_39 = tpu.memref_slice %arg5[%add3A_31, %dma_wait3A_38] : memref<16384x64xf32, #tpu.memory_space<hbm>> -> memref<256x64xf32, #tpu.memory_space<hbm>>
      tpu.wait_dma2 semaphore(%run_scoped3A : memref<!tpu.dma_semaphore, #tpu.memory_space<semaphore_mem>>) src(%arg8 : memref<256x64xf32, #tpu.memory_space<vmem>>) dst(%dma_wait3A_39 : memref<256x64xf32, #tpu.memory_space<hbm>>)
      tpu.yield
    }) : () -> ()
    %add3A_32 = arith.constant 256 : i32
    %add3A_33 = arith.addi %mul3A_2, %add3A_32 : i32
    "tpu.region"() ({
      %run_scoped3A = tpu.sem_alloc : memref<!tpu.dma_semaphore, #tpu.memory_space<semaphore_mem>>
      %dma_start3A = arith.constant 0 : i32
      %dma_start3A_34 = tpu.memref_slice %arg6[%add3A_33, %dma_start3A] : memref<16384x64xf32, #tpu.memory_space<hbm>> -> memref<256x64xf32, #tpu.memory_space<hbm>>
      %dma_start3A_35 = arith.constant 0 : i32
      %dma_start3A_36 = tpu.memref_slice %arg6[%add3A_33, %dma_start3A_35] : memref<16384x64xf32, #tpu.memory_space<hbm>> -> memref<256x64xf32, #tpu.memory_space<hbm>>
      tpu.enqueue_dma source(%arg9 : memref<256x64xf32, #tpu.memory_space<vmem>>) target(%dma_start3A_36 : memref<256x64xf32, #tpu.memory_space<hbm>>) target_semaphore(%run_scoped3A : memref<!tpu.dma_semaphore, #tpu.memory_space<semaphore_mem>>)
      %dma_wait3A = arith.constant 0 : i32
      %dma_wait3A_37 = tpu.memref_slice %arg6[%add3A_33, %dma_wait3A] : memref<16384x64xf32, #tpu.memory_space<hbm>> -> memref<256x64xf32, #tpu.memory_space<hbm>>
      %dma_wait3A_38 = arith.constant 0 : i32
      %dma_wait3A_39 = tpu.memref_slice %arg6[%add3A_33, %dma_wait3A_38] : memref<16384x64xf32, #tpu.memory_space<hbm>> -> memref<256x64xf32, #tpu.memory_space<hbm>>
      tpu.wait_dma2 semaphore(%run_scoped3A : memref<!tpu.dma_semaphore, #tpu.memory_space<semaphore_mem>>) src(%arg9 : memref<256x64xf32, #tpu.memory_space<vmem>>) dst(%dma_wait3A_39 : memref<256x64xf32, #tpu.memory_space<hbm>>)
      tpu.yield
    }) : () -> ()
    return
  }
}

module attributes {stable_mosaic.version = 14 : i64} {
  func.func @_tc_body(%arg0: i32, %arg1: memref<2048x64xf32, #tpu.memory_space<vmem>>, %arg2: memref<2048x64xf32, #tpu.memory_space<vmem>>, %arg3: memref<2048x64xf32, #tpu.memory_space<vmem>>, %arg4: memref<2048x64xf32, #tpu.memory_space<vmem>>, %arg5: memref<64x128xf32, #tpu.memory_space<vmem>>, %arg6: memref<64x128xf32, #tpu.memory_space<vmem>>, %arg7: memref<1x128xf32, #tpu.memory_space<vmem>>, %arg8: memref<128x64xf32, #tpu.memory_space<vmem>>, %arg9: memref<1x64xf32, #tpu.memory_space<vmem>>, %arg10: memref<64x32xf32, #tpu.memory_space<vmem>>, %arg11: memref<1x32xf32, #tpu.memory_space<vmem>>, %arg12: memref<32x16xf32, #tpu.memory_space<vmem>>, %arg13: memref<1x16xf32, #tpu.memory_space<vmem>>, %arg14: memref<1x64xf32, #tpu.memory_space<vmem>>, %arg15: memref<1x16xf32, #tpu.memory_space<vmem>>, %arg16: memref<1x1xf32, #tpu.memory_space<vmem>>, %arg17: memref<2048xf32, #tpu.memory_space<vmem>>) attributes {dimension_semantics = [#tpu.dimension_semantics<arbitrary>], iteration_bounds = array<i64: 8>, scalar_prefetch = 0 : i64, scratch_operands = 0 : i64, tpu.core_type = #tpu.core_type<tc>, window_params = [{transform_indices = @transform_0, window_bounds = array<i64: 2048, 64>}, {transform_indices = @transform_1, window_bounds = array<i64: 2048, 64>}, {transform_indices = @transform_2, window_bounds = array<i64: 2048, 64>}, {transform_indices = @transform_3, window_bounds = array<i64: 2048, 64>}, {pipeline_mode = #tpu.pipeline_mode<synchronous>, transform_indices = @transform_4, window_bounds = array<i64: 64, 128>}, {pipeline_mode = #tpu.pipeline_mode<synchronous>, transform_indices = @transform_5, window_bounds = array<i64: 64, 128>}, {pipeline_mode = #tpu.pipeline_mode<synchronous>, transform_indices = @transform_6, window_bounds = array<i64: 1, 128>}, {pipeline_mode = #tpu.pipeline_mode<synchronous>, transform_indices = @transform_7, window_bounds = array<i64: 128, 64>}, {pipeline_mode = #tpu.pipeline_mode<synchronous>, transform_indices = @transform_8, window_bounds = array<i64: 1, 64>}, {pipeline_mode = #tpu.pipeline_mode<synchronous>, transform_indices = @transform_9, window_bounds = array<i64: 64, 32>}, {pipeline_mode = #tpu.pipeline_mode<synchronous>, transform_indices = @transform_10, window_bounds = array<i64: 1, 32>}, {pipeline_mode = #tpu.pipeline_mode<synchronous>, transform_indices = @transform_11, window_bounds = array<i64: 32, 16>}, {pipeline_mode = #tpu.pipeline_mode<synchronous>, transform_indices = @transform_12, window_bounds = array<i64: 1, 16>}, {pipeline_mode = #tpu.pipeline_mode<synchronous>, transform_indices = @transform_13, window_bounds = array<i64: 1, 64>}, {pipeline_mode = #tpu.pipeline_mode<synchronous>, transform_indices = @transform_14, window_bounds = array<i64: 1, 16>}, {pipeline_mode = #tpu.pipeline_mode<synchronous>, transform_indices = @transform_15, window_bounds = array<i64: 1, 1>}, {transform_indices = @transform_16, window_bounds = array<i64: 2048>}]} {
    %get3A = arith.constant 0 : index
    %get3A_0 = arith.constant 0 : index
    %get3A_1 = vector.load %arg3[%get3A, %get3A_0] : memref<2048x64xf32, #tpu.memory_space<vmem>>, vector<2048x64xf32>
    %get3A_2 = arith.constant 0 : index
    %get3A_3 = arith.constant 0 : index
    %get3A_4 = vector.load %arg5[%get3A_2, %get3A_3] : memref<64x128xf32, #tpu.memory_space<vmem>>, vector<64x128xf32>
    %dot_general3A = arith.constant dense<0.000000e+00> : vector<2048x128xf32>
    %dot_general3A_5 = tpu.matmul %get3A_1, %get3A_4, %dot_general3A {dimension_numbers = #tpu.dot_dimension_numbers<[1], [0], [0], [1], [0, 0, 1, 1], [], []>, transpose_lhs_hint = false} : vector<2048x64xf32>, vector<64x128xf32>, vector<2048x128xf32> -> vector<2048x128xf32>
    %get3A_6 = arith.constant 0 : index
    %get3A_7 = arith.constant 0 : index
    %get3A_8 = vector.load %arg4[%get3A_6, %get3A_7] : memref<2048x64xf32, #tpu.memory_space<vmem>>, vector<2048x64xf32>
    %get3A_9 = arith.constant 0 : index
    %get3A_10 = arith.constant 0 : index
    %get3A_11 = vector.load %arg6[%get3A_9, %get3A_10] : memref<64x128xf32, #tpu.memory_space<vmem>>, vector<64x128xf32>
    %dot_general3A_12 = arith.constant dense<0.000000e+00> : vector<2048x128xf32>
    %dot_general3A_13 = tpu.matmul %get3A_8, %get3A_11, %dot_general3A_12 {dimension_numbers = #tpu.dot_dimension_numbers<[1], [0], [0], [1], [0, 0, 1, 1], [], []>, transpose_lhs_hint = false} : vector<2048x64xf32>, vector<64x128xf32>, vector<2048x128xf32> -> vector<2048x128xf32>
    %add3A = arith.addf %dot_general3A_5, %dot_general3A_13 : vector<2048x128xf32>
    %get3A_14 = arith.constant 0 : index
    %get3A_15 = arith.constant 0 : index
    %get3A_16 = vector.load %arg7[%get3A_14, %get3A_15] : memref<1x128xf32, #tpu.memory_space<vmem>>, vector<1x128xf32>
    %add3A_17 = vector.broadcast %get3A_16 : vector<1x128xf32> to vector<2048x128xf32>
    %add3A_18 = arith.addf %add3A, %add3A_17 : vector<2048x128xf32>
    %max3A = arith.constant 0.000000e+00 : f32
    %max3A_19 = vector.broadcast %max3A : f32 to vector<2048x128xf32>
    %max3A_20 = arith.maximumf %add3A_18, %max3A_19 : vector<2048x128xf32>
    %get3A_21 = arith.constant 0 : index
    %get3A_22 = arith.constant 0 : index
    %get3A_23 = vector.load %arg8[%get3A_21, %get3A_22] : memref<128x64xf32, #tpu.memory_space<vmem>>, vector<128x64xf32>
    %dot_general3A_24 = arith.constant dense<0.000000e+00> : vector<2048x64xf32>
    %dot_general3A_25 = tpu.matmul %max3A_20, %get3A_23, %dot_general3A_24 {dimension_numbers = #tpu.dot_dimension_numbers<[1], [0], [0], [1], [0, 0, 1, 1], [], []>, transpose_lhs_hint = false} : vector<2048x128xf32>, vector<128x64xf32>, vector<2048x64xf32> -> vector<2048x64xf32>
    %get3A_26 = arith.constant 0 : index
    %get3A_27 = arith.constant 0 : index
    %get3A_28 = vector.load %arg9[%get3A_26, %get3A_27] : memref<1x64xf32, #tpu.memory_space<vmem>>, vector<1x64xf32>
    %add3A_29 = vector.broadcast %get3A_28 : vector<1x64xf32> to vector<2048x64xf32>
    %add3A_30 = arith.addf %dot_general3A_25, %add3A_29 : vector<2048x64xf32>
    %max3A_31 = arith.constant 0.000000e+00 : f32
    %max3A_32 = vector.broadcast %max3A_31 : f32 to vector<2048x64xf32>
    %max3A_33 = arith.maximumf %add3A_30, %max3A_32 : vector<2048x64xf32>
    %get3A_34 = arith.constant 0 : index
    %get3A_35 = arith.constant 0 : index
    %get3A_36 = vector.load %arg10[%get3A_34, %get3A_35] : memref<64x32xf32, #tpu.memory_space<vmem>>, vector<64x32xf32>
    %dot_general3A_37 = arith.constant dense<0.000000e+00> : vector<2048x32xf32>
    %dot_general3A_38 = tpu.matmul %max3A_33, %get3A_36, %dot_general3A_37 {dimension_numbers = #tpu.dot_dimension_numbers<[1], [0], [0], [1], [0, 0, 1, 1], [], []>, transpose_lhs_hint = false} : vector<2048x64xf32>, vector<64x32xf32>, vector<2048x32xf32> -> vector<2048x32xf32>
    %get3A_39 = arith.constant 0 : index
    %get3A_40 = arith.constant 0 : index
    %get3A_41 = vector.load %arg11[%get3A_39, %get3A_40] : memref<1x32xf32, #tpu.memory_space<vmem>>, vector<1x32xf32>
    %add3A_42 = vector.broadcast %get3A_41 : vector<1x32xf32> to vector<2048x32xf32>
    %add3A_43 = arith.addf %dot_general3A_38, %add3A_42 : vector<2048x32xf32>
    %max3A_44 = arith.constant 0.000000e+00 : f32
    %max3A_45 = vector.broadcast %max3A_44 : f32 to vector<2048x32xf32>
    %max3A_46 = arith.maximumf %add3A_43, %max3A_45 : vector<2048x32xf32>
    %get3A_47 = arith.constant 0 : index
    %get3A_48 = arith.constant 0 : index
    %get3A_49 = vector.load %arg12[%get3A_47, %get3A_48] : memref<32x16xf32, #tpu.memory_space<vmem>>, vector<32x16xf32>
    %dot_general3A_50 = arith.constant dense<0.000000e+00> : vector<2048x16xf32>
    %dot_general3A_51 = tpu.matmul %max3A_46, %get3A_49, %dot_general3A_50 {dimension_numbers = #tpu.dot_dimension_numbers<[1], [0], [0], [1], [0, 0, 1, 1], [], []>, transpose_lhs_hint = false} : vector<2048x32xf32>, vector<32x16xf32>, vector<2048x16xf32> -> vector<2048x16xf32>
    %get3A_52 = arith.constant 0 : index
    %get3A_53 = arith.constant 0 : index
    %get3A_54 = vector.load %arg13[%get3A_52, %get3A_53] : memref<1x16xf32, #tpu.memory_space<vmem>>, vector<1x16xf32>
    %add3A_55 = vector.broadcast %get3A_54 : vector<1x16xf32> to vector<2048x16xf32>
    %add3A_56 = arith.addf %dot_general3A_51, %add3A_55 : vector<2048x16xf32>
    %max3A_57 = arith.constant 0.000000e+00 : f32
    %max3A_58 = vector.broadcast %max3A_57 : f32 to vector<2048x16xf32>
    %max3A_59 = arith.maximumf %add3A_56, %max3A_58 : vector<2048x16xf32>
    %get3A_60 = arith.constant 0 : index
    %get3A_61 = arith.constant 0 : index
    %get3A_62 = vector.load %arg1[%get3A_60, %get3A_61] : memref<2048x64xf32, #tpu.memory_space<vmem>>, vector<2048x64xf32>
    %get3A_63 = arith.constant 0 : index
    %get3A_64 = arith.constant 0 : index
    %get3A_65 = vector.load %arg2[%get3A_63, %get3A_64] : memref<2048x64xf32, #tpu.memory_space<vmem>>, vector<2048x64xf32>
    %mul3A = arith.mulf %get3A_62, %get3A_65 : vector<2048x64xf32>
    %get3A_66 = arith.constant 0 : index
    %get3A_67 = arith.constant 0 : index
    %get3A_68 = vector.load %arg14[%get3A_66, %get3A_67] : memref<1x64xf32, #tpu.memory_space<vmem>>, vector<1x64xf32>
    %mul3A_69 = vector.broadcast %get3A_68 : vector<1x64xf32> to vector<2048x64xf32>
    %mul3A_70 = arith.mulf %mul3A, %mul3A_69 : vector<2048x64xf32>
    %reduce_sum3A = arith.constant dense<0.000000e+00> : vector<2048xf32>
    %reduce_sum3A_71 = vector.multi_reduction <add>, %mul3A_70, %reduce_sum3A [1] : vector<2048x64xf32> to vector<2048xf32>
    %get3A_72 = arith.constant 0 : index
    %get3A_73 = arith.constant 0 : index
    %get3A_74 = vector.load %arg15[%get3A_72, %get3A_73] : memref<1x16xf32, #tpu.memory_space<vmem>>, vector<1x16xf32>
    %mul3A_75 = vector.broadcast %get3A_74 : vector<1x16xf32> to vector<2048x16xf32>
    %mul3A_76 = arith.mulf %max3A_59, %mul3A_75 : vector<2048x16xf32>
    %reduce_sum3A_77 = arith.constant dense<0.000000e+00> : vector<2048xf32>
    %reduce_sum3A_78 = vector.multi_reduction <add>, %mul3A_76, %reduce_sum3A_77 [1] : vector<2048x16xf32> to vector<2048xf32>
    %add3A_79 = arith.addf %reduce_sum3A_71, %reduce_sum3A_78 : vector<2048xf32>
    %get3A_80 = arith.constant 0 : index
    %get3A_81 = arith.constant 0 : index
    %get3A_82 = vector.load %arg16[%get3A_80, %get3A_81] : memref<1x1xf32, #tpu.memory_space<vmem>>, vector<1x1xf32>
    %get3A_83 = vector.extract %get3A_82[0, 0] : f32 from vector<1x1xf32>
    %add3A_84 = vector.broadcast %get3A_83 : f32 to vector<2048xf32>
    %add3A_85 = arith.addf %add3A_79, %add3A_84 : vector<2048xf32>
    %neg3A = arith.constant 0.000000e+00 : f32
    %neg3A_86 = vector.broadcast %neg3A : f32 to vector<2048xf32>
    %neg3A_87 = arith.subf %neg3A_86, %add3A_85 : vector<2048xf32>
    %exp3A = math.exp %neg3A_87 : vector<2048xf32>
    %add3A_88 = arith.constant 1.000000e+00 : f32
    %add3A_89 = vector.broadcast %add3A_88 : f32 to vector<2048xf32>
    %add3A_90 = arith.addf %add3A_89, %exp3A : vector<2048xf32>
    %div3A = arith.constant 1.000000e+00 : f32
    %div3A_91 = vector.broadcast %div3A : f32 to vector<2048xf32>
    %div3A_92 = arith.divf %div3A_91, %add3A_90 : vector<2048xf32>
    %swap3A = arith.constant 0 : index
    %swap3A_93 = vector.load %arg17[%swap3A] : memref<2048xf32, #tpu.memory_space<vmem>>, vector<2048xf32>
    tpu.vector_store %arg17[%swap3A], %div3A_92 {strides = array<i32>} : memref<2048xf32, #tpu.memory_space<vmem>>, vector<2048xf32>,
    return
  }
  func.func @transform_0(%arg0: i32) -> (i32, i32) {
    %c0_i32 = arith.constant 0 : i32
    %c0_i32_0 = arith.constant 0 : i32
    return %arg0, %c0_i32 : i32, i32
  }
  func.func @transform_1(%arg0: i32) -> (i32, i32) {
    %c0_i32 = arith.constant 0 : i32
    %c0_i32_0 = arith.constant 0 : i32
    return %arg0, %c0_i32 : i32, i32
  }
  func.func @transform_2(%arg0: i32) -> (i32, i32) {
    %c0_i32 = arith.constant 0 : i32
    %c0_i32_0 = arith.constant 0 : i32
    return %arg0, %c0_i32 : i32, i32
  }
  func.func @transform_3(%arg0: i32) -> (i32, i32) {
    %c0_i32 = arith.constant 0 : i32
    %c0_i32_0 = arith.constant 0 : i32
    return %arg0, %c0_i32 : i32, i32
  }
  func.func @transform_4(%arg0: i32) -> (i32, i32) {
    %c0_i32 = arith.constant 0 : i32
    %c0_i32_0 = arith.constant 0 : i32
    %c0_i32_1 = arith.constant 0 : i32
    return %c0_i32, %c0_i32_0 : i32, i32
  }
  func.func @transform_5(%arg0: i32) -> (i32, i32) {
    %c0_i32 = arith.constant 0 : i32
    %c0_i32_0 = arith.constant 0 : i32
    %c0_i32_1 = arith.constant 0 : i32
    return %c0_i32, %c0_i32_0 : i32, i32
  }
  func.func @transform_6(%arg0: i32) -> (i32, i32) {
    %c0_i32 = arith.constant 0 : i32
    %c0_i32_0 = arith.constant 0 : i32
    %c0_i32_1 = arith.constant 0 : i32
    return %c0_i32, %c0_i32_0 : i32, i32
  }
  func.func @transform_7(%arg0: i32) -> (i32, i32) {
    %c0_i32 = arith.constant 0 : i32
    %c0_i32_0 = arith.constant 0 : i32
    %c0_i32_1 = arith.constant 0 : i32
    return %c0_i32, %c0_i32_0 : i32, i32
  }
  func.func @transform_8(%arg0: i32) -> (i32, i32) {
    %c0_i32 = arith.constant 0 : i32
    %c0_i32_0 = arith.constant 0 : i32
    %c0_i32_1 = arith.constant 0 : i32
    return %c0_i32, %c0_i32_0 : i32, i32
  }
  func.func @transform_9(%arg0: i32) -> (i32, i32) {
    %c0_i32 = arith.constant 0 : i32
    %c0_i32_0 = arith.constant 0 : i32
    %c0_i32_1 = arith.constant 0 : i32
    return %c0_i32, %c0_i32_0 : i32, i32
  }
  func.func @transform_10(%arg0: i32) -> (i32, i32) {
    %c0_i32 = arith.constant 0 : i32
    %c0_i32_0 = arith.constant 0 : i32
    %c0_i32_1 = arith.constant 0 : i32
    return %c0_i32, %c0_i32_0 : i32, i32
  }
  func.func @transform_11(%arg0: i32) -> (i32, i32) {
    %c0_i32 = arith.constant 0 : i32
    %c0_i32_0 = arith.constant 0 : i32
    %c0_i32_1 = arith.constant 0 : i32
    return %c0_i32, %c0_i32_0 : i32, i32
  }
  func.func @transform_12(%arg0: i32) -> (i32, i32) {
    %c0_i32 = arith.constant 0 : i32
    %c0_i32_0 = arith.constant 0 : i32
    %c0_i32_1 = arith.constant 0 : i32
    return %c0_i32, %c0_i32_0 : i32, i32
  }
  func.func @transform_13(%arg0: i32) -> (i32, i32) {
    %c0_i32 = arith.constant 0 : i32
    %c0_i32_0 = arith.constant 0 : i32
    %c0_i32_1 = arith.constant 0 : i32
    return %c0_i32, %c0_i32_0 : i32, i32
  }
  func.func @transform_14(%arg0: i32) -> (i32, i32) {
    %c0_i32 = arith.constant 0 : i32
    %c0_i32_0 = arith.constant 0 : i32
    %c0_i32_1 = arith.constant 0 : i32
    return %c0_i32, %c0_i32_0 : i32, i32
  }
  func.func @transform_15(%arg0: i32) -> (i32, i32) {
    %c0_i32 = arith.constant 0 : i32
    %c0_i32_0 = arith.constant 0 : i32
    %c0_i32_1 = arith.constant 0 : i32
    return %c0_i32, %c0_i32_0 : i32, i32
  }
  func.func @transform_16(%arg0: i32) -> i32 {
    %c0_i32 = arith.constant 0 : i32
    return %arg0 : i32
  }
}

</mosaic_0001>

<sc_bundles>
// kernel: kernel.5.cloned.1.call-start
scs
__scs_entry_jumppad:
0x0: {  	(pc) =	sbr.rel $0x88, $3  }
0x1: {  	(tag) =	ssettag $0x0;
	lr =	simm.s32 $0x1  }
0x2: {  	[smem:$0x3F91] =	sst lr;
	_ =	strace $0xD0000000  }
0x3: {  	_ = 	snop  }
0x4: {  	_ = 	snop  }
0x5: {  	_ = 	snop  }
0x6: {  	_ = 	snop  }
0x7: {  	_ = 	snop  }
__scs_overlays_trampoline_lowered:
0x8: {  	[smem:$0x3FA0] =	sst s0  }
0x9: {  	[smem:$0x3FA1] =	sst s1  }
0xa: {  	[smem:$0x3FA2] =	sst s2  }
0xb: {  	[smem:$0x3FA3] =	sst s3  }
0xc: {  	[smem:$0x3FA4] =	sst s4  }
0xd: {  	[smem:$0x3FA5] =	sst s5  }
0xe: {  	[smem:$0x3FA6] =	sst s6  }
0xf: {  	[smem:$0x3FA7] =	sst s7  }
0x10: {  	[smem:$0x3FA8] =	sst s8  }
0x11: {  	[smem:$0x3FA9] =	sst s9;
	s0 =	simm.s32 @!p0 $0x0  }
0x12: {  	s1 =	sld [smem:$0x3F8F];
	s0 =	simm.s32 @p0 $0x1  }
0x13: {  	[smem:$0x3FAA] =	sst s0;
	s0 =	simm.s32 @!p1 $0x0  }
0x14: {  	s2 =	sld [smem:$0x3F8E];
	s0 =	simm.s32 @p1 $0x1  }
0x15: {  	[smem:$0x3FAB] =	sst s0;
	s0 =	simm.s32 @!p2 $0x0  }
0x16: {  	s3 =	sld [smem:$0x3FDB];
	s0 =	simm.s32 @p2 $0x1  }
0x17: {  	s4 =	simm.s32 $0x1BF5;
	[smem:$0x3FAD] =	sst s0  }
0x18: {  	s0 =	sld [smem:$0x3F90];
	_ =	swait.ge [sflag:s4], $0x0  }
0x19: {  	s7 =	sld [smem:$0x3F91]  }
0x1a: {  	s8 =	sadd.s32 $0xFFFFE003, lr  }
0x1b: {  	s9 =	sadd.s32 $0xFFFFFEF7, lr;
	s5 =	simm.s32 $0xFFFFFFFF;
	p2 =	slt.u32 s8, $0xFFFFF086  }
0x1c: {  	p1 =	slt.u32 s9, $0xF7A;
	s5 =	simm.s32 @!p2 $0x0  }
0x1d: {  	s5 =	simm.s32 @p1 $0x1;
	p0 =	seq.s32 s7, s2  }
0x1e: {  	s7 =	smul.u32 @!p0 $0xF7A, s2;
	p2 =	seq.s32 @!p0 s5, $0x0  }
0x1f: {  	s9 =	smul.u32 $0xF7A, s1;
	s8 =	simm.s32 @!p0 $0x1BF5;
	p2 =	por !p2, p0  }
0x20: {  	[sflag:s8] =	ssyncset.s32 @!p0 $0xFFFFF086;
	s6 =	sadd.s32 @!p0 s3, s7;
	s7 =	simm.s32 @!p0 $0x108  }
0x21: {  	s3 =	sadd.s32 s3, s9;
	s6 =	sadd.s32 @!p0 $0x88, s6;
	s7 =	simm.s32 @p2 $0x1082  }
0x22: {  	[simem:s7], [sflag:s8] =	dma.local @!p0 [hbm:s6], $0xF7A  }
0x23: {  	s9 =	sor.u32 $0xD0000000, s2;
	s6 =	simm.s32 $0x108;
	_ =	swait.ge @!p0 [sflag:s8], $0x0  }
0x24: {  	s3 =	sadd.s32 $0x88, s3;
	s6 =	simm.s32 @!p1 $0x1082;
	[sflag:s4] =	ssyncset.s32 $0xFFFFF086  }
0x25: {  	[simem:s6], [sflag:s4] =	dma.local [hbm:s3], $0xF7A  }
0x26: {  	[smem:$0x3F91] =	sst s1;
	(tag) =	ssettag s2;
	_ =	strace s9  }
0x27: {  	s1 =	sld [smem:$0x3FA1]  }
0x28: {  	s2 =	sld [smem:$0x3FA2]  }
0x29: {  	s4 =	sld [smem:$0x3FA4]  }
0x2a: {  	p0 =	seq.s32 s5, $0x0;
	s5 =	sld [smem:$0x3FA5]  }
0x2b: {  	s6 =	sld [smem:$0x3FA6]  }
0x2c: {  	s7 =	sld [smem:$0x3FA7]  }
0x2d: {  	s3 =	simm.s32 $0x108;
	s8 =	sld [smem:$0x3FA8]  }
0x2e: {  	s3 =	simm.s32 @!p0 $0x1082;
	s9 =	sld [smem:$0x3FA9]  }
0x2f: {  	lr =	sadd.s32 s0, s3;
	s0 =	sld [smem:$0x3FA0]  }
0x30: {  	s3 =	sld [smem:$0x3FA3]  }
0x31: {  	[smem:$0x3FAC] =	sst s10  }
0x32: {  	s10 =	sld [smem:$0x3FAA];
	_ =	sdelay $0x3  }
0x33: {  	p0 =	seq.s32 s10, $0x1;
	s10 =	sld [smem:$0x3FAC];
	_ =	sdelay $0x3  }
0x34: {  	[smem:$0x3FAC] =	sst s10  }
0x35: {  	s10 =	sld [smem:$0x3FAB];
	_ =	sdelay $0x3  }
0x36: {  	p1 =	seq.s32 s10, $0x1;
	s10 =	sld [smem:$0x3FAC];
	_ =	sdelay $0x3  }
0x37: {  	[smem:$0x3FAC] =	sst s10  }
0x38: {  	s10 =	sld [smem:$0x3FAD]  }
0x39: {  	_ = 	snop;
	(pc) =	sbr.ind lr, $3  }
0x3a: {  	_ = 	snop  }
0x3b: {  	_ = 	snop  }
0x3c: {  	p2 =	seq.s32 s10, $0x1;
	s10 =	sld [smem:$0x3FAC]  }
0x3d: {  	_ =	shalt  }
0x3e: {  	_ =	shalt  }
0x3f: {  	_ =	shalt  }
0x40: {  	_ =	shalt  }
0x41: {  	_ =	shalt  }
0x42: {  	_ =	shalt  }
0x43: {  	_ =	shalt  }
0x44: {  	_ =	shalt  }
0x45: {  	_ =	shalt  }
0x46: {  	_ =	shalt  }
0x47: {  	_ =	shalt  }
0x48: {  	_ =	shalt  }
0x49: {  	_ =	shalt  }
0x4a: {  	_ =	shalt  }
0x4b: {  	_ =	shalt  }
0x4c: {  	_ =	shalt  }
0x4d: {  	_ =	shalt  }
0x4e: {  	_ =	shalt  }
0x4f: {  	_ =	shalt  }
0x50: {  	_ =	shalt  }
0x51: {  	_ =	shalt  }
0x52: {  	_ =	shalt  }
0x53: {  	_ =	shalt  }
0x54: {  	_ =	shalt  }
0x55: {  	_ =	shalt  }
0x56: {  	_ =	shalt  }
0x57: {  	_ =	shalt  }
0x58: {  	_ =	shalt  }
0x59: {  	_ =	shalt  }
0x5a: {  	_ =	shalt  }
0x5b: {  	_ =	shalt  }
0x5c: {  	_ =	shalt  }
0x5d: {  	_ =	shalt  }
0x5e: {  	_ =	shalt  }
0x5f: {  	_ =	shalt  }
0x60: {  	_ =	shalt  }
0x61: {  	_ =	shalt  }
0x62: {  	_ =	shalt  }
0x63: {  	_ =	shalt  }
0x64: {  	_ =	shalt  }
0x65: {  	_ =	shalt  }
0x66: {  	_ =	shalt  }
0x67: {  	_ =	shalt  }
0x68: {  	_ =	shalt  }
0x69: {  	_ =	shalt  }
0x6a: {  	_ =	shalt  }
0x6b: {  	_ =	shalt  }
0x6c: {  	_ =	shalt  }
0x6d: {  	_ =	shalt  }
0x6e: {  	_ =	shalt  }
0x6f: {  	_ =	shalt  }
0x70: {  	_ =	shalt  }
0x71: {  	_ =	shalt  }
0x72: {  	_ =	shalt  }
0x73: {  	_ =	shalt  }
0x74: {  	_ =	shalt  }
0x75: {  	_ =	shalt  }
0x76: {  	_ =	shalt  }
0x77: {  	_ =	shalt  }
0x78: {  	_ =	shalt  }
0x79: {  	_ =	shalt  }
0x7a: {  	_ =	shalt  }
0x7b: {  	_ =	shalt  }
0x7c: {  	_ =	shalt  }
0x7d: {  	_ =	shalt  }
0x7e: {  	_ =	shalt  }
0x7f: {  	_ =	shalt  }
0x80: {  	_ =	shalt  }
0x81: {  	_ =	shalt  }
0x82: {  	_ =	shalt  }
0x83: {  	_ =	shalt  }
0x84: {  	_ =	shalt  }
0x85: {  	_ =	shalt  }
0x86: {  	_ =	shalt  }
0x87: {  	_ =	shalt  }
.Lfunc_end0:
.L_simem_size_0:
called_computation_lowered:
.L_overlay_start_0:
0x88: {  	s2 =	sld [smem:$0x3FD9]  }
0x89: {  	s3 =	sld [smem:$0x3FFE];
	_ =	sdelay $0x1  }
0x8a: {  	s1 =	srdreg.scid  }
0x8b: {  	s0 =	sand.u32 $0x1, s1  }
0x8c: {  	s17 =	sshll.u32 s0, $0xA;
	s2 =	sadd.s32 s3, s2  }
0x8d: {  	s2 =	sadd.s32 s2, s17  }
0x8e: {  	[smem:$0x3FB8] =	sst s2  }
0x8f: {  	_ = 	snop  }
0x90: {  	(tm) =	ssettm $0x1  }
0x91: {  	s18 =	sld [smem:$0x3FFB];
	_ =	sdelay $0x3  }
0x92: {  	_ =	strace s18  }
0x93: {  	s2 =	sld [smem:$0x3FFC];
	_ =	sdelay $0x3  }
0x94: {  	_ =	strace s2  }
0x95: {  	s2 =	sld [smem:$0x3FFD];
	_ =	sdelay $0x3  }
0x96: {  	_ =	strace s2  }
0x97: {  	_ =	strace $0x8FFFFFFF  }
0x98: {  	s19 =	sld [smem:$0x3FDB];
	_ =	sdelay $0x1  }
0x99: {  	s20 =	simm.s32 $_scs_section_size  }
0x9a: {  	s4 =	simm.s32 $_size__tile_overlayer_lowered;
	s5 =	simm.s32 $_tile_overlayer_lowered  }
0x9b: {  	s6 =	simm.s32 $0x1BFF;
	s21 =	sshll.u32 s5, $0x1;
	s3 =	sadd.s32 s20, s19  }
0x9c: {  	s22 =	simm.s32 $0x0;
	s4 =	sshll.u32 s4, $0x1;
	s5 =	sadd.s32 s21, s3  }
0x9d: {  	[timem:s22], [sflag:s6] =	dma.local [hbm:s5], s4  }
0x9e: {  	_ =	swait.ge [sflag:s6], s4  }
0x9f: {  	s4 =	ssub.s32 $0x0, s4;
	[sflag:s6] =	ssyncset.done $0x0  }
0xa0: {  	[sflag:s6] =	ssyncadd.s32 s4;
	_ =	sdelay $0x1  }
0xa1: {  	s23 =	simm.s32 $0x1B8B  }
0xa2: {  	_ =	swait.ge [sflag:s23], $0x1  }
0xa3: {  	[sflag:s23] =	ssyncset.done $0x0  }
0xa4: {  	[sflag:s23] =	ssyncadd.s32 $0xFFFFFFFF  }
0xa5: {  	s4 =	sld [smem:$0x0]  }
0xa6: {  	s5 =	sand.u32 $0xFFFFFFFE, s1  }
0xa7: {  	p0 =	sne.s32 s1, s5  }
0xa8: {  	s5 =	sshll.u32 @p0 s5, $0xE  }
0xa9: {  	s5 =	sadd.s32 @p0 $0x11B8D, s5;
	s6 =	sshll.u32 @p0 s4, $0x11  }
0xaa: {  	s5 =	sor.u32 @p0 s6, s5  }
0xab: {  	[sflag:s5] =	ssyncadd.remote.s32 @p0 $0x1;
	_ =	sdelay $0x1  }
0xac: {  	s5 =	simm.s32 @p0 $0x1B8D  }
0xad: {  	_ =	swait.eq @p0 [sflag:s5], $0x1  }
0xae: {  	[sflag:s5] =	ssyncadd.s32 @p0 $0xFFFFFFFF  }
0xaf: {  	s6 =	sshll.u32 @!p0 s1, $0xE  }
0xb0: {  	s6 =	sor.u32 @!p0 $0x4000, s6;
	s5 =	simm.s32 @!p0 $0x1B8D  }
0xb1: {  	s4 =	sshll.u32 @!p0 s4, $0x11;
	s6 =	sadd.s32 @!p0 $0x11B8D, s6;
	_ =	swait.eq @!p0 [sflag:s5], $0x1  }
0xb2: {  	s4 =	sor.u32 @!p0 s4, s6;
	[sflag:s5] =	ssyncadd.s32 @!p0 $0xFFFFFFFF  }
0xb3: {  	s25 =	simm.s32 $0x1B8E;
	s24 =	sld [smem:$0x3FFE];
	[sflag:s4] =	ssyncadd.remote.s32 @!p0 $0x1  }
0xb4: {  	s26 =	simm.s32 $execute0_lowered;
	[smem:$0x3FD2] =	sst s25  }
0xb5: {  	s5 =	sshll.u32 s26, $0x1;
	_ =	strace $0x80000049;
	[dreg:$0x1] =	wrdreg $0xFFFFFFFF  }
0xb6: {  	s28 =	simm.s32 $_size_execute0_lowered;
	s3 =	sadd.s32 s3, s5;
	[dreg:$0x0] =	wrdreg $0x0  }
0xb7: {  	s5 =	sshll.u32 s28, $0x1;
	[dreg:$0x2] =	wrdreg s3  }
0xb8: {  	[dreg:$0x3] =	wrdreg s5  }
0xb9: {  	[dreg:$0x4] =	wrdreg $0xC0  }
0xba: {  	_ =	task [dreg:s22], $0x5FFFF  }
0xbb: {  	[dreg:$0x1] =	wrdreg $0xFFFFFFFF  }
0xbc: {  	[dreg:$0x0] =	wrdreg $0x60  }
0xbd: {  	[dreg:$0x2] =	wrdreg s24  }
0xbe: {  	[dreg:$0x3] =	wrdreg $0x9  }
0xbf: {  	_ =	task.clear_ibuf [dreg:s22], $0x4FFFF;
	_ =	strace $0x90000049  }
0xc0: {  	s29 =	simm.s32 $0x9;
	_ =	strace $0x8000004B  }
0xc1: {  	_ =	swait.ge [sflag:s29], $0x1  }
0xc2: {  	[sflag:s29] =	ssyncadd.s32 $0xFFFFFFFF  }
0xc3: {  	_ =	strace $0x9000004B  }
0xc4: {  	_ =	sfence  }
0xc5: {  	s30 =	sld [smem:$0x0];
	_ =	sdelay $0x2  }
0xc6: {  	s31 =	sshll.u32 s1, $0xD;
	s1 =	sshrl.u32 s1, $0x2  }
0xc7: {  	s4 =	sand.u32 $0x4000, s31;
	s1 =	sadd.s32 s1, s30  }
0xc8: {  	s0 =	sor.u32 s4, s0;
	s1 =	sshll.u32 s1, $0x11  }
0xc9: {  	s0 =	sor.u32 s1, s0  }
0xca: {  	s0 =	sadd.s32 $0x8F2B, s0  }
0xcb: {  	[sflag:s0] =	ssyncadd.remote.s32 $0x1  }
0xcc: {  	_ =	sfence.sel $0xFFFF  }
0xcd: {  	[dreg:$0x0] =	wrdreg $0xFFFFFFFF;
	(pc) =	sbr.abs _section_cstart, $3  }
0xce: {  	[dreg:$0x1] =	wrdreg $0xFFFFFFFF  }
0xcf: {  	_ =	task.clear_ibuf [dreg:s22], $0x2FFFF;
	_ =	strace $0x9FFFFFFF  }
0xd0: {  	(tm) =	ssettm $0x7FFFFFFF  }
0xd1: {  	_ =	shalt  }
tec
execute0_lowered:
.L_overlay_start_1:
0x0: {  	(tag) =	ssettag $0x1  }
0x1: {  	s5 =	rddreg [dreg:$0x0]  }
0x2: {  	s0 =	rddreg [dreg:$0x1]  }
0x3: {  	s2 =	simm.s32 $0x0;
	s1 =	stileid.u32;
	s4 =	srdreg.scid  }
0x4: {  	s13 =	simm.s32 $0x2;
	s14 =	simm.s32 $0x1;
	s15 =	simm.s32 $0x200  }
0x5: {  	s16 =	simm.s32 $0x8200;
	s17 =	simm.s32 $0x0;
	[smem:$0x7FF] =	sst s2  }
0x6: {  	s3 =	sshll.u32 s1, $0x7;
	s6 =	sand.u32 $0x1, s4;
	s4 =	sadd.s32 $0x208E000, s5  }
0x7: {  	s26 =	sshll.u32 s1, $0x1;
	s9 =	sadd.s32 $0x2215200, s5;
	s11 =	sadd.s32 $0x2255200, s5  }
0x8: {  	_ =	strace $0x8000004A;
	s3 =	sand.u32 $0x600, s3;
	s8 =	sor.u32 s6, s26  }
0x9: {  	s28 =	ssub.s32 $0x2, s6;
	s7 =	sadd.s32 s3, s5;
	s3 =	sadd.s32 $0x1F07600, s5  }
0xa: {  	s10 =	sshll.u32 s8, $0x4;
	s30 =	sshrl.u32 s28, $0x1;
	s31 =	sshll.u32 s8, $0xD  }
0xb: {  	s29 =	sand.u32 $0x70, s10;
	s10 =	ssub.s32 s28, s30;
	s12 =	sor.u32 $0x1000, s31  }
0xc: {  	s6 =	sadd.s32 s29, s7;
	s7 =	sadd.s32 s11, s31;
	s8 =	sadd.s32 s9, s12  }
0xd: {  	s10 =	smax.u32 s10, $0x1;
	s5 =	sadd.s32 $0x2214A00, s6;
	s6 =	sadd.s32 s9, s31  }
0xe: {  	s9 =	sadd.s32 s11, s12;
	s11 =	simm.s32 $0x80;
	s12 =	simm.s32 $0x400  }
.LBB2_1:
0xf: {  	[tilespmem:s2], [sflag:$0x2] =	stream.strided.gather [hbm4b:s5+s11], $0x200, s12, s11, $0x38;
	[tilespmem:$0x10200] =	vst v63  }
0x10: {  	_ =	swait.ge [sflag:s13], $0x200  }
0x11: {  	[sflag:s13] =	ssyncset.done $0x0  }
0x12: {  	[sflag:s13] =	ssyncadd.s32 $0xFFFFFE00  }
0x13: {  	v0 =	vld [tilespmem:s2+$0x0];
	_ =	sdelay $0x4  }
0x14: {  	v0 =	vshll.u32 v0, $0x4  }
0x15: {  	(v2sf) =	vpush v0, $0x0;
	_ =	sdelay $0x1  }
0x16: {  	(v2sf) =	vpush v0, $0x1;
	_ =	sdelay $0x3  }
0x17: {  	(v2sf) =	vpush v0, $0x2;
	_ =	sdelay $0x1  }
0x18: {  	(v2sf) =	vpush v0, $0x3;
	_ =	sdelay $0x1  }
0x19: {  	(v2sf) =	vpush v0, $0x4;
	_ =	sdelay $0x4  }
0x1a: {  	s21 =	simm.s32 $0x200;
	s18 =	spop (v2sf)  }
0x1b: {  	s23 =	simm.s32 $0x280;
	s25 =	simm.s32 $0x8280;
	s18 =	sand.u32 $0x1FFFFFF0, s18  }
0x1c: {  	s28 =	simm.s32 $0x300;
	s19 =	spop (v2sf);
	s20 =	sadd.s32 s3, s18  }
0x1d: {  	(v2sf) =	vpush v0, $0x5;
	[tilespmem:s21], [sflag:$0x1] =	stream.linear.gather [hbm4b:s20+s2], $0x80, $0x38;
	[tilespmem:$0x10200] =	vst v63  }
0x1e: {  	s19 =	sand.u32 $0x1FFFFFF0, s19;
	s18 =	sadd.s32 s4, s18;
	s21 =	simm.s32 $0x8200  }
0x1f: {  	(v2sf) =	vpush v0, $0x6;
	[tilespmem:s21], [sflag:$0x1] =	stream.linear.gather [hbm4b:s18+s2], $0x80, $0x38;
	[tilespmem:$0x10200] =	vst v63  }
0x20: {  	s30 =	simm.s32 $0x8300;
	s22 =	spop (v2sf);
	s24 =	sadd.s32 s3, s19  }
0x21: {  	(v2sf) =	vpush v0, $0x7;
	[tilespmem:s23], [sflag:$0x1] =	stream.linear.gather [hbm4b:s24+s2], $0x80, $0x38;
	[tilespmem:$0x10200] =	vst v63  }
0x22: {  	s19 =	sadd.s32 s4, s19;
	s26 =	spop (v2sf);
	s18 =	sand.u32 $0x1FFFFFF0, s22  }
0x23: {  	[tilespmem:s25], [sflag:$0x1] =	stream.linear.gather [hbm4b:s19+s2], $0x80, $0x38;
	[tilespmem:$0x10200] =	vst v63  }
0x24: {  	s20 =	simm.s32 $0x8980;
	s31 =	spop (v2sf);
	s29 =	sadd.s32 s3, s18  }
0x25: {  	(v2sf) =	vpush v0, $0x8;
	[tilespmem:s28], [sflag:$0x1] =	stream.linear.gather [hbm4b:s29+s2], $0x80, $0x38;
	[tilespmem:$0x10200] =	vst v63  }
0x26: {  	s21 =	simm.s32 $0x380;
	s18 =	sadd.s32 s4, s18;
	s19 =	sand.u32 $0x1FFFFFF0, s26  }
0x27: {  	[tilespmem:s30], [sflag:$0x1] =	stream.linear.gather [hbm4b:s18+s2], $0x80, $0x38;
	[tilespmem:$0x10200] =	vst v63  }
0x28: {  	s23 =	simm.s32 $0x8380;
	s25 =	simm.s32 $0x400;
	s22 =	sadd.s32 s3, s19  }
0x29: {  	[tilespmem:s21], [sflag:$0x1] =	stream.linear.gather [hbm4b:s22+s2], $0x80, $0x38;
	[tilespmem:$0x10200] =	vst v63  }
0x2a: {  	s19 =	sadd.s32 s4, s19;
	s28 =	simm.s32 $0x8400;
	s18 =	sand.u32 $0x1FFFFFF0, s31  }
0x2b: {  	[tilespmem:s23], [sflag:$0x1] =	stream.linear.gather [hbm4b:s19+s2], $0x80, $0x38;
	[tilespmem:$0x10200] =	vst v63  }
0x2c: {  	s30 =	simm.s32 $0x480;
	s26 =	sadd.s32 s3, s18;
	s24 =	spop (v2sf)  }
0x2d: {  	(v2sf) =	vpush v0, $0x9;
	[tilespmem:s25], [sflag:$0x1] =	stream.linear.gather [hbm4b:s26+s2], $0x80, $0x38;
	[tilespmem:$0x10200] =	vst v63  }
0x2e: {  	s18 =	sadd.s32 s4, s18;
	s29 =	spop (v2sf);
	s19 =	sand.u32 $0x1FFFFFF0, s24  }
0x2f: {  	(v2sf) =	vpush v0, $0xA;
	[tilespmem:s28], [sflag:$0x1] =	stream.linear.gather [hbm4b:s18+s2], $0x80, $0x38;
	[tilespmem:$0x10200] =	vst v63  }
0x30: {  	s21 =	simm.s32 $0x8480;
	s22 =	spop (v2sf);
	s31 =	sadd.s32 s3, s19  }
0x31: {  	(v2sf) =	vpush v0, $0xB;
	[tilespmem:s30], [sflag:$0x1] =	stream.linear.gather [hbm4b:s31+s2], $0x80, $0x38;
	[tilespmem:$0x10200] =	vst v63  }
0x32: {  	s23 =	simm.s32 $0x500;
	s19 =	sadd.s32 s4, s19;
	s18 =	sand.u32 $0x1FFFFFF0, s29  }
0x33: {  	[tilespmem:s21], [sflag:$0x1] =	stream.linear.gather [hbm4b:s19+s2], $0x80, $0x38;
	[tilespmem:$0x10200] =	vst v63  }
0x34: {  	s25 =	simm.s32 $0x8500;
	s26 =	spop (v2sf);
	s24 =	sadd.s32 s3, s18  }
0x35: {  	(v2sf) =	vpush v0, $0xC;
	[tilespmem:s23], [sflag:$0x1] =	stream.linear.gather [hbm4b:s24+s2], $0x80, $0x38;
	[tilespmem:$0x10200] =	vst v63  }
0x36: {  	s28 =	simm.s32 $0x580;
	s18 =	sadd.s32 s4, s18;
	s19 =	sand.u32 $0x1FFFFFF0, s22  }
0x37: {  	[tilespmem:s25], [sflag:$0x1] =	stream.linear.gather [hbm4b:s18+s2], $0x80, $0x38;
	[tilespmem:$0x10200] =	vst v63  }
0x38: {  	s30 =	simm.s32 $0x8580;
	s21 =	simm.s32 $0x600;
	s29 =	sadd.s32 s3, s19  }
0x39: {  	[tilespmem:s28], [sflag:$0x1] =	stream.linear.gather [hbm4b:s29+s2], $0x80, $0x38;
	[tilespmem:$0x10200] =	vst v63  }
0x3a: {  	s19 =	sadd.s32 s4, s19;
	s23 =	simm.s32 $0x8600;
	s18 =	sand.u32 $0x1FFFFFF0, s26  }
0x3b: {  	[tilespmem:s30], [sflag:$0x1] =	stream.linear.gather [hbm4b:s19+s2], $0x80, $0x38;
	[tilespmem:$0x10200] =	vst v63  }
0x3c: {  	s25 =	simm.s32 $0x680;
	s31 =	spop (v2sf);
	s22 =	sadd.s32 s3, s18  }
0x3d: {  	(v2sf) =	vpush v0, $0xD;
	[tilespmem:s21], [sflag:$0x1] =	stream.linear.gather [hbm4b:s22+s2], $0x80, $0x38;
	[tilespmem:$0x10200] =	vst v63  }
0x3e: {  	s18 =	sadd.s32 s4, s18;
	s24 =	spop (v2sf);
	s19 =	sand.u32 $0x1FFFFFF0, s31  }
0x3f: {  	(v2sf) =	vpush v0, $0xE;
	[tilespmem:s23], [sflag:$0x1] =	stream.linear.gather [hbm4b:s18+s2], $0x80, $0x38;
	[tilespmem:$0x10200] =	vst v63  }
0x40: {  	s28 =	simm.s32 $0x8680;
	s29 =	spop (v2sf);
	s26 =	sadd.s32 s3, s19  }
0x41: {  	(v2sf) =	vpush v0, $0xF;
	[tilespmem:s25], [sflag:$0x1] =	stream.linear.gather [hbm4b:s26+s2], $0x80, $0x38;
	[tilespmem:$0x10200] =	vst v63  }
0x42: {  	s30 =	simm.s32 $0x700;
	s19 =	sadd.s32 s4, s19;
	s18 =	sand.u32 $0x1FFFFFF0, s24  }
0x43: {  	[tilespmem:s28], [sflag:$0x1] =	stream.linear.gather [hbm4b:s19+s2], $0x80, $0x38;
	[tilespmem:$0x10200] =	vst v63  }
0x44: {  	s21 =	simm.s32 $0x8700;
	s22 =	spop (v2sf);
	s31 =	sadd.s32 s3, s18  }
0x45: {  	[tilespmem:s30], [sflag:$0x1] =	stream.linear.gather [hbm4b:s31+s2], $0x80, $0x38;
	[tilespmem:$0x10200] =	vst v63  }
0x46: {  	s23 =	simm.s32 $0x780;
	s18 =	sadd.s32 s4, s18;
	s19 =	sand.u32 $0x1FFFFFF0, s29  }
0x47: {  	[tilespmem:s21], [sflag:$0x1] =	stream.linear.gather [hbm4b:s18+s2], $0x80, $0x38;
	[tilespmem:$0x10200] =	vst v63  }
0x48: {  	s25 =	simm.s32 $0x8780;
	s28 =	simm.s32 $0x800;
	s24 =	sadd.s32 s3, s19  }
0x49: {  	[tilespmem:s23], [sflag:$0x1] =	stream.linear.gather [hbm4b:s24+s2], $0x80, $0x38;
	[tilespmem:$0x10200] =	vst v63  }
0x4a: {  	s19 =	sadd.s32 s4, s19;
	s30 =	simm.s32 $0x8800;
	s18 =	sand.u32 $0x1FFFFFF0, s22  }
0x4b: {  	[tilespmem:s25], [sflag:$0x1] =	stream.linear.gather [hbm4b:s19+s2], $0x80, $0x38;
	[tilespmem:$0x10200] =	vst v63  }
0x4c: {  	s26 =	spop (v2sf);
	s22 =	simm.s32 $0x880;
	s29 =	sadd.s32 s3, s18  }
0x4d: {  	[tilespmem:s28], [sflag:$0x1] =	stream.linear.gather [hbm4b:s29+s2], $0x80, $0x38;
	[tilespmem:$0x10200] =	vst v63  }
0x4e: {  	s18 =	sadd.s32 s4, s18;
	s31 =	spop (v2sf);
	s19 =	sand.u32 $0x1FFFFFF0, s26  }
0x4f: {  	[tilespmem:s30], [sflag:$0x1] =	stream.linear.gather [hbm4b:s18+s2], $0x80, $0x38;
	[tilespmem:$0x10200] =	vst v63  }
0x50: {  	s24 =	simm.s32 $0x8880;
	s25 =	spop (v2sf);
	s23 =	sadd.s32 s3, s19  }
0x51: {  	[tilespmem:s22], [sflag:$0x1] =	stream.linear.gather [hbm4b:s23+s2], $0x80, $0x38;
	[tilespmem:$0x10200] =	vst v63  }
0x52: {  	s26 =	simm.s32 $0x900;
	s19 =	sadd.s32 s4, s19;
	s18 =	sand.u32 $0x1FFFFFF0, s31  }
0x53: {  	[tilespmem:s24], [sflag:$0x1] =	stream.linear.gather [hbm4b:s19+s2], $0x80, $0x38;
	[tilespmem:$0x10200] =	vst v63  }
0x54: {  	s29 =	simm.s32 $0x8900;
	s28 =	sadd.s32 s3, s18;
	s19 =	sand.u32 $0x1FFFFFF0, s25  }
0x55: {  	[tilespmem:s26], [sflag:$0x1] =	stream.linear.gather [hbm4b:s28+s2], $0x80, $0x38;
	[tilespmem:$0x10200] =	vst v63  }
0x56: {  	s30 =	simm.s32 $0x980;
	s18 =	sadd.s32 s4, s18;
	s31 =	sadd.s32 s3, s19  }
0x57: {  	[tilespmem:s29], [sflag:$0x1] =	stream.linear.gather [hbm4b:s18+s2], $0x80, $0x38;
	[tilespmem:$0x10200] =	vst v63  }
0x58: {  	s21 =	sadd.s32 s4, s19;
	s19 =	simm.s32 $0x0;
	s18 =	simm.s32 $0x2000  }
0x59: {  	[tilespmem:s30], [sflag:$0x1] =	stream.linear.gather [hbm4b:s31+s2], $0x80, $0x38;
	[tilespmem:$0x10200] =	vst v63  }
.LBB2_2:
0x5a: {  	p0 =	sne.s32 s18, $0x1E000  }
0x5b: {  	s19 =	sadd.s32 $0x10, s19;
	s22 =	smov.u32 s18;
	s18 =	sadd.s32 $0x2000, s18  }
0x5c: {  	[tilespmem:s20], [sflag:$0x1] =	stream.linear.gather [hbm4b:s21+s2], $0x80, $0x38;
	[tilespmem:$0x10200] =	vst v63  }
0x5d: {  	v0 =	vld [tilespmem:s19+$0x0];
	_ =	sdelay $0x4  }
0x5e: {  	v0 =	vshll.u32 v0, $0x4  }
0x5f: {  	(v2sf) =	vpush v0, $0x0  }
0x60: {  	(v2sf) =	vpush v0, $0x1  }
0x61: {  	(v2sf) =	vpush v0, $0x2;
	_ =	sdelay $0x2  }
0x62: {  	(v2sf) =	vpush v0, $0x3;
	_ =	sdelay $0x3  }
0x63: {  	(v2sf) =	vpush v0, $0x4;
	_ =	sdelay $0x3  }
0x64: {  	(v2sf) =	vpush v0, $0x5;
	_ =	sdelay $0x1  }
0x65: {  	s21 =	spop (v2sf)  }
0x66: {  	s20 =	sshra.s32 s22, $0x2;
	s21 =	sand.u32 $0x1FFFFFF0, s21;
	s22 =	spop (v2sf)  }
0x67: {  	s24 =	sadd.s32 $0x8200, s20;
	s23 =	sadd.s32 s3, s21;
	s25 =	spop (v2sf);
	(v2sf) =	vpush v0, $0x6  }
0x68: {  	s26 =	sadd.s32 $0x200, s20;
	s22 =	sand.u32 $0x1FFFFFF0, s22;
	s25 =	sand.u32 $0x1FFFFFF0, s25  }
0x69: {  	[tilespmem:s26], [sflag:$0x1] =	stream.linear.gather [hbm4b:s23+s2], $0x80, $0x38;
	[tilespmem:$0x10200] =	vst v63  }
0x6a: {  	s21 =	sadd.s32 s4, s21;
	s23 =	sadd.s32 $0x280, s20;
	s26 =	spop (v2sf)  }
0x6b: {  	[tilespmem:s24], [sflag:$0x1] =	stream.linear.gather [hbm4b:s21+s2], $0x80, $0x38;
	(v2sf) =	vpush v0, $0x7;
	[tilespmem:$0x10200] =	vst v63  }
0x6c: {  	s21 =	sadd.s32 s3, s22;
	s24 =	sadd.s32 $0x8280, s20;
	s26 =	sand.u32 $0x1FFFFFF0, s26  }
0x6d: {  	[tilespmem:s23], [sflag:$0x1] =	stream.linear.gather [hbm4b:s21+s2], $0x80, $0x38;
	[tilespmem:$0x10200] =	vst v63  }
0x6e: {  	s21 =	sadd.s32 s4, s22;
	s22 =	sadd.s32 $0x300, s20;
	s23 =	spop (v2sf)  }
0x6f: {  	[tilespmem:s24], [sflag:$0x1] =	stream.linear.gather [hbm4b:s21+s2], $0x80, $0x38;
	[tilespmem:$0x10200] =	vst v63  }
0x70: {  	s21 =	sadd.s32 s3, s25;
	s24 =	sadd.s32 $0x8300, s20;
	s23 =	sand.u32 $0x1FFFFFF0, s23  }
0x71: {  	[tilespmem:s22], [sflag:$0x1] =	stream.linear.gather [hbm4b:s21+s2], $0x80, $0x38;
	(v2sf) =	vpush v0, $0x8;
	[tilespmem:$0x10200] =	vst v63  }
0x72: {  	s21 =	sadd.s32 s4, s25;
	s22 =	sadd.s32 $0x380, s20;
	s25 =	spop (v2sf)  }
0x73: {  	[tilespmem:s24], [sflag:$0x1] =	stream.linear.gather [hbm4b:s21+s2], $0x80, $0x38;
	[tilespmem:$0x10200] =	vst v63  }
0x74: {  	s21 =	sadd.s32 s3, s26;
	s24 =	sadd.s32 $0x8380, s20;
	s25 =	sand.u32 $0x1FFFFFF0, s25  }
0x75: {  	[tilespmem:s22], [sflag:$0x1] =	stream.linear.gather [hbm4b:s21+s2], $0x80, $0x38;
	(v2sf) =	vpush v0, $0x9;
	[tilespmem:$0x10200] =	vst v63  }
0x76: {  	s21 =	sadd.s32 s4, s26;
	s22 =	sadd.s32 $0x400, s20;
	s26 =	spop (v2sf)  }
0x77: {  	[tilespmem:s24], [sflag:$0x1] =	stream.linear.gather [hbm4b:s21+s2], $0x80, $0x38;
	[tilespmem:$0x10200] =	vst v63  }
0x78: {  	s21 =	sadd.s32 s3, s23;
	s24 =	sadd.s32 $0x8400, s20;
	s26 =	sand.u32 $0x1FFFFFF0, s26  }
0x79: {  	[tilespmem:s22], [sflag:$0x1] =	stream.linear.gather [hbm4b:s21+s2], $0x80, $0x38;
	(v2sf) =	vpush v0, $0xA;
	[tilespmem:$0x10200] =	vst v63  }
0x7a: {  	s21 =	sadd.s32 s4, s23;
	s22 =	sadd.s32 $0x480, s20;
	s23 =	spop (v2sf)  }
0x7b: {  	[tilespmem:s24], [sflag:$0x1] =	stream.linear.gather [hbm4b:s21+s2], $0x80, $0x38;
	[tilespmem:$0x10200] =	vst v63  }
0x7c: {  	s21 =	sadd.s32 s3, s25;
	s24 =	sadd.s32 $0x8480, s20;
	s23 =	sand.u32 $0x1FFFFFF0, s23  }
0x7d: {  	[tilespmem:s22], [sflag:$0x1] =	stream.linear.gather [hbm4b:s21+s2], $0x80, $0x38;
	(v2sf) =	vpush v0, $0xB;
	[tilespmem:$0x10200] =	vst v63  }
0x7e: {  	s21 =	sadd.s32 s4, s25;
	s22 =	sadd.s32 $0x500, s20;
	s25 =	sadd.s32 s3, s26  }
0x7f: {  	[tilespmem:s24], [sflag:$0x1] =	stream.linear.gather [hbm4b:s21+s2], $0x80, $0x38;
	[tilespmem:$0x10200] =	vst v63  }
0x80: {  	s21 =	sadd.s32 $0x8500, s20;
	s24 =	sadd.s32 s4, s26;
	s26 =	spop (v2sf)  }
0x81: {  	[tilespmem:s22], [sflag:$0x1] =	stream.linear.gather [hbm4b:s25+s2], $0x80, $0x38;
	(v2sf) =	vpush v0, $0xC;
	[tilespmem:$0x10200] =	vst v63  }
0x82: {  	s22 =	sadd.s32 $0x580, s20;
	s25 =	sadd.s32 s3, s23;
	s26 =	sand.u32 $0x1FFFFFF0, s26  }
0x83: {  	[tilespmem:s21], [sflag:$0x1] =	stream.linear.gather [hbm4b:s24+s2], $0x80, $0x38;
	[tilespmem:$0x10200] =	vst v63  }
0x84: {  	s23 =	sadd.s32 s4, s23;
	s21 =	sadd.s32 $0x8580, s20;
	s24 =	spop (v2sf)  }
0x85: {  	[tilespmem:s22], [sflag:$0x1] =	stream.linear.gather [hbm4b:s25+s2], $0x80, $0x38;
	(v2sf) =	vpush v0, $0xD;
	[tilespmem:$0x10200] =	vst v63  }
0x86: {  	s22 =	sadd.s32 $0x600, s20;
	s25 =	sadd.s32 s3, s26;
	s24 =	sand.u32 $0x1FFFFFF0, s24  }
0x87: {  	[tilespmem:s21], [sflag:$0x1] =	stream.linear.gather [hbm4b:s23+s2], $0x80, $0x38;
	[tilespmem:$0x10200] =	vst v63  }
0x88: {  	s21 =	sadd.s32 $0x8600, s20;
	s23 =	sadd.s32 s4, s26;
	s26 =	spop (v2sf)  }
0x89: {  	[tilespmem:s22], [sflag:$0x1] =	stream.linear.gather [hbm4b:s25+s2], $0x80, $0x38;
	(v2sf) =	vpush v0, $0xE;
	[tilespmem:$0x10200] =	vst v63  }
0x8a: {  	s22 =	sadd.s32 $0x680, s20;
	s25 =	sadd.s32 s3, s24;
	s26 =	sand.u32 $0x1FFFFFF0, s26  }
0x8b: {  	[tilespmem:s21], [sflag:$0x1] =	stream.linear.gather [hbm4b:s23+s2], $0x80, $0x38;
	[tilespmem:$0x10200] =	vst v63  }
0x8c: {  	s21 =	sadd.s32 $0x8680, s20;
	s23 =	sadd.s32 s4, s24;
	s24 =	spop (v2sf)  }
0x8d: {  	[tilespmem:s22], [sflag:$0x1] =	stream.linear.gather [hbm4b:s25+s2], $0x80, $0x38;
	(v2sf) =	vpush v0, $0xF;
	[tilespmem:$0x10200] =	vst v63  }
0x8e: {  	s22 =	sadd.s32 $0x700, s20;
	s25 =	sadd.s32 s3, s26;
	s24 =	sand.u32 $0x1FFFFFF0, s24  }
0x8f: {  	[tilespmem:s21], [sflag:$0x1] =	stream.linear.gather [hbm4b:s23+s2], $0x80, $0x38;
	[tilespmem:$0x10200] =	vst v63  }
0x90: {  	s21 =	sadd.s32 $0x8700, s20;
	s23 =	sadd.s32 s4, s26;
	s26 =	spop (v2sf)  }
0x91: {  	[tilespmem:s22], [sflag:$0x1] =	stream.linear.gather [hbm4b:s25+s2], $0x80, $0x38;
	[tilespmem:$0x10200] =	vst v63  }
0x92: {  	s22 =	sadd.s32 $0x780, s20;
	s25 =	sadd.s32 s3, s24;
	s26 =	sand.u32 $0x1FFFFFF0, s26  }
0x93: {  	[tilespmem:s21], [sflag:$0x1] =	stream.linear.gather [hbm4b:s23+s2], $0x80, $0x38;
	[tilespmem:$0x10200] =	vst v63  }
0x94: {  	s21 =	sadd.s32 $0x8780, s20;
	s23 =	sadd.s32 s4, s24;
	s24 =	spop (v2sf)  }
0x95: {  	[tilespmem:s22], [sflag:$0x1] =	stream.linear.gather [hbm4b:s25+s2], $0x80, $0x38;
	[tilespmem:$0x10200] =	vst v63  }
0x96: {  	s22 =	sadd.s32 $0x800, s20;
	s25 =	sadd.s32 s3, s26;
	s24 =	sand.u32 $0x1FFFFFF0, s24  }
0x97: {  	[tilespmem:s21], [sflag:$0x1] =	stream.linear.gather [hbm4b:s23+s2], $0x80, $0x38;
	[tilespmem:$0x10200] =	vst v63  }
0x98: {  	s21 =	sadd.s32 $0x8800, s20;
	s23 =	sadd.s32 s4, s26;
	s26 =	spop (v2sf)  }
0x99: {  	[tilespmem:s22], [sflag:$0x1] =	stream.linear.gather [hbm4b:s25+s2], $0x80, $0x38;
	[tilespmem:$0x10200] =	vst v63  }
0x9a: {  	s22 =	sadd.s32 $0x880, s20;
	s25 =	sadd.s32 s3, s24;
	s26 =	sand.u32 $0x1FFFFFF0, s26  }
0x9b: {  	[tilespmem:s21], [sflag:$0x1] =	stream.linear.gather [hbm4b:s23+s2], $0x80, $0x38;
	[tilespmem:$0x10200] =	vst v63  }
0x9c: {  	s21 =	sadd.s32 $0x8880, s20;
	s23 =	sadd.s32 s4, s24;
	s24 =	spop (v2sf)  }
0x9d: {  	[tilespmem:s22], [sflag:$0x1] =	stream.linear.gather [hbm4b:s25+s2], $0x80, $0x38;
	[tilespmem:$0x10200] =	vst v63  }
0x9e: {  	s22 =	sadd.s32 $0x900, s20;
	s25 =	sadd.s32 s3, s26;
	s24 =	sand.u32 $0x1FFFFFF0, s24  }
0x9f: {  	[tilespmem:s21], [sflag:$0x1] =	stream.linear.gather [hbm4b:s23+s2], $0x80, $0x38;
	[tilespmem:$0x10200] =	vst v63  }
0xa0: {  	s21 =	sadd.s32 $0x8900, s20;
	s23 =	sadd.s32 s4, s26  }
0xa1: {  	[tilespmem:s22], [sflag:$0x1] =	stream.linear.gather [hbm4b:s25+s2], $0x80, $0x38;
	[tilespmem:$0x10200] =	vst v63  }
.Ltmp0:
0xa2: {  	_ = 	snop;
	(pc) =	sbr.rel @p0 .LBB2_2-.Ltmp0, $4  }
0xa3: {  	s22 =	sadd.s32 $0x980, s20;
	s25 =	sadd.s32 s3, s24  }
0xa4: {  	[tilespmem:s21], [sflag:$0x1] =	stream.linear.gather [hbm4b:s23+s2], $0x80, $0x38;
	[tilespmem:$0x10200] =	vst v63  }
0xa5: {  	s20 =	sadd.s32 $0x8980, s20;
	s21 =	sadd.s32 s4, s24  }
0xa6: {  	[tilespmem:s22], [sflag:$0x1] =	stream.linear.gather [hbm4b:s25+s2], $0x80, $0x38;
	[tilespmem:$0x10200] =	vst v63  }
0xa7: {  	[tilespmem:s20], [sflag:$0x1] =	stream.linear.gather [hbm4b:s21+s2], $0x80, $0x38;
	[tilespmem:$0x10200] =	vst v63  }
0xa8: {  	_ =	swait.ge [sflag:s14], $0x80  }
0xa9: {  	[sflag:s14] =	ssyncset.done $0x0  }
0xaa: {  	[sflag:s14] =	ssyncadd.s32 $0xFFFFFF80  }
0xab: {  	_ =	swait.ge [sflag:s14], $0x80  }
0xac: {  	s18 =	simm.s32 $0xFF;
	[sflag:s14] =	ssyncset.done $0x0  }
.LBB2_4:
0xad: {  	p0 =	sne.s32 s18, $0x1;
	s18 =	sadd.s32 $0xFFFFFFFF, s18;
	[sflag:s14] =	ssyncadd.s32 $0xFFFFFF80  }
.Ltmp1:
0xae: {  	_ =	swait.ge [sflag:s14], $0x80;
	(pc) =	sbr.rel @p0 .LBB2_4-.Ltmp1, $4  }
0xaf: {  	[sflag:s14] =	ssyncset.done $0x0  }
0xb0: {  	[sflag:s14] =	ssyncadd.s32 $0xFFFFFF80  }
0xb1: {  	_ =	swait.ge [sflag:s14], $0x80  }
0xb2: {  	[sflag:s14] =	ssyncset.done $0x0  }
0xb3: {  	[sflag:s14] =	ssyncadd.s32 $0xFFFFFF80;
	s18 =	simm.s32 $0x0  }
0xb4: {  	[hbm4b:s6+s18] =	stream.linear.scatter [tilespmem:s15], [sflag:$0x2], $0x8000, $0x38;
	[tilespmem:$0x10200] =	vst v63  }
0xb5: {  	_ =	swait.ge [sflag:s13], $0x8000  }
0xb6: {  	[sflag:s13] =	ssyncset.done $0x0  }
0xb7: {  	[sflag:s13] =	ssyncadd.s32 $0xFFFF8000  }
0xb8: {  	[hbm4b:s7+s18] =	stream.linear.scatter [tilespmem:s16], [sflag:$0x2], $0x8000, $0x38;
	[tilespmem:$0x10200] =	vst v63  }
0xb9: {  	_ =	swait.ge [sflag:s13], $0x8000  }
0xba: {  	[sflag:s13] =	ssyncset.done $0x0  }
0xbb: {  	s18 =	sand.u32 $0xF0, s18;
	[sflag:s13] =	ssyncadd.s32 $0xFFFF8000  }
0xbc: {  	v0 =	vld [tilespmem:s18+$0x100];
	_ =	sdelay $0x4  }
0xbd: {  	v0 =	vshll.u32 v0, $0x4  }
0xbe: {  	(v2sf) =	vpush v0, $0x0;
	_ =	sdelay $0x1  }
0xbf: {  	(v2sf) =	vpush v0, $0x1;
	_ =	sdelay $0x3  }
0xc0: {  	(v2sf) =	vpush v0, $0x2;
	_ =	sdelay $0x1  }
0xc1: {  	(v2sf) =	vpush v0, $0x3;
	_ =	sdelay $0x1  }
0xc2: {  	(v2sf) =	vpush v0, $0x4;
	_ =	sdelay $0x4  }
0xc3: {  	s21 =	simm.s32 $0x200;
	s20 =	spop (v2sf)  }
0xc4: {  	s23 =	simm.s32 $0x280;
	s25 =	simm.s32 $0x8280;
	s18 =	sand.u32 $0x1FFFFFF0, s20  }
0xc5: {  	s28 =	simm.s32 $0x300;
	s19 =	spop (v2sf);
	s20 =	sadd.s32 s3, s18  }
0xc6: {  	(v2sf) =	vpush v0, $0x5;
	[tilespmem:s21], [sflag:$0x1] =	stream.linear.gather [hbm4b:s20+s2], $0x80, $0x38;
	[tilespmem:$0x10200] =	vst v63  }
0xc7: {  	s19 =	sand.u32 $0x1FFFFFF0, s19;
	s18 =	sadd.s32 s4, s18;
	s21 =	simm.s32 $0x8200  }
0xc8: {  	(v2sf) =	vpush v0, $0x6;
	[tilespmem:s21], [sflag:$0x1] =	stream.linear.gather [hbm4b:s18+s2], $0x80, $0x38;
	[tilespmem:$0x10200] =	vst v63  }
0xc9: {  	s30 =	simm.s32 $0x8300;
	s22 =	spop (v2sf);
	s24 =	sadd.s32 s3, s19  }
0xca: {  	(v2sf) =	vpush v0, $0x7;
	[tilespmem:s23], [sflag:$0x1] =	stream.linear.gather [hbm4b:s24+s2], $0x80, $0x38;
	[tilespmem:$0x10200] =	vst v63  }
0xcb: {  	s19 =	sadd.s32 s4, s19;
	s26 =	spop (v2sf);
	s18 =	sand.u32 $0x1FFFFFF0, s22  }
0xcc: {  	[tilespmem:s25], [sflag:$0x1] =	stream.linear.gather [hbm4b:s19+s2], $0x80, $0x38;
	[tilespmem:$0x10200] =	vst v63  }
0xcd: {  	s20 =	simm.s32 $0x8980;
	s31 =	spop (v2sf);
	s29 =	sadd.s32 s3, s18  }
0xce: {  	(v2sf) =	vpush v0, $0x8;
	[tilespmem:s28], [sflag:$0x1] =	stream.linear.gather [hbm4b:s29+s2], $0x80, $0x38;
	[tilespmem:$0x10200] =	vst v63  }
0xcf: {  	s21 =	simm.s32 $0x380;
	s18 =	sadd.s32 s4, s18;
	s19 =	sand.u32 $0x1FFFFFF0, s26  }
0xd0: {  	[tilespmem:s30], [sflag:$0x1] =	stream.linear.gather [hbm4b:s18+s2], $0x80, $0x38;
	[tilespmem:$0x10200] =	vst v63  }
0xd1: {  	s23 =	simm.s32 $0x8380;
	s25 =	simm.s32 $0x400;
	s22 =	sadd.s32 s3, s19  }
0xd2: {  	[tilespmem:s21], [sflag:$0x1] =	stream.linear.gather [hbm4b:s22+s2], $0x80, $0x38;
	[tilespmem:$0x10200] =	vst v63  }
0xd3: {  	s19 =	sadd.s32 s4, s19;
	s28 =	simm.s32 $0x8400;
	s18 =	sand.u32 $0x1FFFFFF0, s31  }
0xd4: {  	[tilespmem:s23], [sflag:$0x1] =	stream.linear.gather [hbm4b:s19+s2], $0x80, $0x38;
	[tilespmem:$0x10200] =	vst v63  }
0xd5: {  	s30 =	simm.s32 $0x480;
	s26 =	sadd.s32 s3, s18;
	s24 =	spop (v2sf)  }
0xd6: {  	(v2sf) =	vpush v0, $0x9;
	[tilespmem:s25], [sflag:$0x1] =	stream.linear.gather [hbm4b:s26+s2], $0x80, $0x38;
	[tilespmem:$0x10200] =	vst v63  }
0xd7: {  	s18 =	sadd.s32 s4, s18;
	s29 =	spop (v2sf);
	s19 =	sand.u32 $0x1FFFFFF0, s24  }
0xd8: {  	(v2sf) =	vpush v0, $0xA;
	[tilespmem:s28], [sflag:$0x1] =	stream.linear.gather [hbm4b:s18+s2], $0x80, $0x38;
	[tilespmem:$0x10200] =	vst v63  }
0xd9: {  	s21 =	simm.s32 $0x8480;
	s22 =	spop (v2sf);
	s31 =	sadd.s32 s3, s19  }
0xda: {  	(v2sf) =	vpush v0, $0xB;
	[tilespmem:s30], [sflag:$0x1] =	stream.linear.gather [hbm4b:s31+s2], $0x80, $0x38;
	[tilespmem:$0x10200] =	vst v63  }
0xdb: {  	s23 =	simm.s32 $0x500;
	s19 =	sadd.s32 s4, s19;
	s18 =	sand.u32 $0x1FFFFFF0, s29  }
0xdc: {  	[tilespmem:s21], [sflag:$0x1] =	stream.linear.gather [hbm4b:s19+s2], $0x80, $0x38;
	[tilespmem:$0x10200] =	vst v63  }
0xdd: {  	s25 =	simm.s32 $0x8500;
	s26 =	spop (v2sf);
	s24 =	sadd.s32 s3, s18  }
0xde: {  	(v2sf) =	vpush v0, $0xC;
	[tilespmem:s23], [sflag:$0x1] =	stream.linear.gather [hbm4b:s24+s2], $0x80, $0x38;
	[tilespmem:$0x10200] =	vst v63  }
0xdf: {  	s28 =	simm.s32 $0x580;
	s18 =	sadd.s32 s4, s18;
	s19 =	sand.u32 $0x1FFFFFF0, s22  }
0xe0: {  	[tilespmem:s25], [sflag:$0x1] =	stream.linear.gather [hbm4b:s18+s2], $0x80, $0x38;
	[tilespmem:$0x10200] =	vst v63  }
0xe1: {  	s30 =	simm.s32 $0x8580;
	s21 =	simm.s32 $0x600;
	s29 =	sadd.s32 s3, s19  }
0xe2: {  	[tilespmem:s28], [sflag:$0x1] =	stream.linear.gather [hbm4b:s29+s2], $0x80, $0x38;
	[tilespmem:$0x10200] =	vst v63  }
0xe3: {  	s19 =	sadd.s32 s4, s19;
	s23 =	simm.s32 $0x8600;
	s18 =	sand.u32 $0x1FFFFFF0, s26  }
0xe4: {  	[tilespmem:s30], [sflag:$0x1] =	stream.linear.gather [hbm4b:s19+s2], $0x80, $0x38;
	[tilespmem:$0x10200] =	vst v63  }
0xe5: {  	s25 =	simm.s32 $0x680;
	s31 =	spop (v2sf);
	s22 =	sadd.s32 s3, s18  }
0xe6: {  	(v2sf) =	vpush v0, $0xD;
	[tilespmem:s21], [sflag:$0x1] =	stream.linear.gather [hbm4b:s22+s2], $0x80, $0x38;
	[tilespmem:$0x10200] =	vst v63  }
0xe7: {  	s18 =	sadd.s32 s4, s18;
	s24 =	spop (v2sf);
	s19 =	sand.u32 $0x1FFFFFF0, s31  }
0xe8: {  	(v2sf) =	vpush v0, $0xE;
	[tilespmem:s23], [sflag:$0x1] =	stream.linear.gather [hbm4b:s18+s2], $0x80, $0x38;
	[tilespmem:$0x10200] =	vst v63  }
0xe9: {  	s28 =	simm.s32 $0x8680;
	s29 =	spop (v2sf);
	s26 =	sadd.s32 s3, s19  }
0xea: {  	(v2sf) =	vpush v0, $0xF;
	[tilespmem:s25], [sflag:$0x1] =	stream.linear.gather [hbm4b:s26+s2], $0x80, $0x38;
	[tilespmem:$0x10200] =	vst v63  }
0xeb: {  	s30 =	simm.s32 $0x700;
	s19 =	sadd.s32 s4, s19;
	s18 =	sand.u32 $0x1FFFFFF0, s24  }
0xec: {  	[tilespmem:s28], [sflag:$0x1] =	stream.linear.gather [hbm4b:s19+s2], $0x80, $0x38;
	[tilespmem:$0x10200] =	vst v63  }
0xed: {  	s21 =	simm.s32 $0x8700;
	s22 =	spop (v2sf);
	s31 =	sadd.s32 s3, s18  }
0xee: {  	[tilespmem:s30], [sflag:$0x1] =	stream.linear.gather [hbm4b:s31+s2], $0x80, $0x38;
	[tilespmem:$0x10200] =	vst v63  }
0xef: {  	s23 =	simm.s32 $0x780;
	s18 =	sadd.s32 s4, s18;
	s19 =	sand.u32 $0x1FFFFFF0, s29  }
0xf0: {  	[tilespmem:s21], [sflag:$0x1] =	stream.linear.gather [hbm4b:s18+s2], $0x80, $0x38;
	[tilespmem:$0x10200] =	vst v63  }
0xf1: {  	s25 =	simm.s32 $0x8780;
	s28 =	simm.s32 $0x800;
	s24 =	sadd.s32 s3, s19  }
0xf2: {  	[tilespmem:s23], [sflag:$0x1] =	stream.linear.gather [hbm4b:s24+s2], $0x80, $0x38;
	[tilespmem:$0x10200] =	vst v63  }
0xf3: {  	s19 =	sadd.s32 s4, s19;
	s30 =	simm.s32 $0x8800;
	s18 =	sand.u32 $0x1FFFFFF0, s22  }
0xf4: {  	[tilespmem:s25], [sflag:$0x1] =	stream.linear.gather [hbm4b:s19+s2], $0x80, $0x38;
	[tilespmem:$0x10200] =	vst v63  }
0xf5: {  	s26 =	spop (v2sf);
	s22 =	simm.s32 $0x880;
	s29 =	sadd.s32 s3, s18  }
0xf6: {  	[tilespmem:s28], [sflag:$0x1] =	stream.linear.gather [hbm4b:s29+s2], $0x80, $0x38;
	[tilespmem:$0x10200] =	vst v63  }
0xf7: {  	s18 =	sadd.s32 s4, s18;
	s31 =	spop (v2sf);
	s19 =	sand.u32 $0x1FFFFFF0, s26  }
0xf8: {  	[tilespmem:s30], [sflag:$0x1] =	stream.linear.gather [hbm4b:s18+s2], $0x80, $0x38;
	[tilespmem:$0x10200] =	vst v63  }
0xf9: {  	s24 =	simm.s32 $0x8880;
	s25 =	spop (v2sf);
	s23 =	sadd.s32 s3, s19  }
0xfa: {  	[tilespmem:s22], [sflag:$0x1] =	stream.linear.gather [hbm4b:s23+s2], $0x80, $0x38;
	[tilespmem:$0x10200] =	vst v63  }
0xfb: {  	s26 =	simm.s32 $0x900;
	s19 =	sadd.s32 s4, s19;
	s18 =	sand.u32 $0x1FFFFFF0, s31  }
0xfc: {  	[tilespmem:s24], [sflag:$0x1] =	stream.linear.gather [hbm4b:s19+s2], $0x80, $0x38;
	[tilespmem:$0x10200] =	vst v63  }
0xfd: {  	s29 =	simm.s32 $0x8900;
	s28 =	sadd.s32 s3, s18;
	s19 =	sand.u32 $0x1FFFFFF0, s25  }
0xfe: {  	[tilespmem:s26], [sflag:$0x1] =	stream.linear.gather [hbm4b:s28+s2], $0x80, $0x38;
	[tilespmem:$0x10200] =	vst v63  }
0xff: {  	s30 =	simm.s32 $0x980;
	s18 =	sadd.s32 s4, s18;
	s31 =	sadd.s32 s3, s19  }
0x100: {  	[tilespmem:s29], [sflag:$0x1] =	stream.linear.gather [hbm4b:s18+s2], $0x80, $0x38;
	[tilespmem:$0x10200] =	vst v63  }
0x101: {  	s21 =	sadd.s32 s4, s19;
	s19 =	simm.s32 $0x10;
	s18 =	simm.s32 $0x2000  }
0x102: {  	[tilespmem:s30], [sflag:$0x1] =	stream.linear.gather [hbm4b:s31+s2], $0x80, $0x38;
	[tilespmem:$0x10200] =	vst v63  }
.LBB2_6:
0x103: {  	s22 =	sand.u32 $0xF0, s19  }
0x104: {  	p0 =	sne.s32 s18, $0x1E000;
	s23 =	smov.u32 s18;
	s18 =	sadd.s32 $0x2000, s18  }
0x105: {  	[tilespmem:s20], [sflag:$0x1] =	stream.linear.gather [hbm4b:s21+s2], $0x80, $0x38;
	[tilespmem:$0x10200] =	vst v63  }
0x106: {  	v0 =	vld [tilespmem:s22+$0x100];
	_ =	sdelay $0x4  }
0x107: {  	v0 =	vshll.u32 v0, $0x4  }
0x108: {  	(v2sf) =	vpush v0, $0x0  }
0x109: {  	(v2sf) =	vpush v0, $0x1  }
0x10a: {  	(v2sf) =	vpush v0, $0x2;
	_ =	sdelay $0x2  }
0x10b: {  	(v2sf) =	vpush v0, $0x3;
	_ =	sdelay $0x3  }
0x10c: {  	(v2sf) =	vpush v0, $0x4;
	_ =	sdelay $0x3  }
0x10d: {  	(v2sf) =	vpush v0, $0x5;
	_ =	sdelay $0x1  }
0x10e: {  	s21 =	spop (v2sf)  }
0x10f: {  	s20 =	sshra.s32 s23, $0x2;
	s21 =	sand.u32 $0x1FFFFFF0, s21;
	s22 =	spop (v2sf)  }
0x110: {  	s24 =	sadd.s32 $0x8200, s20;
	s23 =	sadd.s32 s3, s21;
	s25 =	spop (v2sf);
	(v2sf) =	vpush v0, $0x6  }
0x111: {  	s26 =	sadd.s32 $0x200, s20;
	s22 =	sand.u32 $0x1FFFFFF0, s22;
	s25 =	sand.u32 $0x1FFFFFF0, s25  }
0x112: {  	[tilespmem:s26], [sflag:$0x1] =	stream.linear.gather [hbm4b:s23+s2], $0x80, $0x38;
	[tilespmem:$0x10200] =	vst v63  }
0x113: {  	s21 =	sadd.s32 s4, s21;
	s23 =	sadd.s32 $0x280, s20;
	s26 =	spop (v2sf)  }
0x114: {  	[tilespmem:s24], [sflag:$0x1] =	stream.linear.gather [hbm4b:s21+s2], $0x80, $0x38;
	(v2sf) =	vpush v0, $0x7;
	[tilespmem:$0x10200] =	vst v63  }
0x115: {  	s21 =	sadd.s32 s3, s22;
	s24 =	sadd.s32 $0x8280, s20;
	s26 =	sand.u32 $0x1FFFFFF0, s26  }
0x116: {  	[tilespmem:s23], [sflag:$0x1] =	stream.linear.gather [hbm4b:s21+s2], $0x80, $0x38;
	[tilespmem:$0x10200] =	vst v63  }
0x117: {  	s21 =	sadd.s32 s4, s22;
	s22 =	sadd.s32 $0x300, s20;
	s23 =	spop (v2sf)  }
0x118: {  	[tilespmem:s24], [sflag:$0x1] =	stream.linear.gather [hbm4b:s21+s2], $0x80, $0x38;
	[tilespmem:$0x10200] =	vst v63  }
0x119: {  	s21 =	sadd.s32 s3, s25;
	s24 =	sadd.s32 $0x8300, s20;
	s23 =	sand.u32 $0x1FFFFFF0, s23  }
0x11a: {  	[tilespmem:s22], [sflag:$0x1] =	stream.linear.gather [hbm4b:s21+s2], $0x80, $0x38;
	(v2sf) =	vpush v0, $0x8;
	[tilespmem:$0x10200] =	vst v63  }
0x11b: {  	s21 =	sadd.s32 s4, s25;
	s22 =	sadd.s32 $0x380, s20;
	s25 =	spop (v2sf)  }
0x11c: {  	[tilespmem:s24], [sflag:$0x1] =	stream.linear.gather [hbm4b:s21+s2], $0x80, $0x38;
	[tilespmem:$0x10200] =	vst v63  }
0x11d: {  	s21 =	sadd.s32 s3, s26;
	s24 =	sadd.s32 $0x8380, s20;
	s25 =	sand.u32 $0x1FFFFFF0, s25  }
0x11e: {  	[tilespmem:s22], [sflag:$0x1] =	stream.linear.gather [hbm4b:s21+s2], $0x80, $0x38;
	(v2sf) =	vpush v0, $0x9;
	[tilespmem:$0x10200] =	vst v63  }
0x11f: {  	s21 =	sadd.s32 s4, s26;
	s22 =	sadd.s32 $0x400, s20;
	s26 =	spop (v2sf)  }
0x120: {  	[tilespmem:s24], [sflag:$0x1] =	stream.linear.gather [hbm4b:s21+s2], $0x80, $0x38;
	[tilespmem:$0x10200] =	vst v63  }
0x121: {  	s21 =	sadd.s32 s3, s23;
	s24 =	sadd.s32 $0x8400, s20;
	s26 =	sand.u32 $0x1FFFFFF0, s26  }
0x122: {  	[tilespmem:s22], [sflag:$0x1] =	stream.linear.gather [hbm4b:s21+s2], $0x80, $0x38;
	(v2sf) =	vpush v0, $0xA;
	[tilespmem:$0x10200] =	vst v63  }
0x123: {  	s21 =	sadd.s32 s4, s23;
	s22 =	sadd.s32 $0x480, s20;
	s23 =	spop (v2sf)  }
0x124: {  	[tilespmem:s24], [sflag:$0x1] =	stream.linear.gather [hbm4b:s21+s2], $0x80, $0x38;
	[tilespmem:$0x10200] =	vst v63  }
0x125: {  	s21 =	sadd.s32 s3, s25;
	s24 =	sadd.s32 $0x8480, s20;
	s23 =	sand.u32 $0x1FFFFFF0, s23  }
0x126: {  	[tilespmem:s22], [sflag:$0x1] =	stream.linear.gather [hbm4b:s21+s2], $0x80, $0x38;
	(v2sf) =	vpush v0, $0xB;
	[tilespmem:$0x10200] =	vst v63  }
0x127: {  	s21 =	sadd.s32 s4, s25;
	s22 =	sadd.s32 $0x500, s20;
	s25 =	sadd.s32 s3, s26  }
0x128: {  	[tilespmem:s24], [sflag:$0x1] =	stream.linear.gather [hbm4b:s21+s2], $0x80, $0x38;
	[tilespmem:$0x10200] =	vst v63  }
0x129: {  	s21 =	sadd.s32 $0x8500, s20;
	s24 =	sadd.s32 s4, s26;
	s26 =	spop (v2sf)  }
0x12a: {  	[tilespmem:s22], [sflag:$0x1] =	stream.linear.gather [hbm4b:s25+s2], $0x80, $0x38;
	(v2sf) =	vpush v0, $0xC;
	[tilespmem:$0x10200] =	vst v63  }
0x12b: {  	s22 =	sadd.s32 $0x580, s20;
	s25 =	sadd.s32 s3, s23;
	s26 =	sand.u32 $0x1FFFFFF0, s26  }
0x12c: {  	[tilespmem:s21], [sflag:$0x1] =	stream.linear.gather [hbm4b:s24+s2], $0x80, $0x38;
	[tilespmem:$0x10200] =	vst v63  }
0x12d: {  	s23 =	sadd.s32 s4, s23;
	s21 =	sadd.s32 $0x8580, s20;
	s24 =	spop (v2sf)  }
0x12e: {  	[tilespmem:s22], [sflag:$0x1] =	stream.linear.gather [hbm4b:s25+s2], $0x80, $0x38;
	(v2sf) =	vpush v0, $0xD;
	[tilespmem:$0x10200] =	vst v63  }
0x12f: {  	s22 =	sadd.s32 $0x600, s20;
	s25 =	sadd.s32 s3, s26;
	s24 =	sand.u32 $0x1FFFFFF0, s24  }
0x130: {  	[tilespmem:s21], [sflag:$0x1] =	stream.linear.gather [hbm4b:s23+s2], $0x80, $0x38;
	[tilespmem:$0x10200] =	vst v63  }
0x131: {  	s21 =	sadd.s32 $0x8600, s20;
	s23 =	sadd.s32 s4, s26;
	s26 =	spop (v2sf)  }
0x132: {  	[tilespmem:s22], [sflag:$0x1] =	stream.linear.gather [hbm4b:s25+s2], $0x80, $0x38;
	(v2sf) =	vpush v0, $0xE;
	[tilespmem:$0x10200] =	vst v63  }
0x133: {  	s22 =	sadd.s32 $0x680, s20;
	s25 =	sadd.s32 s3, s24;
	s26 =	sand.u32 $0x1FFFFFF0, s26  }
0x134: {  	[tilespmem:s21], [sflag:$0x1] =	stream.linear.gather [hbm4b:s23+s2], $0x80, $0x38;
	[tilespmem:$0x10200] =	vst v63  }
0x135: {  	s21 =	sadd.s32 $0x8680, s20;
	s23 =	sadd.s32 s4, s24;
	s24 =	spop (v2sf)  }
0x136: {  	[tilespmem:s22], [sflag:$0x1] =	stream.linear.gather [hbm4b:s25+s2], $0x80, $0x38;
	(v2sf) =	vpush v0, $0xF;
	[tilespmem:$0x10200] =	vst v63  }
0x137: {  	s22 =	sadd.s32 $0x700, s20;
	s25 =	sadd.s32 s3, s26;
	s24 =	sand.u32 $0x1FFFFFF0, s24  }
0x138: {  	[tilespmem:s21], [sflag:$0x1] =	stream.linear.gather [hbm4b:s23+s2], $0x80, $0x38;
	[tilespmem:$0x10200] =	vst v63  }
0x139: {  	s21 =	sadd.s32 $0x8700, s20;
	s23 =	sadd.s32 s4, s26;
	s26 =	spop (v2sf)  }
0x13a: {  	[tilespmem:s22], [sflag:$0x1] =	stream.linear.gather [hbm4b:s25+s2], $0x80, $0x38;
	[tilespmem:$0x10200] =	vst v63  }
0x13b: {  	s22 =	sadd.s32 $0x780, s20;
	s25 =	sadd.s32 s3, s24;
	s26 =	sand.u32 $0x1FFFFFF0, s26  }
0x13c: {  	[tilespmem:s21], [sflag:$0x1] =	stream.linear.gather [hbm4b:s23+s2], $0x80, $0x38;
	[tilespmem:$0x10200] =	vst v63  }
0x13d: {  	s21 =	sadd.s32 $0x8780, s20;
	s23 =	sadd.s32 s4, s24;
	s24 =	spop (v2sf)  }
0x13e: {  	[tilespmem:s22], [sflag:$0x1] =	stream.linear.gather [hbm4b:s25+s2], $0x80, $0x38;
	[tilespmem:$0x10200] =	vst v63  }
0x13f: {  	s22 =	sadd.s32 $0x800, s20;
	s25 =	sadd.s32 s3, s26;
	s24 =	sand.u32 $0x1FFFFFF0, s24  }
0x140: {  	[tilespmem:s21], [sflag:$0x1] =	stream.linear.gather [hbm4b:s23+s2], $0x80, $0x38;
	[tilespmem:$0x10200] =	vst v63  }
0x141: {  	s21 =	sadd.s32 $0x8800, s20;
	s23 =	sadd.s32 s4, s26;
	s26 =	spop (v2sf)  }
0x142: {  	[tilespmem:s22], [sflag:$0x1] =	stream.linear.gather [hbm4b:s25+s2], $0x80, $0x38;
	[tilespmem:$0x10200] =	vst v63  }
0x143: {  	s22 =	sadd.s32 $0x880, s20;
	s25 =	sadd.s32 s3, s24;
	s26 =	sand.u32 $0x1FFFFFF0, s26  }
0x144: {  	[tilespmem:s21], [sflag:$0x1] =	stream.linear.gather [hbm4b:s23+s2], $0x80, $0x38;
	[tilespmem:$0x10200] =	vst v63  }
0x145: {  	s21 =	sadd.s32 $0x8880, s20;
	s23 =	sadd.s32 s4, s24;
	s24 =	spop (v2sf)  }
0x146: {  	[tilespmem:s22], [sflag:$0x1] =	stream.linear.gather [hbm4b:s25+s2], $0x80, $0x38;
	[tilespmem:$0x10200] =	vst v63  }
0x147: {  	s22 =	sadd.s32 $0x900, s20;
	s25 =	sadd.s32 s3, s26;
	s24 =	sand.u32 $0x1FFFFFF0, s24  }
0x148: {  	[tilespmem:s21], [sflag:$0x1] =	stream.linear.gather [hbm4b:s23+s2], $0x80, $0x38;
	[tilespmem:$0x10200] =	vst v63  }
0x149: {  	s21 =	sadd.s32 $0x8900, s20;
	s23 =	sadd.s32 s4, s26  }
0x14a: {  	[tilespmem:s22], [sflag:$0x1] =	stream.linear.gather [hbm4b:s25+s2], $0x80, $0x38;
	[tilespmem:$0x10200] =	vst v63  }
.Ltmp2:
0x14b: {  	_ = 	snop;
	(pc) =	sbr.rel @p0 .LBB2_6-.Ltmp2, $4  }
0x14c: {  	s22 =	sadd.s32 $0x980, s20;
	s25 =	sadd.s32 s3, s24  }
0x14d: {  	[tilespmem:s21], [sflag:$0x1] =	stream.linear.gather [hbm4b:s23+s2], $0x80, $0x38;
	[tilespmem:$0x10200] =	vst v63  }
0x14e: {  	s19 =	sadd.s32 $0x10, s19;
	s20 =	sadd.s32 $0x8980, s20;
	s21 =	sadd.s32 s4, s24  }
0x14f: {  	[tilespmem:s22], [sflag:$0x1] =	stream.linear.gather [hbm4b:s25+s2], $0x80, $0x38;
	[tilespmem:$0x10200] =	vst v63  }
0x150: {  	[tilespmem:s20], [sflag:$0x1] =	stream.linear.gather [hbm4b:s21+s2], $0x80, $0x38;
	[tilespmem:$0x10200] =	vst v63  }
0x151: {  	_ =	swait.ge [sflag:s14], $0x80  }
0x152: {  	[sflag:s14] =	ssyncset.done $0x0  }
0x153: {  	[sflag:s14] =	ssyncadd.s32 $0xFFFFFF80  }
0x154: {  	_ =	swait.ge [sflag:s14], $0x80  }
0x155: {  	s18 =	simm.s32 $0xFF;
	[sflag:s14] =	ssyncset.done $0x0  }
.LBB2_8:
0x156: {  	p0 =	sne.s32 s18, $0x1;
	s18 =	sadd.s32 $0xFFFFFFFF, s18;
	[sflag:s14] =	ssyncadd.s32 $0xFFFFFF80  }
.Ltmp3:
0x157: {  	_ =	swait.ge [sflag:s14], $0x80;
	(pc) =	sbr.rel @p0 .LBB2_8-.Ltmp3, $4  }
0x158: {  	[sflag:s14] =	ssyncset.done $0x0  }
0x159: {  	[sflag:s14] =	ssyncadd.s32 $0xFFFFFF80  }
0x15a: {  	_ =	swait.ge [sflag:s14], $0x80  }
0x15b: {  	[sflag:s14] =	ssyncset.done $0x0  }
0x15c: {  	[sflag:s14] =	ssyncadd.s32 $0xFFFFFF80  }
0x15d: {  	[hbm4b:s8+s2] =	stream.linear.scatter [tilespmem:s15], [sflag:$0x2], $0x8000, $0x38;
	[tilespmem:$0x10200] =	vst v63  }
0x15e: {  	s17 =	sadd.s32 $0x1, s17;
	_ =	swait.ge [sflag:s13], $0x8000  }
0x15f: {  	p0 =	sne.s32 s17, s10;
	[sflag:s13] =	ssyncset.done $0x0  }
.Ltmp4:
0x160: {  	[sflag:s13] =	ssyncadd.s32 $0xFFFF8000;
	(pc) =	sbr.rel @p0 .LBB2_1-.Ltmp4, $4  }
0x161: {  	[hbm4b:s9+s2] =	stream.linear.scatter [tilespmem:s16], [sflag:$0x2], $0x8000, $0x38;
	[tilespmem:$0x10200] =	vst v63  }
0x162: {  	_ =	swait.ge [sflag:s13], $0x8000  }
0x163: {  	[sflag:s13] =	ssyncset.done $0x0  }
0x164: {  	[sflag:s13] =	ssyncadd.s32 $0xFFFF8000  }
0x165: {  	_ =	sfence.sel $0x180000  }
0x166: {  	[bflag:$0x0] =	sbarrier.arrive $0xFFFF  }
0x167: {  	p0 =	sne.s32 s1, $0x0;
	_ =	strace $0x9000004A  }
0x168: {  	s0 =	sadd.s32 @!p0 $0x100000, s0;
	[bflag:$0x2] =	sbarrier.arrive $0xFFFF  }
0x169: {  	[sflag:s0] =	ssyncadd.tile.s32 @!p0 $0x1;
	_ =	shalt  }
.Lfunc_end2:
_tile_overlayer_lowered:
.L_overlay_start_2:
0x16a: {  	(tag) =	ssettag $0x2  }
0x16b: {  	s0 =	rddreg [dreg:$0x0];
	s2 =	stileid.u32  }
0x16c: {  	s1 =	rddreg [dreg:$0x1];
	p0 =	sne.s32 s2, $0x0  }
0x16d: {  	s3 =	rddreg [dreg:$0x2];
	[bflag:$0x3] =	sbarrier.arrive $0xFFFF;
	s2 =	simm.s32 @!p0 $0x1C02  }
0x16e: {  	[timem:s3], [sflag:s2] =	dma.local @!p0 [hbm:s0], s1  }
0x16f: {  	s0 =	simm.s32 @!p0 $0x2  }
0x170: {  	_ =	swait.ge @!p0 [sflag:s0], s1  }
0x171: {  	s1 =	ssub.s32 @!p0 $0x0, s1;
	[sflag:s0] =	ssyncset.done @!p0 $0x0  }
0x172: {  	[sflag:s0] =	ssyncadd.s32 @!p0 s1  }
0x173: {  	[bflag:$0x3] =	sbarrier.arrive $0xFFFF  }
0x174: {  	_ =	shalt  }

// kernel: kernel.8.cloned.1.call-start
scs
__scs_entry_jumppad:
0x0: {  	(pc) =	sbr.rel $0x88, $3  }
0x1: {  	(tag) =	ssettag $0x0;
	lr =	simm.s32 $0x1  }
0x2: {  	[smem:$0x3F91] =	sst lr;
	_ =	strace $0xD0000000  }
0x3: {  	_ = 	snop  }
0x4: {  	_ = 	snop  }
0x5: {  	_ = 	snop  }
0x6: {  	_ = 	snop  }
0x7: {  	_ = 	snop  }
__scs_overlays_trampoline_lowered:
0x8: {  	[smem:$0x3FA0] =	sst s0  }
0x9: {  	[smem:$0x3FA1] =	sst s1  }
0xa: {  	[smem:$0x3FA2] =	sst s2  }
0xb: {  	[smem:$0x3FA3] =	sst s3  }
0xc: {  	[smem:$0x3FA4] =	sst s4  }
0xd: {  	[smem:$0x3FA5] =	sst s5  }
0xe: {  	[smem:$0x3FA6] =	sst s6  }
0xf: {  	[smem:$0x3FA7] =	sst s7  }
0x10: {  	[smem:$0x3FA8] =	sst s8  }
0x11: {  	[smem:$0x3FA9] =	sst s9;
	s0 =	simm.s32 @!p0 $0x0  }
0x12: {  	s1 =	sld [smem:$0x3F8F];
	s0 =	simm.s32 @p0 $0x1  }
0x13: {  	[smem:$0x3FAA] =	sst s0;
	s0 =	simm.s32 @!p1 $0x0  }
0x14: {  	s2 =	sld [smem:$0x3F8E];
	s0 =	simm.s32 @p1 $0x1  }
0x15: {  	[smem:$0x3FAB] =	sst s0;
	s0 =	simm.s32 @!p2 $0x0  }
0x16: {  	s3 =	sld [smem:$0x3FDB];
	s0 =	simm.s32 @p2 $0x1  }
0x17: {  	s4 =	simm.s32 $0x1BF5;
	[smem:$0x3FAD] =	sst s0  }
0x18: {  	s0 =	sld [smem:$0x3F90];
	_ =	swait.ge [sflag:s4], $0x0  }
0x19: {  	s7 =	sld [smem:$0x3F91]  }
0x1a: {  	s8 =	sadd.s32 $0xFFFFE003, lr  }
0x1b: {  	s9 =	sadd.s32 $0xFFFFFEF7, lr;
	s5 =	simm.s32 $0xFFFFFFFF;
	p2 =	slt.u32 s8, $0xFFFFF086  }
0x1c: {  	p1 =	slt.u32 s9, $0xF7A;
	s5 =	simm.s32 @!p2 $0x0  }
0x1d: {  	s5 =	simm.s32 @p1 $0x1;
	p0 =	seq.s32 s7, s2  }
0x1e: {  	s7 =	smul.u32 @!p0 $0xF7A, s2;
	p2 =	seq.s32 @!p0 s5, $0x0  }
0x1f: {  	s9 =	smul.u32 $0xF7A, s1;
	s8 =	simm.s32 @!p0 $0x1BF5;
	p2 =	por !p2, p0  }
0x20: {  	[sflag:s8] =	ssyncset.s32 @!p0 $0xFFFFF086;
	s6 =	sadd.s32 @!p0 s3, s7;
	s7 =	simm.s32 @!p0 $0x108  }
0x21: {  	s3 =	sadd.s32 s3, s9;
	s6 =	sadd.s32 @!p0 $0x88, s6;
	s7 =	simm.s32 @p2 $0x1082  }
0x22: {  	[simem:s7], [sflag:s8] =	dma.local @!p0 [hbm:s6], $0xF7A  }
0x23: {  	s9 =	sor.u32 $0xD0000000, s2;
	s6 =	simm.s32 $0x108;
	_ =	swait.ge @!p0 [sflag:s8], $0x0  }
0x24: {  	s3 =	sadd.s32 $0x88, s3;
	s6 =	simm.s32 @!p1 $0x1082;
	[sflag:s4] =	ssyncset.s32 $0xFFFFF086  }
0x25: {  	[simem:s6], [sflag:s4] =	dma.local [hbm:s3], $0xF7A  }
0x26: {  	[smem:$0x3F91] =	sst s1;
	(tag) =	ssettag s2;
	_ =	strace s9  }
0x27: {  	s1 =	sld [smem:$0x3FA1]  }
0x28: {  	s2 =	sld [smem:$0x3FA2]  }
0x29: {  	s4 =	sld [smem:$0x3FA4]  }
0x2a: {  	p0 =	seq.s32 s5, $0x0;
	s5 =	sld [smem:$0x3FA5]  }
0x2b: {  	s6 =	sld [smem:$0x3FA6]  }
0x2c: {  	s7 =	sld [smem:$0x3FA7]  }
0x2d: {  	s3 =	simm.s32 $0x108;
	s8 =	sld [smem:$0x3FA8]  }
0x2e: {  	s3 =	simm.s32 @!p0 $0x1082;
	s9 =	sld [smem:$0x3FA9]  }
0x2f: {  	lr =	sadd.s32 s0, s3;
	s0 =	sld [smem:$0x3FA0]  }
0x30: {  	s3 =	sld [smem:$0x3FA3]  }
0x31: {  	[smem:$0x3FAC] =	sst s10  }
0x32: {  	s10 =	sld [smem:$0x3FAA];
	_ =	sdelay $0x3  }
0x33: {  	p0 =	seq.s32 s10, $0x1;
	s10 =	sld [smem:$0x3FAC];
	_ =	sdelay $0x3  }
0x34: {  	[smem:$0x3FAC] =	sst s10  }
0x35: {  	s10 =	sld [smem:$0x3FAB];
	_ =	sdelay $0x3  }
0x36: {  	p1 =	seq.s32 s10, $0x1;
	s10 =	sld [smem:$0x3FAC];
	_ =	sdelay $0x3  }
0x37: {  	[smem:$0x3FAC] =	sst s10  }
0x38: {  	s10 =	sld [smem:$0x3FAD]  }
0x39: {  	_ = 	snop;
	(pc) =	sbr.ind lr, $3  }
0x3a: {  	_ = 	snop  }
0x3b: {  	_ = 	snop  }
0x3c: {  	p2 =	seq.s32 s10, $0x1;
	s10 =	sld [smem:$0x3FAC]  }
0x3d: {  	_ =	shalt  }
0x3e: {  	_ =	shalt  }
0x3f: {  	_ =	shalt  }
0x40: {  	_ =	shalt  }
0x41: {  	_ =	shalt  }
0x42: {  	_ =	shalt  }
0x43: {  	_ =	shalt  }
0x44: {  	_ =	shalt  }
0x45: {  	_ =	shalt  }
0x46: {  	_ =	shalt  }
0x47: {  	_ =	shalt  }
0x48: {  	_ =	shalt  }
0x49: {  	_ =	shalt  }
0x4a: {  	_ =	shalt  }
0x4b: {  	_ =	shalt  }
0x4c: {  	_ =	shalt  }
0x4d: {  	_ =	shalt  }
0x4e: {  	_ =	shalt  }
0x4f: {  	_ =	shalt  }
0x50: {  	_ =	shalt  }
0x51: {  	_ =	shalt  }
0x52: {  	_ =	shalt  }
0x53: {  	_ =	shalt  }
0x54: {  	_ =	shalt  }
0x55: {  	_ =	shalt  }
0x56: {  	_ =	shalt  }
0x57: {  	_ =	shalt  }
0x58: {  	_ =	shalt  }
0x59: {  	_ =	shalt  }
0x5a: {  	_ =	shalt  }
0x5b: {  	_ =	shalt  }
0x5c: {  	_ =	shalt  }
0x5d: {  	_ =	shalt  }
0x5e: {  	_ =	shalt  }
0x5f: {  	_ =	shalt  }
0x60: {  	_ =	shalt  }
0x61: {  	_ =	shalt  }
0x62: {  	_ =	shalt  }
0x63: {  	_ =	shalt  }
0x64: {  	_ =	shalt  }
0x65: {  	_ =	shalt  }
0x66: {  	_ =	shalt  }
0x67: {  	_ =	shalt  }
0x68: {  	_ =	shalt  }
0x69: {  	_ =	shalt  }
0x6a: {  	_ =	shalt  }
0x6b: {  	_ =	shalt  }
0x6c: {  	_ =	shalt  }
0x6d: {  	_ =	shalt  }
0x6e: {  	_ =	shalt  }
0x6f: {  	_ =	shalt  }
0x70: {  	_ =	shalt  }
0x71: {  	_ =	shalt  }
0x72: {  	_ =	shalt  }
0x73: {  	_ =	shalt  }
0x74: {  	_ =	shalt  }
0x75: {  	_ =	shalt  }
0x76: {  	_ =	shalt  }
0x77: {  	_ =	shalt  }
0x78: {  	_ =	shalt  }
0x79: {  	_ =	shalt  }
0x7a: {  	_ =	shalt  }
0x7b: {  	_ =	shalt  }
0x7c: {  	_ =	shalt  }
0x7d: {  	_ =	shalt  }
0x7e: {  	_ =	shalt  }
0x7f: {  	_ =	shalt  }
0x80: {  	_ =	shalt  }
0x81: {  	_ =	shalt  }
0x82: {  	_ =	shalt  }
0x83: {  	_ =	shalt  }
0x84: {  	_ =	shalt  }
0x85: {  	_ =	shalt  }
0x86: {  	_ =	shalt  }
0x87: {  	_ =	shalt  }
.Lfunc_end0:
.L_simem_size_0:
called_computation.1_lowered:
.L_overlay_start_0:
0x88: {  	s2 =	sld [smem:$0x3FD9]  }
0x89: {  	s3 =	sld [smem:$0x3FFE];
	_ =	sdelay $0x1  }
0x8a: {  	s1 =	srdreg.scid  }
0x8b: {  	s0 =	sand.u32 $0x1, s1  }
0x8c: {  	s17 =	sshll.u32 s0, $0xA;
	s2 =	sadd.s32 s3, s2  }
0x8d: {  	s2 =	sadd.s32 s2, s17  }
0x8e: {  	[smem:$0x3FB8] =	sst s2  }
0x8f: {  	_ = 	snop  }
0x90: {  	s2 =	sld [smem:$0x3FD0];
	(tm) =	ssettm $0x1  }
0x91: {  	s18 =	sld [smem:$0x3FFB];
	_ =	sdelay $0x3  }
0x92: {  	_ =	strace s18  }
0x93: {  	s3 =	sld [smem:$0x3FFC];
	_ =	sdelay $0x3  }
0x94: {  	_ =	strace s3  }
0x95: {  	s3 =	sld [smem:$0x3FFD];
	_ =	sdelay $0x3  }
0x96: {  	_ =	strace s3  }
0x97: {  	_ =	strace $0x8FFFFFFF  }
0x98: {  	s19 =	sld [smem:$0x3FDB];
	_ =	sdelay $0x1  }
0x99: {  	s4 =	simm.s32 $_scs_section_size  }
0x9a: {  	s5 =	simm.s32 $_size__tile_overlayer_lowered;
	s6 =	simm.s32 $_tile_overlayer_lowered  }
0x9b: {  	s22 =	simm.s32 $0x1BFF;
	s21 =	sshll.u32 s6, $0x1;
	s3 =	sadd.s32 s4, s19  }
0x9c: {  	s7 =	simm.s32 $0x0;
	s20 =	sshll.u32 s5, $0x1;
	s5 =	sadd.s32 s21, s3  }
0x9d: {  	[timem:s7], [sflag:s22] =	dma.local [hbm:s5], s20  }
0x9e: {  	_ =	swait.ge [sflag:s22], s20  }
0x9f: {  	s4 =	ssub.s32 $0x0, s20;
	[sflag:s22] =	ssyncset.done $0x0  }
0xa0: {  	[sflag:s22] =	ssyncadd.s32 s4;
	_ =	sdelay $0x1  }
0xa1: {  	s23 =	simm.s32 $0x1B8B  }
0xa2: {  	_ =	swait.ge [sflag:s23], $0x1  }
0xa3: {  	[sflag:s23] =	ssyncset.done $0x0  }
0xa4: {  	s25 =	simm.s32 $0x1B8E;
	s24 =	sld [smem:$0x3FFE];
	[sflag:s23] =	ssyncadd.s32 $0xFFFFFFFF  }
0xa5: {  	s26 =	simm.s32 $execute0_lowered;
	[smem:$0x3FD2] =	sst s25  }
0xa6: {  	s5 =	sshll.u32 s26, $0x1;
	_ =	strace $0x80000046;
	[dreg:$0x1] =	wrdreg $0xFFFFFFFF  }
0xa7: {  	s28 =	simm.s32 $_size_execute0_lowered;
	s3 =	sadd.s32 s3, s5;
	[dreg:$0x0] =	wrdreg $0x0  }
0xa8: {  	s5 =	sshll.u32 s28, $0x1;
	[dreg:$0x2] =	wrdreg s3  }
0xa9: {  	[dreg:$0x3] =	wrdreg s5  }
0xaa: {  	[dreg:$0x4] =	wrdreg $0xC0  }
0xab: {  	_ =	task [dreg:s7], $0x5FFFF  }
0xac: {  	[dreg:$0x1] =	wrdreg $0xFFFFFFFF  }
0xad: {  	[dreg:$0x0] =	wrdreg $0x60  }
0xae: {  	[dreg:$0x2] =	wrdreg s2  }
0xaf: {  	[dreg:$0x3] =	wrdreg s24  }
0xb0: {  	[dreg:$0x4] =	wrdreg $0xA  }
0xb1: {  	_ =	task.clear_ibuf [dreg:s7], $0x5FFFF;
	_ =	strace $0x90000046  }
0xb2: {  	s29 =	simm.s32 $0xA;
	_ =	strace $0x80000048  }
0xb3: {  	_ =	swait.ge [sflag:s29], $0x1  }
0xb4: {  	[sflag:s29] =	ssyncadd.s32 $0xFFFFFFFF  }
0xb5: {  	_ =	strace $0x90000048  }
0xb6: {  	_ =	sfence  }
0xb7: {  	s30 =	sld [smem:$0x0];
	_ =	sdelay $0x2  }
0xb8: {  	s31 =	sshll.u32 s1, $0xD;
	s1 =	sshrl.u32 s1, $0x2  }
0xb9: {  	s3 =	sand.u32 $0x4000, s31;
	s1 =	sadd.s32 s1, s30  }
0xba: {  	s0 =	sor.u32 s3, s0;
	s1 =	sshll.u32 s1, $0x11  }
0xbb: {  	s0 =	sor.u32 s1, s0  }
0xbc: {  	s0 =	sadd.s32 $0x8F2B, s0  }
0xbd: {  	[sflag:s0] =	ssyncadd.remote.s32 $0x1  }
0xbe: {  	_ =	sfence.sel $0xFFFF  }
0xbf: {  	[dreg:$0x0] =	wrdreg $0xFFFFFFFF;
	(pc) =	sbr.abs _section_cstart, $3  }
0xc0: {  	[dreg:$0x1] =	wrdreg $0xFFFFFFFF  }
0xc1: {  	_ =	task.clear_ibuf [dreg:s7], $0x2FFFF;
	_ =	strace $0x9FFFFFFF  }
0xc2: {  	(tm) =	ssettm $0x7FFFFFFF  }
0xc3: {  	_ =	shalt  }
tec
execute0_lowered:
.L_overlay_start_1:
0x0: {  	(tag) =	ssettag $0x1  }
0x1: {  	s5 =	rddreg [dreg:$0x0]  }
0x2: {  	s6 =	rddreg [dreg:$0x1]  }
0x3: {  	s0 =	rddreg [dreg:$0x2];
	s1 =	simm.s32 $0x0;
	s7 =	srdreg.scid  }
0x4: {  	s2 =	stileid.u32;
	s13 =	simm.s32 $0x2;
	s14 =	simm.s32 $0x1  }
0x5: {  	s15 =	simm.s32 $0x200;
	s16 =	simm.s32 $0x8200;
	s17 =	simm.s32 $0x0  }
0x6: {  	[smem:$0x7FF] =	sst s1;
	s3 =	sadd.s32 $0x2E00, s6;
	s4 =	sadd.s32 $0xF45200, s6  }
0x7: {  	s8 =	sadd.s32 $0x1E87600, s6;
	s9 =	sadd.s32 $0x1EC7600, s6;
	s26 =	sand.u32 $0x1, s7  }
0x8: {  	s28 =	sshll.u32 s2, $0x1;
	s29 =	sshll.u32 s2, $0x7;
	_ =	strace $0x80000047  }
0x9: {  	s10 =	ssub.s32 $0x2, s26;
	s6 =	sor.u32 s26, s28;
	s7 =	sand.u32 $0x600, s29  }
0xa: {  	s11 =	sshrl.u32 s10, $0x1;
	s12 =	sshll.u32 s6, $0x4;
	s5 =	sadd.s32 s5, s7  }
0xb: {  	s30 =	sshll.u32 s6, $0xD;
	s12 =	sand.u32 $0x70, s12;
	s10 =	ssub.s32 s10, s11  }
0xc: {  	s31 =	sor.u32 $0x1000, s30;
	s6 =	sadd.s32 s8, s30;
	s7 =	sadd.s32 s9, s30  }
0xd: {  	s11 =	simm.s32 $0x80;
	s5 =	sadd.s32 s12, s5;
	s8 =	sadd.s32 s8, s31  }
0xe: {  	s9 =	sadd.s32 s9, s31;
	s10 =	smax.u32 s10, $0x1;
	s12 =	simm.s32 $0x400  }
.LBB2_1:
0xf: {  	[tilespmem:s1], [sflag:$0x2] =	stream.strided.gather [hbm4b:s5+s11], $0x200, s12, s11, $0x38;
	[tilespmem:$0x10200] =	vst v63  }
0x10: {  	_ =	swait.ge [sflag:s13], $0x200  }
0x11: {  	[sflag:s13] =	ssyncset.done $0x0  }
0x12: {  	[sflag:s13] =	ssyncadd.s32 $0xFFFFFE00  }
0x13: {  	v0 =	vld [tilespmem:s1+$0x0];
	_ =	sdelay $0x4  }
0x14: {  	v0 =	vshll.u32 v0, $0x4  }
0x15: {  	(v2sf) =	vpush v0, $0x0;
	_ =	sdelay $0x1  }
0x16: {  	(v2sf) =	vpush v0, $0x1;
	_ =	sdelay $0x3  }
0x17: {  	(v2sf) =	vpush v0, $0x2;
	_ =	sdelay $0x1  }
0x18: {  	(v2sf) =	vpush v0, $0x3;
	_ =	sdelay $0x1  }
0x19: {  	(v2sf) =	vpush v0, $0x4;
	_ =	sdelay $0x4  }
0x1a: {  	s21 =	simm.s32 $0x200;
	s18 =	spop (v2sf)  }
0x1b: {  	s23 =	simm.s32 $0x280;
	s25 =	simm.s32 $0x8280;
	s18 =	sand.u32 $0x1FFFFFF0, s18  }
0x1c: {  	s28 =	simm.s32 $0x300;
	s19 =	spop (v2sf);
	s20 =	sadd.s32 s3, s18  }
0x1d: {  	(v2sf) =	vpush v0, $0x5;
	[tilespmem:s21], [sflag:$0x1] =	stream.linear.gather [hbm4b:s20+s1], $0x80, $0x38;
	[tilespmem:$0x10200] =	vst v63  }
0x1e: {  	s19 =	sand.u32 $0x1FFFFFF0, s19;
	s18 =	sadd.s32 s4, s18;
	s21 =	simm.s32 $0x8200  }
0x1f: {  	(v2sf) =	vpush v0, $0x6;
	[tilespmem:s21], [sflag:$0x1] =	stream.linear.gather [hbm4b:s18+s1], $0x80, $0x38;
	[tilespmem:$0x10200] =	vst v63  }
0x20: {  	s30 =	simm.s32 $0x8300;
	s22 =	spop (v2sf);
	s24 =	sadd.s32 s3, s19  }
0x21: {  	(v2sf) =	vpush v0, $0x7;
	[tilespmem:s23], [sflag:$0x1] =	stream.linear.gather [hbm4b:s24+s1], $0x80, $0x38;
	[tilespmem:$0x10200] =	vst v63  }
0x22: {  	s19 =	sadd.s32 s4, s19;
	s26 =	spop (v2sf);
	s18 =	sand.u32 $0x1FFFFFF0, s22  }
0x23: {  	[tilespmem:s25], [sflag:$0x1] =	stream.linear.gather [hbm4b:s19+s1], $0x80, $0x38;
	[tilespmem:$0x10200] =	vst v63  }
0x24: {  	s20 =	simm.s32 $0x8980;
	s31 =	spop (v2sf);
	s29 =	sadd.s32 s3, s18  }
0x25: {  	(v2sf) =	vpush v0, $0x8;
	[tilespmem:s28], [sflag:$0x1] =	stream.linear.gather [hbm4b:s29+s1], $0x80, $0x38;
	[tilespmem:$0x10200] =	vst v63  }
0x26: {  	s21 =	simm.s32 $0x380;
	s18 =	sadd.s32 s4, s18;
	s19 =	sand.u32 $0x1FFFFFF0, s26  }
0x27: {  	[tilespmem:s30], [sflag:$0x1] =	stream.linear.gather [hbm4b:s18+s1], $0x80, $0x38;
	[tilespmem:$0x10200] =	vst v63  }
0x28: {  	s23 =	simm.s32 $0x8380;
	s25 =	simm.s32 $0x400;
	s22 =	sadd.s32 s3, s19  }
0x29: {  	[tilespmem:s21], [sflag:$0x1] =	stream.linear.gather [hbm4b:s22+s1], $0x80, $0x38;
	[tilespmem:$0x10200] =	vst v63  }
0x2a: {  	s19 =	sadd.s32 s4, s19;
	s28 =	simm.s32 $0x8400;
	s18 =	sand.u32 $0x1FFFFFF0, s31  }
0x2b: {  	[tilespmem:s23], [sflag:$0x1] =	stream.linear.gather [hbm4b:s19+s1], $0x80, $0x38;
	[tilespmem:$0x10200] =	vst v63  }
0x2c: {  	s30 =	simm.s32 $0x480;
	s26 =	sadd.s32 s3, s18;
	s24 =	spop (v2sf)  }
0x2d: {  	(v2sf) =	vpush v0, $0x9;
	[tilespmem:s25], [sflag:$0x1] =	stream.linear.gather [hbm4b:s26+s1], $0x80, $0x38;
	[tilespmem:$0x10200] =	vst v63  }
0x2e: {  	s18 =	sadd.s32 s4, s18;
	s29 =	spop (v2sf);
	s19 =	sand.u32 $0x1FFFFFF0, s24  }
0x2f: {  	(v2sf) =	vpush v0, $0xA;
	[tilespmem:s28], [sflag:$0x1] =	stream.linear.gather [hbm4b:s18+s1], $0x80, $0x38;
	[tilespmem:$0x10200] =	vst v63  }
0x30: {  	s21 =	simm.s32 $0x8480;
	s22 =	spop (v2sf);
	s31 =	sadd.s32 s3, s19  }
0x31: {  	(v2sf) =	vpush v0, $0xB;
	[tilespmem:s30], [sflag:$0x1] =	stream.linear.gather [hbm4b:s31+s1], $0x80, $0x38;
	[tilespmem:$0x10200] =	vst v63  }
0x32: {  	s23 =	simm.s32 $0x500;
	s19 =	sadd.s32 s4, s19;
	s18 =	sand.u32 $0x1FFFFFF0, s29  }
0x33: {  	[tilespmem:s21], [sflag:$0x1] =	stream.linear.gather [hbm4b:s19+s1], $0x80, $0x38;
	[tilespmem:$0x10200] =	vst v63  }
0x34: {  	s25 =	simm.s32 $0x8500;
	s26 =	spop (v2sf);
	s24 =	sadd.s32 s3, s18  }
0x35: {  	(v2sf) =	vpush v0, $0xC;
	[tilespmem:s23], [sflag:$0x1] =	stream.linear.gather [hbm4b:s24+s1], $0x80, $0x38;
	[tilespmem:$0x10200] =	vst v63  }
0x36: {  	s28 =	simm.s32 $0x580;
	s18 =	sadd.s32 s4, s18;
	s19 =	sand.u32 $0x1FFFFFF0, s22  }
0x37: {  	[tilespmem:s25], [sflag:$0x1] =	stream.linear.gather [hbm4b:s18+s1], $0x80, $0x38;
	[tilespmem:$0x10200] =	vst v63  }
0x38: {  	s30 =	simm.s32 $0x8580;
	s21 =	simm.s32 $0x600;
	s29 =	sadd.s32 s3, s19  }
0x39: {  	[tilespmem:s28], [sflag:$0x1] =	stream.linear.gather [hbm4b:s29+s1], $0x80, $0x38;
	[tilespmem:$0x10200] =	vst v63  }
0x3a: {  	s19 =	sadd.s32 s4, s19;
	s23 =	simm.s32 $0x8600;
	s18 =	sand.u32 $0x1FFFFFF0, s26  }
0x3b: {  	[tilespmem:s30], [sflag:$0x1] =	stream.linear.gather [hbm4b:s19+s1], $0x80, $0x38;
	[tilespmem:$0x10200] =	vst v63  }
0x3c: {  	s25 =	simm.s32 $0x680;
	s31 =	spop (v2sf);
	s22 =	sadd.s32 s3, s18  }
0x3d: {  	(v2sf) =	vpush v0, $0xD;
	[tilespmem:s21], [sflag:$0x1] =	stream.linear.gather [hbm4b:s22+s1], $0x80, $0x38;
	[tilespmem:$0x10200] =	vst v63  }
0x3e: {  	s18 =	sadd.s32 s4, s18;
	s24 =	spop (v2sf);
	s19 =	sand.u32 $0x1FFFFFF0, s31  }
0x3f: {  	(v2sf) =	vpush v0, $0xE;
	[tilespmem:s23], [sflag:$0x1] =	stream.linear.gather [hbm4b:s18+s1], $0x80, $0x38;
	[tilespmem:$0x10200] =	vst v63  }
0x40: {  	s28 =	simm.s32 $0x8680;
	s29 =	spop (v2sf);
	s26 =	sadd.s32 s3, s19  }
0x41: {  	(v2sf) =	vpush v0, $0xF;
	[tilespmem:s25], [sflag:$0x1] =	stream.linear.gather [hbm4b:s26+s1], $0x80, $0x38;
	[tilespmem:$0x10200] =	vst v63  }
0x42: {  	s30 =	simm.s32 $0x700;
	s19 =	sadd.s32 s4, s19;
	s18 =	sand.u32 $0x1FFFFFF0, s24  }
0x43: {  	[tilespmem:s28], [sflag:$0x1] =	stream.linear.gather [hbm4b:s19+s1], $0x80, $0x38;
	[tilespmem:$0x10200] =	vst v63  }
0x44: {  	s21 =	simm.s32 $0x8700;
	s22 =	spop (v2sf);
	s31 =	sadd.s32 s3, s18  }
0x45: {  	[tilespmem:s30], [sflag:$0x1] =	stream.linear.gather [hbm4b:s31+s1], $0x80, $0x38;
	[tilespmem:$0x10200] =	vst v63  }
0x46: {  	s23 =	simm.s32 $0x780;
	s18 =	sadd.s32 s4, s18;
	s19 =	sand.u32 $0x1FFFFFF0, s29  }
0x47: {  	[tilespmem:s21], [sflag:$0x1] =	stream.linear.gather [hbm4b:s18+s1], $0x80, $0x38;
	[tilespmem:$0x10200] =	vst v63  }
0x48: {  	s25 =	simm.s32 $0x8780;
	s28 =	simm.s32 $0x800;
	s24 =	sadd.s32 s3, s19  }
0x49: {  	[tilespmem:s23], [sflag:$0x1] =	stream.linear.gather [hbm4b:s24+s1], $0x80, $0x38;
	[tilespmem:$0x10200] =	vst v63  }
0x4a: {  	s19 =	sadd.s32 s4, s19;
	s30 =	simm.s32 $0x8800;
	s18 =	sand.u32 $0x1FFFFFF0, s22  }
0x4b: {  	[tilespmem:s25], [sflag:$0x1] =	stream.linear.gather [hbm4b:s19+s1], $0x80, $0x38;
	[tilespmem:$0x10200] =	vst v63  }
0x4c: {  	s26 =	spop (v2sf);
	s22 =	simm.s32 $0x880;
	s29 =	sadd.s32 s3, s18  }
0x4d: {  	[tilespmem:s28], [sflag:$0x1] =	stream.linear.gather [hbm4b:s29+s1], $0x80, $0x38;
	[tilespmem:$0x10200] =	vst v63  }
0x4e: {  	s18 =	sadd.s32 s4, s18;
	s31 =	spop (v2sf);
	s19 =	sand.u32 $0x1FFFFFF0, s26  }
0x4f: {  	[tilespmem:s30], [sflag:$0x1] =	stream.linear.gather [hbm4b:s18+s1], $0x80, $0x38;
	[tilespmem:$0x10200] =	vst v63  }
0x50: {  	s24 =	simm.s32 $0x8880;
	s25 =	spop (v2sf);
	s23 =	sadd.s32 s3, s19  }
0x51: {  	[tilespmem:s22], [sflag:$0x1] =	stream.linear.gather [hbm4b:s23+s1], $0x80, $0x38;
	[tilespmem:$0x10200] =	vst v63  }
0x52: {  	s26 =	simm.s32 $0x900;
	s19 =	sadd.s32 s4, s19;
	s18 =	sand.u32 $0x1FFFFFF0, s31  }
0x53: {  	[tilespmem:s24], [sflag:$0x1] =	stream.linear.gather [hbm4b:s19+s1], $0x80, $0x38;
	[tilespmem:$0x10200] =	vst v63  }
0x54: {  	s29 =	simm.s32 $0x8900;
	s28 =	sadd.s32 s3, s18;
	s19 =	sand.u32 $0x1FFFFFF0, s25  }
0x55: {  	[tilespmem:s26], [sflag:$0x1] =	stream.linear.gather [hbm4b:s28+s1], $0x80, $0x38;
	[tilespmem:$0x10200] =	vst v63  }
0x56: {  	s30 =	simm.s32 $0x980;
	s18 =	sadd.s32 s4, s18;
	s31 =	sadd.s32 s3, s19  }
0x57: {  	[tilespmem:s29], [sflag:$0x1] =	stream.linear.gather [hbm4b:s18+s1], $0x80, $0x38;
	[tilespmem:$0x10200] =	vst v63  }
0x58: {  	s21 =	sadd.s32 s4, s19;
	s19 =	simm.s32 $0x0;
	s18 =	simm.s32 $0x2000  }
0x59: {  	[tilespmem:s30], [sflag:$0x1] =	stream.linear.gather [hbm4b:s31+s1], $0x80, $0x38;
	[tilespmem:$0x10200] =	vst v63  }
.LBB2_2:
0x5a: {  	p0 =	sne.s32 s18, $0x1E000  }
0x5b: {  	s19 =	sadd.s32 $0x10, s19;
	s22 =	smov.u32 s18;
	s18 =	sadd.s32 $0x2000, s18  }
0x5c: {  	[tilespmem:s20], [sflag:$0x1] =	stream.linear.gather [hbm4b:s21+s1], $0x80, $0x38;
	[tilespmem:$0x10200] =	vst v63  }
0x5d: {  	v0 =	vld [tilespmem:s19+$0x0];
	_ =	sdelay $0x4  }
0x5e: {  	v0 =	vshll.u32 v0, $0x4  }
0x5f: {  	(v2sf) =	vpush v0, $0x0  }
0x60: {  	(v2sf) =	vpush v0, $0x1  }
0x61: {  	(v2sf) =	vpush v0, $0x2;
	_ =	sdelay $0x2  }
0x62: {  	(v2sf) =	vpush v0, $0x3;
	_ =	sdelay $0x3  }
0x63: {  	(v2sf) =	vpush v0, $0x4;
	_ =	sdelay $0x3  }
0x64: {  	(v2sf) =	vpush v0, $0x5;
	_ =	sdelay $0x1  }
0x65: {  	s21 =	spop (v2sf)  }
0x66: {  	s20 =	sshra.s32 s22, $0x2;
	s21 =	sand.u32 $0x1FFFFFF0, s21;
	s22 =	spop (v2sf)  }
0x67: {  	s24 =	sadd.s32 $0x8200, s20;
	s23 =	sadd.s32 s3, s21;
	s25 =	spop (v2sf);
	(v2sf) =	vpush v0, $0x6  }
0x68: {  	s26 =	sadd.s32 $0x200, s20;
	s22 =	sand.u32 $0x1FFFFFF0, s22;
	s25 =	sand.u32 $0x1FFFFFF0, s25  }
0x69: {  	[tilespmem:s26], [sflag:$0x1] =	stream.linear.gather [hbm4b:s23+s1], $0x80, $0x38;
	[tilespmem:$0x10200] =	vst v63  }
0x6a: {  	s21 =	sadd.s32 s4, s21;
	s23 =	sadd.s32 $0x280, s20;
	s26 =	spop (v2sf)  }
0x6b: {  	[tilespmem:s24], [sflag:$0x1] =	stream.linear.gather [hbm4b:s21+s1], $0x80, $0x38;
	(v2sf) =	vpush v0, $0x7;
	[tilespmem:$0x10200] =	vst v63  }
0x6c: {  	s21 =	sadd.s32 s3, s22;
	s24 =	sadd.s32 $0x8280, s20;
	s26 =	sand.u32 $0x1FFFFFF0, s26  }
0x6d: {  	[tilespmem:s23], [sflag:$0x1] =	stream.linear.gather [hbm4b:s21+s1], $0x80, $0x38;
	[tilespmem:$0x10200] =	vst v63  }
0x6e: {  	s21 =	sadd.s32 s4, s22;
	s22 =	sadd.s32 $0x300, s20;
	s23 =	spop (v2sf)  }
0x6f: {  	[tilespmem:s24], [sflag:$0x1] =	stream.linear.gather [hbm4b:s21+s1], $0x80, $0x38;
	[tilespmem:$0x10200] =	vst v63  }
0x70: {  	s21 =	sadd.s32 s3, s25;
	s24 =	sadd.s32 $0x8300, s20;
	s23 =	sand.u32 $0x1FFFFFF0, s23  }
0x71: {  	[tilespmem:s22], [sflag:$0x1] =	stream.linear.gather [hbm4b:s21+s1], $0x80, $0x38;
	(v2sf) =	vpush v0, $0x8;
	[tilespmem:$0x10200] =	vst v63  }
0x72: {  	s21 =	sadd.s32 s4, s25;
	s22 =	sadd.s32 $0x380, s20;
	s25 =	spop (v2sf)  }
0x73: {  	[tilespmem:s24], [sflag:$0x1] =	stream.linear.gather [hbm4b:s21+s1], $0x80, $0x38;
	[tilespmem:$0x10200] =	vst v63  }
0x74: {  	s21 =	sadd.s32 s3, s26;
	s24 =	sadd.s32 $0x8380, s20;
	s25 =	sand.u32 $0x1FFFFFF0, s25  }
0x75: {  	[tilespmem:s22], [sflag:$0x1] =	stream.linear.gather [hbm4b:s21+s1], $0x80, $0x38;
	(v2sf) =	vpush v0, $0x9;
	[tilespmem:$0x10200] =	vst v63  }
0x76: {  	s21 =	sadd.s32 s4, s26;
	s22 =	sadd.s32 $0x400, s20;
	s26 =	spop (v2sf)  }
0x77: {  	[tilespmem:s24], [sflag:$0x1] =	stream.linear.gather [hbm4b:s21+s1], $0x80, $0x38;
	[tilespmem:$0x10200] =	vst v63  }
0x78: {  	s21 =	sadd.s32 s3, s23;
	s24 =	sadd.s32 $0x8400, s20;
	s26 =	sand.u32 $0x1FFFFFF0, s26  }
0x79: {  	[tilespmem:s22], [sflag:$0x1] =	stream.linear.gather [hbm4b:s21+s1], $0x80, $0x38;
	(v2sf) =	vpush v0, $0xA;
	[tilespmem:$0x10200] =	vst v63  }
0x7a: {  	s21 =	sadd.s32 s4, s23;
	s22 =	sadd.s32 $0x480, s20;
	s23 =	spop (v2sf)  }
0x7b: {  	[tilespmem:s24], [sflag:$0x1] =	stream.linear.gather [hbm4b:s21+s1], $0x80, $0x38;
	[tilespmem:$0x10200] =	vst v63  }
0x7c: {  	s21 =	sadd.s32 s3, s25;
	s24 =	sadd.s32 $0x8480, s20;
	s23 =	sand.u32 $0x1FFFFFF0, s23  }
0x7d: {  	[tilespmem:s22], [sflag:$0x1] =	stream.linear.gather [hbm4b:s21+s1], $0x80, $0x38;
	(v2sf) =	vpush v0, $0xB;
	[tilespmem:$0x10200] =	vst v63  }
0x7e: {  	s21 =	sadd.s32 s4, s25;
	s22 =	sadd.s32 $0x500, s20;
	s25 =	sadd.s32 s3, s26  }
0x7f: {  	[tilespmem:s24], [sflag:$0x1] =	stream.linear.gather [hbm4b:s21+s1], $0x80, $0x38;
	[tilespmem:$0x10200] =	vst v63  }
0x80: {  	s21 =	sadd.s32 $0x8500, s20;
	s24 =	sadd.s32 s4, s26;
	s26 =	spop (v2sf)  }
0x81: {  	[tilespmem:s22], [sflag:$0x1] =	stream.linear.gather [hbm4b:s25+s1], $0x80, $0x38;
	(v2sf) =	vpush v0, $0xC;
	[tilespmem:$0x10200] =	vst v63  }
0x82: {  	s22 =	sadd.s32 $0x580, s20;
	s25 =	sadd.s32 s3, s23;
	s26 =	sand.u32 $0x1FFFFFF0, s26  }
0x83: {  	[tilespmem:s21], [sflag:$0x1] =	stream.linear.gather [hbm4b:s24+s1], $0x80, $0x38;
	[tilespmem:$0x10200] =	vst v63  }
0x84: {  	s23 =	sadd.s32 s4, s23;
	s21 =	sadd.s32 $0x8580, s20;
	s24 =	spop (v2sf)  }
0x85: {  	[tilespmem:s22], [sflag:$0x1] =	stream.linear.gather [hbm4b:s25+s1], $0x80, $0x38;
	(v2sf) =	vpush v0, $0xD;
	[tilespmem:$0x10200] =	vst v63  }
0x86: {  	s22 =	sadd.s32 $0x600, s20;
	s25 =	sadd.s32 s3, s26;
	s24 =	sand.u32 $0x1FFFFFF0, s24  }
0x87: {  	[tilespmem:s21], [sflag:$0x1] =	stream.linear.gather [hbm4b:s23+s1], $0x80, $0x38;
	[tilespmem:$0x10200] =	vst v63  }
0x88: {  	s21 =	sadd.s32 $0x8600, s20;
	s23 =	sadd.s32 s4, s26;
	s26 =	spop (v2sf)  }
0x89: {  	[tilespmem:s22], [sflag:$0x1] =	stream.linear.gather [hbm4b:s25+s1], $0x80, $0x38;
	(v2sf) =	vpush v0, $0xE;
	[tilespmem:$0x10200] =	vst v63  }
0x8a: {  	s22 =	sadd.s32 $0x680, s20;
	s25 =	sadd.s32 s3, s24;
	s26 =	sand.u32 $0x1FFFFFF0, s26  }
0x8b: {  	[tilespmem:s21], [sflag:$0x1] =	stream.linear.gather [hbm4b:s23+s1], $0x80, $0x38;
	[tilespmem:$0x10200] =	vst v63  }
0x8c: {  	s21 =	sadd.s32 $0x8680, s20;
	s23 =	sadd.s32 s4, s24;
	s24 =	spop (v2sf)  }
0x8d: {  	[tilespmem:s22], [sflag:$0x1] =	stream.linear.gather [hbm4b:s25+s1], $0x80, $0x38;
	(v2sf) =	vpush v0, $0xF;
	[tilespmem:$0x10200] =	vst v63  }
0x8e: {  	s22 =	sadd.s32 $0x700, s20;
	s25 =	sadd.s32 s3, s26;
	s24 =	sand.u32 $0x1FFFFFF0, s24  }
0x8f: {  	[tilespmem:s21], [sflag:$0x1] =	stream.linear.gather [hbm4b:s23+s1], $0x80, $0x38;
	[tilespmem:$0x10200] =	vst v63  }
0x90: {  	s21 =	sadd.s32 $0x8700, s20;
	s23 =	sadd.s32 s4, s26;
	s26 =	spop (v2sf)  }
0x91: {  	[tilespmem:s22], [sflag:$0x1] =	stream.linear.gather [hbm4b:s25+s1], $0x80, $0x38;
	[tilespmem:$0x10200] =	vst v63  }
0x92: {  	s22 =	sadd.s32 $0x780, s20;
	s25 =	sadd.s32 s3, s24;
	s26 =	sand.u32 $0x1FFFFFF0, s26  }
0x93: {  	[tilespmem:s21], [sflag:$0x1] =	stream.linear.gather [hbm4b:s23+s1], $0x80, $0x38;
	[tilespmem:$0x10200] =	vst v63  }
0x94: {  	s21 =	sadd.s32 $0x8780, s20;
	s23 =	sadd.s32 s4, s24;
	s24 =	spop (v2sf)  }
0x95: {  	[tilespmem:s22], [sflag:$0x1] =	stream.linear.gather [hbm4b:s25+s1], $0x80, $0x38;
	[tilespmem:$0x10200] =	vst v63  }
0x96: {  	s22 =	sadd.s32 $0x800, s20;
	s25 =	sadd.s32 s3, s26;
	s24 =	sand.u32 $0x1FFFFFF0, s24  }
0x97: {  	[tilespmem:s21], [sflag:$0x1] =	stream.linear.gather [hbm4b:s23+s1], $0x80, $0x38;
	[tilespmem:$0x10200] =	vst v63  }
0x98: {  	s21 =	sadd.s32 $0x8800, s20;
	s23 =	sadd.s32 s4, s26;
	s26 =	spop (v2sf)  }
0x99: {  	[tilespmem:s22], [sflag:$0x1] =	stream.linear.gather [hbm4b:s25+s1], $0x80, $0x38;
	[tilespmem:$0x10200] =	vst v63  }
0x9a: {  	s22 =	sadd.s32 $0x880, s20;
	s25 =	sadd.s32 s3, s24;
	s26 =	sand.u32 $0x1FFFFFF0, s26  }
0x9b: {  	[tilespmem:s21], [sflag:$0x1] =	stream.linear.gather [hbm4b:s23+s1], $0x80, $0x38;
	[tilespmem:$0x10200] =	vst v63  }
0x9c: {  	s21 =	sadd.s32 $0x8880, s20;
	s23 =	sadd.s32 s4, s24;
	s24 =	spop (v2sf)  }
0x9d: {  	[tilespmem:s22], [sflag:$0x1] =	stream.linear.gather [hbm4b:s25+s1], $0x80, $0x38;
	[tilespmem:$0x10200] =	vst v63  }
0x9e: {  	s22 =	sadd.s32 $0x900, s20;
	s25 =	sadd.s32 s3, s26;
	s24 =	sand.u32 $0x1FFFFFF0, s24  }
0x9f: {  	[tilespmem:s21], [sflag:$0x1] =	stream.linear.gather [hbm4b:s23+s1], $0x80, $0x38;
	[tilespmem:$0x10200] =	vst v63  }
0xa0: {  	s21 =	sadd.s32 $0x8900, s20;
	s23 =	sadd.s32 s4, s26  }
0xa1: {  	[tilespmem:s22], [sflag:$0x1] =	stream.linear.gather [hbm4b:s25+s1], $0x80, $0x38;
	[tilespmem:$0x10200] =	vst v63  }
.Ltmp0:
0xa2: {  	_ = 	snop;
	(pc) =	sbr.rel @p0 .LBB2_2-.Ltmp0, $4  }
0xa3: {  	s22 =	sadd.s32 $0x980, s20;
	s25 =	sadd.s32 s3, s24  }
0xa4: {  	[tilespmem:s21], [sflag:$0x1] =	stream.linear.gather [hbm4b:s23+s1], $0x80, $0x38;
	[tilespmem:$0x10200] =	vst v63  }
0xa5: {  	s20 =	sadd.s32 $0x8980, s20;
	s21 =	sadd.s32 s4, s24  }
0xa6: {  	[tilespmem:s22], [sflag:$0x1] =	stream.linear.gather [hbm4b:s25+s1], $0x80, $0x38;
	[tilespmem:$0x10200] =	vst v63  }
0xa7: {  	[tilespmem:s20], [sflag:$0x1] =	stream.linear.gather [hbm4b:s21+s1], $0x80, $0x38;
	[tilespmem:$0x10200] =	vst v63  }
0xa8: {  	_ =	swait.ge [sflag:s14], $0x80  }
0xa9: {  	[sflag:s14] =	ssyncset.done $0x0  }
0xaa: {  	[sflag:s14] =	ssyncadd.s32 $0xFFFFFF80  }
0xab: {  	_ =	swait.ge [sflag:s14], $0x80  }
0xac: {  	s18 =	simm.s32 $0xFF;
	[sflag:s14] =	ssyncset.done $0x0  }
.LBB2_4:
0xad: {  	p0 =	sne.s32 s18, $0x1;
	s18 =	sadd.s32 $0xFFFFFFFF, s18;
	[sflag:s14] =	ssyncadd.s32 $0xFFFFFF80  }
.Ltmp1:
0xae: {  	_ =	swait.ge [sflag:s14], $0x80;
	(pc) =	sbr.rel @p0 .LBB2_4-.Ltmp1, $4  }
0xaf: {  	[sflag:s14] =	ssyncset.done $0x0  }
0xb0: {  	[sflag:s14] =	ssyncadd.s32 $0xFFFFFF80  }
0xb1: {  	_ =	swait.ge [sflag:s14], $0x80  }
0xb2: {  	[sflag:s14] =	ssyncset.done $0x0  }
0xb3: {  	[sflag:s14] =	ssyncadd.s32 $0xFFFFFF80;
	s18 =	simm.s32 $0x0  }
0xb4: {  	[hbm4b:s6+s18] =	stream.linear.scatter [tilespmem:s15], [sflag:$0x2], $0x8000, $0x38;
	[tilespmem:$0x10200] =	vst v63  }
0xb5: {  	_ =	swait.ge [sflag:s13], $0x8000  }
0xb6: {  	[sflag:s13] =	ssyncset.done $0x0  }
0xb7: {  	[sflag:s13] =	ssyncadd.s32 $0xFFFF8000  }
0xb8: {  	[hbm4b:s7+s18] =	stream.linear.scatter [tilespmem:s16], [sflag:$0x2], $0x8000, $0x38;
	[tilespmem:$0x10200] =	vst v63  }
0xb9: {  	_ =	swait.ge [sflag:s13], $0x8000  }
0xba: {  	[sflag:s13] =	ssyncset.done $0x0  }
0xbb: {  	s18 =	sand.u32 $0xF0, s18;
	[sflag:s13] =	ssyncadd.s32 $0xFFFF8000  }
0xbc: {  	v0 =	vld [tilespmem:s18+$0x100];
	_ =	sdelay $0x4  }
0xbd: {  	v0 =	vshll.u32 v0, $0x4  }
0xbe: {  	(v2sf) =	vpush v0, $0x0;
	_ =	sdelay $0x1  }
0xbf: {  	(v2sf) =	vpush v0, $0x1;
	_ =	sdelay $0x3  }
0xc0: {  	(v2sf) =	vpush v0, $0x2;
	_ =	sdelay $0x1  }
0xc1: {  	(v2sf) =	vpush v0, $0x3;
	_ =	sdelay $0x1  }
0xc2: {  	(v2sf) =	vpush v0, $0x4;
	_ =	sdelay $0x4  }
0xc3: {  	s21 =	simm.s32 $0x200;
	s20 =	spop (v2sf)  }
0xc4: {  	s23 =	simm.s32 $0x280;
	s25 =	simm.s32 $0x8280;
	s18 =	sand.u32 $0x1FFFFFF0, s20  }
0xc5: {  	s28 =	simm.s32 $0x300;
	s19 =	spop (v2sf);
	s20 =	sadd.s32 s3, s18  }
0xc6: {  	(v2sf) =	vpush v0, $0x5;
	[tilespmem:s21], [sflag:$0x1] =	stream.linear.gather [hbm4b:s20+s1], $0x80, $0x38;
	[tilespmem:$0x10200] =	vst v63  }
0xc7: {  	s19 =	sand.u32 $0x1FFFFFF0, s19;
	s18 =	sadd.s32 s4, s18;
	s21 =	simm.s32 $0x8200  }
0xc8: {  	(v2sf) =	vpush v0, $0x6;
	[tilespmem:s21], [sflag:$0x1] =	stream.linear.gather [hbm4b:s18+s1], $0x80, $0x38;
	[tilespmem:$0x10200] =	vst v63  }
0xc9: {  	s30 =	simm.s32 $0x8300;
	s22 =	spop (v2sf);
	s24 =	sadd.s32 s3, s19  }
0xca: {  	(v2sf) =	vpush v0, $0x7;
	[tilespmem:s23], [sflag:$0x1] =	stream.linear.gather [hbm4b:s24+s1], $0x80, $0x38;
	[tilespmem:$0x10200] =	vst v63  }
0xcb: {  	s19 =	sadd.s32 s4, s19;
	s26 =	spop (v2sf);
	s18 =	sand.u32 $0x1FFFFFF0, s22  }
0xcc: {  	[tilespmem:s25], [sflag:$0x1] =	stream.linear.gather [hbm4b:s19+s1], $0x80, $0x38;
	[tilespmem:$0x10200] =	vst v63  }
0xcd: {  	s20 =	simm.s32 $0x8980;
	s31 =	spop (v2sf);
	s29 =	sadd.s32 s3, s18  }
0xce: {  	(v2sf) =	vpush v0, $0x8;
	[tilespmem:s28], [sflag:$0x1] =	stream.linear.gather [hbm4b:s29+s1], $0x80, $0x38;
	[tilespmem:$0x10200] =	vst v63  }
0xcf: {  	s21 =	simm.s32 $0x380;
	s18 =	sadd.s32 s4, s18;
	s19 =	sand.u32 $0x1FFFFFF0, s26  }
0xd0: {  	[tilespmem:s30], [sflag:$0x1] =	stream.linear.gather [hbm4b:s18+s1], $0x80, $0x38;
	[tilespmem:$0x10200] =	vst v63  }
0xd1: {  	s23 =	simm.s32 $0x8380;
	s25 =	simm.s32 $0x400;
	s22 =	sadd.s32 s3, s19  }
0xd2: {  	[tilespmem:s21], [sflag:$0x1] =	stream.linear.gather [hbm4b:s22+s1], $0x80, $0x38;
	[tilespmem:$0x10200] =	vst v63  }
0xd3: {  	s19 =	sadd.s32 s4, s19;
	s28 =	simm.s32 $0x8400;
	s18 =	sand.u32 $0x1FFFFFF0, s31  }
0xd4: {  	[tilespmem:s23], [sflag:$0x1] =	stream.linear.gather [hbm4b:s19+s1], $0x80, $0x38;
	[tilespmem:$0x10200] =	vst v63  }
0xd5: {  	s30 =	simm.s32 $0x480;
	s26 =	sadd.s32 s3, s18;
	s24 =	spop (v2sf)  }
0xd6: {  	(v2sf) =	vpush v0, $0x9;
	[tilespmem:s25], [sflag:$0x1] =	stream.linear.gather [hbm4b:s26+s1], $0x80, $0x38;
	[tilespmem:$0x10200] =	vst v63  }
0xd7: {  	s18 =	sadd.s32 s4, s18;
	s29 =	spop (v2sf);
	s19 =	sand.u32 $0x1FFFFFF0, s24  }
0xd8: {  	(v2sf) =	vpush v0, $0xA;
	[tilespmem:s28], [sflag:$0x1] =	stream.linear.gather [hbm4b:s18+s1], $0x80, $0x38;
	[tilespmem:$0x10200] =	vst v63  }
0xd9: {  	s21 =	simm.s32 $0x8480;
	s22 =	spop (v2sf);
	s31 =	sadd.s32 s3, s19  }
0xda: {  	(v2sf) =	vpush v0, $0xB;
	[tilespmem:s30], [sflag:$0x1] =	stream.linear.gather [hbm4b:s31+s1], $0x80, $0x38;
	[tilespmem:$0x10200] =	vst v63  }
0xdb: {  	s23 =	simm.s32 $0x500;
	s19 =	sadd.s32 s4, s19;
	s18 =	sand.u32 $0x1FFFFFF0, s29  }
0xdc: {  	[tilespmem:s21], [sflag:$0x1] =	stream.linear.gather [hbm4b:s19+s1], $0x80, $0x38;
	[tilespmem:$0x10200] =	vst v63  }
0xdd: {  	s25 =	simm.s32 $0x8500;
	s26 =	spop (v2sf);
	s24 =	sadd.s32 s3, s18  }
0xde: {  	(v2sf) =	vpush v0, $0xC;
	[tilespmem:s23], [sflag:$0x1] =	stream.linear.gather [hbm4b:s24+s1], $0x80, $0x38;
	[tilespmem:$0x10200] =	vst v63  }
0xdf: {  	s28 =	simm.s32 $0x580;
	s18 =	sadd.s32 s4, s18;
	s19 =	sand.u32 $0x1FFFFFF0, s22  }
0xe0: {  	[tilespmem:s25], [sflag:$0x1] =	stream.linear.gather [hbm4b:s18+s1], $0x80, $0x38;
	[tilespmem:$0x10200] =	vst v63  }
0xe1: {  	s30 =	simm.s32 $0x8580;
	s21 =	simm.s32 $0x600;
	s29 =	sadd.s32 s3, s19  }
0xe2: {  	[tilespmem:s28], [sflag:$0x1] =	stream.linear.gather [hbm4b:s29+s1], $0x80, $0x38;
	[tilespmem:$0x10200] =	vst v63  }
0xe3: {  	s19 =	sadd.s32 s4, s19;
	s23 =	simm.s32 $0x8600;
	s18 =	sand.u32 $0x1FFFFFF0, s26  }
0xe4: {  	[tilespmem:s30], [sflag:$0x1] =	stream.linear.gather [hbm4b:s19+s1], $0x80, $0x38;
	[tilespmem:$0x10200] =	vst v63  }
0xe5: {  	s25 =	simm.s32 $0x680;
	s31 =	spop (v2sf);
	s22 =	sadd.s32 s3, s18  }
0xe6: {  	(v2sf) =	vpush v0, $0xD;
	[tilespmem:s21], [sflag:$0x1] =	stream.linear.gather [hbm4b:s22+s1], $0x80, $0x38;
	[tilespmem:$0x10200] =	vst v63  }
0xe7: {  	s18 =	sadd.s32 s4, s18;
	s24 =	spop (v2sf);
	s19 =	sand.u32 $0x1FFFFFF0, s31  }
0xe8: {  	(v2sf) =	vpush v0, $0xE;
	[tilespmem:s23], [sflag:$0x1] =	stream.linear.gather [hbm4b:s18+s1], $0x80, $0x38;
	[tilespmem:$0x10200] =	vst v63  }
0xe9: {  	s28 =	simm.s32 $0x8680;
	s29 =	spop (v2sf);
	s26 =	sadd.s32 s3, s19  }
0xea: {  	(v2sf) =	vpush v0, $0xF;
	[tilespmem:s25], [sflag:$0x1] =	stream.linear.gather [hbm4b:s26+s1], $0x80, $0x38;
	[tilespmem:$0x10200] =	vst v63  }
0xeb: {  	s30 =	simm.s32 $0x700;
	s19 =	sadd.s32 s4, s19;
	s18 =	sand.u32 $0x1FFFFFF0, s24  }
0xec: {  	[tilespmem:s28], [sflag:$0x1] =	stream.linear.gather [hbm4b:s19+s1], $0x80, $0x38;
	[tilespmem:$0x10200] =	vst v63  }
0xed: {  	s21 =	simm.s32 $0x8700;
	s22 =	spop (v2sf);
	s31 =	sadd.s32 s3, s18  }
0xee: {  	[tilespmem:s30], [sflag:$0x1] =	stream.linear.gather [hbm4b:s31+s1], $0x80, $0x38;
	[tilespmem:$0x10200] =	vst v63  }
0xef: {  	s23 =	simm.s32 $0x780;
	s18 =	sadd.s32 s4, s18;
	s19 =	sand.u32 $0x1FFFFFF0, s29  }
0xf0: {  	[tilespmem:s21], [sflag:$0x1] =	stream.linear.gather [hbm4b:s18+s1], $0x80, $0x38;
	[tilespmem:$0x10200] =	vst v63  }
0xf1: {  	s25 =	simm.s32 $0x8780;
	s28 =	simm.s32 $0x800;
	s24 =	sadd.s32 s3, s19  }
0xf2: {  	[tilespmem:s23], [sflag:$0x1] =	stream.linear.gather [hbm4b:s24+s1], $0x80, $0x38;
	[tilespmem:$0x10200] =	vst v63  }
0xf3: {  	s19 =	sadd.s32 s4, s19;
	s30 =	simm.s32 $0x8800;
	s18 =	sand.u32 $0x1FFFFFF0, s22  }
0xf4: {  	[tilespmem:s25], [sflag:$0x1] =	stream.linear.gather [hbm4b:s19+s1], $0x80, $0x38;
	[tilespmem:$0x10200] =	vst v63  }
0xf5: {  	s26 =	spop (v2sf);
	s22 =	simm.s32 $0x880;
	s29 =	sadd.s32 s3, s18  }
0xf6: {  	[tilespmem:s28], [sflag:$0x1] =	stream.linear.gather [hbm4b:s29+s1], $0x80, $0x38;
	[tilespmem:$0x10200] =	vst v63  }
0xf7: {  	s18 =	sadd.s32 s4, s18;
	s31 =	spop (v2sf);
	s19 =	sand.u32 $0x1FFFFFF0, s26  }
0xf8: {  	[tilespmem:s30], [sflag:$0x1] =	stream.linear.gather [hbm4b:s18+s1], $0x80, $0x38;
	[tilespmem:$0x10200] =	vst v63  }
0xf9: {  	s24 =	simm.s32 $0x8880;
	s25 =	spop (v2sf);
	s23 =	sadd.s32 s3, s19  }
0xfa: {  	[tilespmem:s22], [sflag:$0x1] =	stream.linear.gather [hbm4b:s23+s1], $0x80, $0x38;
	[tilespmem:$0x10200] =	vst v63  }
0xfb: {  	s26 =	simm.s32 $0x900;
	s19 =	sadd.s32 s4, s19;
	s18 =	sand.u32 $0x1FFFFFF0, s31  }
0xfc: {  	[tilespmem:s24], [sflag:$0x1] =	stream.linear.gather [hbm4b:s19+s1], $0x80, $0x38;
	[tilespmem:$0x10200] =	vst v63  }
0xfd: {  	s29 =	simm.s32 $0x8900;
	s28 =	sadd.s32 s3, s18;
	s19 =	sand.u32 $0x1FFFFFF0, s25  }
0xfe: {  	[tilespmem:s26], [sflag:$0x1] =	stream.linear.gather [hbm4b:s28+s1], $0x80, $0x38;
	[tilespmem:$0x10200] =	vst v63  }
0xff: {  	s30 =	simm.s32 $0x980;
	s18 =	sadd.s32 s4, s18;
	s31 =	sadd.s32 s3, s19  }
0x100: {  	[tilespmem:s29], [sflag:$0x1] =	stream.linear.gather [hbm4b:s18+s1], $0x80, $0x38;
	[tilespmem:$0x10200] =	vst v63  }
0x101: {  	s21 =	sadd.s32 s4, s19;
	s19 =	simm.s32 $0x10;
	s18 =	simm.s32 $0x2000  }
0x102: {  	[tilespmem:s30], [sflag:$0x1] =	stream.linear.gather [hbm4b:s31+s1], $0x80, $0x38;
	[tilespmem:$0x10200] =	vst v63  }
.LBB2_6:
0x103: {  	s22 =	sand.u32 $0xF0, s19  }
0x104: {  	p0 =	sne.s32 s18, $0x1E000;
	s23 =	smov.u32 s18;
	s18 =	sadd.s32 $0x2000, s18  }
0x105: {  	[tilespmem:s20], [sflag:$0x1] =	stream.linear.gather [hbm4b:s21+s1], $0x80, $0x38;
	[tilespmem:$0x10200] =	vst v63  }
0x106: {  	v0 =	vld [tilespmem:s22+$0x100];
	_ =	sdelay $0x4  }
0x107: {  	v0 =	vshll.u32 v0, $0x4  }
0x108: {  	(v2sf) =	vpush v0, $0x0  }
0x109: {  	(v2sf) =	vpush v0, $0x1  }
0x10a: {  	(v2sf) =	vpush v0, $0x2;
	_ =	sdelay $0x2  }
0x10b: {  	(v2sf) =	vpush v0, $0x3;
	_ =	sdelay $0x3  }
0x10c: {  	(v2sf) =	vpush v0, $0x4;
	_ =	sdelay $0x3  }
0x10d: {  	(v2sf) =	vpush v0, $0x5;
	_ =	sdelay $0x1  }
0x10e: {  	s21 =	spop (v2sf)  }
0x10f: {  	s20 =	sshra.s32 s23, $0x2;
	s21 =	sand.u32 $0x1FFFFFF0, s21;
	s22 =	spop (v2sf)  }
0x110: {  	s24 =	sadd.s32 $0x8200, s20;
	s23 =	sadd.s32 s3, s21;
	s25 =	spop (v2sf);
	(v2sf) =	vpush v0, $0x6  }
0x111: {  	s26 =	sadd.s32 $0x200, s20;
	s22 =	sand.u32 $0x1FFFFFF0, s22;
	s25 =	sand.u32 $0x1FFFFFF0, s25  }
0x112: {  	[tilespmem:s26], [sflag:$0x1] =	stream.linear.gather [hbm4b:s23+s1], $0x80, $0x38;
	[tilespmem:$0x10200] =	vst v63  }
0x113: {  	s21 =	sadd.s32 s4, s21;
	s23 =	sadd.s32 $0x280, s20;
	s26 =	spop (v2sf)  }
0x114: {  	[tilespmem:s24], [sflag:$0x1] =	stream.linear.gather [hbm4b:s21+s1], $0x80, $0x38;
	(v2sf) =	vpush v0, $0x7;
	[tilespmem:$0x10200] =	vst v63  }
0x115: {  	s21 =	sadd.s32 s3, s22;
	s24 =	sadd.s32 $0x8280, s20;
	s26 =	sand.u32 $0x1FFFFFF0, s26  }
0x116: {  	[tilespmem:s23], [sflag:$0x1] =	stream.linear.gather [hbm4b:s21+s1], $0x80, $0x38;
	[tilespmem:$0x10200] =	vst v63  }
0x117: {  	s21 =	sadd.s32 s4, s22;
	s22 =	sadd.s32 $0x300, s20;
	s23 =	spop (v2sf)  }
0x118: {  	[tilespmem:s24], [sflag:$0x1] =	stream.linear.gather [hbm4b:s21+s1], $0x80, $0x38;
	[tilespmem:$0x10200] =	vst v63  }
0x119: {  	s21 =	sadd.s32 s3, s25;
	s24 =	sadd.s32 $0x8300, s20;
	s23 =	sand.u32 $0x1FFFFFF0, s23  }
0x11a: {  	[tilespmem:s22], [sflag:$0x1] =	stream.linear.gather [hbm4b:s21+s1], $0x80, $0x38;
	(v2sf) =	vpush v0, $0x8;
	[tilespmem:$0x10200] =	vst v63  }
0x11b: {  	s21 =	sadd.s32 s4, s25;
	s22 =	sadd.s32 $0x380, s20;
	s25 =	spop (v2sf)  }
0x11c: {  	[tilespmem:s24], [sflag:$0x1] =	stream.linear.gather [hbm4b:s21+s1], $0x80, $0x38;
	[tilespmem:$0x10200] =	vst v63  }
0x11d: {  	s21 =	sadd.s32 s3, s26;
	s24 =	sadd.s32 $0x8380, s20;
	s25 =	sand.u32 $0x1FFFFFF0, s25  }
0x11e: {  	[tilespmem:s22], [sflag:$0x1] =	stream.linear.gather [hbm4b:s21+s1], $0x80, $0x38;
	(v2sf) =	vpush v0, $0x9;
	[tilespmem:$0x10200] =	vst v63  }
0x11f: {  	s21 =	sadd.s32 s4, s26;
	s22 =	sadd.s32 $0x400, s20;
	s26 =	spop (v2sf)  }
0x120: {  	[tilespmem:s24], [sflag:$0x1] =	stream.linear.gather [hbm4b:s21+s1], $0x80, $0x38;
	[tilespmem:$0x10200] =	vst v63  }
0x121: {  	s21 =	sadd.s32 s3, s23;
	s24 =	sadd.s32 $0x8400, s20;
	s26 =	sand.u32 $0x1FFFFFF0, s26  }
0x122: {  	[tilespmem:s22], [sflag:$0x1] =	stream.linear.gather [hbm4b:s21+s1], $0x80, $0x38;
	(v2sf) =	vpush v0, $0xA;
	[tilespmem:$0x10200] =	vst v63  }
0x123: {  	s21 =	sadd.s32 s4, s23;
	s22 =	sadd.s32 $0x480, s20;
	s23 =	spop (v2sf)  }
0x124: {  	[tilespmem:s24], [sflag:$0x1] =	stream.linear.gather [hbm4b:s21+s1], $0x80, $0x38;
	[tilespmem:$0x10200] =	vst v63  }
0x125: {  	s21 =	sadd.s32 s3, s25;
	s24 =	sadd.s32 $0x8480, s20;
	s23 =	sand.u32 $0x1FFFFFF0, s23  }
0x126: {  	[tilespmem:s22], [sflag:$0x1] =	stream.linear.gather [hbm4b:s21+s1], $0x80, $0x38;
	(v2sf) =	vpush v0, $0xB;
	[tilespmem:$0x10200] =	vst v63  }
0x127: {  	s21 =	sadd.s32 s4, s25;
	s22 =	sadd.s32 $0x500, s20;
	s25 =	sadd.s32 s3, s26  }
0x128: {  	[tilespmem:s24], [sflag:$0x1] =	stream.linear.gather [hbm4b:s21+s1], $0x80, $0x38;
	[tilespmem:$0x10200] =	vst v63  }
0x129: {  	s21 =	sadd.s32 $0x8500, s20;
	s24 =	sadd.s32 s4, s26;
	s26 =	spop (v2sf)  }
0x12a: {  	[tilespmem:s22], [sflag:$0x1] =	stream.linear.gather [hbm4b:s25+s1], $0x80, $0x38;
	(v2sf) =	vpush v0, $0xC;
	[tilespmem:$0x10200] =	vst v63  }
0x12b: {  	s22 =	sadd.s32 $0x580, s20;
	s25 =	sadd.s32 s3, s23;
	s26 =	sand.u32 $0x1FFFFFF0, s26  }
0x12c: {  	[tilespmem:s21], [sflag:$0x1] =	stream.linear.gather [hbm4b:s24+s1], $0x80, $0x38;
	[tilespmem:$0x10200] =	vst v63  }
0x12d: {  	s23 =	sadd.s32 s4, s23;
	s21 =	sadd.s32 $0x8580, s20;
	s24 =	spop (v2sf)  }
0x12e: {  	[tilespmem:s22], [sflag:$0x1] =	stream.linear.gather [hbm4b:s25+s1], $0x80, $0x38;
	(v2sf) =	vpush v0, $0xD;
	[tilespmem:$0x10200] =	vst v63  }
0x12f: {  	s22 =	sadd.s32 $0x600, s20;
	s25 =	sadd.s32 s3, s26;
	s24 =	sand.u32 $0x1FFFFFF0, s24  }
0x130: {  	[tilespmem:s21], [sflag:$0x1] =	stream.linear.gather [hbm4b:s23+s1], $0x80, $0x38;
	[tilespmem:$0x10200] =	vst v63  }
0x131: {  	s21 =	sadd.s32 $0x8600, s20;
	s23 =	sadd.s32 s4, s26;
	s26 =	spop (v2sf)  }
0x132: {  	[tilespmem:s22], [sflag:$0x1] =	stream.linear.gather [hbm4b:s25+s1], $0x80, $0x38;
	(v2sf) =	vpush v0, $0xE;
	[tilespmem:$0x10200] =	vst v63  }
0x133: {  	s22 =	sadd.s32 $0x680, s20;
	s25 =	sadd.s32 s3, s24;
	s26 =	sand.u32 $0x1FFFFFF0, s26  }
0x134: {  	[tilespmem:s21], [sflag:$0x1] =	stream.linear.gather [hbm4b:s23+s1], $0x80, $0x38;
	[tilespmem:$0x10200] =	vst v63  }
0x135: {  	s21 =	sadd.s32 $0x8680, s20;
	s23 =	sadd.s32 s4, s24;
	s24 =	spop (v2sf)  }
0x136: {  	[tilespmem:s22], [sflag:$0x1] =	stream.linear.gather [hbm4b:s25+s1], $0x80, $0x38;
	(v2sf) =	vpush v0, $0xF;
	[tilespmem:$0x10200] =	vst v63  }
0x137: {  	s22 =	sadd.s32 $0x700, s20;
	s25 =	sadd.s32 s3, s26;
	s24 =	sand.u32 $0x1FFFFFF0, s24  }
0x138: {  	[tilespmem:s21], [sflag:$0x1] =	stream.linear.gather [hbm4b:s23+s1], $0x80, $0x38;
	[tilespmem:$0x10200] =	vst v63  }
0x139: {  	s21 =	sadd.s32 $0x8700, s20;
	s23 =	sadd.s32 s4, s26;
	s26 =	spop (v2sf)  }
0x13a: {  	[tilespmem:s22], [sflag:$0x1] =	stream.linear.gather [hbm4b:s25+s1], $0x80, $0x38;
	[tilespmem:$0x10200] =	vst v63  }
0x13b: {  	s22 =	sadd.s32 $0x780, s20;
	s25 =	sadd.s32 s3, s24;
	s26 =	sand.u32 $0x1FFFFFF0, s26  }
0x13c: {  	[tilespmem:s21], [sflag:$0x1] =	stream.linear.gather [hbm4b:s23+s1], $0x80, $0x38;
	[tilespmem:$0x10200] =	vst v63  }
0x13d: {  	s21 =	sadd.s32 $0x8780, s20;
	s23 =	sadd.s32 s4, s24;
	s24 =	spop (v2sf)  }
0x13e: {  	[tilespmem:s22], [sflag:$0x1] =	stream.linear.gather [hbm4b:s25+s1], $0x80, $0x38;
	[tilespmem:$0x10200] =	vst v63  }
0x13f: {  	s22 =	sadd.s32 $0x800, s20;
	s25 =	sadd.s32 s3, s26;
	s24 =	sand.u32 $0x1FFFFFF0, s24  }
0x140: {  	[tilespmem:s21], [sflag:$0x1] =	stream.linear.gather [hbm4b:s23+s1], $0x80, $0x38;
	[tilespmem:$0x10200] =	vst v63  }
0x141: {  	s21 =	sadd.s32 $0x8800, s20;
	s23 =	sadd.s32 s4, s26;
	s26 =	spop (v2sf)  }
0x142: {  	[tilespmem:s22], [sflag:$0x1] =	stream.linear.gather [hbm4b:s25+s1], $0x80, $0x38;
	[tilespmem:$0x10200] =	vst v63  }
0x143: {  	s22 =	sadd.s32 $0x880, s20;
	s25 =	sadd.s32 s3, s24;
	s26 =	sand.u32 $0x1FFFFFF0, s26  }
0x144: {  	[tilespmem:s21], [sflag:$0x1] =	stream.linear.gather [hbm4b:s23+s1], $0x80, $0x38;
	[tilespmem:$0x10200] =	vst v63  }
0x145: {  	s21 =	sadd.s32 $0x8880, s20;
	s23 =	sadd.s32 s4, s24;
	s24 =	spop (v2sf)  }
0x146: {  	[tilespmem:s22], [sflag:$0x1] =	stream.linear.gather [hbm4b:s25+s1], $0x80, $0x38;
	[tilespmem:$0x10200] =	vst v63  }
0x147: {  	s22 =	sadd.s32 $0x900, s20;
	s25 =	sadd.s32 s3, s26;
	s24 =	sand.u32 $0x1FFFFFF0, s24  }
0x148: {  	[tilespmem:s21], [sflag:$0x1] =	stream.linear.gather [hbm4b:s23+s1], $0x80, $0x38;
	[tilespmem:$0x10200] =	vst v63  }
0x149: {  	s21 =	sadd.s32 $0x8900, s20;
	s23 =	sadd.s32 s4, s26  }
0x14a: {  	[tilespmem:s22], [sflag:$0x1] =	stream.linear.gather [hbm4b:s25+s1], $0x80, $0x38;
	[tilespmem:$0x10200] =	vst v63  }
.Ltmp2:
0x14b: {  	_ = 	snop;
	(pc) =	sbr.rel @p0 .LBB2_6-.Ltmp2, $4  }
0x14c: {  	s22 =	sadd.s32 $0x980, s20;
	s25 =	sadd.s32 s3, s24  }
0x14d: {  	[tilespmem:s21], [sflag:$0x1] =	stream.linear.gather [hbm4b:s23+s1], $0x80, $0x38;
	[tilespmem:$0x10200] =	vst v63  }
0x14e: {  	s19 =	sadd.s32 $0x10, s19;
	s20 =	sadd.s32 $0x8980, s20;
	s21 =	sadd.s32 s4, s24  }
0x14f: {  	[tilespmem:s22], [sflag:$0x1] =	stream.linear.gather [hbm4b:s25+s1], $0x80, $0x38;
	[tilespmem:$0x10200] =	vst v63  }
0x150: {  	[tilespmem:s20], [sflag:$0x1] =	stream.linear.gather [hbm4b:s21+s1], $0x80, $0x38;
	[tilespmem:$0x10200] =	vst v63  }
0x151: {  	_ =	swait.ge [sflag:s14], $0x80  }
0x152: {  	[sflag:s14] =	ssyncset.done $0x0  }
0x153: {  	[sflag:s14] =	ssyncadd.s32 $0xFFFFFF80  }
0x154: {  	_ =	swait.ge [sflag:s14], $0x80  }
0x155: {  	s18 =	simm.s32 $0xFF;
	[sflag:s14] =	ssyncset.done $0x0  }
.LBB2_8:
0x156: {  	p0 =	sne.s32 s18, $0x1;
	s18 =	sadd.s32 $0xFFFFFFFF, s18;
	[sflag:s14] =	ssyncadd.s32 $0xFFFFFF80  }
.Ltmp3:
0x157: {  	_ =	swait.ge [sflag:s14], $0x80;
	(pc) =	sbr.rel @p0 .LBB2_8-.Ltmp3, $4  }
0x158: {  	[sflag:s14] =	ssyncset.done $0x0  }
0x159: {  	[sflag:s14] =	ssyncadd.s32 $0xFFFFFF80  }
0x15a: {  	_ =	swait.ge [sflag:s14], $0x80  }
0x15b: {  	[sflag:s14] =	ssyncset.done $0x0  }
0x15c: {  	[sflag:s14] =	ssyncadd.s32 $0xFFFFFF80  }
0x15d: {  	[hbm4b:s8+s1] =	stream.linear.scatter [tilespmem:s15], [sflag:$0x2], $0x8000, $0x38;
	[tilespmem:$0x10200] =	vst v63  }
0x15e: {  	s17 =	sadd.s32 $0x1, s17;
	_ =	swait.ge [sflag:s13], $0x8000  }
0x15f: {  	p0 =	sne.s32 s17, s10;
	[sflag:s13] =	ssyncset.done $0x0  }
.Ltmp4:
0x160: {  	[sflag:s13] =	ssyncadd.s32 $0xFFFF8000;
	(pc) =	sbr.rel @p0 .LBB2_1-.Ltmp4, $4  }
0x161: {  	[hbm4b:s9+s1] =	stream.linear.scatter [tilespmem:s16], [sflag:$0x2], $0x8000, $0x38;
	[tilespmem:$0x10200] =	vst v63  }
0x162: {  	_ =	swait.ge [sflag:s13], $0x8000  }
0x163: {  	[sflag:s13] =	ssyncset.done $0x0  }
0x164: {  	[sflag:s13] =	ssyncadd.s32 $0xFFFF8000  }
0x165: {  	_ =	sfence.sel $0x180000  }
0x166: {  	[bflag:$0x0] =	sbarrier.arrive $0xFFFF  }
0x167: {  	p0 =	sne.s32 s2, $0x0;
	_ =	strace $0x90000047  }
0x168: {  	s0 =	sadd.s32 @!p0 $0x100000, s0;
	[bflag:$0x2] =	sbarrier.arrive $0xFFFF  }
0x169: {  	[sflag:s0] =	ssyncadd.tile.s32 @!p0 $0x1;
	_ =	shalt  }
.Lfunc_end2:
_tile_overlayer_lowered:
.L_overlay_start_2:
0x16a: {  	(tag) =	ssettag $0x2  }
0x16b: {  	s0 =	rddreg [dreg:$0x0];
	s2 =	stileid.u32  }
0x16c: {  	s1 =	rddreg [dreg:$0x1];
	p0 =	sne.s32 s2, $0x0  }
0x16d: {  	s3 =	rddreg [dreg:$0x2];
	[bflag:$0x3] =	sbarrier.arrive $0xFFFF;
	s2 =	simm.s32 @!p0 $0x1C02  }
0x16e: {  	[timem:s3], [sflag:s2] =	dma.local @!p0 [hbm:s0], s1  }
0x16f: {  	s0 =	simm.s32 @!p0 $0x2  }
0x170: {  	_ =	swait.ge @!p0 [sflag:s0], s1  }
0x171: {  	s1 =	ssub.s32 @!p0 $0x0, s1;
	[sflag:s0] =	ssyncset.done @!p0 $0x0  }
0x172: {  	[sflag:s0] =	ssyncadd.s32 @!p0 s1  }
0x173: {  	[bflag:$0x3] =	sbarrier.arrive $0xFFFF  }
0x174: {  	_ =	shalt  }

</sc_bundles>
